<compile_context>
chip_gen: v7x
topology: tpu7x:2x2x1
jax: 0.10.2.dev20260603
libtpu: 0.0.44.dev20260713+nightly
codegen_flags: <defaults>
</compile_context>

<pallas_src>
import functools

import jax
import jax.numpy as jnp
from jax import lax
from jax.experimental import pallas as pl
from jax.experimental.pallas import tpu as pltpu
from jax.experimental.pallas import tpu_sc as plsc

DIM = 128
B = 16384
K = 20

NC = 2
NS = 16
L = 16
NW = NC * NS
PER_W = B // NW
CH = 16
NCHUNK = PER_W // CH
NPAIR = NCHUNK // 2
PN = (K + 1) * CH
NR = PN + CH
NJ = DIM // L
_SPLITS = [(0, 128), (128, 128), (256, PN - 256)]

_G = 20
_POS_R = B * L // DIM
_NEG_R = K * B * L // DIM // _G


def _sgns_scores_body(c_hbm, pn_hbm, in_hbm, out_hbm,
                      part_out,
                      cidx, pnidx, rows0, rows1, psc0, nsc0, psc1, nsc1,
                      sems, sem0, sem1, semw0, semw1):
    wid = lax.axis_index("s") * NC + lax.axis_index("c")
    wbase = wid * PER_W

    stages = [pltpu.async_copy(c_hbm.at[pl.ds(wbase, PER_W)], cidx, sems),
              pltpu.async_copy(pn_hbm.at[pl.ds(wbase * (K + 1),
                                               PER_W * (K + 1))],
                               pnidx, sems)]
    for cp in stages:
        cp.wait()

    def fire(ci, rows, sem):
        pltpu.async_copy(in_hbm.at[cidx.at[pl.ds(ci * CH, CH)]],
                         rows.at[pl.ds(0, CH)], sem)
        for off, sz in _SPLITS:
            pltpu.async_copy(
                out_hbm.at[pnidx.at[pl.ds(ci * PN + off, sz)]],
                rows.at[pl.ds(CH + off, sz)], sem)

    def drain(rows, sem):
        pltpu.make_async_copy(in_hbm.at[pl.ds(0, NR)], rows, sem).wait()

    def compute(ci, rows, psc, nsc):
        def item_body(i, carry2):
            vj = [rows[i, pl.ds(j * L, L)] for j in range(NJ)]
            acc = vj[0] * rows[CH + i, pl.ds(0, L)]
            for j in range(1, NJ):
                acc = acc + vj[j] * rows[CH + i, pl.ds(j * L, L)]
            psc[pl.ds(i * L, L)] = -acc
            for k in range(K):
                r = 2 * CH + i * K + k
                acck = vj[0] * rows[r, pl.ds(0, L)]
                for j in range(1, NJ):
                    acck = acck + vj[j] * rows[r, pl.ds(j * L, L)]
                nsc[pl.ds((i * K + k) * L, L)] = acck
            return carry2

        lax.fori_loop(0, CH, item_body, 0)

    def firew(ci, psc, nsc, semw):
        base = wbase + ci * CH
        pltpu.async_copy(psc, part_out.at[pl.ds(base * L, CH * L)], semw)
        pltpu.async_copy(
            nsc, part_out.at[pl.ds(B * L + base * K * L, CH * K * L)], semw)

    def drainw(psc, nsc, semw):
        pltpu.make_async_copy(psc, part_out.at[pl.ds(0, CH * L)],
                              semw).wait()
        pltpu.make_async_copy(nsc, part_out.at[pl.ds(0, CH * K * L)],
                              semw).wait()

    fire(0, rows0, sem0)

    def pair_body(i, carry):
        c0 = 2 * i
        drain(rows0, sem0)
        fire(c0 + 1, rows1, sem1)

        @pl.when(i > 0)
        def _():
            drainw(psc0, nsc0, semw0)

        compute(c0, rows0, psc0, nsc0)
        firew(c0, psc0, nsc0, semw0)
        drain(rows1, sem1)

        @pl.when(i < NPAIR - 1)
        def _():
            fire(c0 + 2, rows0, sem0)

        @pl.when(i > 0)
        def _():
            drainw(psc1, nsc1, semw1)

        compute(c0 + 1, rows1, psc1, nsc1)
        firew(c0 + 1, psc1, nsc1, semw1)
        return carry

    lax.fori_loop(0, NPAIR, pair_body, 0)
    drainw(psc0, nsc0, semw0)
    drainw(psc1, nsc1, semw1)


_sgns_scores = functools.partial(
    pl.kernel,
    out_type=jax.ShapeDtypeStruct((B * (K + 1) * L,), jnp.float32),
    mesh=plsc.VectorSubcoreMesh(core_axis_name="c", subcore_axis_name="s",
                                num_cores=NC, num_subcores=NS),
    scratch_types=[
        pltpu.VMEM((PER_W,), jnp.int32),
        pltpu.VMEM(((K + 1) * PER_W,), jnp.int32),
        pltpu.VMEM((NR, DIM), jnp.float32),
        pltpu.VMEM((NR, DIM), jnp.float32),
        pltpu.VMEM((CH * L,), jnp.float32),
        pltpu.VMEM((CH * K * L,), jnp.float32),
        pltpu.VMEM((CH * L,), jnp.float32),
        pltpu.VMEM((CH * K * L,), jnp.float32),
        pltpu.SemaphoreType.DMA,
        pltpu.SemaphoreType.DMA,
        pltpu.SemaphoreType.DMA,
        pltpu.SemaphoreType.DMA,
        pltpu.SemaphoreType.DMA,
    ],
)(_sgns_scores_body)


def _loss_body(part_ref, out_ref):
    gsel = (lax.broadcasted_iota(jnp.int32, (DIM, DIM // L), 0) // L
            == lax.broadcasted_iota(jnp.int32, (DIM, DIM // L), 1)
            ).astype(jnp.float32)
    i = pl.program_id(0)

    @pl.when(i == 0)
    def _():
        out_ref[...] = jnp.zeros((1, 1), jnp.float32)

    s = jnp.dot(part_ref[...], gsel, preferred_element_type=jnp.float32)
    sp = jnp.maximum(s, 0.0) + jnp.log1p(jnp.exp(-jnp.abs(s)))
    w = jnp.where(i == 0, 1.0 / B, 1.0 / (B * K))
    out_ref[...] += jnp.full((1, 1), jnp.sum(sp) * w, jnp.float32)


def kernel(c, pos, neg, in_embed, out_embed):
    c = c.astype(jnp.int32)
    pn = jnp.concatenate(
        [pos.astype(jnp.int32).reshape(B // CH, CH),
         neg.astype(jnp.int32).reshape(B // CH, CH * K)],
        axis=1).reshape(B * (K + 1))
    part = _sgns_scores(c, pn, in_embed, out_embed)
    loss = pl.pallas_call(
        _loss_body,
        grid=(_G + 1,),
        in_specs=[pl.BlockSpec((_POS_R, DIM), lambda i: (i, 0))],
        out_specs=pl.BlockSpec((1, 1), lambda i: (0, 0)),
        out_shape=jax.ShapeDtypeStruct((1, 1), jnp.float32),
    )(part.reshape((_G + 1) * _POS_R, DIM))
    return loss[0, 0]

# --- scband reference (transcript-rebuilt; emitter-appended) ---
"""Pipeline reference for scband-sgns-29248727286475 (READ-ONLY COPY).

The authoritative reference and input builder live on the scoring server;
editing this copy changes nothing except your own understanding.
"""

import jax, jax.numpy as jnp
import numpy as np

VOCAB = 100000
DIM = 128
B = 16384
K = 20

def setup_inputs(seed: int = 0) -> dict:
    key = jax.random.key(seed)
    k1, k2, k3, k4, k5 = jax.random.split(key, 5)
    c = jax.random.randint(k1, (B,), 0, VOCAB, dtype=jnp.int64) if jax.config.jax_enable_x64 else jax.random.randint(k1, (B,), 0, VOCAB).astype(jnp.int32)
    pos = jax.random.randint(k2, (B,), 0, VOCAB).astype(c.dtype)
    neg = jax.random.randint(k3, (B, K), 0, VOCAB).astype(c.dtype)
    # learned parameters (nn.Embedding default init ~ N(0,1))
    in_embed = jax.random.normal(k4, (VOCAB, DIM), dtype=jnp.float32)
    out_embed = jax.random.normal(k5, (VOCAB, DIM), dtype=jnp.float32)
    return {"c": c, "pos": pos, "neg": neg, "in_embed": in_embed, "out_embed": out_embed}

def reference(c, pos, neg, in_embed, out_embed):
    v = jnp.take(in_embed, c, axis=0)            # [B, D]
    u_pos = jnp.take(out_embed, pos, axis=0)     # [B, D]
    u_neg = jnp.take(out_embed, neg, axis=0)     # [B, K, D]
    pos_score = jnp.sum(v * u_pos, axis=1)       # [B]
    pos_loss = -jnp.log(jax.nn.sigmoid(pos_score)).mean()
    neg_score = jnp.sum(v[:, None, :] * u_neg, axis=2)  # [B, K]
    neg_loss = -jnp.log(jax.nn.sigmoid(-neg_score)).mean()
    return pos_loss + neg_loss

if __name__ == "__main__":
    import jax
    _d = setup_inputs()
    print(jax.jit(kernel)(*tuple(_d.values())))

</pallas_src>

<mosaic_0001>
#map = affine_map<(d0, d1) -> (0)>
#map1 = affine_map<(d0, d1) -> (0, 0)>
module attributes {stable_mosaic.version = 14 : i64} {
  func.func @_sgns_scores_body(%arg0: i32, %arg1: i32, %arg2: memref<16384xi32, #tpu.memory_space<hbm>>, %arg3: memref<344064xi32, #tpu.memory_space<hbm>>, %arg4: memref<100000x128xf32, #tpu.memory_space<hbm>>, %arg5: memref<100000x128xf32, #tpu.memory_space<hbm>>, %arg6: memref<5505024xf32, #tpu.memory_space<hbm>>, %arg7: memref<512xi32, #tpu.memory_space<vmem>>, %arg8: memref<10752xi32, #tpu.memory_space<vmem>>, %arg9: memref<352x128xf32, #tpu.memory_space<vmem>>, %arg10: memref<352x128xf32, #tpu.memory_space<vmem>>, %arg11: memref<256xf32, #tpu.memory_space<vmem>>, %arg12: memref<5120xf32, #tpu.memory_space<vmem>>, %arg13: memref<256xf32, #tpu.memory_space<vmem>>, %arg14: memref<5120xf32, #tpu.memory_space<vmem>>, %arg15: memref<!tpu.dma_semaphore, #tpu.memory_space<semaphore_mem>>, %arg16: memref<!tpu.dma_semaphore, #tpu.memory_space<semaphore_mem>>, %arg17: memref<!tpu.dma_semaphore, #tpu.memory_space<semaphore_mem>>, %arg18: memref<!tpu.dma_semaphore, #tpu.memory_space<semaphore_mem>>, %arg19: memref<!tpu.dma_semaphore, #tpu.memory_space<semaphore_mem>>) attributes {dimension_semantics = [#tpu.dimension_semantics<core_parallel>, #tpu.dimension_semantics<subcore_parallel>], iteration_bounds = array<i64: 2, 16>, scalar_prefetch = 0 : i64, scratch_operands = 13 : i64, tpu.core_type = #tpu.core_type<sc_vector_subcore>, window_params = [{transform_indices = #map}, {transform_indices = #map}, {transform_indices = #map1}, {transform_indices = #map1}, {transform_indices = #map}]} {
    %mul3A = arith.constant 2 : i32
    %mul3A_0 = arith.muli %arg1, %mul3A : i32
    %add3A = arith.addi %mul3A_0, %arg0 : i32
    %mul3A_1 = arith.constant 512 : i32
    %mul3A_2 = arith.muli %add3A, %mul3A_1 : i32
    %dma_start3A = tpu.memref_slice %arg2[%mul3A_2] : memref<16384xi32, #tpu.memory_space<hbm>> -> memref<512xi32, #tpu.memory_space<hbm>>
    %dma_start3A_3 = tpu.memref_slice %arg2[%mul3A_2] : memref<16384xi32, #tpu.memory_space<hbm>> -> memref<512xi32, #tpu.memory_space<hbm>>
    tpu.enqueue_dma source(%dma_start3A_3 : memref<512xi32, #tpu.memory_space<hbm>>) target(%arg7 : memref<512xi32, #tpu.memory_space<vmem>>) target_semaphore(%arg15 : memref<!tpu.dma_semaphore, #tpu.memory_space<semaphore_mem>>)
    %mul3A_4 = arith.constant 21 : i32
    %mul3A_5 = arith.muli %mul3A_2, %mul3A_4 : i32
    %dma_start3A_6 = tpu.memref_slice %arg3[%mul3A_5] : memref<344064xi32, #tpu.memory_space<hbm>> -> memref<10752xi32, #tpu.memory_space<hbm>>
    %dma_start3A_7 = tpu.memref_slice %arg3[%mul3A_5] : memref<344064xi32, #tpu.memory_space<hbm>> -> memref<10752xi32, #tpu.memory_space<hbm>>
    tpu.enqueue_dma source(%dma_start3A_7 : memref<10752xi32, #tpu.memory_space<hbm>>) target(%arg8 : memref<10752xi32, #tpu.memory_space<vmem>>) target_semaphore(%arg15 : memref<!tpu.dma_semaphore, #tpu.memory_space<semaphore_mem>>)
    %dma_wait3A = tpu.memref_slice %arg2[%mul3A_2] : memref<16384xi32, #tpu.memory_space<hbm>> -> memref<512xi32, #tpu.memory_space<hbm>>
    %dma_wait3A_8 = tpu.memref_slice %arg2[%mul3A_2] : memref<16384xi32, #tpu.memory_space<hbm>> -> memref<512xi32, #tpu.memory_space<hbm>>
    tpu.wait_dma2 semaphore(%arg15 : memref<!tpu.dma_semaphore, #tpu.memory_space<semaphore_mem>>) src(%dma_wait3A_8 : memref<512xi32, #tpu.memory_space<hbm>>) dst(%arg7 : memref<512xi32, #tpu.memory_space<vmem>>)
    %dma_wait3A_9 = tpu.memref_slice %arg3[%mul3A_5] : memref<344064xi32, #tpu.memory_space<hbm>> -> memref<10752xi32, #tpu.memory_space<hbm>>
    %dma_wait3A_10 = tpu.memref_slice %arg3[%mul3A_5] : memref<344064xi32, #tpu.memory_space<hbm>> -> memref<10752xi32, #tpu.memory_space<hbm>>
    tpu.wait_dma2 semaphore(%arg15 : memref<!tpu.dma_semaphore, #tpu.memory_space<semaphore_mem>>) src(%dma_wait3A_10 : memref<10752xi32, #tpu.memory_space<hbm>>) dst(%arg8 : memref<10752xi32, #tpu.memory_space<vmem>>)
    %dma_start3A_11 = arith.constant 0 : i32
    %dma_start3A_12 = arith.constant 0 : i32
    %dma_start3A_13 = tpu.memref_slice %arg9[%dma_start3A_11, %dma_start3A_12] : memref<352x128xf32, #tpu.memory_space<vmem>> -> memref<16x128xf32, #tpu.memory_space<vmem>>
    %dma_start3A_14 = arith.constant 0 : i32
    %dma_start3A_15 = tpu.memref_slice %arg7[%dma_start3A_14] : memref<512xi32, #tpu.memory_space<vmem>> -> memref<16xi32, #tpu.memory_space<vmem>>
    %dma_start3A_16 = arith.constant 0 : i32
    %dma_start3A_17 = arith.constant 0 : i32
    %dma_start3A_18 = tpu.memref_slice %arg4[%dma_start3A_16, %dma_start3A_17] : memref<100000x128xf32, #tpu.memory_space<hbm>> -> memref<100000x128xf32, #tpu.memory_space<hbm>>
    tpu.enqueue_indirect_dma source(%dma_start3A_18 : memref<100000x128xf32, #tpu.memory_space<hbm>>) target(%dma_start3A_13 : memref<16x128xf32, #tpu.memory_space<vmem>>) offsets(%dma_start3A_15 : memref<16xi32, #tpu.memory_space<vmem>>) semaphore(%arg16 : memref<!tpu.dma_semaphore, #tpu.memory_space<semaphore_mem>>)
    %dma_start3A_19 = arith.constant 16 : i32
    %dma_start3A_20 = arith.constant 0 : i32
    %dma_start3A_21 = tpu.memref_slice %arg9[%dma_start3A_19, %dma_start3A_20] : memref<352x128xf32, #tpu.memory_space<vmem>> -> memref<128x128xf32, #tpu.memory_space<vmem>>
    %dma_start3A_22 = arith.constant 0 : i32
    %dma_start3A_23 = tpu.memref_slice %arg8[%dma_start3A_22] : memref<10752xi32, #tpu.memory_space<vmem>> -> memref<128xi32, #tpu.memory_space<vmem>>
    %dma_start3A_24 = arith.constant 0 : i32
    %dma_start3A_25 = arith.constant 0 : i32
    %dma_start3A_26 = tpu.memref_slice %arg5[%dma_start3A_24, %dma_start3A_25] : memref<100000x128xf32, #tpu.memory_space<hbm>> -> memref<100000x128xf32, #tpu.memory_space<hbm>>
    tpu.enqueue_indirect_dma source(%dma_start3A_26 : memref<100000x128xf32, #tpu.memory_space<hbm>>) target(%dma_start3A_21 : memref<128x128xf32, #tpu.memory_space<vmem>>) offsets(%dma_start3A_23 : memref<128xi32, #tpu.memory_space<vmem>>) semaphore(%arg16 : memref<!tpu.dma_semaphore, #tpu.memory_space<semaphore_mem>>)
    %dma_start3A_27 = arith.constant 144 : i32
    %dma_start3A_28 = arith.constant 0 : i32
    %dma_start3A_29 = tpu.memref_slice %arg9[%dma_start3A_27, %dma_start3A_28] : memref<352x128xf32, #tpu.memory_space<vmem>> -> memref<128x128xf32, #tpu.memory_space<vmem>>
    %dma_start3A_30 = arith.constant 128 : i32
    %dma_start3A_31 = tpu.memref_slice %arg8[%dma_start3A_30] : memref<10752xi32, #tpu.memory_space<vmem>> -> memref<128xi32, #tpu.memory_space<vmem>>
    %dma_start3A_32 = arith.constant 0 : i32
    %dma_start3A_33 = arith.constant 0 : i32
    %dma_start3A_34 = tpu.memref_slice %arg5[%dma_start3A_32, %dma_start3A_33] : memref<100000x128xf32, #tpu.memory_space<hbm>> -> memref<100000x128xf32, #tpu.memory_space<hbm>>
    tpu.enqueue_indirect_dma source(%dma_start3A_34 : memref<100000x128xf32, #tpu.memory_space<hbm>>) target(%dma_start3A_29 : memref<128x128xf32, #tpu.memory_space<vmem>>) offsets(%dma_start3A_31 : memref<128xi32, #tpu.memory_space<vmem>>) semaphore(%arg16 : memref<!tpu.dma_semaphore, #tpu.memory_space<semaphore_mem>>)
    %dma_start3A_35 = arith.constant 272 : i32
    %dma_start3A_36 = arith.constant 0 : i32
    %dma_start3A_37 = tpu.memref_slice %arg9[%dma_start3A_35, %dma_start3A_36] : memref<352x128xf32, #tpu.memory_space<vmem>> -> memref<80x128xf32, #tpu.memory_space<vmem>>
    %dma_start3A_38 = arith.constant 256 : i32
    %dma_start3A_39 = tpu.memref_slice %arg8[%dma_start3A_38] : memref<10752xi32, #tpu.memory_space<vmem>> -> memref<80xi32, #tpu.memory_space<vmem>>
    %dma_start3A_40 = arith.constant 0 : i32
    %dma_start3A_41 = arith.constant 0 : i32
    %dma_start3A_42 = tpu.memref_slice %arg5[%dma_start3A_40, %dma_start3A_41] : memref<100000x128xf32, #tpu.memory_space<hbm>> -> memref<100000x128xf32, #tpu.memory_space<hbm>>
    tpu.enqueue_indirect_dma source(%dma_start3A_42 : memref<100000x128xf32, #tpu.memory_space<hbm>>) target(%dma_start3A_37 : memref<80x128xf32, #tpu.memory_space<vmem>>) offsets(%dma_start3A_39 : memref<80xi32, #tpu.memory_space<vmem>>) semaphore(%arg16 : memref<!tpu.dma_semaphore, #tpu.memory_space<semaphore_mem>>)
    %scan3A = arith.constant 0 : i32
    %scan3A_43 = arith.constant 0 : i32
    %scan3A_44 = arith.constant 16 : i32
    %scan3A_45 = arith.addi %scan3A_43, %scan3A_44 : i32
    %scan3A_46 = arith.constant 1 : i32
    scf.for %scan3A_64 = %scan3A_43 to %scan3A_45 step %scan3A_46  : i32 {
      %mul3A_65 = arith.constant 2 : i32
      %mul3A_66 = arith.muli %mul3A_65, %scan3A_64 : i32
      %dma_wait3A_67 = arith.constant 0 : i32
      %dma_wait3A_68 = arith.constant 0 : i32
      %dma_wait3A_69 = tpu.memref_slice %arg4[%dma_wait3A_67, %dma_wait3A_68] : memref<100000x128xf32, #tpu.memory_space<hbm>> -> memref<352x128xf32, #tpu.memory_space<hbm>>
      %dma_wait3A_70 = arith.constant 0 : i32
      %dma_wait3A_71 = arith.constant 0 : i32
      %dma_wait3A_72 = tpu.memref_slice %arg4[%dma_wait3A_70, %dma_wait3A_71] : memref<100000x128xf32, #tpu.memory_space<hbm>> -> memref<352x128xf32, #tpu.memory_space<hbm>>
      tpu.wait_dma2 semaphore(%arg16 : memref<!tpu.dma_semaphore, #tpu.memory_space<semaphore_mem>>) src(%dma_wait3A_72 : memref<352x128xf32, #tpu.memory_space<hbm>>) dst(%arg9 : memref<352x128xf32, #tpu.memory_space<vmem>>)
      %add3A_73 = arith.constant 1 : i32
      %add3A_74 = arith.addi %mul3A_66, %add3A_73 : i32
      %mul3A_75 = arith.constant 16 : i32
      %mul3A_76 = arith.muli %add3A_74, %mul3A_75 : i32
      %dma_start3A_77 = arith.constant 0 : i32
      %dma_start3A_78 = arith.constant 0 : i32
      %dma_start3A_79 = tpu.memref_slice %arg10[%dma_start3A_77, %dma_start3A_78] : memref<352x128xf32, #tpu.memory_space<vmem>> -> memref<16x128xf32, #tpu.memory_space<vmem>>
      %dma_start3A_80 = tpu.memref_slice %arg7[%mul3A_76] : memref<512xi32, #tpu.memory_space<vmem>> -> memref<16xi32, #tpu.memory_space<vmem>>
      %dma_start3A_81 = arith.constant 0 : i32
      %dma_start3A_82 = arith.constant 0 : i32
      %dma_start3A_83 = tpu.memref_slice %arg4[%dma_start3A_81, %dma_start3A_82] : memref<100000x128xf32, #tpu.memory_space<hbm>> -> memref<100000x128xf32, #tpu.memory_space<hbm>>
      tpu.enqueue_indirect_dma source(%dma_start3A_83 : memref<100000x128xf32, #tpu.memory_space<hbm>>) target(%dma_start3A_79 : memref<16x128xf32, #tpu.memory_space<vmem>>) offsets(%dma_start3A_80 : memref<16xi32, #tpu.memory_space<vmem>>) semaphore(%arg17 : memref<!tpu.dma_semaphore, #tpu.memory_space<semaphore_mem>>)
      %mul3A_84 = arith.constant 336 : i32
      %mul3A_85 = arith.muli %add3A_74, %mul3A_84 : i32
      %add3A_86 = arith.constant 0 : i32
      %add3A_87 = arith.addi %mul3A_85, %add3A_86 : i32
      %dma_start3A_88 = arith.constant 16 : i32
      %dma_start3A_89 = arith.constant 0 : i32
      %dma_start3A_90 = tpu.memref_slice %arg10[%dma_start3A_88, %dma_start3A_89] : memref<352x128xf32, #tpu.memory_space<vmem>> -> memref<128x128xf32, #tpu.memory_space<vmem>>
      %dma_start3A_91 = tpu.memref_slice %arg8[%add3A_87] : memref<10752xi32, #tpu.memory_space<vmem>> -> memref<128xi32, #tpu.memory_space<vmem>>
      %dma_start3A_92 = arith.constant 0 : i32
      %dma_start3A_93 = arith.constant 0 : i32
      %dma_start3A_94 = tpu.memref_slice %arg5[%dma_start3A_92, %dma_start3A_93] : memref<100000x128xf32, #tpu.memory_space<hbm>> -> memref<100000x128xf32, #tpu.memory_space<hbm>>
      tpu.enqueue_indirect_dma source(%dma_start3A_94 : memref<100000x128xf32, #tpu.memory_space<hbm>>) target(%dma_start3A_90 : memref<128x128xf32, #tpu.memory_space<vmem>>) offsets(%dma_start3A_91 : memref<128xi32, #tpu.memory_space<vmem>>) semaphore(%arg17 : memref<!tpu.dma_semaphore, #tpu.memory_space<semaphore_mem>>)
      %mul3A_95 = arith.constant 336 : i32
      %mul3A_96 = arith.muli %add3A_74, %mul3A_95 : i32
      %add3A_97 = arith.constant 128 : i32
      %add3A_98 = arith.addi %mul3A_96, %add3A_97 : i32
      %dma_start3A_99 = arith.constant 144 : i32
      %dma_start3A_100 = arith.constant 0 : i32
      %dma_start3A_101 = tpu.memref_slice %arg10[%dma_start3A_99, %dma_start3A_100] : memref<352x128xf32, #tpu.memory_space<vmem>> -> memref<128x128xf32, #tpu.memory_space<vmem>>
      %dma_start3A_102 = tpu.memref_slice %arg8[%add3A_98] : memref<10752xi32, #tpu.memory_space<vmem>> -> memref<128xi32, #tpu.memory_space<vmem>>
      %dma_start3A_103 = arith.constant 0 : i32
      %dma_start3A_104 = arith.constant 0 : i32
      %dma_start3A_105 = tpu.memref_slice %arg5[%dma_start3A_103, %dma_start3A_104] : memref<100000x128xf32, #tpu.memory_space<hbm>> -> memref<100000x128xf32, #tpu.memory_space<hbm>>
      tpu.enqueue_indirect_dma source(%dma_start3A_105 : memref<100000x128xf32, #tpu.memory_space<hbm>>) target(%dma_start3A_101 : memref<128x128xf32, #tpu.memory_space<vmem>>) offsets(%dma_start3A_102 : memref<128xi32, #tpu.memory_space<vmem>>) semaphore(%arg17 : memref<!tpu.dma_semaphore, #tpu.memory_space<semaphore_mem>>)
      %mul3A_106 = arith.constant 336 : i32
      %mul3A_107 = arith.muli %add3A_74, %mul3A_106 : i32
      %add3A_108 = arith.constant 256 : i32
      %add3A_109 = arith.addi %mul3A_107, %add3A_108 : i32
      %dma_start3A_110 = arith.constant 272 : i32
      %dma_start3A_111 = arith.constant 0 : i32
      %dma_start3A_112 = tpu.memref_slice %arg10[%dma_start3A_110, %dma_start3A_111] : memref<352x128xf32, #tpu.memory_space<vmem>> -> memref<80x128xf32, #tpu.memory_space<vmem>>
      %dma_start3A_113 = tpu.memref_slice %arg8[%add3A_109] : memref<10752xi32, #tpu.memory_space<vmem>> -> memref<80xi32, #tpu.memory_space<vmem>>
      %dma_start3A_114 = arith.constant 0 : i32
      %dma_start3A_115 = arith.constant 0 : i32
      %dma_start3A_116 = tpu.memref_slice %arg5[%dma_start3A_114, %dma_start3A_115] : memref<100000x128xf32, #tpu.memory_space<hbm>> -> memref<100000x128xf32, #tpu.memory_space<hbm>>
      tpu.enqueue_indirect_dma source(%dma_start3A_116 : memref<100000x128xf32, #tpu.memory_space<hbm>>) target(%dma_start3A_112 : memref<80x128xf32, #tpu.memory_space<vmem>>) offsets(%dma_start3A_113 : memref<80xi32, #tpu.memory_space<vmem>>) semaphore(%arg17 : memref<!tpu.dma_semaphore, #tpu.memory_space<semaphore_mem>>)
      %gt3A = arith.constant 0 : i32
      %gt3A_117 = arith.cmpi sgt, %scan3A_64, %gt3A : i32
      %convert_element_type3A = arith.extui %gt3A_117 : i1 to i32
      %cond3A = arith.constant 0 : i32
      %cond3A_118 = arith.cmpi ne, %convert_element_type3A, %cond3A : i32
      scf.if %cond3A_118 {
        %dma_wait3A_180 = arith.constant 0 : i32
        %dma_wait3A_181 = tpu.memref_slice %arg6[%dma_wait3A_180] : memref<5505024xf32, #tpu.memory_space<hbm>> -> memref<256xf32, #tpu.memory_space<hbm>>
        %dma_wait3A_182 = arith.constant 0 : i32
        %dma_wait3A_183 = tpu.memref_slice %arg6[%dma_wait3A_182] : memref<5505024xf32, #tpu.memory_space<hbm>> -> memref<256xf32, #tpu.memory_space<hbm>>
        tpu.wait_dma2 semaphore(%arg18 : memref<!tpu.dma_semaphore, #tpu.memory_space<semaphore_mem>>) src(%arg11 : memref<256xf32, #tpu.memory_space<vmem>>) dst(%dma_wait3A_183 : memref<256xf32, #tpu.memory_space<hbm>>)
        %dma_wait3A_184 = arith.constant 0 : i32
        %dma_wait3A_185 = tpu.memref_slice %arg6[%dma_wait3A_184] : memref<5505024xf32, #tpu.memory_space<hbm>> -> memref<5120xf32, #tpu.memory_space<hbm>>
        %dma_wait3A_186 = arith.constant 0 : i32
        %dma_wait3A_187 = tpu.memref_slice %arg6[%dma_wait3A_186] : memref<5505024xf32, #tpu.memory_space<hbm>> -> memref<5120xf32, #tpu.memory_space<hbm>>
        tpu.wait_dma2 semaphore(%arg18 : memref<!tpu.dma_semaphore, #tpu.memory_space<semaphore_mem>>) src(%arg12 : memref<5120xf32, #tpu.memory_space<vmem>>) dst(%dma_wait3A_187 : memref<5120xf32, #tpu.memory_space<hbm>>)
      } else {
      }
      %scan3A_119 = arith.constant 0 : i32
      %scan3A_120 = arith.constant 0 : i32
      %scan3A_121 = arith.constant 16 : i32
      %scan3A_122 = arith.addi %scan3A_120, %scan3A_121 : i32
      %scan3A_123 = arith.constant 1 : i32
      scf.for %scan3A_180 = %scan3A_120 to %scan3A_122 step %scan3A_123  : i32 {
        %get3A = arith.index_cast %scan3A_180 : i32 to index
        %get3A_181 = arith.constant 0 : index
        %get3A_182 = tpu.vector_load %arg9[%get3A, %get3A_181] {strides = array<i32>} : memref<352x128xf32, #tpu.memory_space<vmem>>, vector<1x16xf32>,
        %get3A_183 = vector.shape_cast %get3A_182 : vector<1x16xf32> to vector<16xf32>
        %get3A_184 = arith.index_cast %scan3A_180 : i32 to index
        %get3A_185 = arith.constant 16 : index
        %get3A_186 = tpu.vector_load %arg9[%get3A_184, %get3A_185] {strides = array<i32>} : memref<352x128xf32, #tpu.memory_space<vmem>>, vector<1x16xf32>,
        %get3A_187 = vector.shape_cast %get3A_186 : vector<1x16xf32> to vector<16xf32>
        %get3A_188 = arith.index_cast %scan3A_180 : i32 to index
        %get3A_189 = arith.constant 32 : index
        %get3A_190 = tpu.vector_load %arg9[%get3A_188, %get3A_189] {strides = array<i32>} : memref<352x128xf32, #tpu.memory_space<vmem>>, vector<1x16xf32>,
        %get3A_191 = vector.shape_cast %get3A_190 : vector<1x16xf32> to vector<16xf32>
        %get3A_192 = arith.index_cast %scan3A_180 : i32 to index
        %get3A_193 = arith.constant 48 : index
        %get3A_194 = tpu.vector_load %arg9[%get3A_192, %get3A_193] {strides = array<i32>} : memref<352x128xf32, #tpu.memory_space<vmem>>, vector<1x16xf32>,
        %get3A_195 = vector.shape_cast %get3A_194 : vector<1x16xf32> to vector<16xf32>
        %get3A_196 = arith.index_cast %scan3A_180 : i32 to index
        %get3A_197 = arith.constant 64 : index
        %get3A_198 = tpu.vector_load %arg9[%get3A_196, %get3A_197] {strides = array<i32>} : memref<352x128xf32, #tpu.memory_space<vmem>>, vector<1x16xf32>,
        %get3A_199 = vector.shape_cast %get3A_198 : vector<1x16xf32> to vector<16xf32>
        %get3A_200 = arith.index_cast %scan3A_180 : i32 to index
        %get3A_201 = arith.constant 80 : index
        %get3A_202 = tpu.vector_load %arg9[%get3A_200, %get3A_201] {strides = array<i32>} : memref<352x128xf32, #tpu.memory_space<vmem>>, vector<1x16xf32>,
        %get3A_203 = vector.shape_cast %get3A_202 : vector<1x16xf32> to vector<16xf32>
        %get3A_204 = arith.index_cast %scan3A_180 : i32 to index
        %get3A_205 = arith.constant 96 : index
        %get3A_206 = tpu.vector_load %arg9[%get3A_204, %get3A_205] {strides = array<i32>} : memref<352x128xf32, #tpu.memory_space<vmem>>, vector<1x16xf32>,
        %get3A_207 = vector.shape_cast %get3A_206 : vector<1x16xf32> to vector<16xf32>
        %get3A_208 = arith.index_cast %scan3A_180 : i32 to index
        %get3A_209 = arith.constant 112 : index
        %get3A_210 = tpu.vector_load %arg9[%get3A_208, %get3A_209] {strides = array<i32>} : memref<352x128xf32, #tpu.memory_space<vmem>>, vector<1x16xf32>,
        %get3A_211 = vector.shape_cast %get3A_210 : vector<1x16xf32> to vector<16xf32>
        %add3A_212 = arith.constant 16 : i32
        %add3A_213 = arith.addi %add3A_212, %scan3A_180 : i32
        %get3A_214 = arith.index_cast %add3A_213 : i32 to index
        %get3A_215 = arith.constant 0 : index
        %get3A_216 = tpu.vector_load %arg9[%get3A_214, %get3A_215] {strides = array<i32>} : memref<352x128xf32, #tpu.memory_space<vmem>>, vector<1x16xf32>,
        %get3A_217 = vector.shape_cast %get3A_216 : vector<1x16xf32> to vector<16xf32>
        %mul3A_218 = arith.mulf %get3A_183, %get3A_217 : vector<16xf32>
        %add3A_219 = arith.constant 16 : i32
        %add3A_220 = arith.addi %add3A_219, %scan3A_180 : i32
        %get3A_221 = arith.index_cast %add3A_220 : i32 to index
        %get3A_222 = arith.constant 16 : index
        %get3A_223 = tpu.vector_load %arg9[%get3A_221, %get3A_222] {strides = array<i32>} : memref<352x128xf32, #tpu.memory_space<vmem>>, vector<1x16xf32>,
        %get3A_224 = vector.shape_cast %get3A_223 : vector<1x16xf32> to vector<16xf32>
        %mul3A_225 = arith.mulf %get3A_187, %get3A_224 : vector<16xf32>
        %add3A_226 = arith.addf %mul3A_218, %mul3A_225 : vector<16xf32>
        %add3A_227 = arith.constant 16 : i32
        %add3A_228 = arith.addi %add3A_227, %scan3A_180 : i32
        %get3A_229 = arith.index_cast %add3A_228 : i32 to index
        %get3A_230 = arith.constant 32 : index
        %get3A_231 = tpu.vector_load %arg9[%get3A_229, %get3A_230] {strides = array<i32>} : memref<352x128xf32, #tpu.memory_space<vmem>>, vector<1x16xf32>,
        %get3A_232 = vector.shape_cast %get3A_231 : vector<1x16xf32> to vector<16xf32>
        %mul3A_233 = arith.mulf %get3A_191, %get3A_232 : vector<16xf32>
        %add3A_234 = arith.addf %add3A_226, %mul3A_233 : vector<16xf32>
        %add3A_235 = arith.constant 16 : i32
        %add3A_236 = arith.addi %add3A_235, %scan3A_180 : i32
        %get3A_237 = arith.index_cast %add3A_236 : i32 to index
        %get3A_238 = arith.constant 48 : index
        %get3A_239 = tpu.vector_load %arg9[%get3A_237, %get3A_238] {strides = array<i32>} : memref<352x128xf32, #tpu.memory_space<vmem>>, vector<1x16xf32>,
        %get3A_240 = vector.shape_cast %get3A_239 : vector<1x16xf32> to vector<16xf32>
        %mul3A_241 = arith.mulf %get3A_195, %get3A_240 : vector<16xf32>
        %add3A_242 = arith.addf %add3A_234, %mul3A_241 : vector<16xf32>
        %add3A_243 = arith.constant 16 : i32
        %add3A_244 = arith.addi %add3A_243, %scan3A_180 : i32
        %get3A_245 = arith.index_cast %add3A_244 : i32 to index
        %get3A_246 = arith.constant 64 : index
        %get3A_247 = tpu.vector_load %arg9[%get3A_245, %get3A_246] {strides = array<i32>} : memref<352x128xf32, #tpu.memory_space<vmem>>, vector<1x16xf32>,
        %get3A_248 = vector.shape_cast %get3A_247 : vector<1x16xf32> to vector<16xf32>
        %mul3A_249 = arith.mulf %get3A_199, %get3A_248 : vector<16xf32>
        %add3A_250 = arith.addf %add3A_242, %mul3A_249 : vector<16xf32>
        %add3A_251 = arith.constant 16 : i32
        %add3A_252 = arith.addi %add3A_251, %scan3A_180 : i32
        %get3A_253 = arith.index_cast %add3A_252 : i32 to index
        %get3A_254 = arith.constant 80 : index
        %get3A_255 = tpu.vector_load %arg9[%get3A_253, %get3A_254] {strides = array<i32>} : memref<352x128xf32, #tpu.memory_space<vmem>>, vector<1x16xf32>,
        %get3A_256 = vector.shape_cast %get3A_255 : vector<1x16xf32> to vector<16xf32>
        %mul3A_257 = arith.mulf %get3A_203, %get3A_256 : vector<16xf32>
        %add3A_258 = arith.addf %add3A_250, %mul3A_257 : vector<16xf32>
        %add3A_259 = arith.constant 16 : i32
        %add3A_260 = arith.addi %add3A_259, %scan3A_180 : i32
        %get3A_261 = arith.index_cast %add3A_260 : i32 to index
        %get3A_262 = arith.constant 96 : index
        %get3A_263 = tpu.vector_load %arg9[%get3A_261, %get3A_262] {strides = array<i32>} : memref<352x128xf32, #tpu.memory_space<vmem>>, vector<1x16xf32>,
        %get3A_264 = vector.shape_cast %get3A_263 : vector<1x16xf32> to vector<16xf32>
        %mul3A_265 = arith.mulf %get3A_207, %get3A_264 : vector<16xf32>
        %add3A_266 = arith.addf %add3A_258, %mul3A_265 : vector<16xf32>
        %add3A_267 = arith.constant 16 : i32
        %add3A_268 = arith.addi %add3A_267, %scan3A_180 : i32
        %get3A_269 = arith.index_cast %add3A_268 : i32 to index
        %get3A_270 = arith.constant 112 : index
        %get3A_271 = tpu.vector_load %arg9[%get3A_269, %get3A_270] {strides = array<i32>} : memref<352x128xf32, #tpu.memory_space<vmem>>, vector<1x16xf32>,
        %get3A_272 = vector.shape_cast %get3A_271 : vector<1x16xf32> to vector<16xf32>
        %mul3A_273 = arith.mulf %get3A_211, %get3A_272 : vector<16xf32>
        %add3A_274 = arith.addf %add3A_266, %mul3A_273 : vector<16xf32>
        %neg3A = arith.constant 0.000000e+00 : f32
        %neg3A_275 = vector.broadcast %neg3A : f32 to vector<16xf32>
        %neg3A_276 = arith.subf %neg3A_275, %add3A_274 : vector<16xf32>
        %mul3A_277 = arith.constant 16 : i32
        %mul3A_278 = arith.muli %scan3A_180, %mul3A_277 : i32
        %swap3A = arith.index_cast %mul3A_278 : i32 to index
        %swap3A_279 = tpu.vector_load %arg11[%swap3A] {strides = array<i32>} : memref<256xf32, #tpu.memory_space<vmem>>, vector<16xf32>,
        %swap3A_280 = vector.shape_cast %swap3A_279 : vector<16xf32> to vector<16xf32>
        %swap3A_281 = vector.shape_cast %neg3A_276 : vector<16xf32> to vector<16xf32>
        tpu.vector_store %arg11[%swap3A], %swap3A_281 {strides = array<i32>} : memref<256xf32, #tpu.memory_space<vmem>>, vector<16xf32>,
        %mul3A_282 = arith.constant 20 : i32
        %mul3A_283 = arith.muli %scan3A_180, %mul3A_282 : i32
        %add3A_284 = arith.constant 32 : i32
        %add3A_285 = arith.addi %add3A_284, %mul3A_283 : i32
        %add3A_286 = arith.constant 0 : i32
        %add3A_287 = arith.addi %add3A_285, %add3A_286 : i32
        %get3A_288 = arith.index_cast %add3A_287 : i32 to index
        %get3A_289 = arith.constant 0 : index
        %get3A_290 = tpu.vector_load %arg9[%get3A_288, %get3A_289] {strides = array<i32>} : memref<352x128xf32, #tpu.memory_space<vmem>>, vector<1x16xf32>,
        %get3A_291 = vector.shape_cast %get3A_290 : vector<1x16xf32> to vector<16xf32>
        %mul3A_292 = arith.mulf %get3A_183, %get3A_291 : vector<16xf32>
        %get3A_293 = arith.index_cast %add3A_287 : i32 to index
        %get3A_294 = arith.constant 16 : index
        %get3A_295 = tpu.vector_load %arg9[%get3A_293, %get3A_294] {strides = array<i32>} : memref<352x128xf32, #tpu.memory_space<vmem>>, vector<1x16xf32>,
        %get3A_296 = vector.shape_cast %get3A_295 : vector<1x16xf32> to vector<16xf32>
        %mul3A_297 = arith.mulf %get3A_187, %get3A_296 : vector<16xf32>
        %add3A_298 = arith.addf %mul3A_292, %mul3A_297 : vector<16xf32>
        %get3A_299 = arith.index_cast %add3A_287 : i32 to index
        %get3A_300 = arith.constant 32 : index
        %get3A_301 = tpu.vector_load %arg9[%get3A_299, %get3A_300] {strides = array<i32>} : memref<352x128xf32, #tpu.memory_space<vmem>>, vector<1x16xf32>,
        %get3A_302 = vector.shape_cast %get3A_301 : vector<1x16xf32> to vector<16xf32>
        %mul3A_303 = arith.mulf %get3A_191, %get3A_302 : vector<16xf32>
        %add3A_304 = arith.addf %add3A_298, %mul3A_303 : vector<16xf32>
        %get3A_305 = arith.index_cast %add3A_287 : i32 to index
        %get3A_306 = arith.constant 48 : index
        %get3A_307 = tpu.vector_load %arg9[%get3A_305, %get3A_306] {strides = array<i32>} : memref<352x128xf32, #tpu.memory_space<vmem>>, vector<1x16xf32>,
        %get3A_308 = vector.shape_cast %get3A_307 : vector<1x16xf32> to vector<16xf32>
        %mul3A_309 = arith.mulf %get3A_195, %get3A_308 : vector<16xf32>
        %add3A_310 = arith.addf %add3A_304, %mul3A_309 : vector<16xf32>
        %get3A_311 = arith.index_cast %add3A_287 : i32 to index
        %get3A_312 = arith.constant 64 : index
        %get3A_313 = tpu.vector_load %arg9[%get3A_311, %get3A_312] {strides = array<i32>} : memref<352x128xf32, #tpu.memory_space<vmem>>, vector<1x16xf32>,
        %get3A_314 = vector.shape_cast %get3A_313 : vector<1x16xf32> to vector<16xf32>
        %mul3A_315 = arith.mulf %get3A_199, %get3A_314 : vector<16xf32>
        %add3A_316 = arith.addf %add3A_310, %mul3A_315 : vector<16xf32>
        %get3A_317 = arith.index_cast %add3A_287 : i32 to index
        %get3A_318 = arith.constant 80 : index
        %get3A_319 = tpu.vector_load %arg9[%get3A_317, %get3A_318] {strides = array<i32>} : memref<352x128xf32, #tpu.memory_space<vmem>>, vector<1x16xf32>,
        %get3A_320 = vector.shape_cast %get3A_319 : vector<1x16xf32> to vector<16xf32>
        %mul3A_321 = arith.mulf %get3A_203, %get3A_320 : vector<16xf32>
        %add3A_322 = arith.addf %add3A_316, %mul3A_321 : vector<16xf32>
        %get3A_323 = arith.index_cast %add3A_287 : i32 to index
        %get3A_324 = arith.constant 96 : index
        %get3A_325 = tpu.vector_load %arg9[%get3A_323, %get3A_324] {strides = array<i32>} : memref<352x128xf32, #tpu.memory_space<vmem>>, vector<1x16xf32>,
        %get3A_326 = vector.shape_cast %get3A_325 : vector<1x16xf32> to vector<16xf32>
        %mul3A_327 = arith.mulf %get3A_207, %get3A_326 : vector<16xf32>
        %add3A_328 = arith.addf %add3A_322, %mul3A_327 : vector<16xf32>
        %get3A_329 = arith.index_cast %add3A_287 : i32 to index
        %get3A_330 = arith.constant 112 : index
        %get3A_331 = tpu.vector_load %arg9[%get3A_329, %get3A_330] {strides = array<i32>} : memref<352x128xf32, #tpu.memory_space<vmem>>, vector<1x16xf32>,
        %get3A_332 = vector.shape_cast %get3A_331 : vector<1x16xf32> to vector<16xf32>
        %mul3A_333 = arith.mulf %get3A_211, %get3A_332 : vector<16xf32>
        %add3A_334 = arith.addf %add3A_328, %mul3A_333 : vector<16xf32>
        %mul3A_335 = arith.constant 20 : i32
        %mul3A_336 = arith.muli %scan3A_180, %mul3A_335 : i32
        %add3A_337 = arith.constant 0 : i32
        %add3A_338 = arith.addi %mul3A_336, %add3A_337 : i32
        %mul3A_339 = arith.constant 16 : i32
        %mul3A_340 = arith.muli %add3A_338, %mul3A_339 : i32
        %swap3A_341 = arith.index_cast %mul3A_340 : i32 to index
        %swap3A_342 = tpu.vector_load %arg12[%swap3A_341] {strides = array<i32>} : memref<5120xf32, #tpu.memory_space<vmem>>, vector<16xf32>,
        %swap3A_343 = vector.shape_cast %swap3A_342 : vector<16xf32> to vector<16xf32>
        %swap3A_344 = vector.shape_cast %add3A_334 : vector<16xf32> to vector<16xf32>
        tpu.vector_store %arg12[%swap3A_341], %swap3A_344 {strides = array<i32>} : memref<5120xf32, #tpu.memory_space<vmem>>, vector<16xf32>,
        %mul3A_345 = arith.constant 20 : i32
        %mul3A_346 = arith.muli %scan3A_180, %mul3A_345 : i32
        %add3A_347 = arith.constant 32 : i32
        %add3A_348 = arith.addi %add3A_347, %mul3A_346 : i32
        %add3A_349 = arith.constant 1 : i32
        %add3A_350 = arith.addi %add3A_348, %add3A_349 : i32
        %get3A_351 = arith.index_cast %add3A_350 : i32 to index
        %get3A_352 = arith.constant 0 : index
        %get3A_353 = tpu.vector_load %arg9[%get3A_351, %get3A_352] {strides = array<i32>} : memref<352x128xf32, #tpu.memory_space<vmem>>, vector<1x16xf32>,
        %get3A_354 = vector.shape_cast %get3A_353 : vector<1x16xf32> to vector<16xf32>
        %mul3A_355 = arith.mulf %get3A_183, %get3A_354 : vector<16xf32>
        %get3A_356 = arith.index_cast %add3A_350 : i32 to index
        %get3A_357 = arith.constant 16 : index
        %get3A_358 = tpu.vector_load %arg9[%get3A_356, %get3A_357] {strides = array<i32>} : memref<352x128xf32, #tpu.memory_space<vmem>>, vector<1x16xf32>,
        %get3A_359 = vector.shape_cast %get3A_358 : vector<1x16xf32> to vector<16xf32>
        %mul3A_360 = arith.mulf %get3A_187, %get3A_359 : vector<16xf32>
        %add3A_361 = arith.addf %mul3A_355, %mul3A_360 : vector<16xf32>
        %get3A_362 = arith.index_cast %add3A_350 : i32 to index
        %get3A_363 = arith.constant 32 : index
        %get3A_364 = tpu.vector_load %arg9[%get3A_362, %get3A_363] {strides = array<i32>} : memref<352x128xf32, #tpu.memory_space<vmem>>, vector<1x16xf32>,
        %get3A_365 = vector.shape_cast %get3A_364 : vector<1x16xf32> to vector<16xf32>
        %mul3A_366 = arith.mulf %get3A_191, %get3A_365 : vector<16xf32>
        %add3A_367 = arith.addf %add3A_361, %mul3A_366 : vector<16xf32>
        %get3A_368 = arith.index_cast %add3A_350 : i32 to index
        %get3A_369 = arith.constant 48 : index
        %get3A_370 = tpu.vector_load %arg9[%get3A_368, %get3A_369] {strides = array<i32>} : memref<352x128xf32, #tpu.memory_space<vmem>>, vector<1x16xf32>,
        %get3A_371 = vector.shape_cast %get3A_370 : vector<1x16xf32> to vector<16xf32>
        %mul3A_372 = arith.mulf %get3A_195, %get3A_371 : vector<16xf32>
        %add3A_373 = arith.addf %add3A_367, %mul3A_372 : vector<16xf32>
        %get3A_374 = arith.index_cast %add3A_350 : i32 to index
        %get3A_375 = arith.constant 64 : index
        %get3A_376 = tpu.vector_load %arg9[%get3A_374, %get3A_375] {strides = array<i32>} : memref<352x128xf32, #tpu.memory_space<vmem>>, vector<1x16xf32>,
        %get3A_377 = vector.shape_cast %get3A_376 : vector<1x16xf32> to vector<16xf32>
        %mul3A_378 = arith.mulf %get3A_199, %get3A_377 : vector<16xf32>
        %add3A_379 = arith.addf %add3A_373, %mul3A_378 : vector<16xf32>
        %get3A_380 = arith.index_cast %add3A_350 : i32 to index
        %get3A_381 = arith.constant 80 : index
        %get3A_382 = tpu.vector_load %arg9[%get3A_380, %get3A_381] {strides = array<i32>} : memref<352x128xf32, #tpu.memory_space<vmem>>, vector<1x16xf32>,
        %get3A_383 = vector.shape_cast %get3A_382 : vector<1x16xf32> to vector<16xf32>
        %mul3A_384 = arith.mulf %get3A_203, %get3A_383 : vector<16xf32>
        %add3A_385 = arith.addf %add3A_379, %mul3A_384 : vector<16xf32>
        %get3A_386 = arith.index_cast %add3A_350 : i32 to index
        %get3A_387 = arith.constant 96 : index
        %get3A_388 = tpu.vector_load %arg9[%get3A_386, %get3A_387] {strides = array<i32>} : memref<352x128xf32, #tpu.memory_space<vmem>>, vector<1x16xf32>,
        %get3A_389 = vector.shape_cast %get3A_388 : vector<1x16xf32> to vector<16xf32>
        %mul3A_390 = arith.mulf %get3A_207, %get3A_389 : vector<16xf32>
        %add3A_391 = arith.addf %add3A_385, %mul3A_390 : vector<16xf32>
        %get3A_392 = arith.index_cast %add3A_350 : i32 to index
        %get3A_393 = arith.constant 112 : index
        %get3A_394 = tpu.vector_load %arg9[%get3A_392, %get3A_393] {strides = array<i32>} : memref<352x128xf32, #tpu.memory_space<vmem>>, vector<1x16xf32>,
        %get3A_395 = vector.shape_cast %get3A_394 : vector<1x16xf32> to vector<16xf32>
        %mul3A_396 = arith.mulf %get3A_211, %get3A_395 : vector<16xf32>
        %add3A_397 = arith.addf %add3A_391, %mul3A_396 : vector<16xf32>
        %mul3A_398 = arith.constant 20 : i32
        %mul3A_399 = arith.muli %scan3A_180, %mul3A_398 : i32
        %add3A_400 = arith.constant 1 : i32
        %add3A_401 = arith.addi %mul3A_399, %add3A_400 : i32
        %mul3A_402 = arith.constant 16 : i32
        %mul3A_403 = arith.muli %add3A_401, %mul3A_402 : i32
        %swap3A_404 = arith.index_cast %mul3A_403 : i32 to index
        %swap3A_405 = tpu.vector_load %arg12[%swap3A_404] {strides = array<i32>} : memref<5120xf32, #tpu.memory_space<vmem>>, vector<16xf32>,
        %swap3A_406 = vector.shape_cast %swap3A_405 : vector<16xf32> to vector<16xf32>
        %swap3A_407 = vector.shape_cast %add3A_397 : vector<16xf32> to vector<16xf32>
        tpu.vector_store %arg12[%swap3A_404], %swap3A_407 {strides = array<i32>} : memref<5120xf32, #tpu.memory_space<vmem>>, vector<16xf32>,
        %mul3A_408 = arith.constant 20 : i32
        %mul3A_409 = arith.muli %scan3A_180, %mul3A_408 : i32
        %add3A_410 = arith.constant 32 : i32
        %add3A_411 = arith.addi %add3A_410, %mul3A_409 : i32
        %add3A_412 = arith.constant 2 : i32
        %add3A_413 = arith.addi %add3A_411, %add3A_412 : i32
        %get3A_414 = arith.index_cast %add3A_413 : i32 to index
        %get3A_415 = arith.constant 0 : index
        %get3A_416 = tpu.vector_load %arg9[%get3A_414, %get3A_415] {strides = array<i32>} : memref<352x128xf32, #tpu.memory_space<vmem>>, vector<1x16xf32>,
        %get3A_417 = vector.shape_cast %get3A_416 : vector<1x16xf32> to vector<16xf32>
        %mul3A_418 = arith.mulf %get3A_183, %get3A_417 : vector<16xf32>
        %get3A_419 = arith.index_cast %add3A_413 : i32 to index
        %get3A_420 = arith.constant 16 : index
        %get3A_421 = tpu.vector_load %arg9[%get3A_419, %get3A_420] {strides = array<i32>} : memref<352x128xf32, #tpu.memory_space<vmem>>, vector<1x16xf32>,
        %get3A_422 = vector.shape_cast %get3A_421 : vector<1x16xf32> to vector<16xf32>
        %mul3A_423 = arith.mulf %get3A_187, %get3A_422 : vector<16xf32>
        %add3A_424 = arith.addf %mul3A_418, %mul3A_423 : vector<16xf32>
        %get3A_425 = arith.index_cast %add3A_413 : i32 to index
        %get3A_426 = arith.constant 32 : index
        %get3A_427 = tpu.vector_load %arg9[%get3A_425, %get3A_426] {strides = array<i32>} : memref<352x128xf32, #tpu.memory_space<vmem>>, vector<1x16xf32>,
        %get3A_428 = vector.shape_cast %get3A_427 : vector<1x16xf32> to vector<16xf32>
        %mul3A_429 = arith.mulf %get3A_191, %get3A_428 : vector<16xf32>
        %add3A_430 = arith.addf %add3A_424, %mul3A_429 : vector<16xf32>
        %get3A_431 = arith.index_cast %add3A_413 : i32 to index
        %get3A_432 = arith.constant 48 : index
        %get3A_433 = tpu.vector_load %arg9[%get3A_431, %get3A_432] {strides = array<i32>} : memref<352x128xf32, #tpu.memory_space<vmem>>, vector<1x16xf32>,
        %get3A_434 = vector.shape_cast %get3A_433 : vector<1x16xf32> to vector<16xf32>
        %mul3A_435 = arith.mulf %get3A_195, %get3A_434 : vector<16xf32>
        %add3A_436 = arith.addf %add3A_430, %mul3A_435 : vector<16xf32>
        %get3A_437 = arith.index_cast %add3A_413 : i32 to index
        %get3A_438 = arith.constant 64 : index
        %get3A_439 = tpu.vector_load %arg9[%get3A_437, %get3A_438] {strides = array<i32>} : memref<352x128xf32, #tpu.memory_space<vmem>>, vector<1x16xf32>,
        %get3A_440 = vector.shape_cast %get3A_439 : vector<1x16xf32> to vector<16xf32>
        %mul3A_441 = arith.mulf %get3A_199, %get3A_440 : vector<16xf32>
        %add3A_442 = arith.addf %add3A_436, %mul3A_441 : vector<16xf32>
        %get3A_443 = arith.index_cast %add3A_413 : i32 to index
        %get3A_444 = arith.constant 80 : index
        %get3A_445 = tpu.vector_load %arg9[%get3A_443, %get3A_444] {strides = array<i32>} : memref<352x128xf32, #tpu.memory_space<vmem>>, vector<1x16xf32>,
        %get3A_446 = vector.shape_cast %get3A_445 : vector<1x16xf32> to vector<16xf32>
        %mul3A_447 = arith.mulf %get3A_203, %get3A_446 : vector<16xf32>
        %add3A_448 = arith.addf %add3A_442, %mul3A_447 : vector<16xf32>
        %get3A_449 = arith.index_cast %add3A_413 : i32 to index
        %get3A_450 = arith.constant 96 : index
        %get3A_451 = tpu.vector_load %arg9[%get3A_449, %get3A_450] {strides = array<i32>} : memref<352x128xf32, #tpu.memory_space<vmem>>, vector<1x16xf32>,
        %get3A_452 = vector.shape_cast %get3A_451 : vector<1x16xf32> to vector<16xf32>
        %mul3A_453 = arith.mulf %get3A_207, %get3A_452 : vector<16xf32>
        %add3A_454 = arith.addf %add3A_448, %mul3A_453 : vector<16xf32>
        %get3A_455 = arith.index_cast %add3A_413 : i32 to index
        %get3A_456 = arith.constant 112 : index
        %get3A_457 = tpu.vector_load %arg9[%get3A_455, %get3A_456] {strides = array<i32>} : memref<352x128xf32, #tpu.memory_space<vmem>>, vector<1x16xf32>,
        %get3A_458 = vector.shape_cast %get3A_457 : vector<1x16xf32> to vector<16xf32>
        %mul3A_459 = arith.mulf %get3A_211, %get3A_458 : vector<16xf32>
        %add3A_460 = arith.addf %add3A_454, %mul3A_459 : vector<16xf32>
        %mul3A_461 = arith.constant 20 : i32
        %mul3A_462 = arith.muli %scan3A_180, %mul3A_461 : i32
        %add3A_463 = arith.constant 2 : i32
        %add3A_464 = arith.addi %mul3A_462, %add3A_463 : i32
        %mul3A_465 = arith.constant 16 : i32
        %mul3A_466 = arith.muli %add3A_464, %mul3A_465 : i32
        %swap3A_467 = arith.index_cast %mul3A_466 : i32 to index
        %swap3A_468 = tpu.vector_load %arg12[%swap3A_467] {strides = array<i32>} : memref<5120xf32, #tpu.memory_space<vmem>>, vector<16xf32>,
        %swap3A_469 = vector.shape_cast %swap3A_468 : vector<16xf32> to vector<16xf32>
        %swap3A_470 = vector.shape_cast %add3A_460 : vector<16xf32> to vector<16xf32>
        tpu.vector_store %arg12[%swap3A_467], %swap3A_470 {strides = array<i32>} : memref<5120xf32, #tpu.memory_space<vmem>>, vector<16xf32>,
        %mul3A_471 = arith.constant 20 : i32
        %mul3A_472 = arith.muli %scan3A_180, %mul3A_471 : i32
        %add3A_473 = arith.constant 32 : i32
        %add3A_474 = arith.addi %add3A_473, %mul3A_472 : i32
        %add3A_475 = arith.constant 3 : i32
        %add3A_476 = arith.addi %add3A_474, %add3A_475 : i32
        %get3A_477 = arith.index_cast %add3A_476 : i32 to index
        %get3A_478 = arith.constant 0 : index
        %get3A_479 = tpu.vector_load %arg9[%get3A_477, %get3A_478] {strides = array<i32>} : memref<352x128xf32, #tpu.memory_space<vmem>>, vector<1x16xf32>,
        %get3A_480 = vector.shape_cast %get3A_479 : vector<1x16xf32> to vector<16xf32>
        %mul3A_481 = arith.mulf %get3A_183, %get3A_480 : vector<16xf32>
        %get3A_482 = arith.index_cast %add3A_476 : i32 to index
        %get3A_483 = arith.constant 16 : index
        %get3A_484 = tpu.vector_load %arg9[%get3A_482, %get3A_483] {strides = array<i32>} : memref<352x128xf32, #tpu.memory_space<vmem>>, vector<1x16xf32>,
        %get3A_485 = vector.shape_cast %get3A_484 : vector<1x16xf32> to vector<16xf32>
        %mul3A_486 = arith.mulf %get3A_187, %get3A_485 : vector<16xf32>
        %add3A_487 = arith.addf %mul3A_481, %mul3A_486 : vector<16xf32>
        %get3A_488 = arith.index_cast %add3A_476 : i32 to index
        %get3A_489 = arith.constant 32 : index
        %get3A_490 = tpu.vector_load %arg9[%get3A_488, %get3A_489] {strides = array<i32>} : memref<352x128xf32, #tpu.memory_space<vmem>>, vector<1x16xf32>,
        %get3A_491 = vector.shape_cast %get3A_490 : vector<1x16xf32> to vector<16xf32>
        %mul3A_492 = arith.mulf %get3A_191, %get3A_491 : vector<16xf32>
        %add3A_493 = arith.addf %add3A_487, %mul3A_492 : vector<16xf32>
        %get3A_494 = arith.index_cast %add3A_476 : i32 to index
        %get3A_495 = arith.constant 48 : index
        %get3A_496 = tpu.vector_load %arg9[%get3A_494, %get3A_495] {strides = array<i32>} : memref<352x128xf32, #tpu.memory_space<vmem>>, vector<1x16xf32>,
        %get3A_497 = vector.shape_cast %get3A_496 : vector<1x16xf32> to vector<16xf32>
        %mul3A_498 = arith.mulf %get3A_195, %get3A_497 : vector<16xf32>
        %add3A_499 = arith.addf %add3A_493, %mul3A_498 : vector<16xf32>
        %get3A_500 = arith.index_cast %add3A_476 : i32 to index
        %get3A_501 = arith.constant 64 : index
        %get3A_502 = tpu.vector_load %arg9[%get3A_500, %get3A_501] {strides = array<i32>} : memref<352x128xf32, #tpu.memory_space<vmem>>, vector<1x16xf32>,
        %get3A_503 = vector.shape_cast %get3A_502 : vector<1x16xf32> to vector<16xf32>
        %mul3A_504 = arith.mulf %get3A_199, %get3A_503 : vector<16xf32>
        %add3A_505 = arith.addf %add3A_499, %mul3A_504 : vector<16xf32>
        %get3A_506 = arith.index_cast %add3A_476 : i32 to index
        %get3A_507 = arith.constant 80 : index
        %get3A_508 = tpu.vector_load %arg9[%get3A_506, %get3A_507] {strides = array<i32>} : memref<352x128xf32, #tpu.memory_space<vmem>>, vector<1x16xf32>,
        %get3A_509 = vector.shape_cast %get3A_508 : vector<1x16xf32> to vector<16xf32>
        %mul3A_510 = arith.mulf %get3A_203, %get3A_509 : vector<16xf32>
        %add3A_511 = arith.addf %add3A_505, %mul3A_510 : vector<16xf32>
        %get3A_512 = arith.index_cast %add3A_476 : i32 to index
        %get3A_513 = arith.constant 96 : index
        %get3A_514 = tpu.vector_load %arg9[%get3A_512, %get3A_513] {strides = array<i32>} : memref<352x128xf32, #tpu.memory_space<vmem>>, vector<1x16xf32>,
        %get3A_515 = vector.shape_cast %get3A_514 : vector<1x16xf32> to vector<16xf32>
        %mul3A_516 = arith.mulf %get3A_207, %get3A_515 : vector<16xf32>
        %add3A_517 = arith.addf %add3A_511, %mul3A_516 : vector<16xf32>
        %get3A_518 = arith.index_cast %add3A_476 : i32 to index
        %get3A_519 = arith.constant 112 : index
        %get3A_520 = tpu.vector_load %arg9[%get3A_518, %get3A_519] {strides = array<i32>} : memref<352x128xf32, #tpu.memory_space<vmem>>, vector<1x16xf32>,
        %get3A_521 = vector.shape_cast %get3A_520 : vector<1x16xf32> to vector<16xf32>
        %mul3A_522 = arith.mulf %get3A_211, %get3A_521 : vector<16xf32>
        %add3A_523 = arith.addf %add3A_517, %mul3A_522 : vector<16xf32>
        %mul3A_524 = arith.constant 20 : i32
        %mul3A_525 = arith.muli %scan3A_180, %mul3A_524 : i32
        %add3A_526 = arith.constant 3 : i32
        %add3A_527 = arith.addi %mul3A_525, %add3A_526 : i32
        %mul3A_528 = arith.constant 16 : i32
        %mul3A_529 = arith.muli %add3A_527, %mul3A_528 : i32
        %swap3A_530 = arith.index_cast %mul3A_529 : i32 to index
        %swap3A_531 = tpu.vector_load %arg12[%swap3A_530] {strides = array<i32>} : memref<5120xf32, #tpu.memory_space<vmem>>, vector<16xf32>,
        %swap3A_532 = vector.shape_cast %swap3A_531 : vector<16xf32> to vector<16xf32>
        %swap3A_533 = vector.shape_cast %add3A_523 : vector<16xf32> to vector<16xf32>
        tpu.vector_store %arg12[%swap3A_530], %swap3A_533 {strides = array<i32>} : memref<5120xf32, #tpu.memory_space<vmem>>, vector<16xf32>,
        %mul3A_534 = arith.constant 20 : i32
        %mul3A_535 = arith.muli %scan3A_180, %mul3A_534 : i32
        %add3A_536 = arith.constant 32 : i32
        %add3A_537 = arith.addi %add3A_536, %mul3A_535 : i32
        %add3A_538 = arith.constant 4 : i32
        %add3A_539 = arith.addi %add3A_537, %add3A_538 : i32
        %get3A_540 = arith.index_cast %add3A_539 : i32 to index
        %get3A_541 = arith.constant 0 : index
        %get3A_542 = tpu.vector_load %arg9[%get3A_540, %get3A_541] {strides = array<i32>} : memref<352x128xf32, #tpu.memory_space<vmem>>, vector<1x16xf32>,
        %get3A_543 = vector.shape_cast %get3A_542 : vector<1x16xf32> to vector<16xf32>
        %mul3A_544 = arith.mulf %get3A_183, %get3A_543 : vector<16xf32>
        %get3A_545 = arith.index_cast %add3A_539 : i32 to index
        %get3A_546 = arith.constant 16 : index
        %get3A_547 = tpu.vector_load %arg9[%get3A_545, %get3A_546] {strides = array<i32>} : memref<352x128xf32, #tpu.memory_space<vmem>>, vector<1x16xf32>,
        %get3A_548 = vector.shape_cast %get3A_547 : vector<1x16xf32> to vector<16xf32>
        %mul3A_549 = arith.mulf %get3A_187, %get3A_548 : vector<16xf32>
        %add3A_550 = arith.addf %mul3A_544, %mul3A_549 : vector<16xf32>
        %get3A_551 = arith.index_cast %add3A_539 : i32 to index
        %get3A_552 = arith.constant 32 : index
        %get3A_553 = tpu.vector_load %arg9[%get3A_551, %get3A_552] {strides = array<i32>} : memref<352x128xf32, #tpu.memory_space<vmem>>, vector<1x16xf32>,
        %get3A_554 = vector.shape_cast %get3A_553 : vector<1x16xf32> to vector<16xf32>
        %mul3A_555 = arith.mulf %get3A_191, %get3A_554 : vector<16xf32>
        %add3A_556 = arith.addf %add3A_550, %mul3A_555 : vector<16xf32>
        %get3A_557 = arith.index_cast %add3A_539 : i32 to index
        %get3A_558 = arith.constant 48 : index
        %get3A_559 = tpu.vector_load %arg9[%get3A_557, %get3A_558] {strides = array<i32>} : memref<352x128xf32, #tpu.memory_space<vmem>>, vector<1x16xf32>,
        %get3A_560 = vector.shape_cast %get3A_559 : vector<1x16xf32> to vector<16xf32>
        %mul3A_561 = arith.mulf %get3A_195, %get3A_560 : vector<16xf32>
        %add3A_562 = arith.addf %add3A_556, %mul3A_561 : vector<16xf32>
        %get3A_563 = arith.index_cast %add3A_539 : i32 to index
        %get3A_564 = arith.constant 64 : index
        %get3A_565 = tpu.vector_load %arg9[%get3A_563, %get3A_564] {strides = array<i32>} : memref<352x128xf32, #tpu.memory_space<vmem>>, vector<1x16xf32>,
        %get3A_566 = vector.shape_cast %get3A_565 : vector<1x16xf32> to vector<16xf32>
        %mul3A_567 = arith.mulf %get3A_199, %get3A_566 : vector<16xf32>
        %add3A_568 = arith.addf %add3A_562, %mul3A_567 : vector<16xf32>
        %get3A_569 = arith.index_cast %add3A_539 : i32 to index
        %get3A_570 = arith.constant 80 : index
        %get3A_571 = tpu.vector_load %arg9[%get3A_569, %get3A_570] {strides = array<i32>} : memref<352x128xf32, #tpu.memory_space<vmem>>, vector<1x16xf32>,
        %get3A_572 = vector.shape_cast %get3A_571 : vector<1x16xf32> to vector<16xf32>
        %mul3A_573 = arith.mulf %get3A_203, %get3A_572 : vector<16xf32>
        %add3A_574 = arith.addf %add3A_568, %mul3A_573 : vector<16xf32>
        %get3A_575 = arith.index_cast %add3A_539 : i32 to index
        %get3A_576 = arith.constant 96 : index
        %get3A_577 = tpu.vector_load %arg9[%get3A_575, %get3A_576] {strides = array<i32>} : memref<352x128xf32, #tpu.memory_space<vmem>>, vector<1x16xf32>,
        %get3A_578 = vector.shape_cast %get3A_577 : vector<1x16xf32> to vector<16xf32>
        %mul3A_579 = arith.mulf %get3A_207, %get3A_578 : vector<16xf32>
        %add3A_580 = arith.addf %add3A_574, %mul3A_579 : vector<16xf32>
        %get3A_581 = arith.index_cast %add3A_539 : i32 to index
        %get3A_582 = arith.constant 112 : index
        %get3A_583 = tpu.vector_load %arg9[%get3A_581, %get3A_582] {strides = array<i32>} : memref<352x128xf32, #tpu.memory_space<vmem>>, vector<1x16xf32>,
        %get3A_584 = vector.shape_cast %get3A_583 : vector<1x16xf32> to vector<16xf32>
        %mul3A_585 = arith.mulf %get3A_211, %get3A_584 : vector<16xf32>
        %add3A_586 = arith.addf %add3A_580, %mul3A_585 : vector<16xf32>
        %mul3A_587 = arith.constant 20 : i32
        %mul3A_588 = arith.muli %scan3A_180, %mul3A_587 : i32
        %add3A_589 = arith.constant 4 : i32
        %add3A_590 = arith.addi %mul3A_588, %add3A_589 : i32
        %mul3A_591 = arith.constant 16 : i32
        %mul3A_592 = arith.muli %add3A_590, %mul3A_591 : i32
        %swap3A_593 = arith.index_cast %mul3A_592 : i32 to index
        %swap3A_594 = tpu.vector_load %arg12[%swap3A_593] {strides = array<i32>} : memref<5120xf32, #tpu.memory_space<vmem>>, vector<16xf32>,
        %swap3A_595 = vector.shape_cast %swap3A_594 : vector<16xf32> to vector<16xf32>
        %swap3A_596 = vector.shape_cast %add3A_586 : vector<16xf32> to vector<16xf32>
        tpu.vector_store %arg12[%swap3A_593], %swap3A_596 {strides = array<i32>} : memref<5120xf32, #tpu.memory_space<vmem>>, vector<16xf32>,
        %mul3A_597 = arith.constant 20 : i32
        %mul3A_598 = arith.muli %scan3A_180, %mul3A_597 : i32
        %add3A_599 = arith.constant 32 : i32
        %add3A_600 = arith.addi %add3A_599, %mul3A_598 : i32
        %add3A_601 = arith.constant 5 : i32
        %add3A_602 = arith.addi %add3A_600, %add3A_601 : i32
        %get3A_603 = arith.index_cast %add3A_602 : i32 to index
        %get3A_604 = arith.constant 0 : index
        %get3A_605 = tpu.vector_load %arg9[%get3A_603, %get3A_604] {strides = array<i32>} : memref<352x128xf32, #tpu.memory_space<vmem>>, vector<1x16xf32>,
        %get3A_606 = vector.shape_cast %get3A_605 : vector<1x16xf32> to vector<16xf32>
        %mul3A_607 = arith.mulf %get3A_183, %get3A_606 : vector<16xf32>
        %get3A_608 = arith.index_cast %add3A_602 : i32 to index
        %get3A_609 = arith.constant 16 : index
        %get3A_610 = tpu.vector_load %arg9[%get3A_608, %get3A_609] {strides = array<i32>} : memref<352x128xf32, #tpu.memory_space<vmem>>, vector<1x16xf32>,
        %get3A_611 = vector.shape_cast %get3A_610 : vector<1x16xf32> to vector<16xf32>
        %mul3A_612 = arith.mulf %get3A_187, %get3A_611 : vector<16xf32>
        %add3A_613 = arith.addf %mul3A_607, %mul3A_612 : vector<16xf32>
        %get3A_614 = arith.index_cast %add3A_602 : i32 to index
        %get3A_615 = arith.constant 32 : index
        %get3A_616 = tpu.vector_load %arg9[%get3A_614, %get3A_615] {strides = array<i32>} : memref<352x128xf32, #tpu.memory_space<vmem>>, vector<1x16xf32>,
        %get3A_617 = vector.shape_cast %get3A_616 : vector<1x16xf32> to vector<16xf32>
        %mul3A_618 = arith.mulf %get3A_191, %get3A_617 : vector<16xf32>
        %add3A_619 = arith.addf %add3A_613, %mul3A_618 : vector<16xf32>
        %get3A_620 = arith.index_cast %add3A_602 : i32 to index
        %get3A_621 = arith.constant 48 : index
        %get3A_622 = tpu.vector_load %arg9[%get3A_620, %get3A_621] {strides = array<i32>} : memref<352x128xf32, #tpu.memory_space<vmem>>, vector<1x16xf32>,
        %get3A_623 = vector.shape_cast %get3A_622 : vector<1x16xf32> to vector<16xf32>
        %mul3A_624 = arith.mulf %get3A_195, %get3A_623 : vector<16xf32>
        %add3A_625 = arith.addf %add3A_619, %mul3A_624 : vector<16xf32>
        %get3A_626 = arith.index_cast %add3A_602 : i32 to index
        %get3A_627 = arith.constant 64 : index
        %get3A_628 = tpu.vector_load %arg9[%get3A_626, %get3A_627] {strides = array<i32>} : memref<352x128xf32, #tpu.memory_space<vmem>>, vector<1x16xf32>,
        %get3A_629 = vector.shape_cast %get3A_628 : vector<1x16xf32> to vector<16xf32>
        %mul3A_630 = arith.mulf %get3A_199, %get3A_629 : vector<16xf32>
        %add3A_631 = arith.addf %add3A_625, %mul3A_630 : vector<16xf32>
        %get3A_632 = arith.index_cast %add3A_602 : i32 to index
        %get3A_633 = arith.constant 80 : index
        %get3A_634 = tpu.vector_load %arg9[%get3A_632, %get3A_633] {strides = array<i32>} : memref<352x128xf32, #tpu.memory_space<vmem>>, vector<1x16xf32>,
        %get3A_635 = vector.shape_cast %get3A_634 : vector<1x16xf32> to vector<16xf32>
        %mul3A_636 = arith.mulf %get3A_203, %get3A_635 : vector<16xf32>
        %add3A_637 = arith.addf %add3A_631, %mul3A_636 : vector<16xf32>
        %get3A_638 = arith.index_cast %add3A_602 : i32 to index
        %get3A_639 = arith.constant 96 : index
        %get3A_640 = tpu.vector_load %arg9[%get3A_638, %get3A_639] {strides = array<i32>} : memref<352x128xf32, #tpu.memory_space<vmem>>, vector<1x16xf32>,
        %get3A_641 = vector.shape_cast %get3A_640 : vector<1x16xf32> to vector<16xf32>
        %mul3A_642 = arith.mulf %get3A_207, %get3A_641 : vector<16xf32>
        %add3A_643 = arith.addf %add3A_637, %mul3A_642 : vector<16xf32>
        %get3A_644 = arith.index_cast %add3A_602 : i32 to index
        %get3A_645 = arith.constant 112 : index
        %get3A_646 = tpu.vector_load %arg9[%get3A_644, %get3A_645] {strides = array<i32>} : memref<352x128xf32, #tpu.memory_space<vmem>>, vector<1x16xf32>,
        %get3A_647 = vector.shape_cast %get3A_646 : vector<1x16xf32> to vector<16xf32>
        %mul3A_648 = arith.mulf %get3A_211, %get3A_647 : vector<16xf32>
        %add3A_649 = arith.addf %add3A_643, %mul3A_648 : vector<16xf32>
        %mul3A_650 = arith.constant 20 : i32
        %mul3A_651 = arith.muli %scan3A_180, %mul3A_650 : i32
        %add3A_652 = arith.constant 5 : i32
        %add3A_653 = arith.addi %mul3A_651, %add3A_652 : i32
        %mul3A_654 = arith.constant 16 : i32
        %mul3A_655 = arith.muli %add3A_653, %mul3A_654 : i32
        %swap3A_656 = arith.index_cast %mul3A_655 : i32 to index
        %swap3A_657 = tpu.vector_load %arg12[%swap3A_656] {strides = array<i32>} : memref<5120xf32, #tpu.memory_space<vmem>>, vector<16xf32>,
        %swap3A_658 = vector.shape_cast %swap3A_657 : vector<16xf32> to vector<16xf32>
        %swap3A_659 = vector.shape_cast %add3A_649 : vector<16xf32> to vector<16xf32>
        tpu.vector_store %arg12[%swap3A_656], %swap3A_659 {strides = array<i32>} : memref<5120xf32, #tpu.memory_space<vmem>>, vector<16xf32>,
        %mul3A_660 = arith.constant 20 : i32
        %mul3A_661 = arith.muli %scan3A_180, %mul3A_660 : i32
        %add3A_662 = arith.constant 32 : i32
        %add3A_663 = arith.addi %add3A_662, %mul3A_661 : i32
        %add3A_664 = arith.constant 6 : i32
        %add3A_665 = arith.addi %add3A_663, %add3A_664 : i32
        %get3A_666 = arith.index_cast %add3A_665 : i32 to index
        %get3A_667 = arith.constant 0 : index
        %get3A_668 = tpu.vector_load %arg9[%get3A_666, %get3A_667] {strides = array<i32>} : memref<352x128xf32, #tpu.memory_space<vmem>>, vector<1x16xf32>,
        %get3A_669 = vector.shape_cast %get3A_668 : vector<1x16xf32> to vector<16xf32>
        %mul3A_670 = arith.mulf %get3A_183, %get3A_669 : vector<16xf32>
        %get3A_671 = arith.index_cast %add3A_665 : i32 to index
        %get3A_672 = arith.constant 16 : index
        %get3A_673 = tpu.vector_load %arg9[%get3A_671, %get3A_672] {strides = array<i32>} : memref<352x128xf32, #tpu.memory_space<vmem>>, vector<1x16xf32>,
        %get3A_674 = vector.shape_cast %get3A_673 : vector<1x16xf32> to vector<16xf32>
        %mul3A_675 = arith.mulf %get3A_187, %get3A_674 : vector<16xf32>
        %add3A_676 = arith.addf %mul3A_670, %mul3A_675 : vector<16xf32>
        %get3A_677 = arith.index_cast %add3A_665 : i32 to index
        %get3A_678 = arith.constant 32 : index
        %get3A_679 = tpu.vector_load %arg9[%get3A_677, %get3A_678] {strides = array<i32>} : memref<352x128xf32, #tpu.memory_space<vmem>>, vector<1x16xf32>,
        %get3A_680 = vector.shape_cast %get3A_679 : vector<1x16xf32> to vector<16xf32>
        %mul3A_681 = arith.mulf %get3A_191, %get3A_680 : vector<16xf32>
        %add3A_682 = arith.addf %add3A_676, %mul3A_681 : vector<16xf32>
        %get3A_683 = arith.index_cast %add3A_665 : i32 to index
        %get3A_684 = arith.constant 48 : index
        %get3A_685 = tpu.vector_load %arg9[%get3A_683, %get3A_684] {strides = array<i32>} : memref<352x128xf32, #tpu.memory_space<vmem>>, vector<1x16xf32>,
        %get3A_686 = vector.shape_cast %get3A_685 : vector<1x16xf32> to vector<16xf32>
        %mul3A_687 = arith.mulf %get3A_195, %get3A_686 : vector<16xf32>
        %add3A_688 = arith.addf %add3A_682, %mul3A_687 : vector<16xf32>
        %get3A_689 = arith.index_cast %add3A_665 : i32 to index
        %get3A_690 = arith.constant 64 : index
        %get3A_691 = tpu.vector_load %arg9[%get3A_689, %get3A_690] {strides = array<i32>} : memref<352x128xf32, #tpu.memory_space<vmem>>, vector<1x16xf32>,
        %get3A_692 = vector.shape_cast %get3A_691 : vector<1x16xf32> to vector<16xf32>
        %mul3A_693 = arith.mulf %get3A_199, %get3A_692 : vector<16xf32>
        %add3A_694 = arith.addf %add3A_688, %mul3A_693 : vector<16xf32>
        %get3A_695 = arith.index_cast %add3A_665 : i32 to index
        %get3A_696 = arith.constant 80 : index
        %get3A_697 = tpu.vector_load %arg9[%get3A_695, %get3A_696] {strides = array<i32>} : memref<352x128xf32, #tpu.memory_space<vmem>>, vector<1x16xf32>,
        %get3A_698 = vector.shape_cast %get3A_697 : vector<1x16xf32> to vector<16xf32>
        %mul3A_699 = arith.mulf %get3A_203, %get3A_698 : vector<16xf32>
        %add3A_700 = arith.addf %add3A_694, %mul3A_699 : vector<16xf32>
        %get3A_701 = arith.index_cast %add3A_665 : i32 to index
        %get3A_702 = arith.constant 96 : index
        %get3A_703 = tpu.vector_load %arg9[%get3A_701, %get3A_702] {strides = array<i32>} : memref<352x128xf32, #tpu.memory_space<vmem>>, vector<1x16xf32>,
        %get3A_704 = vector.shape_cast %get3A_703 : vector<1x16xf32> to vector<16xf32>
        %mul3A_705 = arith.mulf %get3A_207, %get3A_704 : vector<16xf32>
        %add3A_706 = arith.addf %add3A_700, %mul3A_705 : vector<16xf32>
        %get3A_707 = arith.index_cast %add3A_665 : i32 to index
        %get3A_708 = arith.constant 112 : index
        %get3A_709 = tpu.vector_load %arg9[%get3A_707, %get3A_708] {strides = array<i32>} : memref<352x128xf32, #tpu.memory_space<vmem>>, vector<1x16xf32>,
        %get3A_710 = vector.shape_cast %get3A_709 : vector<1x16xf32> to vector<16xf32>
        %mul3A_711 = arith.mulf %get3A_211, %get3A_710 : vector<16xf32>
        %add3A_712 = arith.addf %add3A_706, %mul3A_711 : vector<16xf32>
        %mul3A_713 = arith.constant 20 : i32
        %mul3A_714 = arith.muli %scan3A_180, %mul3A_713 : i32
        %add3A_715 = arith.constant 6 : i32
        %add3A_716 = arith.addi %mul3A_714, %add3A_715 : i32
        %mul3A_717 = arith.constant 16 : i32
        %mul3A_718 = arith.muli %add3A_716, %mul3A_717 : i32
        %swap3A_719 = arith.index_cast %mul3A_718 : i32 to index
        %swap3A_720 = tpu.vector_load %arg12[%swap3A_719] {strides = array<i32>} : memref<5120xf32, #tpu.memory_space<vmem>>, vector<16xf32>,
        %swap3A_721 = vector.shape_cast %swap3A_720 : vector<16xf32> to vector<16xf32>
        %swap3A_722 = vector.shape_cast %add3A_712 : vector<16xf32> to vector<16xf32>
        tpu.vector_store %arg12[%swap3A_719], %swap3A_722 {strides = array<i32>} : memref<5120xf32, #tpu.memory_space<vmem>>, vector<16xf32>,
        %mul3A_723 = arith.constant 20 : i32
        %mul3A_724 = arith.muli %scan3A_180, %mul3A_723 : i32
        %add3A_725 = arith.constant 32 : i32
        %add3A_726 = arith.addi %add3A_725, %mul3A_724 : i32
        %add3A_727 = arith.constant 7 : i32
        %add3A_728 = arith.addi %add3A_726, %add3A_727 : i32
        %get3A_729 = arith.index_cast %add3A_728 : i32 to index
        %get3A_730 = arith.constant 0 : index
        %get3A_731 = tpu.vector_load %arg9[%get3A_729, %get3A_730] {strides = array<i32>} : memref<352x128xf32, #tpu.memory_space<vmem>>, vector<1x16xf32>,
        %get3A_732 = vector.shape_cast %get3A_731 : vector<1x16xf32> to vector<16xf32>
        %mul3A_733 = arith.mulf %get3A_183, %get3A_732 : vector<16xf32>
        %get3A_734 = arith.index_cast %add3A_728 : i32 to index
        %get3A_735 = arith.constant 16 : index
        %get3A_736 = tpu.vector_load %arg9[%get3A_734, %get3A_735] {strides = array<i32>} : memref<352x128xf32, #tpu.memory_space<vmem>>, vector<1x16xf32>,
        %get3A_737 = vector.shape_cast %get3A_736 : vector<1x16xf32> to vector<16xf32>
        %mul3A_738 = arith.mulf %get3A_187, %get3A_737 : vector<16xf32>
        %add3A_739 = arith.addf %mul3A_733, %mul3A_738 : vector<16xf32>
        %get3A_740 = arith.index_cast %add3A_728 : i32 to index
        %get3A_741 = arith.constant 32 : index
        %get3A_742 = tpu.vector_load %arg9[%get3A_740, %get3A_741] {strides = array<i32>} : memref<352x128xf32, #tpu.memory_space<vmem>>, vector<1x16xf32>,
        %get3A_743 = vector.shape_cast %get3A_742 : vector<1x16xf32> to vector<16xf32>
        %mul3A_744 = arith.mulf %get3A_191, %get3A_743 : vector<16xf32>
        %add3A_745 = arith.addf %add3A_739, %mul3A_744 : vector<16xf32>
        %get3A_746 = arith.index_cast %add3A_728 : i32 to index
        %get3A_747 = arith.constant 48 : index
        %get3A_748 = tpu.vector_load %arg9[%get3A_746, %get3A_747] {strides = array<i32>} : memref<352x128xf32, #tpu.memory_space<vmem>>, vector<1x16xf32>,
        %get3A_749 = vector.shape_cast %get3A_748 : vector<1x16xf32> to vector<16xf32>
        %mul3A_750 = arith.mulf %get3A_195, %get3A_749 : vector<16xf32>
        %add3A_751 = arith.addf %add3A_745, %mul3A_750 : vector<16xf32>
        %get3A_752 = arith.index_cast %add3A_728 : i32 to index
        %get3A_753 = arith.constant 64 : index
        %get3A_754 = tpu.vector_load %arg9[%get3A_752, %get3A_753] {strides = array<i32>} : memref<352x128xf32, #tpu.memory_space<vmem>>, vector<1x16xf32>,
        %get3A_755 = vector.shape_cast %get3A_754 : vector<1x16xf32> to vector<16xf32>
        %mul3A_756 = arith.mulf %get3A_199, %get3A_755 : vector<16xf32>
        %add3A_757 = arith.addf %add3A_751, %mul3A_756 : vector<16xf32>
        %get3A_758 = arith.index_cast %add3A_728 : i32 to index
        %get3A_759 = arith.constant 80 : index
        %get3A_760 = tpu.vector_load %arg9[%get3A_758, %get3A_759] {strides = array<i32>} : memref<352x128xf32, #tpu.memory_space<vmem>>, vector<1x16xf32>,
        %get3A_761 = vector.shape_cast %get3A_760 : vector<1x16xf32> to vector<16xf32>
        %mul3A_762 = arith.mulf %get3A_203, %get3A_761 : vector<16xf32>
        %add3A_763 = arith.addf %add3A_757, %mul3A_762 : vector<16xf32>
        %get3A_764 = arith.index_cast %add3A_728 : i32 to index
        %get3A_765 = arith.constant 96 : index
        %get3A_766 = tpu.vector_load %arg9[%get3A_764, %get3A_765] {strides = array<i32>} : memref<352x128xf32, #tpu.memory_space<vmem>>, vector<1x16xf32>,
        %get3A_767 = vector.shape_cast %get3A_766 : vector<1x16xf32> to vector<16xf32>
        %mul3A_768 = arith.mulf %get3A_207, %get3A_767 : vector<16xf32>
        %add3A_769 = arith.addf %add3A_763, %mul3A_768 : vector<16xf32>
        %get3A_770 = arith.index_cast %add3A_728 : i32 to index
        %get3A_771 = arith.constant 112 : index
        %get3A_772 = tpu.vector_load %arg9[%get3A_770, %get3A_771] {strides = array<i32>} : memref<352x128xf32, #tpu.memory_space<vmem>>, vector<1x16xf32>,
        %get3A_773 = vector.shape_cast %get3A_772 : vector<1x16xf32> to vector<16xf32>
        %mul3A_774 = arith.mulf %get3A_211, %get3A_773 : vector<16xf32>
        %add3A_775 = arith.addf %add3A_769, %mul3A_774 : vector<16xf32>
        %mul3A_776 = arith.constant 20 : i32
        %mul3A_777 = arith.muli %scan3A_180, %mul3A_776 : i32
        %add3A_778 = arith.constant 7 : i32
        %add3A_779 = arith.addi %mul3A_777, %add3A_778 : i32
        %mul3A_780 = arith.constant 16 : i32
        %mul3A_781 = arith.muli %add3A_779, %mul3A_780 : i32
        %swap3A_782 = arith.index_cast %mul3A_781 : i32 to index
        %swap3A_783 = tpu.vector_load %arg12[%swap3A_782] {strides = array<i32>} : memref<5120xf32, #tpu.memory_space<vmem>>, vector<16xf32>,
        %swap3A_784 = vector.shape_cast %swap3A_783 : vector<16xf32> to vector<16xf32>
        %swap3A_785 = vector.shape_cast %add3A_775 : vector<16xf32> to vector<16xf32>
        tpu.vector_store %arg12[%swap3A_782], %swap3A_785 {strides = array<i32>} : memref<5120xf32, #tpu.memory_space<vmem>>, vector<16xf32>,
        %mul3A_786 = arith.constant 20 : i32
        %mul3A_787 = arith.muli %scan3A_180, %mul3A_786 : i32
        %add3A_788 = arith.constant 32 : i32
        %add3A_789 = arith.addi %add3A_788, %mul3A_787 : i32
        %add3A_790 = arith.constant 8 : i32
        %add3A_791 = arith.addi %add3A_789, %add3A_790 : i32
        %get3A_792 = arith.index_cast %add3A_791 : i32 to index
        %get3A_793 = arith.constant 0 : index
        %get3A_794 = tpu.vector_load %arg9[%get3A_792, %get3A_793] {strides = array<i32>} : memref<352x128xf32, #tpu.memory_space<vmem>>, vector<1x16xf32>,
        %get3A_795 = vector.shape_cast %get3A_794 : vector<1x16xf32> to vector<16xf32>
        %mul3A_796 = arith.mulf %get3A_183, %get3A_795 : vector<16xf32>
        %get3A_797 = arith.index_cast %add3A_791 : i32 to index
        %get3A_798 = arith.constant 16 : index
        %get3A_799 = tpu.vector_load %arg9[%get3A_797, %get3A_798] {strides = array<i32>} : memref<352x128xf32, #tpu.memory_space<vmem>>, vector<1x16xf32>,
        %get3A_800 = vector.shape_cast %get3A_799 : vector<1x16xf32> to vector<16xf32>
        %mul3A_801 = arith.mulf %get3A_187, %get3A_800 : vector<16xf32>
        %add3A_802 = arith.addf %mul3A_796, %mul3A_801 : vector<16xf32>
        %get3A_803 = arith.index_cast %add3A_791 : i32 to index
        %get3A_804 = arith.constant 32 : index
        %get3A_805 = tpu.vector_load %arg9[%get3A_803, %get3A_804] {strides = array<i32>} : memref<352x128xf32, #tpu.memory_space<vmem>>, vector<1x16xf32>,
        %get3A_806 = vector.shape_cast %get3A_805 : vector<1x16xf32> to vector<16xf32>
        %mul3A_807 = arith.mulf %get3A_191, %get3A_806 : vector<16xf32>
        %add3A_808 = arith.addf %add3A_802, %mul3A_807 : vector<16xf32>
        %get3A_809 = arith.index_cast %add3A_791 : i32 to index
        %get3A_810 = arith.constant 48 : index
        %get3A_811 = tpu.vector_load %arg9[%get3A_809, %get3A_810] {strides = array<i32>} : memref<352x128xf32, #tpu.memory_space<vmem>>, vector<1x16xf32>,
        %get3A_812 = vector.shape_cast %get3A_811 : vector<1x16xf32> to vector<16xf32>
        %mul3A_813 = arith.mulf %get3A_195, %get3A_812 : vector<16xf32>
        %add3A_814 = arith.addf %add3A_808, %mul3A_813 : vector<16xf32>
        %get3A_815 = arith.index_cast %add3A_791 : i32 to index
        %get3A_816 = arith.constant 64 : index
        %get3A_817 = tpu.vector_load %arg9[%get3A_815, %get3A_816] {strides = array<i32>} : memref<352x128xf32, #tpu.memory_space<vmem>>, vector<1x16xf32>,
        %get3A_818 = vector.shape_cast %get3A_817 : vector<1x16xf32> to vector<16xf32>
        %mul3A_819 = arith.mulf %get3A_199, %get3A_818 : vector<16xf32>
        %add3A_820 = arith.addf %add3A_814, %mul3A_819 : vector<16xf32>
        %get3A_821 = arith.index_cast %add3A_791 : i32 to index
        %get3A_822 = arith.constant 80 : index
        %get3A_823 = tpu.vector_load %arg9[%get3A_821, %get3A_822] {strides = array<i32>} : memref<352x128xf32, #tpu.memory_space<vmem>>, vector<1x16xf32>,
        %get3A_824 = vector.shape_cast %get3A_823 : vector<1x16xf32> to vector<16xf32>
        %mul3A_825 = arith.mulf %get3A_203, %get3A_824 : vector<16xf32>
        %add3A_826 = arith.addf %add3A_820, %mul3A_825 : vector<16xf32>
        %get3A_827 = arith.index_cast %add3A_791 : i32 to index
        %get3A_828 = arith.constant 96 : index
        %get3A_829 = tpu.vector_load %arg9[%get3A_827, %get3A_828] {strides = array<i32>} : memref<352x128xf32, #tpu.memory_space<vmem>>, vector<1x16xf32>,
        %get3A_830 = vector.shape_cast %get3A_829 : vector<1x16xf32> to vector<16xf32>
        %mul3A_831 = arith.mulf %get3A_207, %get3A_830 : vector<16xf32>
        %add3A_832 = arith.addf %add3A_826, %mul3A_831 : vector<16xf32>
        %get3A_833 = arith.index_cast %add3A_791 : i32 to index
        %get3A_834 = arith.constant 112 : index
        %get3A_835 = tpu.vector_load %arg9[%get3A_833, %get3A_834] {strides = array<i32>} : memref<352x128xf32, #tpu.memory_space<vmem>>, vector<1x16xf32>,
        %get3A_836 = vector.shape_cast %get3A_835 : vector<1x16xf32> to vector<16xf32>
        %mul3A_837 = arith.mulf %get3A_211, %get3A_836 : vector<16xf32>
        %add3A_838 = arith.addf %add3A_832, %mul3A_837 : vector<16xf32>
        %mul3A_839 = arith.constant 20 : i32
        %mul3A_840 = arith.muli %scan3A_180, %mul3A_839 : i32
        %add3A_841 = arith.constant 8 : i32
        %add3A_842 = arith.addi %mul3A_840, %add3A_841 : i32
        %mul3A_843 = arith.constant 16 : i32
        %mul3A_844 = arith.muli %add3A_842, %mul3A_843 : i32
        %swap3A_845 = arith.index_cast %mul3A_844 : i32 to index
        %swap3A_846 = tpu.vector_load %arg12[%swap3A_845] {strides = array<i32>} : memref<5120xf32, #tpu.memory_space<vmem>>, vector<16xf32>,
        %swap3A_847 = vector.shape_cast %swap3A_846 : vector<16xf32> to vector<16xf32>
        %swap3A_848 = vector.shape_cast %add3A_838 : vector<16xf32> to vector<16xf32>
        tpu.vector_store %arg12[%swap3A_845], %swap3A_848 {strides = array<i32>} : memref<5120xf32, #tpu.memory_space<vmem>>, vector<16xf32>,
        %mul3A_849 = arith.constant 20 : i32
        %mul3A_850 = arith.muli %scan3A_180, %mul3A_849 : i32
        %add3A_851 = arith.constant 32 : i32
        %add3A_852 = arith.addi %add3A_851, %mul3A_850 : i32
        %add3A_853 = arith.constant 9 : i32
        %add3A_854 = arith.addi %add3A_852, %add3A_853 : i32
        %get3A_855 = arith.index_cast %add3A_854 : i32 to index
        %get3A_856 = arith.constant 0 : index
        %get3A_857 = tpu.vector_load %arg9[%get3A_855, %get3A_856] {strides = array<i32>} : memref<352x128xf32, #tpu.memory_space<vmem>>, vector<1x16xf32>,
        %get3A_858 = vector.shape_cast %get3A_857 : vector<1x16xf32> to vector<16xf32>
        %mul3A_859 = arith.mulf %get3A_183, %get3A_858 : vector<16xf32>
        %get3A_860 = arith.index_cast %add3A_854 : i32 to index
        %get3A_861 = arith.constant 16 : index
        %get3A_862 = tpu.vector_load %arg9[%get3A_860, %get3A_861] {strides = array<i32>} : memref<352x128xf32, #tpu.memory_space<vmem>>, vector<1x16xf32>,
        %get3A_863 = vector.shape_cast %get3A_862 : vector<1x16xf32> to vector<16xf32>
        %mul3A_864 = arith.mulf %get3A_187, %get3A_863 : vector<16xf32>
        %add3A_865 = arith.addf %mul3A_859, %mul3A_864 : vector<16xf32>
        %get3A_866 = arith.index_cast %add3A_854 : i32 to index
        %get3A_867 = arith.constant 32 : index
        %get3A_868 = tpu.vector_load %arg9[%get3A_866, %get3A_867] {strides = array<i32>} : memref<352x128xf32, #tpu.memory_space<vmem>>, vector<1x16xf32>,
        %get3A_869 = vector.shape_cast %get3A_868 : vector<1x16xf32> to vector<16xf32>
        %mul3A_870 = arith.mulf %get3A_191, %get3A_869 : vector<16xf32>
        %add3A_871 = arith.addf %add3A_865, %mul3A_870 : vector<16xf32>
        %get3A_872 = arith.index_cast %add3A_854 : i32 to index
        %get3A_873 = arith.constant 48 : index
        %get3A_874 = tpu.vector_load %arg9[%get3A_872, %get3A_873] {strides = array<i32>} : memref<352x128xf32, #tpu.memory_space<vmem>>, vector<1x16xf32>,
        %get3A_875 = vector.shape_cast %get3A_874 : vector<1x16xf32> to vector<16xf32>
        %mul3A_876 = arith.mulf %get3A_195, %get3A_875 : vector<16xf32>
        %add3A_877 = arith.addf %add3A_871, %mul3A_876 : vector<16xf32>
        %get3A_878 = arith.index_cast %add3A_854 : i32 to index
        %get3A_879 = arith.constant 64 : index
        %get3A_880 = tpu.vector_load %arg9[%get3A_878, %get3A_879] {strides = array<i32>} : memref<352x128xf32, #tpu.memory_space<vmem>>, vector<1x16xf32>,
        %get3A_881 = vector.shape_cast %get3A_880 : vector<1x16xf32> to vector<16xf32>
        %mul3A_882 = arith.mulf %get3A_199, %get3A_881 : vector<16xf32>
        %add3A_883 = arith.addf %add3A_877, %mul3A_882 : vector<16xf32>
        %get3A_884 = arith.index_cast %add3A_854 : i32 to index
        %get3A_885 = arith.constant 80 : index
        %get3A_886 = tpu.vector_load %arg9[%get3A_884, %get3A_885] {strides = array<i32>} : memref<352x128xf32, #tpu.memory_space<vmem>>, vector<1x16xf32>,
        %get3A_887 = vector.shape_cast %get3A_886 : vector<1x16xf32> to vector<16xf32>
        %mul3A_888 = arith.mulf %get3A_203, %get3A_887 : vector<16xf32>
        %add3A_889 = arith.addf %add3A_883, %mul3A_888 : vector<16xf32>
        %get3A_890 = arith.index_cast %add3A_854 : i32 to index
        %get3A_891 = arith.constant 96 : index
        %get3A_892 = tpu.vector_load %arg9[%get3A_890, %get3A_891] {strides = array<i32>} : memref<352x128xf32, #tpu.memory_space<vmem>>, vector<1x16xf32>,
        %get3A_893 = vector.shape_cast %get3A_892 : vector<1x16xf32> to vector<16xf32>
        %mul3A_894 = arith.mulf %get3A_207, %get3A_893 : vector<16xf32>
        %add3A_895 = arith.addf %add3A_889, %mul3A_894 : vector<16xf32>
        %get3A_896 = arith.index_cast %add3A_854 : i32 to index
        %get3A_897 = arith.constant 112 : index
        %get3A_898 = tpu.vector_load %arg9[%get3A_896, %get3A_897] {strides = array<i32>} : memref<352x128xf32, #tpu.memory_space<vmem>>, vector<1x16xf32>,
        %get3A_899 = vector.shape_cast %get3A_898 : vector<1x16xf32> to vector<16xf32>
        %mul3A_900 = arith.mulf %get3A_211, %get3A_899 : vector<16xf32>
        %add3A_901 = arith.addf %add3A_895, %mul3A_900 : vector<16xf32>
        %mul3A_902 = arith.constant 20 : i32
        %mul3A_903 = arith.muli %scan3A_180, %mul3A_902 : i32
        %add3A_904 = arith.constant 9 : i32
        %add3A_905 = arith.addi %mul3A_903, %add3A_904 : i32
        %mul3A_906 = arith.constant 16 : i32
        %mul3A_907 = arith.muli %add3A_905, %mul3A_906 : i32
        %swap3A_908 = arith.index_cast %mul3A_907 : i32 to index
        %swap3A_909 = tpu.vector_load %arg12[%swap3A_908] {strides = array<i32>} : memref<5120xf32, #tpu.memory_space<vmem>>, vector<16xf32>,
        %swap3A_910 = vector.shape_cast %swap3A_909 : vector<16xf32> to vector<16xf32>
        %swap3A_911 = vector.shape_cast %add3A_901 : vector<16xf32> to vector<16xf32>
        tpu.vector_store %arg12[%swap3A_908], %swap3A_911 {strides = array<i32>} : memref<5120xf32, #tpu.memory_space<vmem>>, vector<16xf32>,
        %mul3A_912 = arith.constant 20 : i32
        %mul3A_913 = arith.muli %scan3A_180, %mul3A_912 : i32
        %add3A_914 = arith.constant 32 : i32
        %add3A_915 = arith.addi %add3A_914, %mul3A_913 : i32
        %add3A_916 = arith.constant 10 : i32
        %add3A_917 = arith.addi %add3A_915, %add3A_916 : i32
        %get3A_918 = arith.index_cast %add3A_917 : i32 to index
        %get3A_919 = arith.constant 0 : index
        %get3A_920 = tpu.vector_load %arg9[%get3A_918, %get3A_919] {strides = array<i32>} : memref<352x128xf32, #tpu.memory_space<vmem>>, vector<1x16xf32>,
        %get3A_921 = vector.shape_cast %get3A_920 : vector<1x16xf32> to vector<16xf32>
        %mul3A_922 = arith.mulf %get3A_183, %get3A_921 : vector<16xf32>
        %get3A_923 = arith.index_cast %add3A_917 : i32 to index
        %get3A_924 = arith.constant 16 : index
        %get3A_925 = tpu.vector_load %arg9[%get3A_923, %get3A_924] {strides = array<i32>} : memref<352x128xf32, #tpu.memory_space<vmem>>, vector<1x16xf32>,
        %get3A_926 = vector.shape_cast %get3A_925 : vector<1x16xf32> to vector<16xf32>
        %mul3A_927 = arith.mulf %get3A_187, %get3A_926 : vector<16xf32>
        %add3A_928 = arith.addf %mul3A_922, %mul3A_927 : vector<16xf32>
        %get3A_929 = arith.index_cast %add3A_917 : i32 to index
        %get3A_930 = arith.constant 32 : index
        %get3A_931 = tpu.vector_load %arg9[%get3A_929, %get3A_930] {strides = array<i32>} : memref<352x128xf32, #tpu.memory_space<vmem>>, vector<1x16xf32>,
        %get3A_932 = vector.shape_cast %get3A_931 : vector<1x16xf32> to vector<16xf32>
        %mul3A_933 = arith.mulf %get3A_191, %get3A_932 : vector<16xf32>
        %add3A_934 = arith.addf %add3A_928, %mul3A_933 : vector<16xf32>
        %get3A_935 = arith.index_cast %add3A_917 : i32 to index
        %get3A_936 = arith.constant 48 : index
        %get3A_937 = tpu.vector_load %arg9[%get3A_935, %get3A_936] {strides = array<i32>} : memref<352x128xf32, #tpu.memory_space<vmem>>, vector<1x16xf32>,
        %get3A_938 = vector.shape_cast %get3A_937 : vector<1x16xf32> to vector<16xf32>
        %mul3A_939 = arith.mulf %get3A_195, %get3A_938 : vector<16xf32>
        %add3A_940 = arith.addf %add3A_934, %mul3A_939 : vector<16xf32>
        %get3A_941 = arith.index_cast %add3A_917 : i32 to index
        %get3A_942 = arith.constant 64 : index
        %get3A_943 = tpu.vector_load %arg9[%get3A_941, %get3A_942] {strides = array<i32>} : memref<352x128xf32, #tpu.memory_space<vmem>>, vector<1x16xf32>,
        %get3A_944 = vector.shape_cast %get3A_943 : vector<1x16xf32> to vector<16xf32>
        %mul3A_945 = arith.mulf %get3A_199, %get3A_944 : vector<16xf32>
        %add3A_946 = arith.addf %add3A_940, %mul3A_945 : vector<16xf32>
        %get3A_947 = arith.index_cast %add3A_917 : i32 to index
        %get3A_948 = arith.constant 80 : index
        %get3A_949 = tpu.vector_load %arg9[%get3A_947, %get3A_948] {strides = array<i32>} : memref<352x128xf32, #tpu.memory_space<vmem>>, vector<1x16xf32>,
        %get3A_950 = vector.shape_cast %get3A_949 : vector<1x16xf32> to vector<16xf32>
        %mul3A_951 = arith.mulf %get3A_203, %get3A_950 : vector<16xf32>
        %add3A_952 = arith.addf %add3A_946, %mul3A_951 : vector<16xf32>
        %get3A_953 = arith.index_cast %add3A_917 : i32 to index
        %get3A_954 = arith.constant 96 : index
        %get3A_955 = tpu.vector_load %arg9[%get3A_953, %get3A_954] {strides = array<i32>} : memref<352x128xf32, #tpu.memory_space<vmem>>, vector<1x16xf32>,
        %get3A_956 = vector.shape_cast %get3A_955 : vector<1x16xf32> to vector<16xf32>
        %mul3A_957 = arith.mulf %get3A_207, %get3A_956 : vector<16xf32>
        %add3A_958 = arith.addf %add3A_952, %mul3A_957 : vector<16xf32>
        %get3A_959 = arith.index_cast %add3A_917 : i32 to index
        %get3A_960 = arith.constant 112 : index
        %get3A_961 = tpu.vector_load %arg9[%get3A_959, %get3A_960] {strides = array<i32>} : memref<352x128xf32, #tpu.memory_space<vmem>>, vector<1x16xf32>,
        %get3A_962 = vector.shape_cast %get3A_961 : vector<1x16xf32> to vector<16xf32>
        %mul3A_963 = arith.mulf %get3A_211, %get3A_962 : vector<16xf32>
        %add3A_964 = arith.addf %add3A_958, %mul3A_963 : vector<16xf32>
        %mul3A_965 = arith.constant 20 : i32
        %mul3A_966 = arith.muli %scan3A_180, %mul3A_965 : i32
        %add3A_967 = arith.constant 10 : i32
        %add3A_968 = arith.addi %mul3A_966, %add3A_967 : i32
        %mul3A_969 = arith.constant 16 : i32
        %mul3A_970 = arith.muli %add3A_968, %mul3A_969 : i32
        %swap3A_971 = arith.index_cast %mul3A_970 : i32 to index
        %swap3A_972 = tpu.vector_load %arg12[%swap3A_971] {strides = array<i32>} : memref<5120xf32, #tpu.memory_space<vmem>>, vector<16xf32>,
        %swap3A_973 = vector.shape_cast %swap3A_972 : vector<16xf32> to vector<16xf32>
        %swap3A_974 = vector.shape_cast %add3A_964 : vector<16xf32> to vector<16xf32>
        tpu.vector_store %arg12[%swap3A_971], %swap3A_974 {strides = array<i32>} : memref<5120xf32, #tpu.memory_space<vmem>>, vector<16xf32>,
        %mul3A_975 = arith.constant 20 : i32
        %mul3A_976 = arith.muli %scan3A_180, %mul3A_975 : i32
        %add3A_977 = arith.constant 32 : i32
        %add3A_978 = arith.addi %add3A_977, %mul3A_976 : i32
        %add3A_979 = arith.constant 11 : i32
        %add3A_980 = arith.addi %add3A_978, %add3A_979 : i32
        %get3A_981 = arith.index_cast %add3A_980 : i32 to index
        %get3A_982 = arith.constant 0 : index
        %get3A_983 = tpu.vector_load %arg9[%get3A_981, %get3A_982] {strides = array<i32>} : memref<352x128xf32, #tpu.memory_space<vmem>>, vector<1x16xf32>,
        %get3A_984 = vector.shape_cast %get3A_983 : vector<1x16xf32> to vector<16xf32>
        %mul3A_985 = arith.mulf %get3A_183, %get3A_984 : vector<16xf32>
        %get3A_986 = arith.index_cast %add3A_980 : i32 to index
        %get3A_987 = arith.constant 16 : index
        %get3A_988 = tpu.vector_load %arg9[%get3A_986, %get3A_987] {strides = array<i32>} : memref<352x128xf32, #tpu.memory_space<vmem>>, vector<1x16xf32>,
        %get3A_989 = vector.shape_cast %get3A_988 : vector<1x16xf32> to vector<16xf32>
        %mul3A_990 = arith.mulf %get3A_187, %get3A_989 : vector<16xf32>
        %add3A_991 = arith.addf %mul3A_985, %mul3A_990 : vector<16xf32>
        %get3A_992 = arith.index_cast %add3A_980 : i32 to index
        %get3A_993 = arith.constant 32 : index
        %get3A_994 = tpu.vector_load %arg9[%get3A_992, %get3A_993] {strides = array<i32>} : memref<352x128xf32, #tpu.memory_space<vmem>>, vector<1x16xf32>,
        %get3A_995 = vector.shape_cast %get3A_994 : vector<1x16xf32> to vector<16xf32>
        %mul3A_996 = arith.mulf %get3A_191, %get3A_995 : vector<16xf32>
        %add3A_997 = arith.addf %add3A_991, %mul3A_996 : vector<16xf32>
        %get3A_998 = arith.index_cast %add3A_980 : i32 to index
        %get3A_999 = arith.constant 48 : index
        %get3A_1000 = tpu.vector_load %arg9[%get3A_998, %get3A_999] {strides = array<i32>} : memref<352x128xf32, #tpu.memory_space<vmem>>, vector<1x16xf32>,
        %get3A_1001 = vector.shape_cast %get3A_1000 : vector<1x16xf32> to vector<16xf32>
        %mul3A_1002 = arith.mulf %get3A_195, %get3A_1001 : vector<16xf32>
        %add3A_1003 = arith.addf %add3A_997, %mul3A_1002 : vector<16xf32>
        %get3A_1004 = arith.index_cast %add3A_980 : i32 to index
        %get3A_1005 = arith.constant 64 : index
        %get3A_1006 = tpu.vector_load %arg9[%get3A_1004, %get3A_1005] {strides = array<i32>} : memref<352x128xf32, #tpu.memory_space<vmem>>, vector<1x16xf32>,
        %get3A_1007 = vector.shape_cast %get3A_1006 : vector<1x16xf32> to vector<16xf32>
        %mul3A_1008 = arith.mulf %get3A_199, %get3A_1007 : vector<16xf32>
        %add3A_1009 = arith.addf %add3A_1003, %mul3A_1008 : vector<16xf32>
        %get3A_1010 = arith.index_cast %add3A_980 : i32 to index
        %get3A_1011 = arith.constant 80 : index
        %get3A_1012 = tpu.vector_load %arg9[%get3A_1010, %get3A_1011] {strides = array<i32>} : memref<352x128xf32, #tpu.memory_space<vmem>>, vector<1x16xf32>,
        %get3A_1013 = vector.shape_cast %get3A_1012 : vector<1x16xf32> to vector<16xf32>
        %mul3A_1014 = arith.mulf %get3A_203, %get3A_1013 : vector<16xf32>
        %add3A_1015 = arith.addf %add3A_1009, %mul3A_1014 : vector<16xf32>
        %get3A_1016 = arith.index_cast %add3A_980 : i32 to index
        %get3A_1017 = arith.constant 96 : index
        %get3A_1018 = tpu.vector_load %arg9[%get3A_1016, %get3A_1017] {strides = array<i32>} : memref<352x128xf32, #tpu.memory_space<vmem>>, vector<1x16xf32>,
        %get3A_1019 = vector.shape_cast %get3A_1018 : vector<1x16xf32> to vector<16xf32>
        %mul3A_1020 = arith.mulf %get3A_207, %get3A_1019 : vector<16xf32>
        %add3A_1021 = arith.addf %add3A_1015, %mul3A_1020 : vector<16xf32>
        %get3A_1022 = arith.index_cast %add3A_980 : i32 to index
        %get3A_1023 = arith.constant 112 : index
        %get3A_1024 = tpu.vector_load %arg9[%get3A_1022, %get3A_1023] {strides = array<i32>} : memref<352x128xf32, #tpu.memory_space<vmem>>, vector<1x16xf32>,
        %get3A_1025 = vector.shape_cast %get3A_1024 : vector<1x16xf32> to vector<16xf32>
        %mul3A_1026 = arith.mulf %get3A_211, %get3A_1025 : vector<16xf32>
        %add3A_1027 = arith.addf %add3A_1021, %mul3A_1026 : vector<16xf32>
        %mul3A_1028 = arith.constant 20 : i32
        %mul3A_1029 = arith.muli %scan3A_180, %mul3A_1028 : i32
        %add3A_1030 = arith.constant 11 : i32
        %add3A_1031 = arith.addi %mul3A_1029, %add3A_1030 : i32
        %mul3A_1032 = arith.constant 16 : i32
        %mul3A_1033 = arith.muli %add3A_1031, %mul3A_1032 : i32
        %swap3A_1034 = arith.index_cast %mul3A_1033 : i32 to index
        %swap3A_1035 = tpu.vector_load %arg12[%swap3A_1034] {strides = array<i32>} : memref<5120xf32, #tpu.memory_space<vmem>>, vector<16xf32>,
        %swap3A_1036 = vector.shape_cast %swap3A_1035 : vector<16xf32> to vector<16xf32>
        %swap3A_1037 = vector.shape_cast %add3A_1027 : vector<16xf32> to vector<16xf32>
        tpu.vector_store %arg12[%swap3A_1034], %swap3A_1037 {strides = array<i32>} : memref<5120xf32, #tpu.memory_space<vmem>>, vector<16xf32>,
        %mul3A_1038 = arith.constant 20 : i32
        %mul3A_1039 = arith.muli %scan3A_180, %mul3A_1038 : i32
        %add3A_1040 = arith.constant 32 : i32
        %add3A_1041 = arith.addi %add3A_1040, %mul3A_1039 : i32
        %add3A_1042 = arith.constant 12 : i32
        %add3A_1043 = arith.addi %add3A_1041, %add3A_1042 : i32
        %get3A_1044 = arith.index_cast %add3A_1043 : i32 to index
        %get3A_1045 = arith.constant 0 : index
        %get3A_1046 = tpu.vector_load %arg9[%get3A_1044, %get3A_1045] {strides = array<i32>} : memref<352x128xf32, #tpu.memory_space<vmem>>, vector<1x16xf32>,
        %get3A_1047 = vector.shape_cast %get3A_1046 : vector<1x16xf32> to vector<16xf32>
        %mul3A_1048 = arith.mulf %get3A_183, %get3A_1047 : vector<16xf32>
        %get3A_1049 = arith.index_cast %add3A_1043 : i32 to index
        %get3A_1050 = arith.constant 16 : index
        %get3A_1051 = tpu.vector_load %arg9[%get3A_1049, %get3A_1050] {strides = array<i32>} : memref<352x128xf32, #tpu.memory_space<vmem>>, vector<1x16xf32>,
        %get3A_1052 = vector.shape_cast %get3A_1051 : vector<1x16xf32> to vector<16xf32>
        %mul3A_1053 = arith.mulf %get3A_187, %get3A_1052 : vector<16xf32>
        %add3A_1054 = arith.addf %mul3A_1048, %mul3A_1053 : vector<16xf32>
        %get3A_1055 = arith.index_cast %add3A_1043 : i32 to index
        %get3A_1056 = arith.constant 32 : index
        %get3A_1057 = tpu.vector_load %arg9[%get3A_1055, %get3A_1056] {strides = array<i32>} : memref<352x128xf32, #tpu.memory_space<vmem>>, vector<1x16xf32>,
        %get3A_1058 = vector.shape_cast %get3A_1057 : vector<1x16xf32> to vector<16xf32>
        %mul3A_1059 = arith.mulf %get3A_191, %get3A_1058 : vector<16xf32>
        %add3A_1060 = arith.addf %add3A_1054, %mul3A_1059 : vector<16xf32>
        %get3A_1061 = arith.index_cast %add3A_1043 : i32 to index
        %get3A_1062 = arith.constant 48 : index
        %get3A_1063 = tpu.vector_load %arg9[%get3A_1061, %get3A_1062] {strides = array<i32>} : memref<352x128xf32, #tpu.memory_space<vmem>>, vector<1x16xf32>,
        %get3A_1064 = vector.shape_cast %get3A_1063 : vector<1x16xf32> to vector<16xf32>
        %mul3A_1065 = arith.mulf %get3A_195, %get3A_1064 : vector<16xf32>
        %add3A_1066 = arith.addf %add3A_1060, %mul3A_1065 : vector<16xf32>
        %get3A_1067 = arith.index_cast %add3A_1043 : i32 to index
        %get3A_1068 = arith.constant 64 : index
        %get3A_1069 = tpu.vector_load %arg9[%get3A_1067, %get3A_1068] {strides = array<i32>} : memref<352x128xf32, #tpu.memory_space<vmem>>, vector<1x16xf32>,
        %get3A_1070 = vector.shape_cast %get3A_1069 : vector<1x16xf32> to vector<16xf32>
        %mul3A_1071 = arith.mulf %get3A_199, %get3A_1070 : vector<16xf32>
        %add3A_1072 = arith.addf %add3A_1066, %mul3A_1071 : vector<16xf32>
        %get3A_1073 = arith.index_cast %add3A_1043 : i32 to index
        %get3A_1074 = arith.constant 80 : index
        %get3A_1075 = tpu.vector_load %arg9[%get3A_1073, %get3A_1074] {strides = array<i32>} : memref<352x128xf32, #tpu.memory_space<vmem>>, vector<1x16xf32>,
        %get3A_1076 = vector.shape_cast %get3A_1075 : vector<1x16xf32> to vector<16xf32>
        %mul3A_1077 = arith.mulf %get3A_203, %get3A_1076 : vector<16xf32>
        %add3A_1078 = arith.addf %add3A_1072, %mul3A_1077 : vector<16xf32>
        %get3A_1079 = arith.index_cast %add3A_1043 : i32 to index
        %get3A_1080 = arith.constant 96 : index
        %get3A_1081 = tpu.vector_load %arg9[%get3A_1079, %get3A_1080] {strides = array<i32>} : memref<352x128xf32, #tpu.memory_space<vmem>>, vector<1x16xf32>,
        %get3A_1082 = vector.shape_cast %get3A_1081 : vector<1x16xf32> to vector<16xf32>
        %mul3A_1083 = arith.mulf %get3A_207, %get3A_1082 : vector<16xf32>
        %add3A_1084 = arith.addf %add3A_1078, %mul3A_1083 : vector<16xf32>
        %get3A_1085 = arith.index_cast %add3A_1043 : i32 to index
        %get3A_1086 = arith.constant 112 : index
        %get3A_1087 = tpu.vector_load %arg9[%get3A_1085, %get3A_1086] {strides = array<i32>} : memref<352x128xf32, #tpu.memory_space<vmem>>, vector<1x16xf32>,
        %get3A_1088 = vector.shape_cast %get3A_1087 : vector<1x16xf32> to vector<16xf32>
        %mul3A_1089 = arith.mulf %get3A_211, %get3A_1088 : vector<16xf32>
        %add3A_1090 = arith.addf %add3A_1084, %mul3A_1089 : vector<16xf32>
        %mul3A_1091 = arith.constant 20 : i32
        %mul3A_1092 = arith.muli %scan3A_180, %mul3A_1091 : i32
        %add3A_1093 = arith.constant 12 : i32
        %add3A_1094 = arith.addi %mul3A_1092, %add3A_1093 : i32
        %mul3A_1095 = arith.constant 16 : i32
        %mul3A_1096 = arith.muli %add3A_1094, %mul3A_1095 : i32
        %swap3A_1097 = arith.index_cast %mul3A_1096 : i32 to index
        %swap3A_1098 = tpu.vector_load %arg12[%swap3A_1097] {strides = array<i32>} : memref<5120xf32, #tpu.memory_space<vmem>>, vector<16xf32>,
        %swap3A_1099 = vector.shape_cast %swap3A_1098 : vector<16xf32> to vector<16xf32>
        %swap3A_1100 = vector.shape_cast %add3A_1090 : vector<16xf32> to vector<16xf32>
        tpu.vector_store %arg12[%swap3A_1097], %swap3A_1100 {strides = array<i32>} : memref<5120xf32, #tpu.memory_space<vmem>>, vector<16xf32>,
        %mul3A_1101 = arith.constant 20 : i32
        %mul3A_1102 = arith.muli %scan3A_180, %mul3A_1101 : i32
        %add3A_1103 = arith.constant 32 : i32
        %add3A_1104 = arith.addi %add3A_1103, %mul3A_1102 : i32
        %add3A_1105 = arith.constant 13 : i32
        %add3A_1106 = arith.addi %add3A_1104, %add3A_1105 : i32
        %get3A_1107 = arith.index_cast %add3A_1106 : i32 to index
        %get3A_1108 = arith.constant 0 : index
        %get3A_1109 = tpu.vector_load %arg9[%get3A_1107, %get3A_1108] {strides = array<i32>} : memref<352x128xf32, #tpu.memory_space<vmem>>, vector<1x16xf32>,
        %get3A_1110 = vector.shape_cast %get3A_1109 : vector<1x16xf32> to vector<16xf32>
        %mul3A_1111 = arith.mulf %get3A_183, %get3A_1110 : vector<16xf32>
        %get3A_1112 = arith.index_cast %add3A_1106 : i32 to index
        %get3A_1113 = arith.constant 16 : index
        %get3A_1114 = tpu.vector_load %arg9[%get3A_1112, %get3A_1113] {strides = array<i32>} : memref<352x128xf32, #tpu.memory_space<vmem>>, vector<1x16xf32>,
        %get3A_1115 = vector.shape_cast %get3A_1114 : vector<1x16xf32> to vector<16xf32>
        %mul3A_1116 = arith.mulf %get3A_187, %get3A_1115 : vector<16xf32>
        %add3A_1117 = arith.addf %mul3A_1111, %mul3A_1116 : vector<16xf32>
        %get3A_1118 = arith.index_cast %add3A_1106 : i32 to index
        %get3A_1119 = arith.constant 32 : index
        %get3A_1120 = tpu.vector_load %arg9[%get3A_1118, %get3A_1119] {strides = array<i32>} : memref<352x128xf32, #tpu.memory_space<vmem>>, vector<1x16xf32>,
        %get3A_1121 = vector.shape_cast %get3A_1120 : vector<1x16xf32> to vector<16xf32>
        %mul3A_1122 = arith.mulf %get3A_191, %get3A_1121 : vector<16xf32>
        %add3A_1123 = arith.addf %add3A_1117, %mul3A_1122 : vector<16xf32>
        %get3A_1124 = arith.index_cast %add3A_1106 : i32 to index
        %get3A_1125 = arith.constant 48 : index
        %get3A_1126 = tpu.vector_load %arg9[%get3A_1124, %get3A_1125] {strides = array<i32>} : memref<352x128xf32, #tpu.memory_space<vmem>>, vector<1x16xf32>,
        %get3A_1127 = vector.shape_cast %get3A_1126 : vector<1x16xf32> to vector<16xf32>
        %mul3A_1128 = arith.mulf %get3A_195, %get3A_1127 : vector<16xf32>
        %add3A_1129 = arith.addf %add3A_1123, %mul3A_1128 : vector<16xf32>
        %get3A_1130 = arith.index_cast %add3A_1106 : i32 to index
        %get3A_1131 = arith.constant 64 : index
        %get3A_1132 = tpu.vector_load %arg9[%get3A_1130, %get3A_1131] {strides = array<i32>} : memref<352x128xf32, #tpu.memory_space<vmem>>, vector<1x16xf32>,
        %get3A_1133 = vector.shape_cast %get3A_1132 : vector<1x16xf32> to vector<16xf32>
        %mul3A_1134 = arith.mulf %get3A_199, %get3A_1133 : vector<16xf32>
        %add3A_1135 = arith.addf %add3A_1129, %mul3A_1134 : vector<16xf32>
        %get3A_1136 = arith.index_cast %add3A_1106 : i32 to index
        %get3A_1137 = arith.constant 80 : index
        %get3A_1138 = tpu.vector_load %arg9[%get3A_1136, %get3A_1137] {strides = array<i32>} : memref<352x128xf32, #tpu.memory_space<vmem>>, vector<1x16xf32>,
        %get3A_1139 = vector.shape_cast %get3A_1138 : vector<1x16xf32> to vector<16xf32>
        %mul3A_1140 = arith.mulf %get3A_203, %get3A_1139 : vector<16xf32>
        %add3A_1141 = arith.addf %add3A_1135, %mul3A_1140 : vector<16xf32>
        %get3A_1142 = arith.index_cast %add3A_1106 : i32 to index
        %get3A_1143 = arith.constant 96 : index
        %get3A_1144 = tpu.vector_load %arg9[%get3A_1142, %get3A_1143] {strides = array<i32>} : memref<352x128xf32, #tpu.memory_space<vmem>>, vector<1x16xf32>,
        %get3A_1145 = vector.shape_cast %get3A_1144 : vector<1x16xf32> to vector<16xf32>
        %mul3A_1146 = arith.mulf %get3A_207, %get3A_1145 : vector<16xf32>
        %add3A_1147 = arith.addf %add3A_1141, %mul3A_1146 : vector<16xf32>
        %get3A_1148 = arith.index_cast %add3A_1106 : i32 to index
        %get3A_1149 = arith.constant 112 : index
        %get3A_1150 = tpu.vector_load %arg9[%get3A_1148, %get3A_1149] {strides = array<i32>} : memref<352x128xf32, #tpu.memory_space<vmem>>, vector<1x16xf32>,
        %get3A_1151 = vector.shape_cast %get3A_1150 : vector<1x16xf32> to vector<16xf32>
        %mul3A_1152 = arith.mulf %get3A_211, %get3A_1151 : vector<16xf32>
        %add3A_1153 = arith.addf %add3A_1147, %mul3A_1152 : vector<16xf32>
        %mul3A_1154 = arith.constant 20 : i32
        %mul3A_1155 = arith.muli %scan3A_180, %mul3A_1154 : i32
        %add3A_1156 = arith.constant 13 : i32
        %add3A_1157 = arith.addi %mul3A_1155, %add3A_1156 : i32
        %mul3A_1158 = arith.constant 16 : i32
        %mul3A_1159 = arith.muli %add3A_1157, %mul3A_1158 : i32
        %swap3A_1160 = arith.index_cast %mul3A_1159 : i32 to index
        %swap3A_1161 = tpu.vector_load %arg12[%swap3A_1160] {strides = array<i32>} : memref<5120xf32, #tpu.memory_space<vmem>>, vector<16xf32>,
        %swap3A_1162 = vector.shape_cast %swap3A_1161 : vector<16xf32> to vector<16xf32>
        %swap3A_1163 = vector.shape_cast %add3A_1153 : vector<16xf32> to vector<16xf32>
        tpu.vector_store %arg12[%swap3A_1160], %swap3A_1163 {strides = array<i32>} : memref<5120xf32, #tpu.memory_space<vmem>>, vector<16xf32>,
        %mul3A_1164 = arith.constant 20 : i32
        %mul3A_1165 = arith.muli %scan3A_180, %mul3A_1164 : i32
        %add3A_1166 = arith.constant 32 : i32
        %add3A_1167 = arith.addi %add3A_1166, %mul3A_1165 : i32
        %add3A_1168 = arith.constant 14 : i32
        %add3A_1169 = arith.addi %add3A_1167, %add3A_1168 : i32
        %get3A_1170 = arith.index_cast %add3A_1169 : i32 to index
        %get3A_1171 = arith.constant 0 : index
        %get3A_1172 = tpu.vector_load %arg9[%get3A_1170, %get3A_1171] {strides = array<i32>} : memref<352x128xf32, #tpu.memory_space<vmem>>, vector<1x16xf32>,
        %get3A_1173 = vector.shape_cast %get3A_1172 : vector<1x16xf32> to vector<16xf32>
        %mul3A_1174 = arith.mulf %get3A_183, %get3A_1173 : vector<16xf32>
        %get3A_1175 = arith.index_cast %add3A_1169 : i32 to index
        %get3A_1176 = arith.constant 16 : index
        %get3A_1177 = tpu.vector_load %arg9[%get3A_1175, %get3A_1176] {strides = array<i32>} : memref<352x128xf32, #tpu.memory_space<vmem>>, vector<1x16xf32>,
        %get3A_1178 = vector.shape_cast %get3A_1177 : vector<1x16xf32> to vector<16xf32>
        %mul3A_1179 = arith.mulf %get3A_187, %get3A_1178 : vector<16xf32>
        %add3A_1180 = arith.addf %mul3A_1174, %mul3A_1179 : vector<16xf32>
        %get3A_1181 = arith.index_cast %add3A_1169 : i32 to index
        %get3A_1182 = arith.constant 32 : index
        %get3A_1183 = tpu.vector_load %arg9[%get3A_1181, %get3A_1182] {strides = array<i32>} : memref<352x128xf32, #tpu.memory_space<vmem>>, vector<1x16xf32>,
        %get3A_1184 = vector.shape_cast %get3A_1183 : vector<1x16xf32> to vector<16xf32>
        %mul3A_1185 = arith.mulf %get3A_191, %get3A_1184 : vector<16xf32>
        %add3A_1186 = arith.addf %add3A_1180, %mul3A_1185 : vector<16xf32>
        %get3A_1187 = arith.index_cast %add3A_1169 : i32 to index
        %get3A_1188 = arith.constant 48 : index
        %get3A_1189 = tpu.vector_load %arg9[%get3A_1187, %get3A_1188] {strides = array<i32>} : memref<352x128xf32, #tpu.memory_space<vmem>>, vector<1x16xf32>,
        %get3A_1190 = vector.shape_cast %get3A_1189 : vector<1x16xf32> to vector<16xf32>
        %mul3A_1191 = arith.mulf %get3A_195, %get3A_1190 : vector<16xf32>
        %add3A_1192 = arith.addf %add3A_1186, %mul3A_1191 : vector<16xf32>
        %get3A_1193 = arith.index_cast %add3A_1169 : i32 to index
        %get3A_1194 = arith.constant 64 : index
        %get3A_1195 = tpu.vector_load %arg9[%get3A_1193, %get3A_1194] {strides = array<i32>} : memref<352x128xf32, #tpu.memory_space<vmem>>, vector<1x16xf32>,
        %get3A_1196 = vector.shape_cast %get3A_1195 : vector<1x16xf32> to vector<16xf32>
        %mul3A_1197 = arith.mulf %get3A_199, %get3A_1196 : vector<16xf32>
        %add3A_1198 = arith.addf %add3A_1192, %mul3A_1197 : vector<16xf32>
        %get3A_1199 = arith.index_cast %add3A_1169 : i32 to index
        %get3A_1200 = arith.constant 80 : index
        %get3A_1201 = tpu.vector_load %arg9[%get3A_1199, %get3A_1200] {strides = array<i32>} : memref<352x128xf32, #tpu.memory_space<vmem>>, vector<1x16xf32>,
        %get3A_1202 = vector.shape_cast %get3A_1201 : vector<1x16xf32> to vector<16xf32>
        %mul3A_1203 = arith.mulf %get3A_203, %get3A_1202 : vector<16xf32>
        %add3A_1204 = arith.addf %add3A_1198, %mul3A_1203 : vector<16xf32>
        %get3A_1205 = arith.index_cast %add3A_1169 : i32 to index
        %get3A_1206 = arith.constant 96 : index
        %get3A_1207 = tpu.vector_load %arg9[%get3A_1205, %get3A_1206] {strides = array<i32>} : memref<352x128xf32, #tpu.memory_space<vmem>>, vector<1x16xf32>,
        %get3A_1208 = vector.shape_cast %get3A_1207 : vector<1x16xf32> to vector<16xf32>
        %mul3A_1209 = arith.mulf %get3A_207, %get3A_1208 : vector<16xf32>
        %add3A_1210 = arith.addf %add3A_1204, %mul3A_1209 : vector<16xf32>
        %get3A_1211 = arith.index_cast %add3A_1169 : i32 to index
        %get3A_1212 = arith.constant 112 : index
        %get3A_1213 = tpu.vector_load %arg9[%get3A_1211, %get3A_1212] {strides = array<i32>} : memref<352x128xf32, #tpu.memory_space<vmem>>, vector<1x16xf32>,
        %get3A_1214 = vector.shape_cast %get3A_1213 : vector<1x16xf32> to vector<16xf32>
        %mul3A_1215 = arith.mulf %get3A_211, %get3A_1214 : vector<16xf32>
        %add3A_1216 = arith.addf %add3A_1210, %mul3A_1215 : vector<16xf32>
        %mul3A_1217 = arith.constant 20 : i32
        %mul3A_1218 = arith.muli %scan3A_180, %mul3A_1217 : i32
        %add3A_1219 = arith.constant 14 : i32
        %add3A_1220 = arith.addi %mul3A_1218, %add3A_1219 : i32
        %mul3A_1221 = arith.constant 16 : i32
        %mul3A_1222 = arith.muli %add3A_1220, %mul3A_1221 : i32
        %swap3A_1223 = arith.index_cast %mul3A_1222 : i32 to index
        %swap3A_1224 = tpu.vector_load %arg12[%swap3A_1223] {strides = array<i32>} : memref<5120xf32, #tpu.memory_space<vmem>>, vector<16xf32>,
        %swap3A_1225 = vector.shape_cast %swap3A_1224 : vector<16xf32> to vector<16xf32>
        %swap3A_1226 = vector.shape_cast %add3A_1216 : vector<16xf32> to vector<16xf32>
        tpu.vector_store %arg12[%swap3A_1223], %swap3A_1226 {strides = array<i32>} : memref<5120xf32, #tpu.memory_space<vmem>>, vector<16xf32>,
        %mul3A_1227 = arith.constant 20 : i32
        %mul3A_1228 = arith.muli %scan3A_180, %mul3A_1227 : i32
        %add3A_1229 = arith.constant 32 : i32
        %add3A_1230 = arith.addi %add3A_1229, %mul3A_1228 : i32
        %add3A_1231 = arith.constant 15 : i32
        %add3A_1232 = arith.addi %add3A_1230, %add3A_1231 : i32
        %get3A_1233 = arith.index_cast %add3A_1232 : i32 to index
        %get3A_1234 = arith.constant 0 : index
        %get3A_1235 = tpu.vector_load %arg9[%get3A_1233, %get3A_1234] {strides = array<i32>} : memref<352x128xf32, #tpu.memory_space<vmem>>, vector<1x16xf32>,
        %get3A_1236 = vector.shape_cast %get3A_1235 : vector<1x16xf32> to vector<16xf32>
        %mul3A_1237 = arith.mulf %get3A_183, %get3A_1236 : vector<16xf32>
        %get3A_1238 = arith.index_cast %add3A_1232 : i32 to index
        %get3A_1239 = arith.constant 16 : index
        %get3A_1240 = tpu.vector_load %arg9[%get3A_1238, %get3A_1239] {strides = array<i32>} : memref<352x128xf32, #tpu.memory_space<vmem>>, vector<1x16xf32>,
        %get3A_1241 = vector.shape_cast %get3A_1240 : vector<1x16xf32> to vector<16xf32>
        %mul3A_1242 = arith.mulf %get3A_187, %get3A_1241 : vector<16xf32>
        %add3A_1243 = arith.addf %mul3A_1237, %mul3A_1242 : vector<16xf32>
        %get3A_1244 = arith.index_cast %add3A_1232 : i32 to index
        %get3A_1245 = arith.constant 32 : index
        %get3A_1246 = tpu.vector_load %arg9[%get3A_1244, %get3A_1245] {strides = array<i32>} : memref<352x128xf32, #tpu.memory_space<vmem>>, vector<1x16xf32>,
        %get3A_1247 = vector.shape_cast %get3A_1246 : vector<1x16xf32> to vector<16xf32>
        %mul3A_1248 = arith.mulf %get3A_191, %get3A_1247 : vector<16xf32>
        %add3A_1249 = arith.addf %add3A_1243, %mul3A_1248 : vector<16xf32>
        %get3A_1250 = arith.index_cast %add3A_1232 : i32 to index
        %get3A_1251 = arith.constant 48 : index
        %get3A_1252 = tpu.vector_load %arg9[%get3A_1250, %get3A_1251] {strides = array<i32>} : memref<352x128xf32, #tpu.memory_space<vmem>>, vector<1x16xf32>,
        %get3A_1253 = vector.shape_cast %get3A_1252 : vector<1x16xf32> to vector<16xf32>
        %mul3A_1254 = arith.mulf %get3A_195, %get3A_1253 : vector<16xf32>
        %add3A_1255 = arith.addf %add3A_1249, %mul3A_1254 : vector<16xf32>
        %get3A_1256 = arith.index_cast %add3A_1232 : i32 to index
        %get3A_1257 = arith.constant 64 : index
        %get3A_1258 = tpu.vector_load %arg9[%get3A_1256, %get3A_1257] {strides = array<i32>} : memref<352x128xf32, #tpu.memory_space<vmem>>, vector<1x16xf32>,
        %get3A_1259 = vector.shape_cast %get3A_1258 : vector<1x16xf32> to vector<16xf32>
        %mul3A_1260 = arith.mulf %get3A_199, %get3A_1259 : vector<16xf32>
        %add3A_1261 = arith.addf %add3A_1255, %mul3A_1260 : vector<16xf32>
        %get3A_1262 = arith.index_cast %add3A_1232 : i32 to index
        %get3A_1263 = arith.constant 80 : index
        %get3A_1264 = tpu.vector_load %arg9[%get3A_1262, %get3A_1263] {strides = array<i32>} : memref<352x128xf32, #tpu.memory_space<vmem>>, vector<1x16xf32>,
        %get3A_1265 = vector.shape_cast %get3A_1264 : vector<1x16xf32> to vector<16xf32>
        %mul3A_1266 = arith.mulf %get3A_203, %get3A_1265 : vector<16xf32>
        %add3A_1267 = arith.addf %add3A_1261, %mul3A_1266 : vector<16xf32>
        %get3A_1268 = arith.index_cast %add3A_1232 : i32 to index
        %get3A_1269 = arith.constant 96 : index
        %get3A_1270 = tpu.vector_load %arg9[%get3A_1268, %get3A_1269] {strides = array<i32>} : memref<352x128xf32, #tpu.memory_space<vmem>>, vector<1x16xf32>,
        %get3A_1271 = vector.shape_cast %get3A_1270 : vector<1x16xf32> to vector<16xf32>
        %mul3A_1272 = arith.mulf %get3A_207, %get3A_1271 : vector<16xf32>
        %add3A_1273 = arith.addf %add3A_1267, %mul3A_1272 : vector<16xf32>
        %get3A_1274 = arith.index_cast %add3A_1232 : i32 to index
        %get3A_1275 = arith.constant 112 : index
        %get3A_1276 = tpu.vector_load %arg9[%get3A_1274, %get3A_1275] {strides = array<i32>} : memref<352x128xf32, #tpu.memory_space<vmem>>, vector<1x16xf32>,
        %get3A_1277 = vector.shape_cast %get3A_1276 : vector<1x16xf32> to vector<16xf32>
        %mul3A_1278 = arith.mulf %get3A_211, %get3A_1277 : vector<16xf32>
        %add3A_1279 = arith.addf %add3A_1273, %mul3A_1278 : vector<16xf32>
        %mul3A_1280 = arith.constant 20 : i32
        %mul3A_1281 = arith.muli %scan3A_180, %mul3A_1280 : i32
        %add3A_1282 = arith.constant 15 : i32
        %add3A_1283 = arith.addi %mul3A_1281, %add3A_1282 : i32
        %mul3A_1284 = arith.constant 16 : i32
        %mul3A_1285 = arith.muli %add3A_1283, %mul3A_1284 : i32
        %swap3A_1286 = arith.index_cast %mul3A_1285 : i32 to index
        %swap3A_1287 = tpu.vector_load %arg12[%swap3A_1286] {strides = array<i32>} : memref<5120xf32, #tpu.memory_space<vmem>>, vector<16xf32>,
        %swap3A_1288 = vector.shape_cast %swap3A_1287 : vector<16xf32> to vector<16xf32>
        %swap3A_1289 = vector.shape_cast %add3A_1279 : vector<16xf32> to vector<16xf32>
        tpu.vector_store %arg12[%swap3A_1286], %swap3A_1289 {strides = array<i32>} : memref<5120xf32, #tpu.memory_space<vmem>>, vector<16xf32>,
        %mul3A_1290 = arith.constant 20 : i32
        %mul3A_1291 = arith.muli %scan3A_180, %mul3A_1290 : i32
        %add3A_1292 = arith.constant 32 : i32
        %add3A_1293 = arith.addi %add3A_1292, %mul3A_1291 : i32
        %add3A_1294 = arith.constant 16 : i32
        %add3A_1295 = arith.addi %add3A_1293, %add3A_1294 : i32
        %get3A_1296 = arith.index_cast %add3A_1295 : i32 to index
        %get3A_1297 = arith.constant 0 : index
        %get3A_1298 = tpu.vector_load %arg9[%get3A_1296, %get3A_1297] {strides = array<i32>} : memref<352x128xf32, #tpu.memory_space<vmem>>, vector<1x16xf32>,
        %get3A_1299 = vector.shape_cast %get3A_1298 : vector<1x16xf32> to vector<16xf32>
        %mul3A_1300 = arith.mulf %get3A_183, %get3A_1299 : vector<16xf32>
        %get3A_1301 = arith.index_cast %add3A_1295 : i32 to index
        %get3A_1302 = arith.constant 16 : index
        %get3A_1303 = tpu.vector_load %arg9[%get3A_1301, %get3A_1302] {strides = array<i32>} : memref<352x128xf32, #tpu.memory_space<vmem>>, vector<1x16xf32>,
        %get3A_1304 = vector.shape_cast %get3A_1303 : vector<1x16xf32> to vector<16xf32>
        %mul3A_1305 = arith.mulf %get3A_187, %get3A_1304 : vector<16xf32>
        %add3A_1306 = arith.addf %mul3A_1300, %mul3A_1305 : vector<16xf32>
        %get3A_1307 = arith.index_cast %add3A_1295 : i32 to index
        %get3A_1308 = arith.constant 32 : index
        %get3A_1309 = tpu.vector_load %arg9[%get3A_1307, %get3A_1308] {strides = array<i32>} : memref<352x128xf32, #tpu.memory_space<vmem>>, vector<1x16xf32>,
        %get3A_1310 = vector.shape_cast %get3A_1309 : vector<1x16xf32> to vector<16xf32>
        %mul3A_1311 = arith.mulf %get3A_191, %get3A_1310 : vector<16xf32>
        %add3A_1312 = arith.addf %add3A_1306, %mul3A_1311 : vector<16xf32>
        %get3A_1313 = arith.index_cast %add3A_1295 : i32 to index
        %get3A_1314 = arith.constant 48 : index
        %get3A_1315 = tpu.vector_load %arg9[%get3A_1313, %get3A_1314] {strides = array<i32>} : memref<352x128xf32, #tpu.memory_space<vmem>>, vector<1x16xf32>,
        %get3A_1316 = vector.shape_cast %get3A_1315 : vector<1x16xf32> to vector<16xf32>
        %mul3A_1317 = arith.mulf %get3A_195, %get3A_1316 : vector<16xf32>
        %add3A_1318 = arith.addf %add3A_1312, %mul3A_1317 : vector<16xf32>
        %get3A_1319 = arith.index_cast %add3A_1295 : i32 to index
        %get3A_1320 = arith.constant 64 : index
        %get3A_1321 = tpu.vector_load %arg9[%get3A_1319, %get3A_1320] {strides = array<i32>} : memref<352x128xf32, #tpu.memory_space<vmem>>, vector<1x16xf32>,
        %get3A_1322 = vector.shape_cast %get3A_1321 : vector<1x16xf32> to vector<16xf32>
        %mul3A_1323 = arith.mulf %get3A_199, %get3A_1322 : vector<16xf32>
        %add3A_1324 = arith.addf %add3A_1318, %mul3A_1323 : vector<16xf32>
        %get3A_1325 = arith.index_cast %add3A_1295 : i32 to index
        %get3A_1326 = arith.constant 80 : index
        %get3A_1327 = tpu.vector_load %arg9[%get3A_1325, %get3A_1326] {strides = array<i32>} : memref<352x128xf32, #tpu.memory_space<vmem>>, vector<1x16xf32>,
        %get3A_1328 = vector.shape_cast %get3A_1327 : vector<1x16xf32> to vector<16xf32>
        %mul3A_1329 = arith.mulf %get3A_203, %get3A_1328 : vector<16xf32>
        %add3A_1330 = arith.addf %add3A_1324, %mul3A_1329 : vector<16xf32>
        %get3A_1331 = arith.index_cast %add3A_1295 : i32 to index
        %get3A_1332 = arith.constant 96 : index
        %get3A_1333 = tpu.vector_load %arg9[%get3A_1331, %get3A_1332] {strides = array<i32>} : memref<352x128xf32, #tpu.memory_space<vmem>>, vector<1x16xf32>,
        %get3A_1334 = vector.shape_cast %get3A_1333 : vector<1x16xf32> to vector<16xf32>
        %mul3A_1335 = arith.mulf %get3A_207, %get3A_1334 : vector<16xf32>
        %add3A_1336 = arith.addf %add3A_1330, %mul3A_1335 : vector<16xf32>
        %get3A_1337 = arith.index_cast %add3A_1295 : i32 to index
        %get3A_1338 = arith.constant 112 : index
        %get3A_1339 = tpu.vector_load %arg9[%get3A_1337, %get3A_1338] {strides = array<i32>} : memref<352x128xf32, #tpu.memory_space<vmem>>, vector<1x16xf32>,
        %get3A_1340 = vector.shape_cast %get3A_1339 : vector<1x16xf32> to vector<16xf32>
        %mul3A_1341 = arith.mulf %get3A_211, %get3A_1340 : vector<16xf32>
        %add3A_1342 = arith.addf %add3A_1336, %mul3A_1341 : vector<16xf32>
        %mul3A_1343 = arith.constant 20 : i32
        %mul3A_1344 = arith.muli %scan3A_180, %mul3A_1343 : i32
        %add3A_1345 = arith.constant 16 : i32
        %add3A_1346 = arith.addi %mul3A_1344, %add3A_1345 : i32
        %mul3A_1347 = arith.constant 16 : i32
        %mul3A_1348 = arith.muli %add3A_1346, %mul3A_1347 : i32
        %swap3A_1349 = arith.index_cast %mul3A_1348 : i32 to index
        %swap3A_1350 = tpu.vector_load %arg12[%swap3A_1349] {strides = array<i32>} : memref<5120xf32, #tpu.memory_space<vmem>>, vector<16xf32>,
        %swap3A_1351 = vector.shape_cast %swap3A_1350 : vector<16xf32> to vector<16xf32>
        %swap3A_1352 = vector.shape_cast %add3A_1342 : vector<16xf32> to vector<16xf32>
        tpu.vector_store %arg12[%swap3A_1349], %swap3A_1352 {strides = array<i32>} : memref<5120xf32, #tpu.memory_space<vmem>>, vector<16xf32>,
        %mul3A_1353 = arith.constant 20 : i32
        %mul3A_1354 = arith.muli %scan3A_180, %mul3A_1353 : i32
        %add3A_1355 = arith.constant 32 : i32
        %add3A_1356 = arith.addi %add3A_1355, %mul3A_1354 : i32
        %add3A_1357 = arith.constant 17 : i32
        %add3A_1358 = arith.addi %add3A_1356, %add3A_1357 : i32
        %get3A_1359 = arith.index_cast %add3A_1358 : i32 to index
        %get3A_1360 = arith.constant 0 : index
        %get3A_1361 = tpu.vector_load %arg9[%get3A_1359, %get3A_1360] {strides = array<i32>} : memref<352x128xf32, #tpu.memory_space<vmem>>, vector<1x16xf32>,
        %get3A_1362 = vector.shape_cast %get3A_1361 : vector<1x16xf32> to vector<16xf32>
        %mul3A_1363 = arith.mulf %get3A_183, %get3A_1362 : vector<16xf32>
        %get3A_1364 = arith.index_cast %add3A_1358 : i32 to index
        %get3A_1365 = arith.constant 16 : index
        %get3A_1366 = tpu.vector_load %arg9[%get3A_1364, %get3A_1365] {strides = array<i32>} : memref<352x128xf32, #tpu.memory_space<vmem>>, vector<1x16xf32>,
        %get3A_1367 = vector.shape_cast %get3A_1366 : vector<1x16xf32> to vector<16xf32>
        %mul3A_1368 = arith.mulf %get3A_187, %get3A_1367 : vector<16xf32>
        %add3A_1369 = arith.addf %mul3A_1363, %mul3A_1368 : vector<16xf32>
        %get3A_1370 = arith.index_cast %add3A_1358 : i32 to index
        %get3A_1371 = arith.constant 32 : index
        %get3A_1372 = tpu.vector_load %arg9[%get3A_1370, %get3A_1371] {strides = array<i32>} : memref<352x128xf32, #tpu.memory_space<vmem>>, vector<1x16xf32>,
        %get3A_1373 = vector.shape_cast %get3A_1372 : vector<1x16xf32> to vector<16xf32>
        %mul3A_1374 = arith.mulf %get3A_191, %get3A_1373 : vector<16xf32>
        %add3A_1375 = arith.addf %add3A_1369, %mul3A_1374 : vector<16xf32>
        %get3A_1376 = arith.index_cast %add3A_1358 : i32 to index
        %get3A_1377 = arith.constant 48 : index
        %get3A_1378 = tpu.vector_load %arg9[%get3A_1376, %get3A_1377] {strides = array<i32>} : memref<352x128xf32, #tpu.memory_space<vmem>>, vector<1x16xf32>,
        %get3A_1379 = vector.shape_cast %get3A_1378 : vector<1x16xf32> to vector<16xf32>
        %mul3A_1380 = arith.mulf %get3A_195, %get3A_1379 : vector<16xf32>
        %add3A_1381 = arith.addf %add3A_1375, %mul3A_1380 : vector<16xf32>
        %get3A_1382 = arith.index_cast %add3A_1358 : i32 to index
        %get3A_1383 = arith.constant 64 : index
        %get3A_1384 = tpu.vector_load %arg9[%get3A_1382, %get3A_1383] {strides = array<i32>} : memref<352x128xf32, #tpu.memory_space<vmem>>, vector<1x16xf32>,
        %get3A_1385 = vector.shape_cast %get3A_1384 : vector<1x16xf32> to vector<16xf32>
        %mul3A_1386 = arith.mulf %get3A_199, %get3A_1385 : vector<16xf32>
        %add3A_1387 = arith.addf %add3A_1381, %mul3A_1386 : vector<16xf32>
        %get3A_1388 = arith.index_cast %add3A_1358 : i32 to index
        %get3A_1389 = arith.constant 80 : index
        %get3A_1390 = tpu.vector_load %arg9[%get3A_1388, %get3A_1389] {strides = array<i32>} : memref<352x128xf32, #tpu.memory_space<vmem>>, vector<1x16xf32>,
        %get3A_1391 = vector.shape_cast %get3A_1390 : vector<1x16xf32> to vector<16xf32>
        %mul3A_1392 = arith.mulf %get3A_203, %get3A_1391 : vector<16xf32>
        %add3A_1393 = arith.addf %add3A_1387, %mul3A_1392 : vector<16xf32>
        %get3A_1394 = arith.index_cast %add3A_1358 : i32 to index
        %get3A_1395 = arith.constant 96 : index
        %get3A_1396 = tpu.vector_load %arg9[%get3A_1394, %get3A_1395] {strides = array<i32>} : memref<352x128xf32, #tpu.memory_space<vmem>>, vector<1x16xf32>,
        %get3A_1397 = vector.shape_cast %get3A_1396 : vector<1x16xf32> to vector<16xf32>
        %mul3A_1398 = arith.mulf %get3A_207, %get3A_1397 : vector<16xf32>
        %add3A_1399 = arith.addf %add3A_1393, %mul3A_1398 : vector<16xf32>
        %get3A_1400 = arith.index_cast %add3A_1358 : i32 to index
        %get3A_1401 = arith.constant 112 : index
        %get3A_1402 = tpu.vector_load %arg9[%get3A_1400, %get3A_1401] {strides = array<i32>} : memref<352x128xf32, #tpu.memory_space<vmem>>, vector<1x16xf32>,
        %get3A_1403 = vector.shape_cast %get3A_1402 : vector<1x16xf32> to vector<16xf32>
        %mul3A_1404 = arith.mulf %get3A_211, %get3A_1403 : vector<16xf32>
        %add3A_1405 = arith.addf %add3A_1399, %mul3A_1404 : vector<16xf32>
        %mul3A_1406 = arith.constant 20 : i32
        %mul3A_1407 = arith.muli %scan3A_180, %mul3A_1406 : i32
        %add3A_1408 = arith.constant 17 : i32
        %add3A_1409 = arith.addi %mul3A_1407, %add3A_1408 : i32
        %mul3A_1410 = arith.constant 16 : i32
        %mul3A_1411 = arith.muli %add3A_1409, %mul3A_1410 : i32
        %swap3A_1412 = arith.index_cast %mul3A_1411 : i32 to index
        %swap3A_1413 = tpu.vector_load %arg12[%swap3A_1412] {strides = array<i32>} : memref<5120xf32, #tpu.memory_space<vmem>>, vector<16xf32>,
        %swap3A_1414 = vector.shape_cast %swap3A_1413 : vector<16xf32> to vector<16xf32>
        %swap3A_1415 = vector.shape_cast %add3A_1405 : vector<16xf32> to vector<16xf32>
        tpu.vector_store %arg12[%swap3A_1412], %swap3A_1415 {strides = array<i32>} : memref<5120xf32, #tpu.memory_space<vmem>>, vector<16xf32>,
        %mul3A_1416 = arith.constant 20 : i32
        %mul3A_1417 = arith.muli %scan3A_180, %mul3A_1416 : i32
        %add3A_1418 = arith.constant 32 : i32
        %add3A_1419 = arith.addi %add3A_1418, %mul3A_1417 : i32
        %add3A_1420 = arith.constant 18 : i32
        %add3A_1421 = arith.addi %add3A_1419, %add3A_1420 : i32
        %get3A_1422 = arith.index_cast %add3A_1421 : i32 to index
        %get3A_1423 = arith.constant 0 : index
        %get3A_1424 = tpu.vector_load %arg9[%get3A_1422, %get3A_1423] {strides = array<i32>} : memref<352x128xf32, #tpu.memory_space<vmem>>, vector<1x16xf32>,
        %get3A_1425 = vector.shape_cast %get3A_1424 : vector<1x16xf32> to vector<16xf32>
        %mul3A_1426 = arith.mulf %get3A_183, %get3A_1425 : vector<16xf32>
        %get3A_1427 = arith.index_cast %add3A_1421 : i32 to index
        %get3A_1428 = arith.constant 16 : index
        %get3A_1429 = tpu.vector_load %arg9[%get3A_1427, %get3A_1428] {strides = array<i32>} : memref<352x128xf32, #tpu.memory_space<vmem>>, vector<1x16xf32>,
        %get3A_1430 = vector.shape_cast %get3A_1429 : vector<1x16xf32> to vector<16xf32>
        %mul3A_1431 = arith.mulf %get3A_187, %get3A_1430 : vector<16xf32>
        %add3A_1432 = arith.addf %mul3A_1426, %mul3A_1431 : vector<16xf32>
        %get3A_1433 = arith.index_cast %add3A_1421 : i32 to index
        %get3A_1434 = arith.constant 32 : index
        %get3A_1435 = tpu.vector_load %arg9[%get3A_1433, %get3A_1434] {strides = array<i32>} : memref<352x128xf32, #tpu.memory_space<vmem>>, vector<1x16xf32>,
        %get3A_1436 = vector.shape_cast %get3A_1435 : vector<1x16xf32> to vector<16xf32>
        %mul3A_1437 = arith.mulf %get3A_191, %get3A_1436 : vector<16xf32>
        %add3A_1438 = arith.addf %add3A_1432, %mul3A_1437 : vector<16xf32>
        %get3A_1439 = arith.index_cast %add3A_1421 : i32 to index
        %get3A_1440 = arith.constant 48 : index
        %get3A_1441 = tpu.vector_load %arg9[%get3A_1439, %get3A_1440] {strides = array<i32>} : memref<352x128xf32, #tpu.memory_space<vmem>>, vector<1x16xf32>,
        %get3A_1442 = vector.shape_cast %get3A_1441 : vector<1x16xf32> to vector<16xf32>
        %mul3A_1443 = arith.mulf %get3A_195, %get3A_1442 : vector<16xf32>
        %add3A_1444 = arith.addf %add3A_1438, %mul3A_1443 : vector<16xf32>
        %get3A_1445 = arith.index_cast %add3A_1421 : i32 to index
        %get3A_1446 = arith.constant 64 : index
        %get3A_1447 = tpu.vector_load %arg9[%get3A_1445, %get3A_1446] {strides = array<i32>} : memref<352x128xf32, #tpu.memory_space<vmem>>, vector<1x16xf32>,
        %get3A_1448 = vector.shape_cast %get3A_1447 : vector<1x16xf32> to vector<16xf32>
        %mul3A_1449 = arith.mulf %get3A_199, %get3A_1448 : vector<16xf32>
        %add3A_1450 = arith.addf %add3A_1444, %mul3A_1449 : vector<16xf32>
        %get3A_1451 = arith.index_cast %add3A_1421 : i32 to index
        %get3A_1452 = arith.constant 80 : index
        %get3A_1453 = tpu.vector_load %arg9[%get3A_1451, %get3A_1452] {strides = array<i32>} : memref<352x128xf32, #tpu.memory_space<vmem>>, vector<1x16xf32>,
        %get3A_1454 = vector.shape_cast %get3A_1453 : vector<1x16xf32> to vector<16xf32>
        %mul3A_1455 = arith.mulf %get3A_203, %get3A_1454 : vector<16xf32>
        %add3A_1456 = arith.addf %add3A_1450, %mul3A_1455 : vector<16xf32>
        %get3A_1457 = arith.index_cast %add3A_1421 : i32 to index
        %get3A_1458 = arith.constant 96 : index
        %get3A_1459 = tpu.vector_load %arg9[%get3A_1457, %get3A_1458] {strides = array<i32>} : memref<352x128xf32, #tpu.memory_space<vmem>>, vector<1x16xf32>,
        %get3A_1460 = vector.shape_cast %get3A_1459 : vector<1x16xf32> to vector<16xf32>
        %mul3A_1461 = arith.mulf %get3A_207, %get3A_1460 : vector<16xf32>
        %add3A_1462 = arith.addf %add3A_1456, %mul3A_1461 : vector<16xf32>
        %get3A_1463 = arith.index_cast %add3A_1421 : i32 to index
        %get3A_1464 = arith.constant 112 : index
        %get3A_1465 = tpu.vector_load %arg9[%get3A_1463, %get3A_1464] {strides = array<i32>} : memref<352x128xf32, #tpu.memory_space<vmem>>, vector<1x16xf32>,
        %get3A_1466 = vector.shape_cast %get3A_1465 : vector<1x16xf32> to vector<16xf32>
        %mul3A_1467 = arith.mulf %get3A_211, %get3A_1466 : vector<16xf32>
        %add3A_1468 = arith.addf %add3A_1462, %mul3A_1467 : vector<16xf32>
        %mul3A_1469 = arith.constant 20 : i32
        %mul3A_1470 = arith.muli %scan3A_180, %mul3A_1469 : i32
        %add3A_1471 = arith.constant 18 : i32
        %add3A_1472 = arith.addi %mul3A_1470, %add3A_1471 : i32
        %mul3A_1473 = arith.constant 16 : i32
        %mul3A_1474 = arith.muli %add3A_1472, %mul3A_1473 : i32
        %swap3A_1475 = arith.index_cast %mul3A_1474 : i32 to index
        %swap3A_1476 = tpu.vector_load %arg12[%swap3A_1475] {strides = array<i32>} : memref<5120xf32, #tpu.memory_space<vmem>>, vector<16xf32>,
        %swap3A_1477 = vector.shape_cast %swap3A_1476 : vector<16xf32> to vector<16xf32>
        %swap3A_1478 = vector.shape_cast %add3A_1468 : vector<16xf32> to vector<16xf32>
        tpu.vector_store %arg12[%swap3A_1475], %swap3A_1478 {strides = array<i32>} : memref<5120xf32, #tpu.memory_space<vmem>>, vector<16xf32>,
        %mul3A_1479 = arith.constant 20 : i32
        %mul3A_1480 = arith.muli %scan3A_180, %mul3A_1479 : i32
        %add3A_1481 = arith.constant 32 : i32
        %add3A_1482 = arith.addi %add3A_1481, %mul3A_1480 : i32
        %add3A_1483 = arith.constant 19 : i32
        %add3A_1484 = arith.addi %add3A_1482, %add3A_1483 : i32
        %get3A_1485 = arith.index_cast %add3A_1484 : i32 to index
        %get3A_1486 = arith.constant 0 : index
        %get3A_1487 = tpu.vector_load %arg9[%get3A_1485, %get3A_1486] {strides = array<i32>} : memref<352x128xf32, #tpu.memory_space<vmem>>, vector<1x16xf32>,
        %get3A_1488 = vector.shape_cast %get3A_1487 : vector<1x16xf32> to vector<16xf32>
        %mul3A_1489 = arith.mulf %get3A_183, %get3A_1488 : vector<16xf32>
        %get3A_1490 = arith.index_cast %add3A_1484 : i32 to index
        %get3A_1491 = arith.constant 16 : index
        %get3A_1492 = tpu.vector_load %arg9[%get3A_1490, %get3A_1491] {strides = array<i32>} : memref<352x128xf32, #tpu.memory_space<vmem>>, vector<1x16xf32>,
        %get3A_1493 = vector.shape_cast %get3A_1492 : vector<1x16xf32> to vector<16xf32>
        %mul3A_1494 = arith.mulf %get3A_187, %get3A_1493 : vector<16xf32>
        %add3A_1495 = arith.addf %mul3A_1489, %mul3A_1494 : vector<16xf32>
        %get3A_1496 = arith.index_cast %add3A_1484 : i32 to index
        %get3A_1497 = arith.constant 32 : index
        %get3A_1498 = tpu.vector_load %arg9[%get3A_1496, %get3A_1497] {strides = array<i32>} : memref<352x128xf32, #tpu.memory_space<vmem>>, vector<1x16xf32>,
        %get3A_1499 = vector.shape_cast %get3A_1498 : vector<1x16xf32> to vector<16xf32>
        %mul3A_1500 = arith.mulf %get3A_191, %get3A_1499 : vector<16xf32>
        %add3A_1501 = arith.addf %add3A_1495, %mul3A_1500 : vector<16xf32>
        %get3A_1502 = arith.index_cast %add3A_1484 : i32 to index
        %get3A_1503 = arith.constant 48 : index
        %get3A_1504 = tpu.vector_load %arg9[%get3A_1502, %get3A_1503] {strides = array<i32>} : memref<352x128xf32, #tpu.memory_space<vmem>>, vector<1x16xf32>,
        %get3A_1505 = vector.shape_cast %get3A_1504 : vector<1x16xf32> to vector<16xf32>
        %mul3A_1506 = arith.mulf %get3A_195, %get3A_1505 : vector<16xf32>
        %add3A_1507 = arith.addf %add3A_1501, %mul3A_1506 : vector<16xf32>
        %get3A_1508 = arith.index_cast %add3A_1484 : i32 to index
        %get3A_1509 = arith.constant 64 : index
        %get3A_1510 = tpu.vector_load %arg9[%get3A_1508, %get3A_1509] {strides = array<i32>} : memref<352x128xf32, #tpu.memory_space<vmem>>, vector<1x16xf32>,
        %get3A_1511 = vector.shape_cast %get3A_1510 : vector<1x16xf32> to vector<16xf32>
        %mul3A_1512 = arith.mulf %get3A_199, %get3A_1511 : vector<16xf32>
        %add3A_1513 = arith.addf %add3A_1507, %mul3A_1512 : vector<16xf32>
        %get3A_1514 = arith.index_cast %add3A_1484 : i32 to index
        %get3A_1515 = arith.constant 80 : index
        %get3A_1516 = tpu.vector_load %arg9[%get3A_1514, %get3A_1515] {strides = array<i32>} : memref<352x128xf32, #tpu.memory_space<vmem>>, vector<1x16xf32>,
        %get3A_1517 = vector.shape_cast %get3A_1516 : vector<1x16xf32> to vector<16xf32>
        %mul3A_1518 = arith.mulf %get3A_203, %get3A_1517 : vector<16xf32>
        %add3A_1519 = arith.addf %add3A_1513, %mul3A_1518 : vector<16xf32>
        %get3A_1520 = arith.index_cast %add3A_1484 : i32 to index
        %get3A_1521 = arith.constant 96 : index
        %get3A_1522 = tpu.vector_load %arg9[%get3A_1520, %get3A_1521] {strides = array<i32>} : memref<352x128xf32, #tpu.memory_space<vmem>>, vector<1x16xf32>,
        %get3A_1523 = vector.shape_cast %get3A_1522 : vector<1x16xf32> to vector<16xf32>
        %mul3A_1524 = arith.mulf %get3A_207, %get3A_1523 : vector<16xf32>
        %add3A_1525 = arith.addf %add3A_1519, %mul3A_1524 : vector<16xf32>
        %get3A_1526 = arith.index_cast %add3A_1484 : i32 to index
        %get3A_1527 = arith.constant 112 : index
        %get3A_1528 = tpu.vector_load %arg9[%get3A_1526, %get3A_1527] {strides = array<i32>} : memref<352x128xf32, #tpu.memory_space<vmem>>, vector<1x16xf32>,
        %get3A_1529 = vector.shape_cast %get3A_1528 : vector<1x16xf32> to vector<16xf32>
        %mul3A_1530 = arith.mulf %get3A_211, %get3A_1529 : vector<16xf32>
        %add3A_1531 = arith.addf %add3A_1525, %mul3A_1530 : vector<16xf32>
        %mul3A_1532 = arith.constant 20 : i32
        %mul3A_1533 = arith.muli %scan3A_180, %mul3A_1532 : i32
        %add3A_1534 = arith.constant 19 : i32
        %add3A_1535 = arith.addi %mul3A_1533, %add3A_1534 : i32
        %mul3A_1536 = arith.constant 16 : i32
        %mul3A_1537 = arith.muli %add3A_1535, %mul3A_1536 : i32
        %swap3A_1538 = arith.index_cast %mul3A_1537 : i32 to index
        %swap3A_1539 = tpu.vector_load %arg12[%swap3A_1538] {strides = array<i32>} : memref<5120xf32, #tpu.memory_space<vmem>>, vector<16xf32>,
        %swap3A_1540 = vector.shape_cast %swap3A_1539 : vector<16xf32> to vector<16xf32>
        %swap3A_1541 = vector.shape_cast %add3A_1531 : vector<16xf32> to vector<16xf32>
        tpu.vector_store %arg12[%swap3A_1538], %swap3A_1541 {strides = array<i32>} : memref<5120xf32, #tpu.memory_space<vmem>>, vector<16xf32>,
      }
      %scan3A_124 = arith.constant 16 : i32
      %mul3A_125 = arith.constant 16 : i32
      %mul3A_126 = arith.muli %mul3A_66, %mul3A_125 : i32
      %add3A_127 = arith.addi %mul3A_2, %mul3A_126 : i32
      %mul3A_128 = arith.constant 16 : i32
      %mul3A_129 = arith.muli %add3A_127, %mul3A_128 : i32
      %dma_start3A_130 = tpu.memref_slice %arg6[%mul3A_129] : memref<5505024xf32, #tpu.memory_space<hbm>> -> memref<256xf32, #tpu.memory_space<hbm>>
      %dma_start3A_131 = tpu.memref_slice %arg6[%mul3A_129] : memref<5505024xf32, #tpu.memory_space<hbm>> -> memref<256xf32, #tpu.memory_space<hbm>>
      tpu.enqueue_dma source(%arg11 : memref<256xf32, #tpu.memory_space<vmem>>) target(%dma_start3A_131 : memref<256xf32, #tpu.memory_space<hbm>>) target_semaphore(%arg18 : memref<!tpu.dma_semaphore, #tpu.memory_space<semaphore_mem>>)
      %mul3A_132 = arith.constant 20 : i32
      %mul3A_133 = arith.muli %add3A_127, %mul3A_132 : i32
      %mul3A_134 = arith.constant 16 : i32
      %mul3A_135 = arith.muli %mul3A_133, %mul3A_134 : i32
      %add3A_136 = arith.constant 262144 : i32
      %add3A_137 = arith.addi %add3A_136, %mul3A_135 : i32
      %dma_start3A_138 = tpu.memref_slice %arg6[%add3A_137] : memref<5505024xf32, #tpu.memory_space<hbm>> -> memref<5120xf32, #tpu.memory_space<hbm>>
      %dma_start3A_139 = tpu.memref_slice %arg6[%add3A_137] : memref<5505024xf32, #tpu.memory_space<hbm>> -> memref<5120xf32, #tpu.memory_space<hbm>>
      tpu.enqueue_dma source(%arg12 : memref<5120xf32, #tpu.memory_space<vmem>>) target(%dma_start3A_139 : memref<5120xf32, #tpu.memory_space<hbm>>) target_semaphore(%arg18 : memref<!tpu.dma_semaphore, #tpu.memory_space<semaphore_mem>>)
      %dma_wait3A_140 = arith.constant 0 : i32
      %dma_wait3A_141 = arith.constant 0 : i32
      %dma_wait3A_142 = tpu.memref_slice %arg4[%dma_wait3A_140, %dma_wait3A_141] : memref<100000x128xf32, #tpu.memory_space<hbm>> -> memref<352x128xf32, #tpu.memory_space<hbm>>
      %dma_wait3A_143 = arith.constant 0 : i32
      %dma_wait3A_144 = arith.constant 0 : i32
      %dma_wait3A_145 = tpu.memref_slice %arg4[%dma_wait3A_143, %dma_wait3A_144] : memref<100000x128xf32, #tpu.memory_space<hbm>> -> memref<352x128xf32, #tpu.memory_space<hbm>>
      tpu.wait_dma2 semaphore(%arg17 : memref<!tpu.dma_semaphore, #tpu.memory_space<semaphore_mem>>) src(%dma_wait3A_145 : memref<352x128xf32, #tpu.memory_space<hbm>>) dst(%arg10 : memref<352x128xf32, #tpu.memory_space<vmem>>)
      %lt3A = arith.constant 15 : i32
      %lt3A_146 = arith.cmpi slt, %scan3A_64, %lt3A : i32
      %convert_element_type3A_147 = arith.extui %lt3A_146 : i1 to i32
      %cond3A_148 = arith.constant 0 : i32
      %cond3A_149 = arith.cmpi ne, %convert_element_type3A_147, %cond3A_148 : i32
      scf.if %cond3A_149 {
        %add3A_180 = arith.constant 2 : i32
        %add3A_181 = arith.addi %mul3A_66, %add3A_180 : i32
        %mul3A_182 = arith.constant 16 : i32
        %mul3A_183 = arith.muli %add3A_181, %mul3A_182 : i32
        %dma_start3A_184 = arith.constant 0 : i32
        %dma_start3A_185 = arith.constant 0 : i32
        %dma_start3A_186 = tpu.memref_slice %arg9[%dma_start3A_184, %dma_start3A_185] : memref<352x128xf32, #tpu.memory_space<vmem>> -> memref<16x128xf32, #tpu.memory_space<vmem>>
        %dma_start3A_187 = tpu.memref_slice %arg7[%mul3A_183] : memref<512xi32, #tpu.memory_space<vmem>> -> memref<16xi32, #tpu.memory_space<vmem>>
        %dma_start3A_188 = arith.constant 0 : i32
        %dma_start3A_189 = arith.constant 0 : i32
        %dma_start3A_190 = tpu.memref_slice %arg4[%dma_start3A_188, %dma_start3A_189] : memref<100000x128xf32, #tpu.memory_space<hbm>> -> memref<100000x128xf32, #tpu.memory_space<hbm>>
        tpu.enqueue_indirect_dma source(%dma_start3A_190 : memref<100000x128xf32, #tpu.memory_space<hbm>>) target(%dma_start3A_186 : memref<16x128xf32, #tpu.memory_space<vmem>>) offsets(%dma_start3A_187 : memref<16xi32, #tpu.memory_space<vmem>>) semaphore(%arg16 : memref<!tpu.dma_semaphore, #tpu.memory_space<semaphore_mem>>)
        %mul3A_191 = arith.constant 336 : i32
        %mul3A_192 = arith.muli %add3A_181, %mul3A_191 : i32
        %add3A_193 = arith.constant 0 : i32
        %add3A_194 = arith.addi %mul3A_192, %add3A_193 : i32
        %dma_start3A_195 = arith.constant 16 : i32
        %dma_start3A_196 = arith.constant 0 : i32
        %dma_start3A_197 = tpu.memref_slice %arg9[%dma_start3A_195, %dma_start3A_196] : memref<352x128xf32, #tpu.memory_space<vmem>> -> memref<128x128xf32, #tpu.memory_space<vmem>>
        %dma_start3A_198 = tpu.memref_slice %arg8[%add3A_194] : memref<10752xi32, #tpu.memory_space<vmem>> -> memref<128xi32, #tpu.memory_space<vmem>>
        %dma_start3A_199 = arith.constant 0 : i32
        %dma_start3A_200 = arith.constant 0 : i32
        %dma_start3A_201 = tpu.memref_slice %arg5[%dma_start3A_199, %dma_start3A_200] : memref<100000x128xf32, #tpu.memory_space<hbm>> -> memref<100000x128xf32, #tpu.memory_space<hbm>>
        tpu.enqueue_indirect_dma source(%dma_start3A_201 : memref<100000x128xf32, #tpu.memory_space<hbm>>) target(%dma_start3A_197 : memref<128x128xf32, #tpu.memory_space<vmem>>) offsets(%dma_start3A_198 : memref<128xi32, #tpu.memory_space<vmem>>) semaphore(%arg16 : memref<!tpu.dma_semaphore, #tpu.memory_space<semaphore_mem>>)
        %mul3A_202 = arith.constant 336 : i32
        %mul3A_203 = arith.muli %add3A_181, %mul3A_202 : i32
        %add3A_204 = arith.constant 128 : i32
        %add3A_205 = arith.addi %mul3A_203, %add3A_204 : i32
        %dma_start3A_206 = arith.constant 144 : i32
        %dma_start3A_207 = arith.constant 0 : i32
        %dma_start3A_208 = tpu.memref_slice %arg9[%dma_start3A_206, %dma_start3A_207] : memref<352x128xf32, #tpu.memory_space<vmem>> -> memref<128x128xf32, #tpu.memory_space<vmem>>
        %dma_start3A_209 = tpu.memref_slice %arg8[%add3A_205] : memref<10752xi32, #tpu.memory_space<vmem>> -> memref<128xi32, #tpu.memory_space<vmem>>
        %dma_start3A_210 = arith.constant 0 : i32
        %dma_start3A_211 = arith.constant 0 : i32
        %dma_start3A_212 = tpu.memref_slice %arg5[%dma_start3A_210, %dma_start3A_211] : memref<100000x128xf32, #tpu.memory_space<hbm>> -> memref<100000x128xf32, #tpu.memory_space<hbm>>
        tpu.enqueue_indirect_dma source(%dma_start3A_212 : memref<100000x128xf32, #tpu.memory_space<hbm>>) target(%dma_start3A_208 : memref<128x128xf32, #tpu.memory_space<vmem>>) offsets(%dma_start3A_209 : memref<128xi32, #tpu.memory_space<vmem>>) semaphore(%arg16 : memref<!tpu.dma_semaphore, #tpu.memory_space<semaphore_mem>>)
        %mul3A_213 = arith.constant 336 : i32
        %mul3A_214 = arith.muli %add3A_181, %mul3A_213 : i32
        %add3A_215 = arith.constant 256 : i32
        %add3A_216 = arith.addi %mul3A_214, %add3A_215 : i32
        %dma_start3A_217 = arith.constant 272 : i32
        %dma_start3A_218 = arith.constant 0 : i32
        %dma_start3A_219 = tpu.memref_slice %arg9[%dma_start3A_217, %dma_start3A_218] : memref<352x128xf32, #tpu.memory_space<vmem>> -> memref<80x128xf32, #tpu.memory_space<vmem>>
        %dma_start3A_220 = tpu.memref_slice %arg8[%add3A_216] : memref<10752xi32, #tpu.memory_space<vmem>> -> memref<80xi32, #tpu.memory_space<vmem>>
        %dma_start3A_221 = arith.constant 0 : i32
        %dma_start3A_222 = arith.constant 0 : i32
        %dma_start3A_223 = tpu.memref_slice %arg5[%dma_start3A_221, %dma_start3A_222] : memref<100000x128xf32, #tpu.memory_space<hbm>> -> memref<100000x128xf32, #tpu.memory_space<hbm>>
        tpu.enqueue_indirect_dma source(%dma_start3A_223 : memref<100000x128xf32, #tpu.memory_space<hbm>>) target(%dma_start3A_219 : memref<80x128xf32, #tpu.memory_space<vmem>>) offsets(%dma_start3A_220 : memref<80xi32, #tpu.memory_space<vmem>>) semaphore(%arg16 : memref<!tpu.dma_semaphore, #tpu.memory_space<semaphore_mem>>)
      } else {
      }
      %gt3A_150 = arith.constant 0 : i32
      %gt3A_151 = arith.cmpi sgt, %scan3A_64, %gt3A_150 : i32
      %convert_element_type3A_152 = arith.extui %gt3A_151 : i1 to i32
      %cond3A_153 = arith.constant 0 : i32
      %cond3A_154 = arith.cmpi ne, %convert_element_type3A_152, %cond3A_153 : i32
      scf.if %cond3A_154 {
        %dma_wait3A_180 = arith.constant 0 : i32
        %dma_wait3A_181 = tpu.memref_slice %arg6[%dma_wait3A_180] : memref<5505024xf32, #tpu.memory_space<hbm>> -> memref<256xf32, #tpu.memory_space<hbm>>
        %dma_wait3A_182 = arith.constant 0 : i32
        %dma_wait3A_183 = tpu.memref_slice %arg6[%dma_wait3A_182] : memref<5505024xf32, #tpu.memory_space<hbm>> -> memref<256xf32, #tpu.memory_space<hbm>>
        tpu.wait_dma2 semaphore(%arg19 : memref<!tpu.dma_semaphore, #tpu.memory_space<semaphore_mem>>) src(%arg13 : memref<256xf32, #tpu.memory_space<vmem>>) dst(%dma_wait3A_183 : memref<256xf32, #tpu.memory_space<hbm>>)
        %dma_wait3A_184 = arith.constant 0 : i32
        %dma_wait3A_185 = tpu.memref_slice %arg6[%dma_wait3A_184] : memref<5505024xf32, #tpu.memory_space<hbm>> -> memref<5120xf32, #tpu.memory_space<hbm>>
        %dma_wait3A_186 = arith.constant 0 : i32
        %dma_wait3A_187 = tpu.memref_slice %arg6[%dma_wait3A_186] : memref<5505024xf32, #tpu.memory_space<hbm>> -> memref<5120xf32, #tpu.memory_space<hbm>>
        tpu.wait_dma2 semaphore(%arg19 : memref<!tpu.dma_semaphore, #tpu.memory_space<semaphore_mem>>) src(%arg14 : memref<5120xf32, #tpu.memory_space<vmem>>) dst(%dma_wait3A_187 : memref<5120xf32, #tpu.memory_space<hbm>>)
      } else {
      }
      %add3A_155 = arith.constant 1 : i32
      %add3A_156 = arith.addi %mul3A_66, %add3A_155 : i32
      %scan3A_157 = arith.constant 0 : i32
      %scan3A_158 = arith.constant 0 : i32
      %scan3A_159 = arith.constant 16 : i32
      %scan3A_160 = arith.addi %scan3A_158, %scan3A_159 : i32
      %scan3A_161 = arith.constant 1 : i32
      scf.for %scan3A_180 = %scan3A_158 to %scan3A_160 step %scan3A_161  : i32 {
        %get3A = arith.index_cast %scan3A_180 : i32 to index
        %get3A_181 = arith.constant 0 : index
        %get3A_182 = tpu.vector_load %arg10[%get3A, %get3A_181] {strides = array<i32>} : memref<352x128xf32, #tpu.memory_space<vmem>>, vector<1x16xf32>,
        %get3A_183 = vector.shape_cast %get3A_182 : vector<1x16xf32> to vector<16xf32>
        %get3A_184 = arith.index_cast %scan3A_180 : i32 to index
        %get3A_185 = arith.constant 16 : index
        %get3A_186 = tpu.vector_load %arg10[%get3A_184, %get3A_185] {strides = array<i32>} : memref<352x128xf32, #tpu.memory_space<vmem>>, vector<1x16xf32>,
        %get3A_187 = vector.shape_cast %get3A_186 : vector<1x16xf32> to vector<16xf32>
        %get3A_188 = arith.index_cast %scan3A_180 : i32 to index
        %get3A_189 = arith.constant 32 : index
        %get3A_190 = tpu.vector_load %arg10[%get3A_188, %get3A_189] {strides = array<i32>} : memref<352x128xf32, #tpu.memory_space<vmem>>, vector<1x16xf32>,
        %get3A_191 = vector.shape_cast %get3A_190 : vector<1x16xf32> to vector<16xf32>
        %get3A_192 = arith.index_cast %scan3A_180 : i32 to index
        %get3A_193 = arith.constant 48 : index
        %get3A_194 = tpu.vector_load %arg10[%get3A_192, %get3A_193] {strides = array<i32>} : memref<352x128xf32, #tpu.memory_space<vmem>>, vector<1x16xf32>,
        %get3A_195 = vector.shape_cast %get3A_194 : vector<1x16xf32> to vector<16xf32>
        %get3A_196 = arith.index_cast %scan3A_180 : i32 to index
        %get3A_197 = arith.constant 64 : index
        %get3A_198 = tpu.vector_load %arg10[%get3A_196, %get3A_197] {strides = array<i32>} : memref<352x128xf32, #tpu.memory_space<vmem>>, vector<1x16xf32>,
        %get3A_199 = vector.shape_cast %get3A_198 : vector<1x16xf32> to vector<16xf32>
        %get3A_200 = arith.index_cast %scan3A_180 : i32 to index
        %get3A_201 = arith.constant 80 : index
        %get3A_202 = tpu.vector_load %arg10[%get3A_200, %get3A_201] {strides = array<i32>} : memref<352x128xf32, #tpu.memory_space<vmem>>, vector<1x16xf32>,
        %get3A_203 = vector.shape_cast %get3A_202 : vector<1x16xf32> to vector<16xf32>
        %get3A_204 = arith.index_cast %scan3A_180 : i32 to index
        %get3A_205 = arith.constant 96 : index
        %get3A_206 = tpu.vector_load %arg10[%get3A_204, %get3A_205] {strides = array<i32>} : memref<352x128xf32, #tpu.memory_space<vmem>>, vector<1x16xf32>,
        %get3A_207 = vector.shape_cast %get3A_206 : vector<1x16xf32> to vector<16xf32>
        %get3A_208 = arith.index_cast %scan3A_180 : i32 to index
        %get3A_209 = arith.constant 112 : index
        %get3A_210 = tpu.vector_load %arg10[%get3A_208, %get3A_209] {strides = array<i32>} : memref<352x128xf32, #tpu.memory_space<vmem>>, vector<1x16xf32>,
        %get3A_211 = vector.shape_cast %get3A_210 : vector<1x16xf32> to vector<16xf32>
        %add3A_212 = arith.constant 16 : i32
        %add3A_213 = arith.addi %add3A_212, %scan3A_180 : i32
        %get3A_214 = arith.index_cast %add3A_213 : i32 to index
        %get3A_215 = arith.constant 0 : index
        %get3A_216 = tpu.vector_load %arg10[%get3A_214, %get3A_215] {strides = array<i32>} : memref<352x128xf32, #tpu.memory_space<vmem>>, vector<1x16xf32>,
        %get3A_217 = vector.shape_cast %get3A_216 : vector<1x16xf32> to vector<16xf32>
        %mul3A_218 = arith.mulf %get3A_183, %get3A_217 : vector<16xf32>
        %add3A_219 = arith.constant 16 : i32
        %add3A_220 = arith.addi %add3A_219, %scan3A_180 : i32
        %get3A_221 = arith.index_cast %add3A_220 : i32 to index
        %get3A_222 = arith.constant 16 : index
        %get3A_223 = tpu.vector_load %arg10[%get3A_221, %get3A_222] {strides = array<i32>} : memref<352x128xf32, #tpu.memory_space<vmem>>, vector<1x16xf32>,
        %get3A_224 = vector.shape_cast %get3A_223 : vector<1x16xf32> to vector<16xf32>
        %mul3A_225 = arith.mulf %get3A_187, %get3A_224 : vector<16xf32>
        %add3A_226 = arith.addf %mul3A_218, %mul3A_225 : vector<16xf32>
        %add3A_227 = arith.constant 16 : i32
        %add3A_228 = arith.addi %add3A_227, %scan3A_180 : i32
        %get3A_229 = arith.index_cast %add3A_228 : i32 to index
        %get3A_230 = arith.constant 32 : index
        %get3A_231 = tpu.vector_load %arg10[%get3A_229, %get3A_230] {strides = array<i32>} : memref<352x128xf32, #tpu.memory_space<vmem>>, vector<1x16xf32>,
        %get3A_232 = vector.shape_cast %get3A_231 : vector<1x16xf32> to vector<16xf32>
        %mul3A_233 = arith.mulf %get3A_191, %get3A_232 : vector<16xf32>
        %add3A_234 = arith.addf %add3A_226, %mul3A_233 : vector<16xf32>
        %add3A_235 = arith.constant 16 : i32
        %add3A_236 = arith.addi %add3A_235, %scan3A_180 : i32
        %get3A_237 = arith.index_cast %add3A_236 : i32 to index
        %get3A_238 = arith.constant 48 : index
        %get3A_239 = tpu.vector_load %arg10[%get3A_237, %get3A_238] {strides = array<i32>} : memref<352x128xf32, #tpu.memory_space<vmem>>, vector<1x16xf32>,
        %get3A_240 = vector.shape_cast %get3A_239 : vector<1x16xf32> to vector<16xf32>
        %mul3A_241 = arith.mulf %get3A_195, %get3A_240 : vector<16xf32>
        %add3A_242 = arith.addf %add3A_234, %mul3A_241 : vector<16xf32>
        %add3A_243 = arith.constant 16 : i32
        %add3A_244 = arith.addi %add3A_243, %scan3A_180 : i32
        %get3A_245 = arith.index_cast %add3A_244 : i32 to index
        %get3A_246 = arith.constant 64 : index
        %get3A_247 = tpu.vector_load %arg10[%get3A_245, %get3A_246] {strides = array<i32>} : memref<352x128xf32, #tpu.memory_space<vmem>>, vector<1x16xf32>,
        %get3A_248 = vector.shape_cast %get3A_247 : vector<1x16xf32> to vector<16xf32>
        %mul3A_249 = arith.mulf %get3A_199, %get3A_248 : vector<16xf32>
        %add3A_250 = arith.addf %add3A_242, %mul3A_249 : vector<16xf32>
        %add3A_251 = arith.constant 16 : i32
        %add3A_252 = arith.addi %add3A_251, %scan3A_180 : i32
        %get3A_253 = arith.index_cast %add3A_252 : i32 to index
        %get3A_254 = arith.constant 80 : index
        %get3A_255 = tpu.vector_load %arg10[%get3A_253, %get3A_254] {strides = array<i32>} : memref<352x128xf32, #tpu.memory_space<vmem>>, vector<1x16xf32>,
        %get3A_256 = vector.shape_cast %get3A_255 : vector<1x16xf32> to vector<16xf32>
        %mul3A_257 = arith.mulf %get3A_203, %get3A_256 : vector<16xf32>
        %add3A_258 = arith.addf %add3A_250, %mul3A_257 : vector<16xf32>
        %add3A_259 = arith.constant 16 : i32
        %add3A_260 = arith.addi %add3A_259, %scan3A_180 : i32
        %get3A_261 = arith.index_cast %add3A_260 : i32 to index
        %get3A_262 = arith.constant 96 : index
        %get3A_263 = tpu.vector_load %arg10[%get3A_261, %get3A_262] {strides = array<i32>} : memref<352x128xf32, #tpu.memory_space<vmem>>, vector<1x16xf32>,
        %get3A_264 = vector.shape_cast %get3A_263 : vector<1x16xf32> to vector<16xf32>
        %mul3A_265 = arith.mulf %get3A_207, %get3A_264 : vector<16xf32>
        %add3A_266 = arith.addf %add3A_258, %mul3A_265 : vector<16xf32>
        %add3A_267 = arith.constant 16 : i32
        %add3A_268 = arith.addi %add3A_267, %scan3A_180 : i32
        %get3A_269 = arith.index_cast %add3A_268 : i32 to index
        %get3A_270 = arith.constant 112 : index
        %get3A_271 = tpu.vector_load %arg10[%get3A_269, %get3A_270] {strides = array<i32>} : memref<352x128xf32, #tpu.memory_space<vmem>>, vector<1x16xf32>,
        %get3A_272 = vector.shape_cast %get3A_271 : vector<1x16xf32> to vector<16xf32>
        %mul3A_273 = arith.mulf %get3A_211, %get3A_272 : vector<16xf32>
        %add3A_274 = arith.addf %add3A_266, %mul3A_273 : vector<16xf32>
        %neg3A = arith.constant 0.000000e+00 : f32
        %neg3A_275 = vector.broadcast %neg3A : f32 to vector<16xf32>
        %neg3A_276 = arith.subf %neg3A_275, %add3A_274 : vector<16xf32>
        %mul3A_277 = arith.constant 16 : i32
        %mul3A_278 = arith.muli %scan3A_180, %mul3A_277 : i32
        %swap3A = arith.index_cast %mul3A_278 : i32 to index
        %swap3A_279 = tpu.vector_load %arg13[%swap3A] {strides = array<i32>} : memref<256xf32, #tpu.memory_space<vmem>>, vector<16xf32>,
        %swap3A_280 = vector.shape_cast %swap3A_279 : vector<16xf32> to vector<16xf32>
        %swap3A_281 = vector.shape_cast %neg3A_276 : vector<16xf32> to vector<16xf32>
        tpu.vector_store %arg13[%swap3A], %swap3A_281 {strides = array<i32>} : memref<256xf32, #tpu.memory_space<vmem>>, vector<16xf32>,
        %mul3A_282 = arith.constant 20 : i32
        %mul3A_283 = arith.muli %scan3A_180, %mul3A_282 : i32
        %add3A_284 = arith.constant 32 : i32
        %add3A_285 = arith.addi %add3A_284, %mul3A_283 : i32
        %add3A_286 = arith.constant 0 : i32
        %add3A_287 = arith.addi %add3A_285, %add3A_286 : i32
        %get3A_288 = arith.index_cast %add3A_287 : i32 to index
        %get3A_289 = arith.constant 0 : index
        %get3A_290 = tpu.vector_load %arg10[%get3A_288, %get3A_289] {strides = array<i32>} : memref<352x128xf32, #tpu.memory_space<vmem>>, vector<1x16xf32>,
        %get3A_291 = vector.shape_cast %get3A_290 : vector<1x16xf32> to vector<16xf32>
        %mul3A_292 = arith.mulf %get3A_183, %get3A_291 : vector<16xf32>
        %get3A_293 = arith.index_cast %add3A_287 : i32 to index
        %get3A_294 = arith.constant 16 : index
        %get3A_295 = tpu.vector_load %arg10[%get3A_293, %get3A_294] {strides = array<i32>} : memref<352x128xf32, #tpu.memory_space<vmem>>, vector<1x16xf32>,
        %get3A_296 = vector.shape_cast %get3A_295 : vector<1x16xf32> to vector<16xf32>
        %mul3A_297 = arith.mulf %get3A_187, %get3A_296 : vector<16xf32>
        %add3A_298 = arith.addf %mul3A_292, %mul3A_297 : vector<16xf32>
        %get3A_299 = arith.index_cast %add3A_287 : i32 to index
        %get3A_300 = arith.constant 32 : index
        %get3A_301 = tpu.vector_load %arg10[%get3A_299, %get3A_300] {strides = array<i32>} : memref<352x128xf32, #tpu.memory_space<vmem>>, vector<1x16xf32>,
        %get3A_302 = vector.shape_cast %get3A_301 : vector<1x16xf32> to vector<16xf32>
        %mul3A_303 = arith.mulf %get3A_191, %get3A_302 : vector<16xf32>
        %add3A_304 = arith.addf %add3A_298, %mul3A_303 : vector<16xf32>
        %get3A_305 = arith.index_cast %add3A_287 : i32 to index
        %get3A_306 = arith.constant 48 : index
        %get3A_307 = tpu.vector_load %arg10[%get3A_305, %get3A_306] {strides = array<i32>} : memref<352x128xf32, #tpu.memory_space<vmem>>, vector<1x16xf32>,
        %get3A_308 = vector.shape_cast %get3A_307 : vector<1x16xf32> to vector<16xf32>
        %mul3A_309 = arith.mulf %get3A_195, %get3A_308 : vector<16xf32>
        %add3A_310 = arith.addf %add3A_304, %mul3A_309 : vector<16xf32>
        %get3A_311 = arith.index_cast %add3A_287 : i32 to index
        %get3A_312 = arith.constant 64 : index
        %get3A_313 = tpu.vector_load %arg10[%get3A_311, %get3A_312] {strides = array<i32>} : memref<352x128xf32, #tpu.memory_space<vmem>>, vector<1x16xf32>,
        %get3A_314 = vector.shape_cast %get3A_313 : vector<1x16xf32> to vector<16xf32>
        %mul3A_315 = arith.mulf %get3A_199, %get3A_314 : vector<16xf32>
        %add3A_316 = arith.addf %add3A_310, %mul3A_315 : vector<16xf32>
        %get3A_317 = arith.index_cast %add3A_287 : i32 to index
        %get3A_318 = arith.constant 80 : index
        %get3A_319 = tpu.vector_load %arg10[%get3A_317, %get3A_318] {strides = array<i32>} : memref<352x128xf32, #tpu.memory_space<vmem>>, vector<1x16xf32>,
        %get3A_320 = vector.shape_cast %get3A_319 : vector<1x16xf32> to vector<16xf32>
        %mul3A_321 = arith.mulf %get3A_203, %get3A_320 : vector<16xf32>
        %add3A_322 = arith.addf %add3A_316, %mul3A_321 : vector<16xf32>
        %get3A_323 = arith.index_cast %add3A_287 : i32 to index
        %get3A_324 = arith.constant 96 : index
        %get3A_325 = tpu.vector_load %arg10[%get3A_323, %get3A_324] {strides = array<i32>} : memref<352x128xf32, #tpu.memory_space<vmem>>, vector<1x16xf32>,
        %get3A_326 = vector.shape_cast %get3A_325 : vector<1x16xf32> to vector<16xf32>
        %mul3A_327 = arith.mulf %get3A_207, %get3A_326 : vector<16xf32>
        %add3A_328 = arith.addf %add3A_322, %mul3A_327 : vector<16xf32>
        %get3A_329 = arith.index_cast %add3A_287 : i32 to index
        %get3A_330 = arith.constant 112 : index
        %get3A_331 = tpu.vector_load %arg10[%get3A_329, %get3A_330] {strides = array<i32>} : memref<352x128xf32, #tpu.memory_space<vmem>>, vector<1x16xf32>,
        %get3A_332 = vector.shape_cast %get3A_331 : vector<1x16xf32> to vector<16xf32>
        %mul3A_333 = arith.mulf %get3A_211, %get3A_332 : vector<16xf32>
        %add3A_334 = arith.addf %add3A_328, %mul3A_333 : vector<16xf32>
        %mul3A_335 = arith.constant 20 : i32
        %mul3A_336 = arith.muli %scan3A_180, %mul3A_335 : i32
        %add3A_337 = arith.constant 0 : i32
        %add3A_338 = arith.addi %mul3A_336, %add3A_337 : i32
        %mul3A_339 = arith.constant 16 : i32
        %mul3A_340 = arith.muli %add3A_338, %mul3A_339 : i32
        %swap3A_341 = arith.index_cast %mul3A_340 : i32 to index
        %swap3A_342 = tpu.vector_load %arg14[%swap3A_341] {strides = array<i32>} : memref<5120xf32, #tpu.memory_space<vmem>>, vector<16xf32>,
        %swap3A_343 = vector.shape_cast %swap3A_342 : vector<16xf32> to vector<16xf32>
        %swap3A_344 = vector.shape_cast %add3A_334 : vector<16xf32> to vector<16xf32>
        tpu.vector_store %arg14[%swap3A_341], %swap3A_344 {strides = array<i32>} : memref<5120xf32, #tpu.memory_space<vmem>>, vector<16xf32>,
        %mul3A_345 = arith.constant 20 : i32
        %mul3A_346 = arith.muli %scan3A_180, %mul3A_345 : i32
        %add3A_347 = arith.constant 32 : i32
        %add3A_348 = arith.addi %add3A_347, %mul3A_346 : i32
        %add3A_349 = arith.constant 1 : i32
        %add3A_350 = arith.addi %add3A_348, %add3A_349 : i32
        %get3A_351 = arith.index_cast %add3A_350 : i32 to index
        %get3A_352 = arith.constant 0 : index
        %get3A_353 = tpu.vector_load %arg10[%get3A_351, %get3A_352] {strides = array<i32>} : memref<352x128xf32, #tpu.memory_space<vmem>>, vector<1x16xf32>,
        %get3A_354 = vector.shape_cast %get3A_353 : vector<1x16xf32> to vector<16xf32>
        %mul3A_355 = arith.mulf %get3A_183, %get3A_354 : vector<16xf32>
        %get3A_356 = arith.index_cast %add3A_350 : i32 to index
        %get3A_357 = arith.constant 16 : index
        %get3A_358 = tpu.vector_load %arg10[%get3A_356, %get3A_357] {strides = array<i32>} : memref<352x128xf32, #tpu.memory_space<vmem>>, vector<1x16xf32>,
        %get3A_359 = vector.shape_cast %get3A_358 : vector<1x16xf32> to vector<16xf32>
        %mul3A_360 = arith.mulf %get3A_187, %get3A_359 : vector<16xf32>
        %add3A_361 = arith.addf %mul3A_355, %mul3A_360 : vector<16xf32>
        %get3A_362 = arith.index_cast %add3A_350 : i32 to index
        %get3A_363 = arith.constant 32 : index
        %get3A_364 = tpu.vector_load %arg10[%get3A_362, %get3A_363] {strides = array<i32>} : memref<352x128xf32, #tpu.memory_space<vmem>>, vector<1x16xf32>,
        %get3A_365 = vector.shape_cast %get3A_364 : vector<1x16xf32> to vector<16xf32>
        %mul3A_366 = arith.mulf %get3A_191, %get3A_365 : vector<16xf32>
        %add3A_367 = arith.addf %add3A_361, %mul3A_366 : vector<16xf32>
        %get3A_368 = arith.index_cast %add3A_350 : i32 to index
        %get3A_369 = arith.constant 48 : index
        %get3A_370 = tpu.vector_load %arg10[%get3A_368, %get3A_369] {strides = array<i32>} : memref<352x128xf32, #tpu.memory_space<vmem>>, vector<1x16xf32>,
        %get3A_371 = vector.shape_cast %get3A_370 : vector<1x16xf32> to vector<16xf32>
        %mul3A_372 = arith.mulf %get3A_195, %get3A_371 : vector<16xf32>
        %add3A_373 = arith.addf %add3A_367, %mul3A_372 : vector<16xf32>
        %get3A_374 = arith.index_cast %add3A_350 : i32 to index
        %get3A_375 = arith.constant 64 : index
        %get3A_376 = tpu.vector_load %arg10[%get3A_374, %get3A_375] {strides = array<i32>} : memref<352x128xf32, #tpu.memory_space<vmem>>, vector<1x16xf32>,
        %get3A_377 = vector.shape_cast %get3A_376 : vector<1x16xf32> to vector<16xf32>
        %mul3A_378 = arith.mulf %get3A_199, %get3A_377 : vector<16xf32>
        %add3A_379 = arith.addf %add3A_373, %mul3A_378 : vector<16xf32>
        %get3A_380 = arith.index_cast %add3A_350 : i32 to index
        %get3A_381 = arith.constant 80 : index
        %get3A_382 = tpu.vector_load %arg10[%get3A_380, %get3A_381] {strides = array<i32>} : memref<352x128xf32, #tpu.memory_space<vmem>>, vector<1x16xf32>,
        %get3A_383 = vector.shape_cast %get3A_382 : vector<1x16xf32> to vector<16xf32>
        %mul3A_384 = arith.mulf %get3A_203, %get3A_383 : vector<16xf32>
        %add3A_385 = arith.addf %add3A_379, %mul3A_384 : vector<16xf32>
        %get3A_386 = arith.index_cast %add3A_350 : i32 to index
        %get3A_387 = arith.constant 96 : index
        %get3A_388 = tpu.vector_load %arg10[%get3A_386, %get3A_387] {strides = array<i32>} : memref<352x128xf32, #tpu.memory_space<vmem>>, vector<1x16xf32>,
        %get3A_389 = vector.shape_cast %get3A_388 : vector<1x16xf32> to vector<16xf32>
        %mul3A_390 = arith.mulf %get3A_207, %get3A_389 : vector<16xf32>
        %add3A_391 = arith.addf %add3A_385, %mul3A_390 : vector<16xf32>
        %get3A_392 = arith.index_cast %add3A_350 : i32 to index
        %get3A_393 = arith.constant 112 : index
        %get3A_394 = tpu.vector_load %arg10[%get3A_392, %get3A_393] {strides = array<i32>} : memref<352x128xf32, #tpu.memory_space<vmem>>, vector<1x16xf32>,
        %get3A_395 = vector.shape_cast %get3A_394 : vector<1x16xf32> to vector<16xf32>
        %mul3A_396 = arith.mulf %get3A_211, %get3A_395 : vector<16xf32>
        %add3A_397 = arith.addf %add3A_391, %mul3A_396 : vector<16xf32>
        %mul3A_398 = arith.constant 20 : i32
        %mul3A_399 = arith.muli %scan3A_180, %mul3A_398 : i32
        %add3A_400 = arith.constant 1 : i32
        %add3A_401 = arith.addi %mul3A_399, %add3A_400 : i32
        %mul3A_402 = arith.constant 16 : i32
        %mul3A_403 = arith.muli %add3A_401, %mul3A_402 : i32
        %swap3A_404 = arith.index_cast %mul3A_403 : i32 to index
        %swap3A_405 = tpu.vector_load %arg14[%swap3A_404] {strides = array<i32>} : memref<5120xf32, #tpu.memory_space<vmem>>, vector<16xf32>,
        %swap3A_406 = vector.shape_cast %swap3A_405 : vector<16xf32> to vector<16xf32>
        %swap3A_407 = vector.shape_cast %add3A_397 : vector<16xf32> to vector<16xf32>
        tpu.vector_store %arg14[%swap3A_404], %swap3A_407 {strides = array<i32>} : memref<5120xf32, #tpu.memory_space<vmem>>, vector<16xf32>,
        %mul3A_408 = arith.constant 20 : i32
        %mul3A_409 = arith.muli %scan3A_180, %mul3A_408 : i32
        %add3A_410 = arith.constant 32 : i32
        %add3A_411 = arith.addi %add3A_410, %mul3A_409 : i32
        %add3A_412 = arith.constant 2 : i32
        %add3A_413 = arith.addi %add3A_411, %add3A_412 : i32
        %get3A_414 = arith.index_cast %add3A_413 : i32 to index
        %get3A_415 = arith.constant 0 : index
        %get3A_416 = tpu.vector_load %arg10[%get3A_414, %get3A_415] {strides = array<i32>} : memref<352x128xf32, #tpu.memory_space<vmem>>, vector<1x16xf32>,
        %get3A_417 = vector.shape_cast %get3A_416 : vector<1x16xf32> to vector<16xf32>
        %mul3A_418 = arith.mulf %get3A_183, %get3A_417 : vector<16xf32>
        %get3A_419 = arith.index_cast %add3A_413 : i32 to index
        %get3A_420 = arith.constant 16 : index
        %get3A_421 = tpu.vector_load %arg10[%get3A_419, %get3A_420] {strides = array<i32>} : memref<352x128xf32, #tpu.memory_space<vmem>>, vector<1x16xf32>,
        %get3A_422 = vector.shape_cast %get3A_421 : vector<1x16xf32> to vector<16xf32>
        %mul3A_423 = arith.mulf %get3A_187, %get3A_422 : vector<16xf32>
        %add3A_424 = arith.addf %mul3A_418, %mul3A_423 : vector<16xf32>
        %get3A_425 = arith.index_cast %add3A_413 : i32 to index
        %get3A_426 = arith.constant 32 : index
        %get3A_427 = tpu.vector_load %arg10[%get3A_425, %get3A_426] {strides = array<i32>} : memref<352x128xf32, #tpu.memory_space<vmem>>, vector<1x16xf32>,
        %get3A_428 = vector.shape_cast %get3A_427 : vector<1x16xf32> to vector<16xf32>
        %mul3A_429 = arith.mulf %get3A_191, %get3A_428 : vector<16xf32>
        %add3A_430 = arith.addf %add3A_424, %mul3A_429 : vector<16xf32>
        %get3A_431 = arith.index_cast %add3A_413 : i32 to index
        %get3A_432 = arith.constant 48 : index
        %get3A_433 = tpu.vector_load %arg10[%get3A_431, %get3A_432] {strides = array<i32>} : memref<352x128xf32, #tpu.memory_space<vmem>>, vector<1x16xf32>,
        %get3A_434 = vector.shape_cast %get3A_433 : vector<1x16xf32> to vector<16xf32>
        %mul3A_435 = arith.mulf %get3A_195, %get3A_434 : vector<16xf32>
        %add3A_436 = arith.addf %add3A_430, %mul3A_435 : vector<16xf32>
        %get3A_437 = arith.index_cast %add3A_413 : i32 to index
        %get3A_438 = arith.constant 64 : index
        %get3A_439 = tpu.vector_load %arg10[%get3A_437, %get3A_438] {strides = array<i32>} : memref<352x128xf32, #tpu.memory_space<vmem>>, vector<1x16xf32>,
        %get3A_440 = vector.shape_cast %get3A_439 : vector<1x16xf32> to vector<16xf32>
        %mul3A_441 = arith.mulf %get3A_199, %get3A_440 : vector<16xf32>
        %add3A_442 = arith.addf %add3A_436, %mul3A_441 : vector<16xf32>
        %get3A_443 = arith.index_cast %add3A_413 : i32 to index
        %get3A_444 = arith.constant 80 : index
        %get3A_445 = tpu.vector_load %arg10[%get3A_443, %get3A_444] {strides = array<i32>} : memref<352x128xf32, #tpu.memory_space<vmem>>, vector<1x16xf32>,
        %get3A_446 = vector.shape_cast %get3A_445 : vector<1x16xf32> to vector<16xf32>
        %mul3A_447 = arith.mulf %get3A_203, %get3A_446 : vector<16xf32>
        %add3A_448 = arith.addf %add3A_442, %mul3A_447 : vector<16xf32>
        %get3A_449 = arith.index_cast %add3A_413 : i32 to index
        %get3A_450 = arith.constant 96 : index
        %get3A_451 = tpu.vector_load %arg10[%get3A_449, %get3A_450] {strides = array<i32>} : memref<352x128xf32, #tpu.memory_space<vmem>>, vector<1x16xf32>,
        %get3A_452 = vector.shape_cast %get3A_451 : vector<1x16xf32> to vector<16xf32>
        %mul3A_453 = arith.mulf %get3A_207, %get3A_452 : vector<16xf32>
        %add3A_454 = arith.addf %add3A_448, %mul3A_453 : vector<16xf32>
        %get3A_455 = arith.index_cast %add3A_413 : i32 to index
        %get3A_456 = arith.constant 112 : index
        %get3A_457 = tpu.vector_load %arg10[%get3A_455, %get3A_456] {strides = array<i32>} : memref<352x128xf32, #tpu.memory_space<vmem>>, vector<1x16xf32>,
        %get3A_458 = vector.shape_cast %get3A_457 : vector<1x16xf32> to vector<16xf32>
        %mul3A_459 = arith.mulf %get3A_211, %get3A_458 : vector<16xf32>
        %add3A_460 = arith.addf %add3A_454, %mul3A_459 : vector<16xf32>
        %mul3A_461 = arith.constant 20 : i32
        %mul3A_462 = arith.muli %scan3A_180, %mul3A_461 : i32
        %add3A_463 = arith.constant 2 : i32
        %add3A_464 = arith.addi %mul3A_462, %add3A_463 : i32
        %mul3A_465 = arith.constant 16 : i32
        %mul3A_466 = arith.muli %add3A_464, %mul3A_465 : i32
        %swap3A_467 = arith.index_cast %mul3A_466 : i32 to index
        %swap3A_468 = tpu.vector_load %arg14[%swap3A_467] {strides = array<i32>} : memref<5120xf32, #tpu.memory_space<vmem>>, vector<16xf32>,
        %swap3A_469 = vector.shape_cast %swap3A_468 : vector<16xf32> to vector<16xf32>
        %swap3A_470 = vector.shape_cast %add3A_460 : vector<16xf32> to vector<16xf32>
        tpu.vector_store %arg14[%swap3A_467], %swap3A_470 {strides = array<i32>} : memref<5120xf32, #tpu.memory_space<vmem>>, vector<16xf32>,
        %mul3A_471 = arith.constant 20 : i32
        %mul3A_472 = arith.muli %scan3A_180, %mul3A_471 : i32
        %add3A_473 = arith.constant 32 : i32
        %add3A_474 = arith.addi %add3A_473, %mul3A_472 : i32
        %add3A_475 = arith.constant 3 : i32
        %add3A_476 = arith.addi %add3A_474, %add3A_475 : i32
        %get3A_477 = arith.index_cast %add3A_476 : i32 to index
        %get3A_478 = arith.constant 0 : index
        %get3A_479 = tpu.vector_load %arg10[%get3A_477, %get3A_478] {strides = array<i32>} : memref<352x128xf32, #tpu.memory_space<vmem>>, vector<1x16xf32>,
        %get3A_480 = vector.shape_cast %get3A_479 : vector<1x16xf32> to vector<16xf32>
        %mul3A_481 = arith.mulf %get3A_183, %get3A_480 : vector<16xf32>
        %get3A_482 = arith.index_cast %add3A_476 : i32 to index
        %get3A_483 = arith.constant 16 : index
        %get3A_484 = tpu.vector_load %arg10[%get3A_482, %get3A_483] {strides = array<i32>} : memref<352x128xf32, #tpu.memory_space<vmem>>, vector<1x16xf32>,
        %get3A_485 = vector.shape_cast %get3A_484 : vector<1x16xf32> to vector<16xf32>
        %mul3A_486 = arith.mulf %get3A_187, %get3A_485 : vector<16xf32>
        %add3A_487 = arith.addf %mul3A_481, %mul3A_486 : vector<16xf32>
        %get3A_488 = arith.index_cast %add3A_476 : i32 to index
        %get3A_489 = arith.constant 32 : index
        %get3A_490 = tpu.vector_load %arg10[%get3A_488, %get3A_489] {strides = array<i32>} : memref<352x128xf32, #tpu.memory_space<vmem>>, vector<1x16xf32>,
        %get3A_491 = vector.shape_cast %get3A_490 : vector<1x16xf32> to vector<16xf32>
        %mul3A_492 = arith.mulf %get3A_191, %get3A_491 : vector<16xf32>
        %add3A_493 = arith.addf %add3A_487, %mul3A_492 : vector<16xf32>
        %get3A_494 = arith.index_cast %add3A_476 : i32 to index
        %get3A_495 = arith.constant 48 : index
        %get3A_496 = tpu.vector_load %arg10[%get3A_494, %get3A_495] {strides = array<i32>} : memref<352x128xf32, #tpu.memory_space<vmem>>, vector<1x16xf32>,
        %get3A_497 = vector.shape_cast %get3A_496 : vector<1x16xf32> to vector<16xf32>
        %mul3A_498 = arith.mulf %get3A_195, %get3A_497 : vector<16xf32>
        %add3A_499 = arith.addf %add3A_493, %mul3A_498 : vector<16xf32>
        %get3A_500 = arith.index_cast %add3A_476 : i32 to index
        %get3A_501 = arith.constant 64 : index
        %get3A_502 = tpu.vector_load %arg10[%get3A_500, %get3A_501] {strides = array<i32>} : memref<352x128xf32, #tpu.memory_space<vmem>>, vector<1x16xf32>,
        %get3A_503 = vector.shape_cast %get3A_502 : vector<1x16xf32> to vector<16xf32>
        %mul3A_504 = arith.mulf %get3A_199, %get3A_503 : vector<16xf32>
        %add3A_505 = arith.addf %add3A_499, %mul3A_504 : vector<16xf32>
        %get3A_506 = arith.index_cast %add3A_476 : i32 to index
        %get3A_507 = arith.constant 80 : index
        %get3A_508 = tpu.vector_load %arg10[%get3A_506, %get3A_507] {strides = array<i32>} : memref<352x128xf32, #tpu.memory_space<vmem>>, vector<1x16xf32>,
        %get3A_509 = vector.shape_cast %get3A_508 : vector<1x16xf32> to vector<16xf32>
        %mul3A_510 = arith.mulf %get3A_203, %get3A_509 : vector<16xf32>
        %add3A_511 = arith.addf %add3A_505, %mul3A_510 : vector<16xf32>
        %get3A_512 = arith.index_cast %add3A_476 : i32 to index
        %get3A_513 = arith.constant 96 : index
        %get3A_514 = tpu.vector_load %arg10[%get3A_512, %get3A_513] {strides = array<i32>} : memref<352x128xf32, #tpu.memory_space<vmem>>, vector<1x16xf32>,
        %get3A_515 = vector.shape_cast %get3A_514 : vector<1x16xf32> to vector<16xf32>
        %mul3A_516 = arith.mulf %get3A_207, %get3A_515 : vector<16xf32>
        %add3A_517 = arith.addf %add3A_511, %mul3A_516 : vector<16xf32>
        %get3A_518 = arith.index_cast %add3A_476 : i32 to index
        %get3A_519 = arith.constant 112 : index
        %get3A_520 = tpu.vector_load %arg10[%get3A_518, %get3A_519] {strides = array<i32>} : memref<352x128xf32, #tpu.memory_space<vmem>>, vector<1x16xf32>,
        %get3A_521 = vector.shape_cast %get3A_520 : vector<1x16xf32> to vector<16xf32>
        %mul3A_522 = arith.mulf %get3A_211, %get3A_521 : vector<16xf32>
        %add3A_523 = arith.addf %add3A_517, %mul3A_522 : vector<16xf32>
        %mul3A_524 = arith.constant 20 : i32
        %mul3A_525 = arith.muli %scan3A_180, %mul3A_524 : i32
        %add3A_526 = arith.constant 3 : i32
        %add3A_527 = arith.addi %mul3A_525, %add3A_526 : i32
        %mul3A_528 = arith.constant 16 : i32
        %mul3A_529 = arith.muli %add3A_527, %mul3A_528 : i32
        %swap3A_530 = arith.index_cast %mul3A_529 : i32 to index
        %swap3A_531 = tpu.vector_load %arg14[%swap3A_530] {strides = array<i32>} : memref<5120xf32, #tpu.memory_space<vmem>>, vector<16xf32>,
        %swap3A_532 = vector.shape_cast %swap3A_531 : vector<16xf32> to vector<16xf32>
        %swap3A_533 = vector.shape_cast %add3A_523 : vector<16xf32> to vector<16xf32>
        tpu.vector_store %arg14[%swap3A_530], %swap3A_533 {strides = array<i32>} : memref<5120xf32, #tpu.memory_space<vmem>>, vector<16xf32>,
        %mul3A_534 = arith.constant 20 : i32
        %mul3A_535 = arith.muli %scan3A_180, %mul3A_534 : i32
        %add3A_536 = arith.constant 32 : i32
        %add3A_537 = arith.addi %add3A_536, %mul3A_535 : i32
        %add3A_538 = arith.constant 4 : i32
        %add3A_539 = arith.addi %add3A_537, %add3A_538 : i32
        %get3A_540 = arith.index_cast %add3A_539 : i32 to index
        %get3A_541 = arith.constant 0 : index
        %get3A_542 = tpu.vector_load %arg10[%get3A_540, %get3A_541] {strides = array<i32>} : memref<352x128xf32, #tpu.memory_space<vmem>>, vector<1x16xf32>,
        %get3A_543 = vector.shape_cast %get3A_542 : vector<1x16xf32> to vector<16xf32>
        %mul3A_544 = arith.mulf %get3A_183, %get3A_543 : vector<16xf32>
        %get3A_545 = arith.index_cast %add3A_539 : i32 to index
        %get3A_546 = arith.constant 16 : index
        %get3A_547 = tpu.vector_load %arg10[%get3A_545, %get3A_546] {strides = array<i32>} : memref<352x128xf32, #tpu.memory_space<vmem>>, vector<1x16xf32>,
        %get3A_548 = vector.shape_cast %get3A_547 : vector<1x16xf32> to vector<16xf32>
        %mul3A_549 = arith.mulf %get3A_187, %get3A_548 : vector<16xf32>
        %add3A_550 = arith.addf %mul3A_544, %mul3A_549 : vector<16xf32>
        %get3A_551 = arith.index_cast %add3A_539 : i32 to index
        %get3A_552 = arith.constant 32 : index
        %get3A_553 = tpu.vector_load %arg10[%get3A_551, %get3A_552] {strides = array<i32>} : memref<352x128xf32, #tpu.memory_space<vmem>>, vector<1x16xf32>,
        %get3A_554 = vector.shape_cast %get3A_553 : vector<1x16xf32> to vector<16xf32>
        %mul3A_555 = arith.mulf %get3A_191, %get3A_554 : vector<16xf32>
        %add3A_556 = arith.addf %add3A_550, %mul3A_555 : vector<16xf32>
        %get3A_557 = arith.index_cast %add3A_539 : i32 to index
        %get3A_558 = arith.constant 48 : index
        %get3A_559 = tpu.vector_load %arg10[%get3A_557, %get3A_558] {strides = array<i32>} : memref<352x128xf32, #tpu.memory_space<vmem>>, vector<1x16xf32>,
        %get3A_560 = vector.shape_cast %get3A_559 : vector<1x16xf32> to vector<16xf32>
        %mul3A_561 = arith.mulf %get3A_195, %get3A_560 : vector<16xf32>
        %add3A_562 = arith.addf %add3A_556, %mul3A_561 : vector<16xf32>
        %get3A_563 = arith.index_cast %add3A_539 : i32 to index
        %get3A_564 = arith.constant 64 : index
        %get3A_565 = tpu.vector_load %arg10[%get3A_563, %get3A_564] {strides = array<i32>} : memref<352x128xf32, #tpu.memory_space<vmem>>, vector<1x16xf32>,
        %get3A_566 = vector.shape_cast %get3A_565 : vector<1x16xf32> to vector<16xf32>
        %mul3A_567 = arith.mulf %get3A_199, %get3A_566 : vector<16xf32>
        %add3A_568 = arith.addf %add3A_562, %mul3A_567 : vector<16xf32>
        %get3A_569 = arith.index_cast %add3A_539 : i32 to index
        %get3A_570 = arith.constant 80 : index
        %get3A_571 = tpu.vector_load %arg10[%get3A_569, %get3A_570] {strides = array<i32>} : memref<352x128xf32, #tpu.memory_space<vmem>>, vector<1x16xf32>,
        %get3A_572 = vector.shape_cast %get3A_571 : vector<1x16xf32> to vector<16xf32>
        %mul3A_573 = arith.mulf %get3A_203, %get3A_572 : vector<16xf32>
        %add3A_574 = arith.addf %add3A_568, %mul3A_573 : vector<16xf32>
        %get3A_575 = arith.index_cast %add3A_539 : i32 to index
        %get3A_576 = arith.constant 96 : index
        %get3A_577 = tpu.vector_load %arg10[%get3A_575, %get3A_576] {strides = array<i32>} : memref<352x128xf32, #tpu.memory_space<vmem>>, vector<1x16xf32>,
        %get3A_578 = vector.shape_cast %get3A_577 : vector<1x16xf32> to vector<16xf32>
        %mul3A_579 = arith.mulf %get3A_207, %get3A_578 : vector<16xf32>
        %add3A_580 = arith.addf %add3A_574, %mul3A_579 : vector<16xf32>
        %get3A_581 = arith.index_cast %add3A_539 : i32 to index
        %get3A_582 = arith.constant 112 : index
        %get3A_583 = tpu.vector_load %arg10[%get3A_581, %get3A_582] {strides = array<i32>} : memref<352x128xf32, #tpu.memory_space<vmem>>, vector<1x16xf32>,
        %get3A_584 = vector.shape_cast %get3A_583 : vector<1x16xf32> to vector<16xf32>
        %mul3A_585 = arith.mulf %get3A_211, %get3A_584 : vector<16xf32>
        %add3A_586 = arith.addf %add3A_580, %mul3A_585 : vector<16xf32>
        %mul3A_587 = arith.constant 20 : i32
        %mul3A_588 = arith.muli %scan3A_180, %mul3A_587 : i32
        %add3A_589 = arith.constant 4 : i32
        %add3A_590 = arith.addi %mul3A_588, %add3A_589 : i32
        %mul3A_591 = arith.constant 16 : i32
        %mul3A_592 = arith.muli %add3A_590, %mul3A_591 : i32
        %swap3A_593 = arith.index_cast %mul3A_592 : i32 to index
        %swap3A_594 = tpu.vector_load %arg14[%swap3A_593] {strides = array<i32>} : memref<5120xf32, #tpu.memory_space<vmem>>, vector<16xf32>,
        %swap3A_595 = vector.shape_cast %swap3A_594 : vector<16xf32> to vector<16xf32>
        %swap3A_596 = vector.shape_cast %add3A_586 : vector<16xf32> to vector<16xf32>
        tpu.vector_store %arg14[%swap3A_593], %swap3A_596 {strides = array<i32>} : memref<5120xf32, #tpu.memory_space<vmem>>, vector<16xf32>,
        %mul3A_597 = arith.constant 20 : i32
        %mul3A_598 = arith.muli %scan3A_180, %mul3A_597 : i32
        %add3A_599 = arith.constant 32 : i32
        %add3A_600 = arith.addi %add3A_599, %mul3A_598 : i32
        %add3A_601 = arith.constant 5 : i32
        %add3A_602 = arith.addi %add3A_600, %add3A_601 : i32
        %get3A_603 = arith.index_cast %add3A_602 : i32 to index
        %get3A_604 = arith.constant 0 : index
        %get3A_605 = tpu.vector_load %arg10[%get3A_603, %get3A_604] {strides = array<i32>} : memref<352x128xf32, #tpu.memory_space<vmem>>, vector<1x16xf32>,
        %get3A_606 = vector.shape_cast %get3A_605 : vector<1x16xf32> to vector<16xf32>
        %mul3A_607 = arith.mulf %get3A_183, %get3A_606 : vector<16xf32>
        %get3A_608 = arith.index_cast %add3A_602 : i32 to index
        %get3A_609 = arith.constant 16 : index
        %get3A_610 = tpu.vector_load %arg10[%get3A_608, %get3A_609] {strides = array<i32>} : memref<352x128xf32, #tpu.memory_space<vmem>>, vector<1x16xf32>,
        %get3A_611 = vector.shape_cast %get3A_610 : vector<1x16xf32> to vector<16xf32>
        %mul3A_612 = arith.mulf %get3A_187, %get3A_611 : vector<16xf32>
        %add3A_613 = arith.addf %mul3A_607, %mul3A_612 : vector<16xf32>
        %get3A_614 = arith.index_cast %add3A_602 : i32 to index
        %get3A_615 = arith.constant 32 : index
        %get3A_616 = tpu.vector_load %arg10[%get3A_614, %get3A_615] {strides = array<i32>} : memref<352x128xf32, #tpu.memory_space<vmem>>, vector<1x16xf32>,
        %get3A_617 = vector.shape_cast %get3A_616 : vector<1x16xf32> to vector<16xf32>
        %mul3A_618 = arith.mulf %get3A_191, %get3A_617 : vector<16xf32>
        %add3A_619 = arith.addf %add3A_613, %mul3A_618 : vector<16xf32>
        %get3A_620 = arith.index_cast %add3A_602 : i32 to index
        %get3A_621 = arith.constant 48 : index
        %get3A_622 = tpu.vector_load %arg10[%get3A_620, %get3A_621] {strides = array<i32>} : memref<352x128xf32, #tpu.memory_space<vmem>>, vector<1x16xf32>,
        %get3A_623 = vector.shape_cast %get3A_622 : vector<1x16xf32> to vector<16xf32>
        %mul3A_624 = arith.mulf %get3A_195, %get3A_623 : vector<16xf32>
        %add3A_625 = arith.addf %add3A_619, %mul3A_624 : vector<16xf32>
        %get3A_626 = arith.index_cast %add3A_602 : i32 to index
        %get3A_627 = arith.constant 64 : index
        %get3A_628 = tpu.vector_load %arg10[%get3A_626, %get3A_627] {strides = array<i32>} : memref<352x128xf32, #tpu.memory_space<vmem>>, vector<1x16xf32>,
        %get3A_629 = vector.shape_cast %get3A_628 : vector<1x16xf32> to vector<16xf32>
        %mul3A_630 = arith.mulf %get3A_199, %get3A_629 : vector<16xf32>
        %add3A_631 = arith.addf %add3A_625, %mul3A_630 : vector<16xf32>
        %get3A_632 = arith.index_cast %add3A_602 : i32 to index
        %get3A_633 = arith.constant 80 : index
        %get3A_634 = tpu.vector_load %arg10[%get3A_632, %get3A_633] {strides = array<i32>} : memref<352x128xf32, #tpu.memory_space<vmem>>, vector<1x16xf32>,
        %get3A_635 = vector.shape_cast %get3A_634 : vector<1x16xf32> to vector<16xf32>
        %mul3A_636 = arith.mulf %get3A_203, %get3A_635 : vector<16xf32>
        %add3A_637 = arith.addf %add3A_631, %mul3A_636 : vector<16xf32>
        %get3A_638 = arith.index_cast %add3A_602 : i32 to index
        %get3A_639 = arith.constant 96 : index
        %get3A_640 = tpu.vector_load %arg10[%get3A_638, %get3A_639] {strides = array<i32>} : memref<352x128xf32, #tpu.memory_space<vmem>>, vector<1x16xf32>,
        %get3A_641 = vector.shape_cast %get3A_640 : vector<1x16xf32> to vector<16xf32>
        %mul3A_642 = arith.mulf %get3A_207, %get3A_641 : vector<16xf32>
        %add3A_643 = arith.addf %add3A_637, %mul3A_642 : vector<16xf32>
        %get3A_644 = arith.index_cast %add3A_602 : i32 to index
        %get3A_645 = arith.constant 112 : index
        %get3A_646 = tpu.vector_load %arg10[%get3A_644, %get3A_645] {strides = array<i32>} : memref<352x128xf32, #tpu.memory_space<vmem>>, vector<1x16xf32>,
        %get3A_647 = vector.shape_cast %get3A_646 : vector<1x16xf32> to vector<16xf32>
        %mul3A_648 = arith.mulf %get3A_211, %get3A_647 : vector<16xf32>
        %add3A_649 = arith.addf %add3A_643, %mul3A_648 : vector<16xf32>
        %mul3A_650 = arith.constant 20 : i32
        %mul3A_651 = arith.muli %scan3A_180, %mul3A_650 : i32
        %add3A_652 = arith.constant 5 : i32
        %add3A_653 = arith.addi %mul3A_651, %add3A_652 : i32
        %mul3A_654 = arith.constant 16 : i32
        %mul3A_655 = arith.muli %add3A_653, %mul3A_654 : i32
        %swap3A_656 = arith.index_cast %mul3A_655 : i32 to index
        %swap3A_657 = tpu.vector_load %arg14[%swap3A_656] {strides = array<i32>} : memref<5120xf32, #tpu.memory_space<vmem>>, vector<16xf32>,
        %swap3A_658 = vector.shape_cast %swap3A_657 : vector<16xf32> to vector<16xf32>
        %swap3A_659 = vector.shape_cast %add3A_649 : vector<16xf32> to vector<16xf32>
        tpu.vector_store %arg14[%swap3A_656], %swap3A_659 {strides = array<i32>} : memref<5120xf32, #tpu.memory_space<vmem>>, vector<16xf32>,
        %mul3A_660 = arith.constant 20 : i32
        %mul3A_661 = arith.muli %scan3A_180, %mul3A_660 : i32
        %add3A_662 = arith.constant 32 : i32
        %add3A_663 = arith.addi %add3A_662, %mul3A_661 : i32
        %add3A_664 = arith.constant 6 : i32
        %add3A_665 = arith.addi %add3A_663, %add3A_664 : i32
        %get3A_666 = arith.index_cast %add3A_665 : i32 to index
        %get3A_667 = arith.constant 0 : index
        %get3A_668 = tpu.vector_load %arg10[%get3A_666, %get3A_667] {strides = array<i32>} : memref<352x128xf32, #tpu.memory_space<vmem>>, vector<1x16xf32>,
        %get3A_669 = vector.shape_cast %get3A_668 : vector<1x16xf32> to vector<16xf32>
        %mul3A_670 = arith.mulf %get3A_183, %get3A_669 : vector<16xf32>
        %get3A_671 = arith.index_cast %add3A_665 : i32 to index
        %get3A_672 = arith.constant 16 : index
        %get3A_673 = tpu.vector_load %arg10[%get3A_671, %get3A_672] {strides = array<i32>} : memref<352x128xf32, #tpu.memory_space<vmem>>, vector<1x16xf32>,
        %get3A_674 = vector.shape_cast %get3A_673 : vector<1x16xf32> to vector<16xf32>
        %mul3A_675 = arith.mulf %get3A_187, %get3A_674 : vector<16xf32>
        %add3A_676 = arith.addf %mul3A_670, %mul3A_675 : vector<16xf32>
        %get3A_677 = arith.index_cast %add3A_665 : i32 to index
        %get3A_678 = arith.constant 32 : index
        %get3A_679 = tpu.vector_load %arg10[%get3A_677, %get3A_678] {strides = array<i32>} : memref<352x128xf32, #tpu.memory_space<vmem>>, vector<1x16xf32>,
        %get3A_680 = vector.shape_cast %get3A_679 : vector<1x16xf32> to vector<16xf32>
        %mul3A_681 = arith.mulf %get3A_191, %get3A_680 : vector<16xf32>
        %add3A_682 = arith.addf %add3A_676, %mul3A_681 : vector<16xf32>
        %get3A_683 = arith.index_cast %add3A_665 : i32 to index
        %get3A_684 = arith.constant 48 : index
        %get3A_685 = tpu.vector_load %arg10[%get3A_683, %get3A_684] {strides = array<i32>} : memref<352x128xf32, #tpu.memory_space<vmem>>, vector<1x16xf32>,
        %get3A_686 = vector.shape_cast %get3A_685 : vector<1x16xf32> to vector<16xf32>
        %mul3A_687 = arith.mulf %get3A_195, %get3A_686 : vector<16xf32>
        %add3A_688 = arith.addf %add3A_682, %mul3A_687 : vector<16xf32>
        %get3A_689 = arith.index_cast %add3A_665 : i32 to index
        %get3A_690 = arith.constant 64 : index
        %get3A_691 = tpu.vector_load %arg10[%get3A_689, %get3A_690] {strides = array<i32>} : memref<352x128xf32, #tpu.memory_space<vmem>>, vector<1x16xf32>,
        %get3A_692 = vector.shape_cast %get3A_691 : vector<1x16xf32> to vector<16xf32>
        %mul3A_693 = arith.mulf %get3A_199, %get3A_692 : vector<16xf32>
        %add3A_694 = arith.addf %add3A_688, %mul3A_693 : vector<16xf32>
        %get3A_695 = arith.index_cast %add3A_665 : i32 to index
        %get3A_696 = arith.constant 80 : index
        %get3A_697 = tpu.vector_load %arg10[%get3A_695, %get3A_696] {strides = array<i32>} : memref<352x128xf32, #tpu.memory_space<vmem>>, vector<1x16xf32>,
        %get3A_698 = vector.shape_cast %get3A_697 : vector<1x16xf32> to vector<16xf32>
        %mul3A_699 = arith.mulf %get3A_203, %get3A_698 : vector<16xf32>
        %add3A_700 = arith.addf %add3A_694, %mul3A_699 : vector<16xf32>
        %get3A_701 = arith.index_cast %add3A_665 : i32 to index
        %get3A_702 = arith.constant 96 : index
        %get3A_703 = tpu.vector_load %arg10[%get3A_701, %get3A_702] {strides = array<i32>} : memref<352x128xf32, #tpu.memory_space<vmem>>, vector<1x16xf32>,
        %get3A_704 = vector.shape_cast %get3A_703 : vector<1x16xf32> to vector<16xf32>
        %mul3A_705 = arith.mulf %get3A_207, %get3A_704 : vector<16xf32>
        %add3A_706 = arith.addf %add3A_700, %mul3A_705 : vector<16xf32>
        %get3A_707 = arith.index_cast %add3A_665 : i32 to index
        %get3A_708 = arith.constant 112 : index
        %get3A_709 = tpu.vector_load %arg10[%get3A_707, %get3A_708] {strides = array<i32>} : memref<352x128xf32, #tpu.memory_space<vmem>>, vector<1x16xf32>,
        %get3A_710 = vector.shape_cast %get3A_709 : vector<1x16xf32> to vector<16xf32>
        %mul3A_711 = arith.mulf %get3A_211, %get3A_710 : vector<16xf32>
        %add3A_712 = arith.addf %add3A_706, %mul3A_711 : vector<16xf32>
        %mul3A_713 = arith.constant 20 : i32
        %mul3A_714 = arith.muli %scan3A_180, %mul3A_713 : i32
        %add3A_715 = arith.constant 6 : i32
        %add3A_716 = arith.addi %mul3A_714, %add3A_715 : i32
        %mul3A_717 = arith.constant 16 : i32
        %mul3A_718 = arith.muli %add3A_716, %mul3A_717 : i32
        %swap3A_719 = arith.index_cast %mul3A_718 : i32 to index
        %swap3A_720 = tpu.vector_load %arg14[%swap3A_719] {strides = array<i32>} : memref<5120xf32, #tpu.memory_space<vmem>>, vector<16xf32>,
        %swap3A_721 = vector.shape_cast %swap3A_720 : vector<16xf32> to vector<16xf32>
        %swap3A_722 = vector.shape_cast %add3A_712 : vector<16xf32> to vector<16xf32>
        tpu.vector_store %arg14[%swap3A_719], %swap3A_722 {strides = array<i32>} : memref<5120xf32, #tpu.memory_space<vmem>>, vector<16xf32>,
        %mul3A_723 = arith.constant 20 : i32
        %mul3A_724 = arith.muli %scan3A_180, %mul3A_723 : i32
        %add3A_725 = arith.constant 32 : i32
        %add3A_726 = arith.addi %add3A_725, %mul3A_724 : i32
        %add3A_727 = arith.constant 7 : i32
        %add3A_728 = arith.addi %add3A_726, %add3A_727 : i32
        %get3A_729 = arith.index_cast %add3A_728 : i32 to index
        %get3A_730 = arith.constant 0 : index
        %get3A_731 = tpu.vector_load %arg10[%get3A_729, %get3A_730] {strides = array<i32>} : memref<352x128xf32, #tpu.memory_space<vmem>>, vector<1x16xf32>,
        %get3A_732 = vector.shape_cast %get3A_731 : vector<1x16xf32> to vector<16xf32>
        %mul3A_733 = arith.mulf %get3A_183, %get3A_732 : vector<16xf32>
        %get3A_734 = arith.index_cast %add3A_728 : i32 to index
        %get3A_735 = arith.constant 16 : index
        %get3A_736 = tpu.vector_load %arg10[%get3A_734, %get3A_735] {strides = array<i32>} : memref<352x128xf32, #tpu.memory_space<vmem>>, vector<1x16xf32>,
        %get3A_737 = vector.shape_cast %get3A_736 : vector<1x16xf32> to vector<16xf32>
        %mul3A_738 = arith.mulf %get3A_187, %get3A_737 : vector<16xf32>
        %add3A_739 = arith.addf %mul3A_733, %mul3A_738 : vector<16xf32>
        %get3A_740 = arith.index_cast %add3A_728 : i32 to index
        %get3A_741 = arith.constant 32 : index
        %get3A_742 = tpu.vector_load %arg10[%get3A_740, %get3A_741] {strides = array<i32>} : memref<352x128xf32, #tpu.memory_space<vmem>>, vector<1x16xf32>,
        %get3A_743 = vector.shape_cast %get3A_742 : vector<1x16xf32> to vector<16xf32>
        %mul3A_744 = arith.mulf %get3A_191, %get3A_743 : vector<16xf32>
        %add3A_745 = arith.addf %add3A_739, %mul3A_744 : vector<16xf32>
        %get3A_746 = arith.index_cast %add3A_728 : i32 to index
        %get3A_747 = arith.constant 48 : index
        %get3A_748 = tpu.vector_load %arg10[%get3A_746, %get3A_747] {strides = array<i32>} : memref<352x128xf32, #tpu.memory_space<vmem>>, vector<1x16xf32>,
        %get3A_749 = vector.shape_cast %get3A_748 : vector<1x16xf32> to vector<16xf32>
        %mul3A_750 = arith.mulf %get3A_195, %get3A_749 : vector<16xf32>
        %add3A_751 = arith.addf %add3A_745, %mul3A_750 : vector<16xf32>
        %get3A_752 = arith.index_cast %add3A_728 : i32 to index
        %get3A_753 = arith.constant 64 : index
        %get3A_754 = tpu.vector_load %arg10[%get3A_752, %get3A_753] {strides = array<i32>} : memref<352x128xf32, #tpu.memory_space<vmem>>, vector<1x16xf32>,
        %get3A_755 = vector.shape_cast %get3A_754 : vector<1x16xf32> to vector<16xf32>
        %mul3A_756 = arith.mulf %get3A_199, %get3A_755 : vector<16xf32>
        %add3A_757 = arith.addf %add3A_751, %mul3A_756 : vector<16xf32>
        %get3A_758 = arith.index_cast %add3A_728 : i32 to index
        %get3A_759 = arith.constant 80 : index
        %get3A_760 = tpu.vector_load %arg10[%get3A_758, %get3A_759] {strides = array<i32>} : memref<352x128xf32, #tpu.memory_space<vmem>>, vector<1x16xf32>,
        %get3A_761 = vector.shape_cast %get3A_760 : vector<1x16xf32> to vector<16xf32>
        %mul3A_762 = arith.mulf %get3A_203, %get3A_761 : vector<16xf32>
        %add3A_763 = arith.addf %add3A_757, %mul3A_762 : vector<16xf32>
        %get3A_764 = arith.index_cast %add3A_728 : i32 to index
        %get3A_765 = arith.constant 96 : index
        %get3A_766 = tpu.vector_load %arg10[%get3A_764, %get3A_765] {strides = array<i32>} : memref<352x128xf32, #tpu.memory_space<vmem>>, vector<1x16xf32>,
        %get3A_767 = vector.shape_cast %get3A_766 : vector<1x16xf32> to vector<16xf32>
        %mul3A_768 = arith.mulf %get3A_207, %get3A_767 : vector<16xf32>
        %add3A_769 = arith.addf %add3A_763, %mul3A_768 : vector<16xf32>
        %get3A_770 = arith.index_cast %add3A_728 : i32 to index
        %get3A_771 = arith.constant 112 : index
        %get3A_772 = tpu.vector_load %arg10[%get3A_770, %get3A_771] {strides = array<i32>} : memref<352x128xf32, #tpu.memory_space<vmem>>, vector<1x16xf32>,
        %get3A_773 = vector.shape_cast %get3A_772 : vector<1x16xf32> to vector<16xf32>
        %mul3A_774 = arith.mulf %get3A_211, %get3A_773 : vector<16xf32>
        %add3A_775 = arith.addf %add3A_769, %mul3A_774 : vector<16xf32>
        %mul3A_776 = arith.constant 20 : i32
        %mul3A_777 = arith.muli %scan3A_180, %mul3A_776 : i32
        %add3A_778 = arith.constant 7 : i32
        %add3A_779 = arith.addi %mul3A_777, %add3A_778 : i32
        %mul3A_780 = arith.constant 16 : i32
        %mul3A_781 = arith.muli %add3A_779, %mul3A_780 : i32
        %swap3A_782 = arith.index_cast %mul3A_781 : i32 to index
        %swap3A_783 = tpu.vector_load %arg14[%swap3A_782] {strides = array<i32>} : memref<5120xf32, #tpu.memory_space<vmem>>, vector<16xf32>,
        %swap3A_784 = vector.shape_cast %swap3A_783 : vector<16xf32> to vector<16xf32>
        %swap3A_785 = vector.shape_cast %add3A_775 : vector<16xf32> to vector<16xf32>
        tpu.vector_store %arg14[%swap3A_782], %swap3A_785 {strides = array<i32>} : memref<5120xf32, #tpu.memory_space<vmem>>, vector<16xf32>,
        %mul3A_786 = arith.constant 20 : i32
        %mul3A_787 = arith.muli %scan3A_180, %mul3A_786 : i32
        %add3A_788 = arith.constant 32 : i32
        %add3A_789 = arith.addi %add3A_788, %mul3A_787 : i32
        %add3A_790 = arith.constant 8 : i32
        %add3A_791 = arith.addi %add3A_789, %add3A_790 : i32
        %get3A_792 = arith.index_cast %add3A_791 : i32 to index
        %get3A_793 = arith.constant 0 : index
        %get3A_794 = tpu.vector_load %arg10[%get3A_792, %get3A_793] {strides = array<i32>} : memref<352x128xf32, #tpu.memory_space<vmem>>, vector<1x16xf32>,
        %get3A_795 = vector.shape_cast %get3A_794 : vector<1x16xf32> to vector<16xf32>
        %mul3A_796 = arith.mulf %get3A_183, %get3A_795 : vector<16xf32>
        %get3A_797 = arith.index_cast %add3A_791 : i32 to index
        %get3A_798 = arith.constant 16 : index
        %get3A_799 = tpu.vector_load %arg10[%get3A_797, %get3A_798] {strides = array<i32>} : memref<352x128xf32, #tpu.memory_space<vmem>>, vector<1x16xf32>,
        %get3A_800 = vector.shape_cast %get3A_799 : vector<1x16xf32> to vector<16xf32>
        %mul3A_801 = arith.mulf %get3A_187, %get3A_800 : vector<16xf32>
        %add3A_802 = arith.addf %mul3A_796, %mul3A_801 : vector<16xf32>
        %get3A_803 = arith.index_cast %add3A_791 : i32 to index
        %get3A_804 = arith.constant 32 : index
        %get3A_805 = tpu.vector_load %arg10[%get3A_803, %get3A_804] {strides = array<i32>} : memref<352x128xf32, #tpu.memory_space<vmem>>, vector<1x16xf32>,
        %get3A_806 = vector.shape_cast %get3A_805 : vector<1x16xf32> to vector<16xf32>
        %mul3A_807 = arith.mulf %get3A_191, %get3A_806 : vector<16xf32>
        %add3A_808 = arith.addf %add3A_802, %mul3A_807 : vector<16xf32>
        %get3A_809 = arith.index_cast %add3A_791 : i32 to index
        %get3A_810 = arith.constant 48 : index
        %get3A_811 = tpu.vector_load %arg10[%get3A_809, %get3A_810] {strides = array<i32>} : memref<352x128xf32, #tpu.memory_space<vmem>>, vector<1x16xf32>,
        %get3A_812 = vector.shape_cast %get3A_811 : vector<1x16xf32> to vector<16xf32>
        %mul3A_813 = arith.mulf %get3A_195, %get3A_812 : vector<16xf32>
        %add3A_814 = arith.addf %add3A_808, %mul3A_813 : vector<16xf32>
        %get3A_815 = arith.index_cast %add3A_791 : i32 to index
        %get3A_816 = arith.constant 64 : index
        %get3A_817 = tpu.vector_load %arg10[%get3A_815, %get3A_816] {strides = array<i32>} : memref<352x128xf32, #tpu.memory_space<vmem>>, vector<1x16xf32>,
        %get3A_818 = vector.shape_cast %get3A_817 : vector<1x16xf32> to vector<16xf32>
        %mul3A_819 = arith.mulf %get3A_199, %get3A_818 : vector<16xf32>
        %add3A_820 = arith.addf %add3A_814, %mul3A_819 : vector<16xf32>
        %get3A_821 = arith.index_cast %add3A_791 : i32 to index
        %get3A_822 = arith.constant 80 : index
        %get3A_823 = tpu.vector_load %arg10[%get3A_821, %get3A_822] {strides = array<i32>} : memref<352x128xf32, #tpu.memory_space<vmem>>, vector<1x16xf32>,
        %get3A_824 = vector.shape_cast %get3A_823 : vector<1x16xf32> to vector<16xf32>
        %mul3A_825 = arith.mulf %get3A_203, %get3A_824 : vector<16xf32>
        %add3A_826 = arith.addf %add3A_820, %mul3A_825 : vector<16xf32>
        %get3A_827 = arith.index_cast %add3A_791 : i32 to index
        %get3A_828 = arith.constant 96 : index
        %get3A_829 = tpu.vector_load %arg10[%get3A_827, %get3A_828] {strides = array<i32>} : memref<352x128xf32, #tpu.memory_space<vmem>>, vector<1x16xf32>,
        %get3A_830 = vector.shape_cast %get3A_829 : vector<1x16xf32> to vector<16xf32>
        %mul3A_831 = arith.mulf %get3A_207, %get3A_830 : vector<16xf32>
        %add3A_832 = arith.addf %add3A_826, %mul3A_831 : vector<16xf32>
        %get3A_833 = arith.index_cast %add3A_791 : i32 to index
        %get3A_834 = arith.constant 112 : index
        %get3A_835 = tpu.vector_load %arg10[%get3A_833, %get3A_834] {strides = array<i32>} : memref<352x128xf32, #tpu.memory_space<vmem>>, vector<1x16xf32>,
        %get3A_836 = vector.shape_cast %get3A_835 : vector<1x16xf32> to vector<16xf32>
        %mul3A_837 = arith.mulf %get3A_211, %get3A_836 : vector<16xf32>
        %add3A_838 = arith.addf %add3A_832, %mul3A_837 : vector<16xf32>
        %mul3A_839 = arith.constant 20 : i32
        %mul3A_840 = arith.muli %scan3A_180, %mul3A_839 : i32
        %add3A_841 = arith.constant 8 : i32
        %add3A_842 = arith.addi %mul3A_840, %add3A_841 : i32
        %mul3A_843 = arith.constant 16 : i32
        %mul3A_844 = arith.muli %add3A_842, %mul3A_843 : i32
        %swap3A_845 = arith.index_cast %mul3A_844 : i32 to index
        %swap3A_846 = tpu.vector_load %arg14[%swap3A_845] {strides = array<i32>} : memref<5120xf32, #tpu.memory_space<vmem>>, vector<16xf32>,
        %swap3A_847 = vector.shape_cast %swap3A_846 : vector<16xf32> to vector<16xf32>
        %swap3A_848 = vector.shape_cast %add3A_838 : vector<16xf32> to vector<16xf32>
        tpu.vector_store %arg14[%swap3A_845], %swap3A_848 {strides = array<i32>} : memref<5120xf32, #tpu.memory_space<vmem>>, vector<16xf32>,
        %mul3A_849 = arith.constant 20 : i32
        %mul3A_850 = arith.muli %scan3A_180, %mul3A_849 : i32
        %add3A_851 = arith.constant 32 : i32
        %add3A_852 = arith.addi %add3A_851, %mul3A_850 : i32
        %add3A_853 = arith.constant 9 : i32
        %add3A_854 = arith.addi %add3A_852, %add3A_853 : i32
        %get3A_855 = arith.index_cast %add3A_854 : i32 to index
        %get3A_856 = arith.constant 0 : index
        %get3A_857 = tpu.vector_load %arg10[%get3A_855, %get3A_856] {strides = array<i32>} : memref<352x128xf32, #tpu.memory_space<vmem>>, vector<1x16xf32>,
        %get3A_858 = vector.shape_cast %get3A_857 : vector<1x16xf32> to vector<16xf32>
        %mul3A_859 = arith.mulf %get3A_183, %get3A_858 : vector<16xf32>
        %get3A_860 = arith.index_cast %add3A_854 : i32 to index
        %get3A_861 = arith.constant 16 : index
        %get3A_862 = tpu.vector_load %arg10[%get3A_860, %get3A_861] {strides = array<i32>} : memref<352x128xf32, #tpu.memory_space<vmem>>, vector<1x16xf32>,
        %get3A_863 = vector.shape_cast %get3A_862 : vector<1x16xf32> to vector<16xf32>
        %mul3A_864 = arith.mulf %get3A_187, %get3A_863 : vector<16xf32>
        %add3A_865 = arith.addf %mul3A_859, %mul3A_864 : vector<16xf32>
        %get3A_866 = arith.index_cast %add3A_854 : i32 to index
        %get3A_867 = arith.constant 32 : index
        %get3A_868 = tpu.vector_load %arg10[%get3A_866, %get3A_867] {strides = array<i32>} : memref<352x128xf32, #tpu.memory_space<vmem>>, vector<1x16xf32>,
        %get3A_869 = vector.shape_cast %get3A_868 : vector<1x16xf32> to vector<16xf32>
        %mul3A_870 = arith.mulf %get3A_191, %get3A_869 : vector<16xf32>
        %add3A_871 = arith.addf %add3A_865, %mul3A_870 : vector<16xf32>
        %get3A_872 = arith.index_cast %add3A_854 : i32 to index
        %get3A_873 = arith.constant 48 : index
        %get3A_874 = tpu.vector_load %arg10[%get3A_872, %get3A_873] {strides = array<i32>} : memref<352x128xf32, #tpu.memory_space<vmem>>, vector<1x16xf32>,
        %get3A_875 = vector.shape_cast %get3A_874 : vector<1x16xf32> to vector<16xf32>
        %mul3A_876 = arith.mulf %get3A_195, %get3A_875 : vector<16xf32>
        %add3A_877 = arith.addf %add3A_871, %mul3A_876 : vector<16xf32>
        %get3A_878 = arith.index_cast %add3A_854 : i32 to index
        %get3A_879 = arith.constant 64 : index
        %get3A_880 = tpu.vector_load %arg10[%get3A_878, %get3A_879] {strides = array<i32>} : memref<352x128xf32, #tpu.memory_space<vmem>>, vector<1x16xf32>,
        %get3A_881 = vector.shape_cast %get3A_880 : vector<1x16xf32> to vector<16xf32>
        %mul3A_882 = arith.mulf %get3A_199, %get3A_881 : vector<16xf32>
        %add3A_883 = arith.addf %add3A_877, %mul3A_882 : vector<16xf32>
        %get3A_884 = arith.index_cast %add3A_854 : i32 to index
        %get3A_885 = arith.constant 80 : index
        %get3A_886 = tpu.vector_load %arg10[%get3A_884, %get3A_885] {strides = array<i32>} : memref<352x128xf32, #tpu.memory_space<vmem>>, vector<1x16xf32>,
        %get3A_887 = vector.shape_cast %get3A_886 : vector<1x16xf32> to vector<16xf32>
        %mul3A_888 = arith.mulf %get3A_203, %get3A_887 : vector<16xf32>
        %add3A_889 = arith.addf %add3A_883, %mul3A_888 : vector<16xf32>
        %get3A_890 = arith.index_cast %add3A_854 : i32 to index
        %get3A_891 = arith.constant 96 : index
        %get3A_892 = tpu.vector_load %arg10[%get3A_890, %get3A_891] {strides = array<i32>} : memref<352x128xf32, #tpu.memory_space<vmem>>, vector<1x16xf32>,
        %get3A_893 = vector.shape_cast %get3A_892 : vector<1x16xf32> to vector<16xf32>
        %mul3A_894 = arith.mulf %get3A_207, %get3A_893 : vector<16xf32>
        %add3A_895 = arith.addf %add3A_889, %mul3A_894 : vector<16xf32>
        %get3A_896 = arith.index_cast %add3A_854 : i32 to index
        %get3A_897 = arith.constant 112 : index
        %get3A_898 = tpu.vector_load %arg10[%get3A_896, %get3A_897] {strides = array<i32>} : memref<352x128xf32, #tpu.memory_space<vmem>>, vector<1x16xf32>,
        %get3A_899 = vector.shape_cast %get3A_898 : vector<1x16xf32> to vector<16xf32>
        %mul3A_900 = arith.mulf %get3A_211, %get3A_899 : vector<16xf32>
        %add3A_901 = arith.addf %add3A_895, %mul3A_900 : vector<16xf32>
        %mul3A_902 = arith.constant 20 : i32
        %mul3A_903 = arith.muli %scan3A_180, %mul3A_902 : i32
        %add3A_904 = arith.constant 9 : i32
        %add3A_905 = arith.addi %mul3A_903, %add3A_904 : i32
        %mul3A_906 = arith.constant 16 : i32
        %mul3A_907 = arith.muli %add3A_905, %mul3A_906 : i32
        %swap3A_908 = arith.index_cast %mul3A_907 : i32 to index
        %swap3A_909 = tpu.vector_load %arg14[%swap3A_908] {strides = array<i32>} : memref<5120xf32, #tpu.memory_space<vmem>>, vector<16xf32>,
        %swap3A_910 = vector.shape_cast %swap3A_909 : vector<16xf32> to vector<16xf32>
        %swap3A_911 = vector.shape_cast %add3A_901 : vector<16xf32> to vector<16xf32>
        tpu.vector_store %arg14[%swap3A_908], %swap3A_911 {strides = array<i32>} : memref<5120xf32, #tpu.memory_space<vmem>>, vector<16xf32>,
        %mul3A_912 = arith.constant 20 : i32
        %mul3A_913 = arith.muli %scan3A_180, %mul3A_912 : i32
        %add3A_914 = arith.constant 32 : i32
        %add3A_915 = arith.addi %add3A_914, %mul3A_913 : i32
        %add3A_916 = arith.constant 10 : i32
        %add3A_917 = arith.addi %add3A_915, %add3A_916 : i32
        %get3A_918 = arith.index_cast %add3A_917 : i32 to index
        %get3A_919 = arith.constant 0 : index
        %get3A_920 = tpu.vector_load %arg10[%get3A_918, %get3A_919] {strides = array<i32>} : memref<352x128xf32, #tpu.memory_space<vmem>>, vector<1x16xf32>,
        %get3A_921 = vector.shape_cast %get3A_920 : vector<1x16xf32> to vector<16xf32>
        %mul3A_922 = arith.mulf %get3A_183, %get3A_921 : vector<16xf32>
        %get3A_923 = arith.index_cast %add3A_917 : i32 to index
        %get3A_924 = arith.constant 16 : index
        %get3A_925 = tpu.vector_load %arg10[%get3A_923, %get3A_924] {strides = array<i32>} : memref<352x128xf32, #tpu.memory_space<vmem>>, vector<1x16xf32>,
        %get3A_926 = vector.shape_cast %get3A_925 : vector<1x16xf32> to vector<16xf32>
        %mul3A_927 = arith.mulf %get3A_187, %get3A_926 : vector<16xf32>
        %add3A_928 = arith.addf %mul3A_922, %mul3A_927 : vector<16xf32>
        %get3A_929 = arith.index_cast %add3A_917 : i32 to index
        %get3A_930 = arith.constant 32 : index
        %get3A_931 = tpu.vector_load %arg10[%get3A_929, %get3A_930] {strides = array<i32>} : memref<352x128xf32, #tpu.memory_space<vmem>>, vector<1x16xf32>,
        %get3A_932 = vector.shape_cast %get3A_931 : vector<1x16xf32> to vector<16xf32>
        %mul3A_933 = arith.mulf %get3A_191, %get3A_932 : vector<16xf32>
        %add3A_934 = arith.addf %add3A_928, %mul3A_933 : vector<16xf32>
        %get3A_935 = arith.index_cast %add3A_917 : i32 to index
        %get3A_936 = arith.constant 48 : index
        %get3A_937 = tpu.vector_load %arg10[%get3A_935, %get3A_936] {strides = array<i32>} : memref<352x128xf32, #tpu.memory_space<vmem>>, vector<1x16xf32>,
        %get3A_938 = vector.shape_cast %get3A_937 : vector<1x16xf32> to vector<16xf32>
        %mul3A_939 = arith.mulf %get3A_195, %get3A_938 : vector<16xf32>
        %add3A_940 = arith.addf %add3A_934, %mul3A_939 : vector<16xf32>
        %get3A_941 = arith.index_cast %add3A_917 : i32 to index
        %get3A_942 = arith.constant 64 : index
        %get3A_943 = tpu.vector_load %arg10[%get3A_941, %get3A_942] {strides = array<i32>} : memref<352x128xf32, #tpu.memory_space<vmem>>, vector<1x16xf32>,
        %get3A_944 = vector.shape_cast %get3A_943 : vector<1x16xf32> to vector<16xf32>
        %mul3A_945 = arith.mulf %get3A_199, %get3A_944 : vector<16xf32>
        %add3A_946 = arith.addf %add3A_940, %mul3A_945 : vector<16xf32>
        %get3A_947 = arith.index_cast %add3A_917 : i32 to index
        %get3A_948 = arith.constant 80 : index
        %get3A_949 = tpu.vector_load %arg10[%get3A_947, %get3A_948] {strides = array<i32>} : memref<352x128xf32, #tpu.memory_space<vmem>>, vector<1x16xf32>,
        %get3A_950 = vector.shape_cast %get3A_949 : vector<1x16xf32> to vector<16xf32>
        %mul3A_951 = arith.mulf %get3A_203, %get3A_950 : vector<16xf32>
        %add3A_952 = arith.addf %add3A_946, %mul3A_951 : vector<16xf32>
        %get3A_953 = arith.index_cast %add3A_917 : i32 to index
        %get3A_954 = arith.constant 96 : index
        %get3A_955 = tpu.vector_load %arg10[%get3A_953, %get3A_954] {strides = array<i32>} : memref<352x128xf32, #tpu.memory_space<vmem>>, vector<1x16xf32>,
        %get3A_956 = vector.shape_cast %get3A_955 : vector<1x16xf32> to vector<16xf32>
        %mul3A_957 = arith.mulf %get3A_207, %get3A_956 : vector<16xf32>
        %add3A_958 = arith.addf %add3A_952, %mul3A_957 : vector<16xf32>
        %get3A_959 = arith.index_cast %add3A_917 : i32 to index
        %get3A_960 = arith.constant 112 : index
        %get3A_961 = tpu.vector_load %arg10[%get3A_959, %get3A_960] {strides = array<i32>} : memref<352x128xf32, #tpu.memory_space<vmem>>, vector<1x16xf32>,
        %get3A_962 = vector.shape_cast %get3A_961 : vector<1x16xf32> to vector<16xf32>
        %mul3A_963 = arith.mulf %get3A_211, %get3A_962 : vector<16xf32>
        %add3A_964 = arith.addf %add3A_958, %mul3A_963 : vector<16xf32>
        %mul3A_965 = arith.constant 20 : i32
        %mul3A_966 = arith.muli %scan3A_180, %mul3A_965 : i32
        %add3A_967 = arith.constant 10 : i32
        %add3A_968 = arith.addi %mul3A_966, %add3A_967 : i32
        %mul3A_969 = arith.constant 16 : i32
        %mul3A_970 = arith.muli %add3A_968, %mul3A_969 : i32
        %swap3A_971 = arith.index_cast %mul3A_970 : i32 to index
        %swap3A_972 = tpu.vector_load %arg14[%swap3A_971] {strides = array<i32>} : memref<5120xf32, #tpu.memory_space<vmem>>, vector<16xf32>,
        %swap3A_973 = vector.shape_cast %swap3A_972 : vector<16xf32> to vector<16xf32>
        %swap3A_974 = vector.shape_cast %add3A_964 : vector<16xf32> to vector<16xf32>
        tpu.vector_store %arg14[%swap3A_971], %swap3A_974 {strides = array<i32>} : memref<5120xf32, #tpu.memory_space<vmem>>, vector<16xf32>,
        %mul3A_975 = arith.constant 20 : i32
        %mul3A_976 = arith.muli %scan3A_180, %mul3A_975 : i32
        %add3A_977 = arith.constant 32 : i32
        %add3A_978 = arith.addi %add3A_977, %mul3A_976 : i32
        %add3A_979 = arith.constant 11 : i32
        %add3A_980 = arith.addi %add3A_978, %add3A_979 : i32
        %get3A_981 = arith.index_cast %add3A_980 : i32 to index
        %get3A_982 = arith.constant 0 : index
        %get3A_983 = tpu.vector_load %arg10[%get3A_981, %get3A_982] {strides = array<i32>} : memref<352x128xf32, #tpu.memory_space<vmem>>, vector<1x16xf32>,
        %get3A_984 = vector.shape_cast %get3A_983 : vector<1x16xf32> to vector<16xf32>
        %mul3A_985 = arith.mulf %get3A_183, %get3A_984 : vector<16xf32>
        %get3A_986 = arith.index_cast %add3A_980 : i32 to index
        %get3A_987 = arith.constant 16 : index
        %get3A_988 = tpu.vector_load %arg10[%get3A_986, %get3A_987] {strides = array<i32>} : memref<352x128xf32, #tpu.memory_space<vmem>>, vector<1x16xf32>,
        %get3A_989 = vector.shape_cast %get3A_988 : vector<1x16xf32> to vector<16xf32>
        %mul3A_990 = arith.mulf %get3A_187, %get3A_989 : vector<16xf32>
        %add3A_991 = arith.addf %mul3A_985, %mul3A_990 : vector<16xf32>
        %get3A_992 = arith.index_cast %add3A_980 : i32 to index
        %get3A_993 = arith.constant 32 : index
        %get3A_994 = tpu.vector_load %arg10[%get3A_992, %get3A_993] {strides = array<i32>} : memref<352x128xf32, #tpu.memory_space<vmem>>, vector<1x16xf32>,
        %get3A_995 = vector.shape_cast %get3A_994 : vector<1x16xf32> to vector<16xf32>
        %mul3A_996 = arith.mulf %get3A_191, %get3A_995 : vector<16xf32>
        %add3A_997 = arith.addf %add3A_991, %mul3A_996 : vector<16xf32>
        %get3A_998 = arith.index_cast %add3A_980 : i32 to index
        %get3A_999 = arith.constant 48 : index
        %get3A_1000 = tpu.vector_load %arg10[%get3A_998, %get3A_999] {strides = array<i32>} : memref<352x128xf32, #tpu.memory_space<vmem>>, vector<1x16xf32>,
        %get3A_1001 = vector.shape_cast %get3A_1000 : vector<1x16xf32> to vector<16xf32>
        %mul3A_1002 = arith.mulf %get3A_195, %get3A_1001 : vector<16xf32>
        %add3A_1003 = arith.addf %add3A_997, %mul3A_1002 : vector<16xf32>
        %get3A_1004 = arith.index_cast %add3A_980 : i32 to index
        %get3A_1005 = arith.constant 64 : index
        %get3A_1006 = tpu.vector_load %arg10[%get3A_1004, %get3A_1005] {strides = array<i32>} : memref<352x128xf32, #tpu.memory_space<vmem>>, vector<1x16xf32>,
        %get3A_1007 = vector.shape_cast %get3A_1006 : vector<1x16xf32> to vector<16xf32>
        %mul3A_1008 = arith.mulf %get3A_199, %get3A_1007 : vector<16xf32>
        %add3A_1009 = arith.addf %add3A_1003, %mul3A_1008 : vector<16xf32>
        %get3A_1010 = arith.index_cast %add3A_980 : i32 to index
        %get3A_1011 = arith.constant 80 : index
        %get3A_1012 = tpu.vector_load %arg10[%get3A_1010, %get3A_1011] {strides = array<i32>} : memref<352x128xf32, #tpu.memory_space<vmem>>, vector<1x16xf32>,
        %get3A_1013 = vector.shape_cast %get3A_1012 : vector<1x16xf32> to vector<16xf32>
        %mul3A_1014 = arith.mulf %get3A_203, %get3A_1013 : vector<16xf32>
        %add3A_1015 = arith.addf %add3A_1009, %mul3A_1014 : vector<16xf32>
        %get3A_1016 = arith.index_cast %add3A_980 : i32 to index
        %get3A_1017 = arith.constant 96 : index
        %get3A_1018 = tpu.vector_load %arg10[%get3A_1016, %get3A_1017] {strides = array<i32>} : memref<352x128xf32, #tpu.memory_space<vmem>>, vector<1x16xf32>,
        %get3A_1019 = vector.shape_cast %get3A_1018 : vector<1x16xf32> to vector<16xf32>
        %mul3A_1020 = arith.mulf %get3A_207, %get3A_1019 : vector<16xf32>
        %add3A_1021 = arith.addf %add3A_1015, %mul3A_1020 : vector<16xf32>
        %get3A_1022 = arith.index_cast %add3A_980 : i32 to index
        %get3A_1023 = arith.constant 112 : index
        %get3A_1024 = tpu.vector_load %arg10[%get3A_1022, %get3A_1023] {strides = array<i32>} : memref<352x128xf32, #tpu.memory_space<vmem>>, vector<1x16xf32>,
        %get3A_1025 = vector.shape_cast %get3A_1024 : vector<1x16xf32> to vector<16xf32>
        %mul3A_1026 = arith.mulf %get3A_211, %get3A_1025 : vector<16xf32>
        %add3A_1027 = arith.addf %add3A_1021, %mul3A_1026 : vector<16xf32>
        %mul3A_1028 = arith.constant 20 : i32
        %mul3A_1029 = arith.muli %scan3A_180, %mul3A_1028 : i32
        %add3A_1030 = arith.constant 11 : i32
        %add3A_1031 = arith.addi %mul3A_1029, %add3A_1030 : i32
        %mul3A_1032 = arith.constant 16 : i32
        %mul3A_1033 = arith.muli %add3A_1031, %mul3A_1032 : i32
        %swap3A_1034 = arith.index_cast %mul3A_1033 : i32 to index
        %swap3A_1035 = tpu.vector_load %arg14[%swap3A_1034] {strides = array<i32>} : memref<5120xf32, #tpu.memory_space<vmem>>, vector<16xf32>,
        %swap3A_1036 = vector.shape_cast %swap3A_1035 : vector<16xf32> to vector<16xf32>
        %swap3A_1037 = vector.shape_cast %add3A_1027 : vector<16xf32> to vector<16xf32>
        tpu.vector_store %arg14[%swap3A_1034], %swap3A_1037 {strides = array<i32>} : memref<5120xf32, #tpu.memory_space<vmem>>, vector<16xf32>,
        %mul3A_1038 = arith.constant 20 : i32
        %mul3A_1039 = arith.muli %scan3A_180, %mul3A_1038 : i32
        %add3A_1040 = arith.constant 32 : i32
        %add3A_1041 = arith.addi %add3A_1040, %mul3A_1039 : i32
        %add3A_1042 = arith.constant 12 : i32
        %add3A_1043 = arith.addi %add3A_1041, %add3A_1042 : i32
        %get3A_1044 = arith.index_cast %add3A_1043 : i32 to index
        %get3A_1045 = arith.constant 0 : index
        %get3A_1046 = tpu.vector_load %arg10[%get3A_1044, %get3A_1045] {strides = array<i32>} : memref<352x128xf32, #tpu.memory_space<vmem>>, vector<1x16xf32>,
        %get3A_1047 = vector.shape_cast %get3A_1046 : vector<1x16xf32> to vector<16xf32>
        %mul3A_1048 = arith.mulf %get3A_183, %get3A_1047 : vector<16xf32>
        %get3A_1049 = arith.index_cast %add3A_1043 : i32 to index
        %get3A_1050 = arith.constant 16 : index
        %get3A_1051 = tpu.vector_load %arg10[%get3A_1049, %get3A_1050] {strides = array<i32>} : memref<352x128xf32, #tpu.memory_space<vmem>>, vector<1x16xf32>,
        %get3A_1052 = vector.shape_cast %get3A_1051 : vector<1x16xf32> to vector<16xf32>
        %mul3A_1053 = arith.mulf %get3A_187, %get3A_1052 : vector<16xf32>
        %add3A_1054 = arith.addf %mul3A_1048, %mul3A_1053 : vector<16xf32>
        %get3A_1055 = arith.index_cast %add3A_1043 : i32 to index
        %get3A_1056 = arith.constant 32 : index
        %get3A_1057 = tpu.vector_load %arg10[%get3A_1055, %get3A_1056] {strides = array<i32>} : memref<352x128xf32, #tpu.memory_space<vmem>>, vector<1x16xf32>,
        %get3A_1058 = vector.shape_cast %get3A_1057 : vector<1x16xf32> to vector<16xf32>
        %mul3A_1059 = arith.mulf %get3A_191, %get3A_1058 : vector<16xf32>
        %add3A_1060 = arith.addf %add3A_1054, %mul3A_1059 : vector<16xf32>
        %get3A_1061 = arith.index_cast %add3A_1043 : i32 to index
        %get3A_1062 = arith.constant 48 : index
        %get3A_1063 = tpu.vector_load %arg10[%get3A_1061, %get3A_1062] {strides = array<i32>} : memref<352x128xf32, #tpu.memory_space<vmem>>, vector<1x16xf32>,
        %get3A_1064 = vector.shape_cast %get3A_1063 : vector<1x16xf32> to vector<16xf32>
        %mul3A_1065 = arith.mulf %get3A_195, %get3A_1064 : vector<16xf32>
        %add3A_1066 = arith.addf %add3A_1060, %mul3A_1065 : vector<16xf32>
        %get3A_1067 = arith.index_cast %add3A_1043 : i32 to index
        %get3A_1068 = arith.constant 64 : index
        %get3A_1069 = tpu.vector_load %arg10[%get3A_1067, %get3A_1068] {strides = array<i32>} : memref<352x128xf32, #tpu.memory_space<vmem>>, vector<1x16xf32>,
        %get3A_1070 = vector.shape_cast %get3A_1069 : vector<1x16xf32> to vector<16xf32>
        %mul3A_1071 = arith.mulf %get3A_199, %get3A_1070 : vector<16xf32>
        %add3A_1072 = arith.addf %add3A_1066, %mul3A_1071 : vector<16xf32>
        %get3A_1073 = arith.index_cast %add3A_1043 : i32 to index
        %get3A_1074 = arith.constant 80 : index
        %get3A_1075 = tpu.vector_load %arg10[%get3A_1073, %get3A_1074] {strides = array<i32>} : memref<352x128xf32, #tpu.memory_space<vmem>>, vector<1x16xf32>,
        %get3A_1076 = vector.shape_cast %get3A_1075 : vector<1x16xf32> to vector<16xf32>
        %mul3A_1077 = arith.mulf %get3A_203, %get3A_1076 : vector<16xf32>
        %add3A_1078 = arith.addf %add3A_1072, %mul3A_1077 : vector<16xf32>
        %get3A_1079 = arith.index_cast %add3A_1043 : i32 to index
        %get3A_1080 = arith.constant 96 : index
        %get3A_1081 = tpu.vector_load %arg10[%get3A_1079, %get3A_1080] {strides = array<i32>} : memref<352x128xf32, #tpu.memory_space<vmem>>, vector<1x16xf32>,
        %get3A_1082 = vector.shape_cast %get3A_1081 : vector<1x16xf32> to vector<16xf32>
        %mul3A_1083 = arith.mulf %get3A_207, %get3A_1082 : vector<16xf32>
        %add3A_1084 = arith.addf %add3A_1078, %mul3A_1083 : vector<16xf32>
        %get3A_1085 = arith.index_cast %add3A_1043 : i32 to index
        %get3A_1086 = arith.constant 112 : index
        %get3A_1087 = tpu.vector_load %arg10[%get3A_1085, %get3A_1086] {strides = array<i32>} : memref<352x128xf32, #tpu.memory_space<vmem>>, vector<1x16xf32>,
        %get3A_1088 = vector.shape_cast %get3A_1087 : vector<1x16xf32> to vector<16xf32>
        %mul3A_1089 = arith.mulf %get3A_211, %get3A_1088 : vector<16xf32>
        %add3A_1090 = arith.addf %add3A_1084, %mul3A_1089 : vector<16xf32>
        %mul3A_1091 = arith.constant 20 : i32
        %mul3A_1092 = arith.muli %scan3A_180, %mul3A_1091 : i32
        %add3A_1093 = arith.constant 12 : i32
        %add3A_1094 = arith.addi %mul3A_1092, %add3A_1093 : i32
        %mul3A_1095 = arith.constant 16 : i32
        %mul3A_1096 = arith.muli %add3A_1094, %mul3A_1095 : i32
        %swap3A_1097 = arith.index_cast %mul3A_1096 : i32 to index
        %swap3A_1098 = tpu.vector_load %arg14[%swap3A_1097] {strides = array<i32>} : memref<5120xf32, #tpu.memory_space<vmem>>, vector<16xf32>,
        %swap3A_1099 = vector.shape_cast %swap3A_1098 : vector<16xf32> to vector<16xf32>
        %swap3A_1100 = vector.shape_cast %add3A_1090 : vector<16xf32> to vector<16xf32>
        tpu.vector_store %arg14[%swap3A_1097], %swap3A_1100 {strides = array<i32>} : memref<5120xf32, #tpu.memory_space<vmem>>, vector<16xf32>,
        %mul3A_1101 = arith.constant 20 : i32
        %mul3A_1102 = arith.muli %scan3A_180, %mul3A_1101 : i32
        %add3A_1103 = arith.constant 32 : i32
        %add3A_1104 = arith.addi %add3A_1103, %mul3A_1102 : i32
        %add3A_1105 = arith.constant 13 : i32
        %add3A_1106 = arith.addi %add3A_1104, %add3A_1105 : i32
        %get3A_1107 = arith.index_cast %add3A_1106 : i32 to index
        %get3A_1108 = arith.constant 0 : index
        %get3A_1109 = tpu.vector_load %arg10[%get3A_1107, %get3A_1108] {strides = array<i32>} : memref<352x128xf32, #tpu.memory_space<vmem>>, vector<1x16xf32>,
        %get3A_1110 = vector.shape_cast %get3A_1109 : vector<1x16xf32> to vector<16xf32>
        %mul3A_1111 = arith.mulf %get3A_183, %get3A_1110 : vector<16xf32>
        %get3A_1112 = arith.index_cast %add3A_1106 : i32 to index
        %get3A_1113 = arith.constant 16 : index
        %get3A_1114 = tpu.vector_load %arg10[%get3A_1112, %get3A_1113] {strides = array<i32>} : memref<352x128xf32, #tpu.memory_space<vmem>>, vector<1x16xf32>,
        %get3A_1115 = vector.shape_cast %get3A_1114 : vector<1x16xf32> to vector<16xf32>
        %mul3A_1116 = arith.mulf %get3A_187, %get3A_1115 : vector<16xf32>
        %add3A_1117 = arith.addf %mul3A_1111, %mul3A_1116 : vector<16xf32>
        %get3A_1118 = arith.index_cast %add3A_1106 : i32 to index
        %get3A_1119 = arith.constant 32 : index
        %get3A_1120 = tpu.vector_load %arg10[%get3A_1118, %get3A_1119] {strides = array<i32>} : memref<352x128xf32, #tpu.memory_space<vmem>>, vector<1x16xf32>,
        %get3A_1121 = vector.shape_cast %get3A_1120 : vector<1x16xf32> to vector<16xf32>
        %mul3A_1122 = arith.mulf %get3A_191, %get3A_1121 : vector<16xf32>
        %add3A_1123 = arith.addf %add3A_1117, %mul3A_1122 : vector<16xf32>
        %get3A_1124 = arith.index_cast %add3A_1106 : i32 to index
        %get3A_1125 = arith.constant 48 : index
        %get3A_1126 = tpu.vector_load %arg10[%get3A_1124, %get3A_1125] {strides = array<i32>} : memref<352x128xf32, #tpu.memory_space<vmem>>, vector<1x16xf32>,
        %get3A_1127 = vector.shape_cast %get3A_1126 : vector<1x16xf32> to vector<16xf32>
        %mul3A_1128 = arith.mulf %get3A_195, %get3A_1127 : vector<16xf32>
        %add3A_1129 = arith.addf %add3A_1123, %mul3A_1128 : vector<16xf32>
        %get3A_1130 = arith.index_cast %add3A_1106 : i32 to index
        %get3A_1131 = arith.constant 64 : index
        %get3A_1132 = tpu.vector_load %arg10[%get3A_1130, %get3A_1131] {strides = array<i32>} : memref<352x128xf32, #tpu.memory_space<vmem>>, vector<1x16xf32>,
        %get3A_1133 = vector.shape_cast %get3A_1132 : vector<1x16xf32> to vector<16xf32>
        %mul3A_1134 = arith.mulf %get3A_199, %get3A_1133 : vector<16xf32>
        %add3A_1135 = arith.addf %add3A_1129, %mul3A_1134 : vector<16xf32>
        %get3A_1136 = arith.index_cast %add3A_1106 : i32 to index
        %get3A_1137 = arith.constant 80 : index
        %get3A_1138 = tpu.vector_load %arg10[%get3A_1136, %get3A_1137] {strides = array<i32>} : memref<352x128xf32, #tpu.memory_space<vmem>>, vector<1x16xf32>,
        %get3A_1139 = vector.shape_cast %get3A_1138 : vector<1x16xf32> to vector<16xf32>
        %mul3A_1140 = arith.mulf %get3A_203, %get3A_1139 : vector<16xf32>
        %add3A_1141 = arith.addf %add3A_1135, %mul3A_1140 : vector<16xf32>
        %get3A_1142 = arith.index_cast %add3A_1106 : i32 to index
        %get3A_1143 = arith.constant 96 : index
        %get3A_1144 = tpu.vector_load %arg10[%get3A_1142, %get3A_1143] {strides = array<i32>} : memref<352x128xf32, #tpu.memory_space<vmem>>, vector<1x16xf32>,
        %get3A_1145 = vector.shape_cast %get3A_1144 : vector<1x16xf32> to vector<16xf32>
        %mul3A_1146 = arith.mulf %get3A_207, %get3A_1145 : vector<16xf32>
        %add3A_1147 = arith.addf %add3A_1141, %mul3A_1146 : vector<16xf32>
        %get3A_1148 = arith.index_cast %add3A_1106 : i32 to index
        %get3A_1149 = arith.constant 112 : index
        %get3A_1150 = tpu.vector_load %arg10[%get3A_1148, %get3A_1149] {strides = array<i32>} : memref<352x128xf32, #tpu.memory_space<vmem>>, vector<1x16xf32>,
        %get3A_1151 = vector.shape_cast %get3A_1150 : vector<1x16xf32> to vector<16xf32>
        %mul3A_1152 = arith.mulf %get3A_211, %get3A_1151 : vector<16xf32>
        %add3A_1153 = arith.addf %add3A_1147, %mul3A_1152 : vector<16xf32>
        %mul3A_1154 = arith.constant 20 : i32
        %mul3A_1155 = arith.muli %scan3A_180, %mul3A_1154 : i32
        %add3A_1156 = arith.constant 13 : i32
        %add3A_1157 = arith.addi %mul3A_1155, %add3A_1156 : i32
        %mul3A_1158 = arith.constant 16 : i32
        %mul3A_1159 = arith.muli %add3A_1157, %mul3A_1158 : i32
        %swap3A_1160 = arith.index_cast %mul3A_1159 : i32 to index
        %swap3A_1161 = tpu.vector_load %arg14[%swap3A_1160] {strides = array<i32>} : memref<5120xf32, #tpu.memory_space<vmem>>, vector<16xf32>,
        %swap3A_1162 = vector.shape_cast %swap3A_1161 : vector<16xf32> to vector<16xf32>
        %swap3A_1163 = vector.shape_cast %add3A_1153 : vector<16xf32> to vector<16xf32>
        tpu.vector_store %arg14[%swap3A_1160], %swap3A_1163 {strides = array<i32>} : memref<5120xf32, #tpu.memory_space<vmem>>, vector<16xf32>,
        %mul3A_1164 = arith.constant 20 : i32
        %mul3A_1165 = arith.muli %scan3A_180, %mul3A_1164 : i32
        %add3A_1166 = arith.constant 32 : i32
        %add3A_1167 = arith.addi %add3A_1166, %mul3A_1165 : i32
        %add3A_1168 = arith.constant 14 : i32
        %add3A_1169 = arith.addi %add3A_1167, %add3A_1168 : i32
        %get3A_1170 = arith.index_cast %add3A_1169 : i32 to index
        %get3A_1171 = arith.constant 0 : index
        %get3A_1172 = tpu.vector_load %arg10[%get3A_1170, %get3A_1171] {strides = array<i32>} : memref<352x128xf32, #tpu.memory_space<vmem>>, vector<1x16xf32>,
        %get3A_1173 = vector.shape_cast %get3A_1172 : vector<1x16xf32> to vector<16xf32>
        %mul3A_1174 = arith.mulf %get3A_183, %get3A_1173 : vector<16xf32>
        %get3A_1175 = arith.index_cast %add3A_1169 : i32 to index
        %get3A_1176 = arith.constant 16 : index
        %get3A_1177 = tpu.vector_load %arg10[%get3A_1175, %get3A_1176] {strides = array<i32>} : memref<352x128xf32, #tpu.memory_space<vmem>>, vector<1x16xf32>,
        %get3A_1178 = vector.shape_cast %get3A_1177 : vector<1x16xf32> to vector<16xf32>
        %mul3A_1179 = arith.mulf %get3A_187, %get3A_1178 : vector<16xf32>
        %add3A_1180 = arith.addf %mul3A_1174, %mul3A_1179 : vector<16xf32>
        %get3A_1181 = arith.index_cast %add3A_1169 : i32 to index
        %get3A_1182 = arith.constant 32 : index
        %get3A_1183 = tpu.vector_load %arg10[%get3A_1181, %get3A_1182] {strides = array<i32>} : memref<352x128xf32, #tpu.memory_space<vmem>>, vector<1x16xf32>,
        %get3A_1184 = vector.shape_cast %get3A_1183 : vector<1x16xf32> to vector<16xf32>
        %mul3A_1185 = arith.mulf %get3A_191, %get3A_1184 : vector<16xf32>
        %add3A_1186 = arith.addf %add3A_1180, %mul3A_1185 : vector<16xf32>
        %get3A_1187 = arith.index_cast %add3A_1169 : i32 to index
        %get3A_1188 = arith.constant 48 : index
        %get3A_1189 = tpu.vector_load %arg10[%get3A_1187, %get3A_1188] {strides = array<i32>} : memref<352x128xf32, #tpu.memory_space<vmem>>, vector<1x16xf32>,
        %get3A_1190 = vector.shape_cast %get3A_1189 : vector<1x16xf32> to vector<16xf32>
        %mul3A_1191 = arith.mulf %get3A_195, %get3A_1190 : vector<16xf32>
        %add3A_1192 = arith.addf %add3A_1186, %mul3A_1191 : vector<16xf32>
        %get3A_1193 = arith.index_cast %add3A_1169 : i32 to index
        %get3A_1194 = arith.constant 64 : index
        %get3A_1195 = tpu.vector_load %arg10[%get3A_1193, %get3A_1194] {strides = array<i32>} : memref<352x128xf32, #tpu.memory_space<vmem>>, vector<1x16xf32>,
        %get3A_1196 = vector.shape_cast %get3A_1195 : vector<1x16xf32> to vector<16xf32>
        %mul3A_1197 = arith.mulf %get3A_199, %get3A_1196 : vector<16xf32>
        %add3A_1198 = arith.addf %add3A_1192, %mul3A_1197 : vector<16xf32>
        %get3A_1199 = arith.index_cast %add3A_1169 : i32 to index
        %get3A_1200 = arith.constant 80 : index
        %get3A_1201 = tpu.vector_load %arg10[%get3A_1199, %get3A_1200] {strides = array<i32>} : memref<352x128xf32, #tpu.memory_space<vmem>>, vector<1x16xf32>,
        %get3A_1202 = vector.shape_cast %get3A_1201 : vector<1x16xf32> to vector<16xf32>
        %mul3A_1203 = arith.mulf %get3A_203, %get3A_1202 : vector<16xf32>
        %add3A_1204 = arith.addf %add3A_1198, %mul3A_1203 : vector<16xf32>
        %get3A_1205 = arith.index_cast %add3A_1169 : i32 to index
        %get3A_1206 = arith.constant 96 : index
        %get3A_1207 = tpu.vector_load %arg10[%get3A_1205, %get3A_1206] {strides = array<i32>} : memref<352x128xf32, #tpu.memory_space<vmem>>, vector<1x16xf32>,
        %get3A_1208 = vector.shape_cast %get3A_1207 : vector<1x16xf32> to vector<16xf32>
        %mul3A_1209 = arith.mulf %get3A_207, %get3A_1208 : vector<16xf32>
        %add3A_1210 = arith.addf %add3A_1204, %mul3A_1209 : vector<16xf32>
        %get3A_1211 = arith.index_cast %add3A_1169 : i32 to index
        %get3A_1212 = arith.constant 112 : index
        %get3A_1213 = tpu.vector_load %arg10[%get3A_1211, %get3A_1212] {strides = array<i32>} : memref<352x128xf32, #tpu.memory_space<vmem>>, vector<1x16xf32>,
        %get3A_1214 = vector.shape_cast %get3A_1213 : vector<1x16xf32> to vector<16xf32>
        %mul3A_1215 = arith.mulf %get3A_211, %get3A_1214 : vector<16xf32>
        %add3A_1216 = arith.addf %add3A_1210, %mul3A_1215 : vector<16xf32>
        %mul3A_1217 = arith.constant 20 : i32
        %mul3A_1218 = arith.muli %scan3A_180, %mul3A_1217 : i32
        %add3A_1219 = arith.constant 14 : i32
        %add3A_1220 = arith.addi %mul3A_1218, %add3A_1219 : i32
        %mul3A_1221 = arith.constant 16 : i32
        %mul3A_1222 = arith.muli %add3A_1220, %mul3A_1221 : i32
        %swap3A_1223 = arith.index_cast %mul3A_1222 : i32 to index
        %swap3A_1224 = tpu.vector_load %arg14[%swap3A_1223] {strides = array<i32>} : memref<5120xf32, #tpu.memory_space<vmem>>, vector<16xf32>,
        %swap3A_1225 = vector.shape_cast %swap3A_1224 : vector<16xf32> to vector<16xf32>
        %swap3A_1226 = vector.shape_cast %add3A_1216 : vector<16xf32> to vector<16xf32>
        tpu.vector_store %arg14[%swap3A_1223], %swap3A_1226 {strides = array<i32>} : memref<5120xf32, #tpu.memory_space<vmem>>, vector<16xf32>,
        %mul3A_1227 = arith.constant 20 : i32
        %mul3A_1228 = arith.muli %scan3A_180, %mul3A_1227 : i32
        %add3A_1229 = arith.constant 32 : i32
        %add3A_1230 = arith.addi %add3A_1229, %mul3A_1228 : i32
        %add3A_1231 = arith.constant 15 : i32
        %add3A_1232 = arith.addi %add3A_1230, %add3A_1231 : i32
        %get3A_1233 = arith.index_cast %add3A_1232 : i32 to index
        %get3A_1234 = arith.constant 0 : index
        %get3A_1235 = tpu.vector_load %arg10[%get3A_1233, %get3A_1234] {strides = array<i32>} : memref<352x128xf32, #tpu.memory_space<vmem>>, vector<1x16xf32>,
        %get3A_1236 = vector.shape_cast %get3A_1235 : vector<1x16xf32> to vector<16xf32>
        %mul3A_1237 = arith.mulf %get3A_183, %get3A_1236 : vector<16xf32>
        %get3A_1238 = arith.index_cast %add3A_1232 : i32 to index
        %get3A_1239 = arith.constant 16 : index
        %get3A_1240 = tpu.vector_load %arg10[%get3A_1238, %get3A_1239] {strides = array<i32>} : memref<352x128xf32, #tpu.memory_space<vmem>>, vector<1x16xf32>,
        %get3A_1241 = vector.shape_cast %get3A_1240 : vector<1x16xf32> to vector<16xf32>
        %mul3A_1242 = arith.mulf %get3A_187, %get3A_1241 : vector<16xf32>
        %add3A_1243 = arith.addf %mul3A_1237, %mul3A_1242 : vector<16xf32>
        %get3A_1244 = arith.index_cast %add3A_1232 : i32 to index
        %get3A_1245 = arith.constant 32 : index
        %get3A_1246 = tpu.vector_load %arg10[%get3A_1244, %get3A_1245] {strides = array<i32>} : memref<352x128xf32, #tpu.memory_space<vmem>>, vector<1x16xf32>,
        %get3A_1247 = vector.shape_cast %get3A_1246 : vector<1x16xf32> to vector<16xf32>
        %mul3A_1248 = arith.mulf %get3A_191, %get3A_1247 : vector<16xf32>
        %add3A_1249 = arith.addf %add3A_1243, %mul3A_1248 : vector<16xf32>
        %get3A_1250 = arith.index_cast %add3A_1232 : i32 to index
        %get3A_1251 = arith.constant 48 : index
        %get3A_1252 = tpu.vector_load %arg10[%get3A_1250, %get3A_1251] {strides = array<i32>} : memref<352x128xf32, #tpu.memory_space<vmem>>, vector<1x16xf32>,
        %get3A_1253 = vector.shape_cast %get3A_1252 : vector<1x16xf32> to vector<16xf32>
        %mul3A_1254 = arith.mulf %get3A_195, %get3A_1253 : vector<16xf32>
        %add3A_1255 = arith.addf %add3A_1249, %mul3A_1254 : vector<16xf32>
        %get3A_1256 = arith.index_cast %add3A_1232 : i32 to index
        %get3A_1257 = arith.constant 64 : index
        %get3A_1258 = tpu.vector_load %arg10[%get3A_1256, %get3A_1257] {strides = array<i32>} : memref<352x128xf32, #tpu.memory_space<vmem>>, vector<1x16xf32>,
        %get3A_1259 = vector.shape_cast %get3A_1258 : vector<1x16xf32> to vector<16xf32>
        %mul3A_1260 = arith.mulf %get3A_199, %get3A_1259 : vector<16xf32>
        %add3A_1261 = arith.addf %add3A_1255, %mul3A_1260 : vector<16xf32>
        %get3A_1262 = arith.index_cast %add3A_1232 : i32 to index
        %get3A_1263 = arith.constant 80 : index
        %get3A_1264 = tpu.vector_load %arg10[%get3A_1262, %get3A_1263] {strides = array<i32>} : memref<352x128xf32, #tpu.memory_space<vmem>>, vector<1x16xf32>,
        %get3A_1265 = vector.shape_cast %get3A_1264 : vector<1x16xf32> to vector<16xf32>
        %mul3A_1266 = arith.mulf %get3A_203, %get3A_1265 : vector<16xf32>
        %add3A_1267 = arith.addf %add3A_1261, %mul3A_1266 : vector<16xf32>
        %get3A_1268 = arith.index_cast %add3A_1232 : i32 to index
        %get3A_1269 = arith.constant 96 : index
        %get3A_1270 = tpu.vector_load %arg10[%get3A_1268, %get3A_1269] {strides = array<i32>} : memref<352x128xf32, #tpu.memory_space<vmem>>, vector<1x16xf32>,
        %get3A_1271 = vector.shape_cast %get3A_1270 : vector<1x16xf32> to vector<16xf32>
        %mul3A_1272 = arith.mulf %get3A_207, %get3A_1271 : vector<16xf32>
        %add3A_1273 = arith.addf %add3A_1267, %mul3A_1272 : vector<16xf32>
        %get3A_1274 = arith.index_cast %add3A_1232 : i32 to index
        %get3A_1275 = arith.constant 112 : index
        %get3A_1276 = tpu.vector_load %arg10[%get3A_1274, %get3A_1275] {strides = array<i32>} : memref<352x128xf32, #tpu.memory_space<vmem>>, vector<1x16xf32>,
        %get3A_1277 = vector.shape_cast %get3A_1276 : vector<1x16xf32> to vector<16xf32>
        %mul3A_1278 = arith.mulf %get3A_211, %get3A_1277 : vector<16xf32>
        %add3A_1279 = arith.addf %add3A_1273, %mul3A_1278 : vector<16xf32>
        %mul3A_1280 = arith.constant 20 : i32
        %mul3A_1281 = arith.muli %scan3A_180, %mul3A_1280 : i32
        %add3A_1282 = arith.constant 15 : i32
        %add3A_1283 = arith.addi %mul3A_1281, %add3A_1282 : i32
        %mul3A_1284 = arith.constant 16 : i32
        %mul3A_1285 = arith.muli %add3A_1283, %mul3A_1284 : i32
        %swap3A_1286 = arith.index_cast %mul3A_1285 : i32 to index
        %swap3A_1287 = tpu.vector_load %arg14[%swap3A_1286] {strides = array<i32>} : memref<5120xf32, #tpu.memory_space<vmem>>, vector<16xf32>,
        %swap3A_1288 = vector.shape_cast %swap3A_1287 : vector<16xf32> to vector<16xf32>
        %swap3A_1289 = vector.shape_cast %add3A_1279 : vector<16xf32> to vector<16xf32>
        tpu.vector_store %arg14[%swap3A_1286], %swap3A_1289 {strides = array<i32>} : memref<5120xf32, #tpu.memory_space<vmem>>, vector<16xf32>,
        %mul3A_1290 = arith.constant 20 : i32
        %mul3A_1291 = arith.muli %scan3A_180, %mul3A_1290 : i32
        %add3A_1292 = arith.constant 32 : i32
        %add3A_1293 = arith.addi %add3A_1292, %mul3A_1291 : i32
        %add3A_1294 = arith.constant 16 : i32
        %add3A_1295 = arith.addi %add3A_1293, %add3A_1294 : i32
        %get3A_1296 = arith.index_cast %add3A_1295 : i32 to index
        %get3A_1297 = arith.constant 0 : index
        %get3A_1298 = tpu.vector_load %arg10[%get3A_1296, %get3A_1297] {strides = array<i32>} : memref<352x128xf32, #tpu.memory_space<vmem>>, vector<1x16xf32>,
        %get3A_1299 = vector.shape_cast %get3A_1298 : vector<1x16xf32> to vector<16xf32>
        %mul3A_1300 = arith.mulf %get3A_183, %get3A_1299 : vector<16xf32>
        %get3A_1301 = arith.index_cast %add3A_1295 : i32 to index
        %get3A_1302 = arith.constant 16 : index
        %get3A_1303 = tpu.vector_load %arg10[%get3A_1301, %get3A_1302] {strides = array<i32>} : memref<352x128xf32, #tpu.memory_space<vmem>>, vector<1x16xf32>,
        %get3A_1304 = vector.shape_cast %get3A_1303 : vector<1x16xf32> to vector<16xf32>
        %mul3A_1305 = arith.mulf %get3A_187, %get3A_1304 : vector<16xf32>
        %add3A_1306 = arith.addf %mul3A_1300, %mul3A_1305 : vector<16xf32>
        %get3A_1307 = arith.index_cast %add3A_1295 : i32 to index
        %get3A_1308 = arith.constant 32 : index
        %get3A_1309 = tpu.vector_load %arg10[%get3A_1307, %get3A_1308] {strides = array<i32>} : memref<352x128xf32, #tpu.memory_space<vmem>>, vector<1x16xf32>,
        %get3A_1310 = vector.shape_cast %get3A_1309 : vector<1x16xf32> to vector<16xf32>
        %mul3A_1311 = arith.mulf %get3A_191, %get3A_1310 : vector<16xf32>
        %add3A_1312 = arith.addf %add3A_1306, %mul3A_1311 : vector<16xf32>
        %get3A_1313 = arith.index_cast %add3A_1295 : i32 to index
        %get3A_1314 = arith.constant 48 : index
        %get3A_1315 = tpu.vector_load %arg10[%get3A_1313, %get3A_1314] {strides = array<i32>} : memref<352x128xf32, #tpu.memory_space<vmem>>, vector<1x16xf32>,
        %get3A_1316 = vector.shape_cast %get3A_1315 : vector<1x16xf32> to vector<16xf32>
        %mul3A_1317 = arith.mulf %get3A_195, %get3A_1316 : vector<16xf32>
        %add3A_1318 = arith.addf %add3A_1312, %mul3A_1317 : vector<16xf32>
        %get3A_1319 = arith.index_cast %add3A_1295 : i32 to index
        %get3A_1320 = arith.constant 64 : index
        %get3A_1321 = tpu.vector_load %arg10[%get3A_1319, %get3A_1320] {strides = array<i32>} : memref<352x128xf32, #tpu.memory_space<vmem>>, vector<1x16xf32>,
        %get3A_1322 = vector.shape_cast %get3A_1321 : vector<1x16xf32> to vector<16xf32>
        %mul3A_1323 = arith.mulf %get3A_199, %get3A_1322 : vector<16xf32>
        %add3A_1324 = arith.addf %add3A_1318, %mul3A_1323 : vector<16xf32>
        %get3A_1325 = arith.index_cast %add3A_1295 : i32 to index
        %get3A_1326 = arith.constant 80 : index
        %get3A_1327 = tpu.vector_load %arg10[%get3A_1325, %get3A_1326] {strides = array<i32>} : memref<352x128xf32, #tpu.memory_space<vmem>>, vector<1x16xf32>,
        %get3A_1328 = vector.shape_cast %get3A_1327 : vector<1x16xf32> to vector<16xf32>
        %mul3A_1329 = arith.mulf %get3A_203, %get3A_1328 : vector<16xf32>
        %add3A_1330 = arith.addf %add3A_1324, %mul3A_1329 : vector<16xf32>
        %get3A_1331 = arith.index_cast %add3A_1295 : i32 to index
        %get3A_1332 = arith.constant 96 : index
        %get3A_1333 = tpu.vector_load %arg10[%get3A_1331, %get3A_1332] {strides = array<i32>} : memref<352x128xf32, #tpu.memory_space<vmem>>, vector<1x16xf32>,
        %get3A_1334 = vector.shape_cast %get3A_1333 : vector<1x16xf32> to vector<16xf32>
        %mul3A_1335 = arith.mulf %get3A_207, %get3A_1334 : vector<16xf32>
        %add3A_1336 = arith.addf %add3A_1330, %mul3A_1335 : vector<16xf32>
        %get3A_1337 = arith.index_cast %add3A_1295 : i32 to index
        %get3A_1338 = arith.constant 112 : index
        %get3A_1339 = tpu.vector_load %arg10[%get3A_1337, %get3A_1338] {strides = array<i32>} : memref<352x128xf32, #tpu.memory_space<vmem>>, vector<1x16xf32>,
        %get3A_1340 = vector.shape_cast %get3A_1339 : vector<1x16xf32> to vector<16xf32>
        %mul3A_1341 = arith.mulf %get3A_211, %get3A_1340 : vector<16xf32>
        %add3A_1342 = arith.addf %add3A_1336, %mul3A_1341 : vector<16xf32>
        %mul3A_1343 = arith.constant 20 : i32
        %mul3A_1344 = arith.muli %scan3A_180, %mul3A_1343 : i32
        %add3A_1345 = arith.constant 16 : i32
        %add3A_1346 = arith.addi %mul3A_1344, %add3A_1345 : i32
        %mul3A_1347 = arith.constant 16 : i32
        %mul3A_1348 = arith.muli %add3A_1346, %mul3A_1347 : i32
        %swap3A_1349 = arith.index_cast %mul3A_1348 : i32 to index
        %swap3A_1350 = tpu.vector_load %arg14[%swap3A_1349] {strides = array<i32>} : memref<5120xf32, #tpu.memory_space<vmem>>, vector<16xf32>,
        %swap3A_1351 = vector.shape_cast %swap3A_1350 : vector<16xf32> to vector<16xf32>
        %swap3A_1352 = vector.shape_cast %add3A_1342 : vector<16xf32> to vector<16xf32>
        tpu.vector_store %arg14[%swap3A_1349], %swap3A_1352 {strides = array<i32>} : memref<5120xf32, #tpu.memory_space<vmem>>, vector<16xf32>,
        %mul3A_1353 = arith.constant 20 : i32
        %mul3A_1354 = arith.muli %scan3A_180, %mul3A_1353 : i32
        %add3A_1355 = arith.constant 32 : i32
        %add3A_1356 = arith.addi %add3A_1355, %mul3A_1354 : i32
        %add3A_1357 = arith.constant 17 : i32
        %add3A_1358 = arith.addi %add3A_1356, %add3A_1357 : i32
        %get3A_1359 = arith.index_cast %add3A_1358 : i32 to index
        %get3A_1360 = arith.constant 0 : index
        %get3A_1361 = tpu.vector_load %arg10[%get3A_1359, %get3A_1360] {strides = array<i32>} : memref<352x128xf32, #tpu.memory_space<vmem>>, vector<1x16xf32>,
        %get3A_1362 = vector.shape_cast %get3A_1361 : vector<1x16xf32> to vector<16xf32>
        %mul3A_1363 = arith.mulf %get3A_183, %get3A_1362 : vector<16xf32>
        %get3A_1364 = arith.index_cast %add3A_1358 : i32 to index
        %get3A_1365 = arith.constant 16 : index
        %get3A_1366 = tpu.vector_load %arg10[%get3A_1364, %get3A_1365] {strides = array<i32>} : memref<352x128xf32, #tpu.memory_space<vmem>>, vector<1x16xf32>,
        %get3A_1367 = vector.shape_cast %get3A_1366 : vector<1x16xf32> to vector<16xf32>
        %mul3A_1368 = arith.mulf %get3A_187, %get3A_1367 : vector<16xf32>
        %add3A_1369 = arith.addf %mul3A_1363, %mul3A_1368 : vector<16xf32>
        %get3A_1370 = arith.index_cast %add3A_1358 : i32 to index
        %get3A_1371 = arith.constant 32 : index
        %get3A_1372 = tpu.vector_load %arg10[%get3A_1370, %get3A_1371] {strides = array<i32>} : memref<352x128xf32, #tpu.memory_space<vmem>>, vector<1x16xf32>,
        %get3A_1373 = vector.shape_cast %get3A_1372 : vector<1x16xf32> to vector<16xf32>
        %mul3A_1374 = arith.mulf %get3A_191, %get3A_1373 : vector<16xf32>
        %add3A_1375 = arith.addf %add3A_1369, %mul3A_1374 : vector<16xf32>
        %get3A_1376 = arith.index_cast %add3A_1358 : i32 to index
        %get3A_1377 = arith.constant 48 : index
        %get3A_1378 = tpu.vector_load %arg10[%get3A_1376, %get3A_1377] {strides = array<i32>} : memref<352x128xf32, #tpu.memory_space<vmem>>, vector<1x16xf32>,
        %get3A_1379 = vector.shape_cast %get3A_1378 : vector<1x16xf32> to vector<16xf32>
        %mul3A_1380 = arith.mulf %get3A_195, %get3A_1379 : vector<16xf32>
        %add3A_1381 = arith.addf %add3A_1375, %mul3A_1380 : vector<16xf32>
        %get3A_1382 = arith.index_cast %add3A_1358 : i32 to index
        %get3A_1383 = arith.constant 64 : index
        %get3A_1384 = tpu.vector_load %arg10[%get3A_1382, %get3A_1383] {strides = array<i32>} : memref<352x128xf32, #tpu.memory_space<vmem>>, vector<1x16xf32>,
        %get3A_1385 = vector.shape_cast %get3A_1384 : vector<1x16xf32> to vector<16xf32>
        %mul3A_1386 = arith.mulf %get3A_199, %get3A_1385 : vector<16xf32>
        %add3A_1387 = arith.addf %add3A_1381, %mul3A_1386 : vector<16xf32>
        %get3A_1388 = arith.index_cast %add3A_1358 : i32 to index
        %get3A_1389 = arith.constant 80 : index
        %get3A_1390 = tpu.vector_load %arg10[%get3A_1388, %get3A_1389] {strides = array<i32>} : memref<352x128xf32, #tpu.memory_space<vmem>>, vector<1x16xf32>,
        %get3A_1391 = vector.shape_cast %get3A_1390 : vector<1x16xf32> to vector<16xf32>
        %mul3A_1392 = arith.mulf %get3A_203, %get3A_1391 : vector<16xf32>
        %add3A_1393 = arith.addf %add3A_1387, %mul3A_1392 : vector<16xf32>
        %get3A_1394 = arith.index_cast %add3A_1358 : i32 to index
        %get3A_1395 = arith.constant 96 : index
        %get3A_1396 = tpu.vector_load %arg10[%get3A_1394, %get3A_1395] {strides = array<i32>} : memref<352x128xf32, #tpu.memory_space<vmem>>, vector<1x16xf32>,
        %get3A_1397 = vector.shape_cast %get3A_1396 : vector<1x16xf32> to vector<16xf32>
        %mul3A_1398 = arith.mulf %get3A_207, %get3A_1397 : vector<16xf32>
        %add3A_1399 = arith.addf %add3A_1393, %mul3A_1398 : vector<16xf32>
        %get3A_1400 = arith.index_cast %add3A_1358 : i32 to index
        %get3A_1401 = arith.constant 112 : index
        %get3A_1402 = tpu.vector_load %arg10[%get3A_1400, %get3A_1401] {strides = array<i32>} : memref<352x128xf32, #tpu.memory_space<vmem>>, vector<1x16xf32>,
        %get3A_1403 = vector.shape_cast %get3A_1402 : vector<1x16xf32> to vector<16xf32>
        %mul3A_1404 = arith.mulf %get3A_211, %get3A_1403 : vector<16xf32>
        %add3A_1405 = arith.addf %add3A_1399, %mul3A_1404 : vector<16xf32>
        %mul3A_1406 = arith.constant 20 : i32
        %mul3A_1407 = arith.muli %scan3A_180, %mul3A_1406 : i32
        %add3A_1408 = arith.constant 17 : i32
        %add3A_1409 = arith.addi %mul3A_1407, %add3A_1408 : i32
        %mul3A_1410 = arith.constant 16 : i32
        %mul3A_1411 = arith.muli %add3A_1409, %mul3A_1410 : i32
        %swap3A_1412 = arith.index_cast %mul3A_1411 : i32 to index
        %swap3A_1413 = tpu.vector_load %arg14[%swap3A_1412] {strides = array<i32>} : memref<5120xf32, #tpu.memory_space<vmem>>, vector<16xf32>,
        %swap3A_1414 = vector.shape_cast %swap3A_1413 : vector<16xf32> to vector<16xf32>
        %swap3A_1415 = vector.shape_cast %add3A_1405 : vector<16xf32> to vector<16xf32>
        tpu.vector_store %arg14[%swap3A_1412], %swap3A_1415 {strides = array<i32>} : memref<5120xf32, #tpu.memory_space<vmem>>, vector<16xf32>,
        %mul3A_1416 = arith.constant 20 : i32
        %mul3A_1417 = arith.muli %scan3A_180, %mul3A_1416 : i32
        %add3A_1418 = arith.constant 32 : i32
        %add3A_1419 = arith.addi %add3A_1418, %mul3A_1417 : i32
        %add3A_1420 = arith.constant 18 : i32
        %add3A_1421 = arith.addi %add3A_1419, %add3A_1420 : i32
        %get3A_1422 = arith.index_cast %add3A_1421 : i32 to index
        %get3A_1423 = arith.constant 0 : index
        %get3A_1424 = tpu.vector_load %arg10[%get3A_1422, %get3A_1423] {strides = array<i32>} : memref<352x128xf32, #tpu.memory_space<vmem>>, vector<1x16xf32>,
        %get3A_1425 = vector.shape_cast %get3A_1424 : vector<1x16xf32> to vector<16xf32>
        %mul3A_1426 = arith.mulf %get3A_183, %get3A_1425 : vector<16xf32>
        %get3A_1427 = arith.index_cast %add3A_1421 : i32 to index
        %get3A_1428 = arith.constant 16 : index
        %get3A_1429 = tpu.vector_load %arg10[%get3A_1427, %get3A_1428] {strides = array<i32>} : memref<352x128xf32, #tpu.memory_space<vmem>>, vector<1x16xf32>,
        %get3A_1430 = vector.shape_cast %get3A_1429 : vector<1x16xf32> to vector<16xf32>
        %mul3A_1431 = arith.mulf %get3A_187, %get3A_1430 : vector<16xf32>
        %add3A_1432 = arith.addf %mul3A_1426, %mul3A_1431 : vector<16xf32>
        %get3A_1433 = arith.index_cast %add3A_1421 : i32 to index
        %get3A_1434 = arith.constant 32 : index
        %get3A_1435 = tpu.vector_load %arg10[%get3A_1433, %get3A_1434] {strides = array<i32>} : memref<352x128xf32, #tpu.memory_space<vmem>>, vector<1x16xf32>,
        %get3A_1436 = vector.shape_cast %get3A_1435 : vector<1x16xf32> to vector<16xf32>
        %mul3A_1437 = arith.mulf %get3A_191, %get3A_1436 : vector<16xf32>
        %add3A_1438 = arith.addf %add3A_1432, %mul3A_1437 : vector<16xf32>
        %get3A_1439 = arith.index_cast %add3A_1421 : i32 to index
        %get3A_1440 = arith.constant 48 : index
        %get3A_1441 = tpu.vector_load %arg10[%get3A_1439, %get3A_1440] {strides = array<i32>} : memref<352x128xf32, #tpu.memory_space<vmem>>, vector<1x16xf32>,
        %get3A_1442 = vector.shape_cast %get3A_1441 : vector<1x16xf32> to vector<16xf32>
        %mul3A_1443 = arith.mulf %get3A_195, %get3A_1442 : vector<16xf32>
        %add3A_1444 = arith.addf %add3A_1438, %mul3A_1443 : vector<16xf32>
        %get3A_1445 = arith.index_cast %add3A_1421 : i32 to index
        %get3A_1446 = arith.constant 64 : index
        %get3A_1447 = tpu.vector_load %arg10[%get3A_1445, %get3A_1446] {strides = array<i32>} : memref<352x128xf32, #tpu.memory_space<vmem>>, vector<1x16xf32>,
        %get3A_1448 = vector.shape_cast %get3A_1447 : vector<1x16xf32> to vector<16xf32>
        %mul3A_1449 = arith.mulf %get3A_199, %get3A_1448 : vector<16xf32>
        %add3A_1450 = arith.addf %add3A_1444, %mul3A_1449 : vector<16xf32>
        %get3A_1451 = arith.index_cast %add3A_1421 : i32 to index
        %get3A_1452 = arith.constant 80 : index
        %get3A_1453 = tpu.vector_load %arg10[%get3A_1451, %get3A_1452] {strides = array<i32>} : memref<352x128xf32, #tpu.memory_space<vmem>>, vector<1x16xf32>,
        %get3A_1454 = vector.shape_cast %get3A_1453 : vector<1x16xf32> to vector<16xf32>
        %mul3A_1455 = arith.mulf %get3A_203, %get3A_1454 : vector<16xf32>
        %add3A_1456 = arith.addf %add3A_1450, %mul3A_1455 : vector<16xf32>
        %get3A_1457 = arith.index_cast %add3A_1421 : i32 to index
        %get3A_1458 = arith.constant 96 : index
        %get3A_1459 = tpu.vector_load %arg10[%get3A_1457, %get3A_1458] {strides = array<i32>} : memref<352x128xf32, #tpu.memory_space<vmem>>, vector<1x16xf32>,
        %get3A_1460 = vector.shape_cast %get3A_1459 : vector<1x16xf32> to vector<16xf32>
        %mul3A_1461 = arith.mulf %get3A_207, %get3A_1460 : vector<16xf32>
        %add3A_1462 = arith.addf %add3A_1456, %mul3A_1461 : vector<16xf32>
        %get3A_1463 = arith.index_cast %add3A_1421 : i32 to index
        %get3A_1464 = arith.constant 112 : index
        %get3A_1465 = tpu.vector_load %arg10[%get3A_1463, %get3A_1464] {strides = array<i32>} : memref<352x128xf32, #tpu.memory_space<vmem>>, vector<1x16xf32>,
        %get3A_1466 = vector.shape_cast %get3A_1465 : vector<1x16xf32> to vector<16xf32>
        %mul3A_1467 = arith.mulf %get3A_211, %get3A_1466 : vector<16xf32>
        %add3A_1468 = arith.addf %add3A_1462, %mul3A_1467 : vector<16xf32>
        %mul3A_1469 = arith.constant 20 : i32
        %mul3A_1470 = arith.muli %scan3A_180, %mul3A_1469 : i32
        %add3A_1471 = arith.constant 18 : i32
        %add3A_1472 = arith.addi %mul3A_1470, %add3A_1471 : i32
        %mul3A_1473 = arith.constant 16 : i32
        %mul3A_1474 = arith.muli %add3A_1472, %mul3A_1473 : i32
        %swap3A_1475 = arith.index_cast %mul3A_1474 : i32 to index
        %swap3A_1476 = tpu.vector_load %arg14[%swap3A_1475] {strides = array<i32>} : memref<5120xf32, #tpu.memory_space<vmem>>, vector<16xf32>,
        %swap3A_1477 = vector.shape_cast %swap3A_1476 : vector<16xf32> to vector<16xf32>
        %swap3A_1478 = vector.shape_cast %add3A_1468 : vector<16xf32> to vector<16xf32>
        tpu.vector_store %arg14[%swap3A_1475], %swap3A_1478 {strides = array<i32>} : memref<5120xf32, #tpu.memory_space<vmem>>, vector<16xf32>,
        %mul3A_1479 = arith.constant 20 : i32
        %mul3A_1480 = arith.muli %scan3A_180, %mul3A_1479 : i32
        %add3A_1481 = arith.constant 32 : i32
        %add3A_1482 = arith.addi %add3A_1481, %mul3A_1480 : i32
        %add3A_1483 = arith.constant 19 : i32
        %add3A_1484 = arith.addi %add3A_1482, %add3A_1483 : i32
        %get3A_1485 = arith.index_cast %add3A_1484 : i32 to index
        %get3A_1486 = arith.constant 0 : index
        %get3A_1487 = tpu.vector_load %arg10[%get3A_1485, %get3A_1486] {strides = array<i32>} : memref<352x128xf32, #tpu.memory_space<vmem>>, vector<1x16xf32>,
        %get3A_1488 = vector.shape_cast %get3A_1487 : vector<1x16xf32> to vector<16xf32>
        %mul3A_1489 = arith.mulf %get3A_183, %get3A_1488 : vector<16xf32>
        %get3A_1490 = arith.index_cast %add3A_1484 : i32 to index
        %get3A_1491 = arith.constant 16 : index
        %get3A_1492 = tpu.vector_load %arg10[%get3A_1490, %get3A_1491] {strides = array<i32>} : memref<352x128xf32, #tpu.memory_space<vmem>>, vector<1x16xf32>,
        %get3A_1493 = vector.shape_cast %get3A_1492 : vector<1x16xf32> to vector<16xf32>
        %mul3A_1494 = arith.mulf %get3A_187, %get3A_1493 : vector<16xf32>
        %add3A_1495 = arith.addf %mul3A_1489, %mul3A_1494 : vector<16xf32>
        %get3A_1496 = arith.index_cast %add3A_1484 : i32 to index
        %get3A_1497 = arith.constant 32 : index
        %get3A_1498 = tpu.vector_load %arg10[%get3A_1496, %get3A_1497] {strides = array<i32>} : memref<352x128xf32, #tpu.memory_space<vmem>>, vector<1x16xf32>,
        %get3A_1499 = vector.shape_cast %get3A_1498 : vector<1x16xf32> to vector<16xf32>
        %mul3A_1500 = arith.mulf %get3A_191, %get3A_1499 : vector<16xf32>
        %add3A_1501 = arith.addf %add3A_1495, %mul3A_1500 : vector<16xf32>
        %get3A_1502 = arith.index_cast %add3A_1484 : i32 to index
        %get3A_1503 = arith.constant 48 : index
        %get3A_1504 = tpu.vector_load %arg10[%get3A_1502, %get3A_1503] {strides = array<i32>} : memref<352x128xf32, #tpu.memory_space<vmem>>, vector<1x16xf32>,
        %get3A_1505 = vector.shape_cast %get3A_1504 : vector<1x16xf32> to vector<16xf32>
        %mul3A_1506 = arith.mulf %get3A_195, %get3A_1505 : vector<16xf32>
        %add3A_1507 = arith.addf %add3A_1501, %mul3A_1506 : vector<16xf32>
        %get3A_1508 = arith.index_cast %add3A_1484 : i32 to index
        %get3A_1509 = arith.constant 64 : index
        %get3A_1510 = tpu.vector_load %arg10[%get3A_1508, %get3A_1509] {strides = array<i32>} : memref<352x128xf32, #tpu.memory_space<vmem>>, vector<1x16xf32>,
        %get3A_1511 = vector.shape_cast %get3A_1510 : vector<1x16xf32> to vector<16xf32>
        %mul3A_1512 = arith.mulf %get3A_199, %get3A_1511 : vector<16xf32>
        %add3A_1513 = arith.addf %add3A_1507, %mul3A_1512 : vector<16xf32>
        %get3A_1514 = arith.index_cast %add3A_1484 : i32 to index
        %get3A_1515 = arith.constant 80 : index
        %get3A_1516 = tpu.vector_load %arg10[%get3A_1514, %get3A_1515] {strides = array<i32>} : memref<352x128xf32, #tpu.memory_space<vmem>>, vector<1x16xf32>,
        %get3A_1517 = vector.shape_cast %get3A_1516 : vector<1x16xf32> to vector<16xf32>
        %mul3A_1518 = arith.mulf %get3A_203, %get3A_1517 : vector<16xf32>
        %add3A_1519 = arith.addf %add3A_1513, %mul3A_1518 : vector<16xf32>
        %get3A_1520 = arith.index_cast %add3A_1484 : i32 to index
        %get3A_1521 = arith.constant 96 : index
        %get3A_1522 = tpu.vector_load %arg10[%get3A_1520, %get3A_1521] {strides = array<i32>} : memref<352x128xf32, #tpu.memory_space<vmem>>, vector<1x16xf32>,
        %get3A_1523 = vector.shape_cast %get3A_1522 : vector<1x16xf32> to vector<16xf32>
        %mul3A_1524 = arith.mulf %get3A_207, %get3A_1523 : vector<16xf32>
        %add3A_1525 = arith.addf %add3A_1519, %mul3A_1524 : vector<16xf32>
        %get3A_1526 = arith.index_cast %add3A_1484 : i32 to index
        %get3A_1527 = arith.constant 112 : index
        %get3A_1528 = tpu.vector_load %arg10[%get3A_1526, %get3A_1527] {strides = array<i32>} : memref<352x128xf32, #tpu.memory_space<vmem>>, vector<1x16xf32>,
        %get3A_1529 = vector.shape_cast %get3A_1528 : vector<1x16xf32> to vector<16xf32>
        %mul3A_1530 = arith.mulf %get3A_211, %get3A_1529 : vector<16xf32>
        %add3A_1531 = arith.addf %add3A_1525, %mul3A_1530 : vector<16xf32>
        %mul3A_1532 = arith.constant 20 : i32
        %mul3A_1533 = arith.muli %scan3A_180, %mul3A_1532 : i32
        %add3A_1534 = arith.constant 19 : i32
        %add3A_1535 = arith.addi %mul3A_1533, %add3A_1534 : i32
        %mul3A_1536 = arith.constant 16 : i32
        %mul3A_1537 = arith.muli %add3A_1535, %mul3A_1536 : i32
        %swap3A_1538 = arith.index_cast %mul3A_1537 : i32 to index
        %swap3A_1539 = tpu.vector_load %arg14[%swap3A_1538] {strides = array<i32>} : memref<5120xf32, #tpu.memory_space<vmem>>, vector<16xf32>,
        %swap3A_1540 = vector.shape_cast %swap3A_1539 : vector<16xf32> to vector<16xf32>
        %swap3A_1541 = vector.shape_cast %add3A_1531 : vector<16xf32> to vector<16xf32>
        tpu.vector_store %arg14[%swap3A_1538], %swap3A_1541 {strides = array<i32>} : memref<5120xf32, #tpu.memory_space<vmem>>, vector<16xf32>,
      }
      %scan3A_162 = arith.constant 16 : i32
      %add3A_163 = arith.constant 1 : i32
      %add3A_164 = arith.addi %mul3A_66, %add3A_163 : i32
      %mul3A_165 = arith.constant 16 : i32
      %mul3A_166 = arith.muli %add3A_164, %mul3A_165 : i32
      %add3A_167 = arith.addi %mul3A_2, %mul3A_166 : i32
      %mul3A_168 = arith.constant 16 : i32
      %mul3A_169 = arith.muli %add3A_167, %mul3A_168 : i32
      %dma_start3A_170 = tpu.memref_slice %arg6[%mul3A_169] : memref<5505024xf32, #tpu.memory_space<hbm>> -> memref<256xf32, #tpu.memory_space<hbm>>
      %dma_start3A_171 = tpu.memref_slice %arg6[%mul3A_169] : memref<5505024xf32, #tpu.memory_space<hbm>> -> memref<256xf32, #tpu.memory_space<hbm>>
      tpu.enqueue_dma source(%arg13 : memref<256xf32, #tpu.memory_space<vmem>>) target(%dma_start3A_171 : memref<256xf32, #tpu.memory_space<hbm>>) target_semaphore(%arg19 : memref<!tpu.dma_semaphore, #tpu.memory_space<semaphore_mem>>)
      %mul3A_172 = arith.constant 20 : i32
      %mul3A_173 = arith.muli %add3A_167, %mul3A_172 : i32
      %mul3A_174 = arith.constant 16 : i32
      %mul3A_175 = arith.muli %mul3A_173, %mul3A_174 : i32
      %add3A_176 = arith.constant 262144 : i32
      %add3A_177 = arith.addi %add3A_176, %mul3A_175 : i32
      %dma_start3A_178 = tpu.memref_slice %arg6[%add3A_177] : memref<5505024xf32, #tpu.memory_space<hbm>> -> memref<5120xf32, #tpu.memory_space<hbm>>
      %dma_start3A_179 = tpu.memref_slice %arg6[%add3A_177] : memref<5505024xf32, #tpu.memory_space<hbm>> -> memref<5120xf32, #tpu.memory_space<hbm>>
      tpu.enqueue_dma source(%arg14 : memref<5120xf32, #tpu.memory_space<vmem>>) target(%dma_start3A_179 : memref<5120xf32, #tpu.memory_space<hbm>>) target_semaphore(%arg19 : memref<!tpu.dma_semaphore, #tpu.memory_space<semaphore_mem>>)
    }
    %scan3A_47 = arith.constant 16 : i32
    %dma_wait3A_48 = arith.constant 0 : i32
    %dma_wait3A_49 = tpu.memref_slice %arg6[%dma_wait3A_48] : memref<5505024xf32, #tpu.memory_space<hbm>> -> memref<256xf32, #tpu.memory_space<hbm>>
    %dma_wait3A_50 = arith.constant 0 : i32
    %dma_wait3A_51 = tpu.memref_slice %arg6[%dma_wait3A_50] : memref<5505024xf32, #tpu.memory_space<hbm>> -> memref<256xf32, #tpu.memory_space<hbm>>
    tpu.wait_dma2 semaphore(%arg18 : memref<!tpu.dma_semaphore, #tpu.memory_space<semaphore_mem>>) src(%arg11 : memref<256xf32, #tpu.memory_space<vmem>>) dst(%dma_wait3A_51 : memref<256xf32, #tpu.memory_space<hbm>>)
    %dma_wait3A_52 = arith.constant 0 : i32
    %dma_wait3A_53 = tpu.memref_slice %arg6[%dma_wait3A_52] : memref<5505024xf32, #tpu.memory_space<hbm>> -> memref<5120xf32, #tpu.memory_space<hbm>>
    %dma_wait3A_54 = arith.constant 0 : i32
    %dma_wait3A_55 = tpu.memref_slice %arg6[%dma_wait3A_54] : memref<5505024xf32, #tpu.memory_space<hbm>> -> memref<5120xf32, #tpu.memory_space<hbm>>
    tpu.wait_dma2 semaphore(%arg18 : memref<!tpu.dma_semaphore, #tpu.memory_space<semaphore_mem>>) src(%arg12 : memref<5120xf32, #tpu.memory_space<vmem>>) dst(%dma_wait3A_55 : memref<5120xf32, #tpu.memory_space<hbm>>)
    %dma_wait3A_56 = arith.constant 0 : i32
    %dma_wait3A_57 = tpu.memref_slice %arg6[%dma_wait3A_56] : memref<5505024xf32, #tpu.memory_space<hbm>> -> memref<256xf32, #tpu.memory_space<hbm>>
    %dma_wait3A_58 = arith.constant 0 : i32
    %dma_wait3A_59 = tpu.memref_slice %arg6[%dma_wait3A_58] : memref<5505024xf32, #tpu.memory_space<hbm>> -> memref<256xf32, #tpu.memory_space<hbm>>
    tpu.wait_dma2 semaphore(%arg19 : memref<!tpu.dma_semaphore, #tpu.memory_space<semaphore_mem>>) src(%arg13 : memref<256xf32, #tpu.memory_space<vmem>>) dst(%dma_wait3A_59 : memref<256xf32, #tpu.memory_space<hbm>>)
    %dma_wait3A_60 = arith.constant 0 : i32
    %dma_wait3A_61 = tpu.memref_slice %arg6[%dma_wait3A_60] : memref<5505024xf32, #tpu.memory_space<hbm>> -> memref<5120xf32, #tpu.memory_space<hbm>>
    %dma_wait3A_62 = arith.constant 0 : i32
    %dma_wait3A_63 = tpu.memref_slice %arg6[%dma_wait3A_62] : memref<5505024xf32, #tpu.memory_space<hbm>> -> memref<5120xf32, #tpu.memory_space<hbm>>
    tpu.wait_dma2 semaphore(%arg19 : memref<!tpu.dma_semaphore, #tpu.memory_space<semaphore_mem>>) src(%arg14 : memref<5120xf32, #tpu.memory_space<vmem>>) dst(%dma_wait3A_63 : memref<5120xf32, #tpu.memory_space<hbm>>)
    return
  }
}

module attributes {stable_mosaic.version = 14 : i64} {
  func.func @_loss_body(%arg0: i32, %arg1: memref<2048x128xf32, #tpu.memory_space<vmem>>, %arg2: memref<1x1xf32, #tpu.memory_space<vmem>>) attributes {dimension_semantics = [#tpu.dimension_semantics<arbitrary>], iteration_bounds = array<i64: 21>, scalar_prefetch = 0 : i64, scratch_operands = 0 : i64, tpu.core_type = #tpu.core_type<tc>, window_params = [{transform_indices = @transform_0, window_bounds = array<i64: 2048, 128>}, {pipeline_mode = #tpu.pipeline_mode<synchronous>, transform_indices = @transform_1, window_bounds = array<i64: 1, 1>}]} {
    %iota3A = tpu.iota {dimensions = array<i32: 0>} : vector<128x8xi32>
    %jit3A = arith.constant 16 : i32
    %div3A = vector.broadcast %jit3A : i32 to vector<128x8xi32>
    %div3A_0 = arith.divsi %iota3A, %div3A : vector<128x8xi32>
    %sign3A = arith.constant 0 : i32
    %sign3A_1 = vector.broadcast %sign3A : i32 to vector<128x8xi32>
    %sign3A_2 = arith.cmpi sgt, %iota3A, %sign3A_1 : vector<128x8xi32>
    %sign3A_3 = arith.extui %sign3A_2 : vector<128x8xi1> to vector<128x8xi32>
    %sign3A_4 = arith.constant 0 : i32
    %sign3A_5 = vector.broadcast %sign3A_4 : i32 to vector<128x8xi32>
    %sign3A_6 = arith.cmpi slt, %iota3A, %sign3A_5 : vector<128x8xi32>
    %sign3A_7 = arith.extui %sign3A_6 : vector<128x8xi1> to vector<128x8xi32>
    %sign3A_8 = arith.subi %sign3A_3, %sign3A_7 : vector<128x8xi32>
    %sign3A_9 = arith.constant 0 : i32
    %sign3A_10 = arith.cmpi sgt, %jit3A, %sign3A_9 : i32
    %sign3A_11 = arith.extui %sign3A_10 : i1 to i32
    %sign3A_12 = arith.constant 0 : i32
    %sign3A_13 = arith.cmpi slt, %jit3A, %sign3A_12 : i32
    %sign3A_14 = arith.extui %sign3A_13 : i1 to i32
    %sign3A_15 = arith.subi %sign3A_11, %sign3A_14 : i32
    %ne3A = vector.broadcast %sign3A_15 : i32 to vector<128x8xi32>
    %ne3A_16 = arith.cmpi ne, %sign3A_8, %ne3A : vector<128x8xi32>
    %rem3A = vector.broadcast %jit3A : i32 to vector<128x8xi32>
    %rem3A_17 = arith.remsi %iota3A, %rem3A : vector<128x8xi32>
    %ne3A_18 = arith.constant 0 : i32
    %ne3A_19 = vector.broadcast %ne3A_18 : i32 to vector<128x8xi32>
    %ne3A_20 = arith.cmpi ne, %rem3A_17, %ne3A_19 : vector<128x8xi32>
    %and3A = arith.andi %ne3A_16, %ne3A_20 : vector<128x8xi1>
    %sub3A = arith.constant 1 : i32
    %sub3A_21 = vector.broadcast %sub3A : i32 to vector<128x8xi32>
    %sub3A_22 = arith.subi %div3A_0, %sub3A_21 : vector<128x8xi32>
    %select_n3A = arith.select %and3A, %sub3A_22, %div3A_0 : vector<128x8xi1>, vector<128x8xi32>
    %iota3A_23 = tpu.iota {dimensions = array<i32: 1>} : vector<128x8xi32>
    %eq3A = arith.cmpi eq, %select_n3A, %iota3A_23 : vector<128x8xi32>
    %convert_element_type3A = arith.extui %eq3A : vector<128x8xi1> to vector<128x8xi32>
    %convert_element_type3A_24 = arith.sitofp %convert_element_type3A : vector<128x8xi32> to vector<128x8xf32>
    %eq3A_25 = arith.constant 0 : i32
    %eq3A_26 = arith.cmpi eq, %arg0, %eq3A_25 : i32
    %convert_element_type3A_27 = arith.extui %eq3A_26 : i1 to i32
    %cond3A = arith.constant 0 : i32
    %cond3A_28 = arith.cmpi ne, %convert_element_type3A_27, %cond3A : i32
    scf.if %cond3A_28 {
      %broadcast_in_dim3A_51 = arith.constant 0.000000e+00 : f32
      %broadcast_in_dim3A_52 = vector.broadcast %broadcast_in_dim3A_51 : f32 to vector<1x1xf32>
      %swap3A_53 = arith.constant 0 : index
      %swap3A_54 = arith.constant 0 : index
      %swap3A_55 = vector.load %arg2[%swap3A_53, %swap3A_54] : memref<1x1xf32, #tpu.memory_space<vmem>>, vector<1x1xf32>
      tpu.vector_store %arg2[%swap3A_53, %swap3A_54], %broadcast_in_dim3A_52 {strides = array<i32>} : memref<1x1xf32, #tpu.memory_space<vmem>>, vector<1x1xf32>,
    } else {
    }
    %get3A = arith.constant 0 : index
    %get3A_29 = arith.constant 0 : index
    %get3A_30 = vector.load %arg1[%get3A, %get3A_29] : memref<2048x128xf32, #tpu.memory_space<vmem>>, vector<2048x128xf32>
    %dot_general3A = arith.constant dense<0.000000e+00> : vector<2048x8xf32>
    %dot_general3A_31 = tpu.matmul %get3A_30, %convert_element_type3A_24, %dot_general3A {dimension_numbers = #tpu.dot_dimension_numbers<[1], [0], [0], [1], [0, 0, 1, 1], [], []>, transpose_lhs_hint = false} : vector<2048x128xf32>, vector<128x8xf32>, vector<2048x8xf32> -> vector<2048x8xf32>
    %max3A = arith.constant 0.000000e+00 : f32
    %max3A_32 = vector.broadcast %max3A : f32 to vector<2048x8xf32>
    %max3A_33 = arith.maximumf %dot_general3A_31, %max3A_32 : vector<2048x8xf32>
    %abs3A = math.absf %dot_general3A_31 : vector<2048x8xf32>
    %neg3A = arith.constant 0.000000e+00 : f32
    %neg3A_34 = vector.broadcast %neg3A : f32 to vector<2048x8xf32>
    %neg3A_35 = arith.subf %neg3A_34, %abs3A : vector<2048x8xf32>
    %exp3A = math.exp %neg3A_35 : vector<2048x8xf32>
    %log1p3A = math.log1p %exp3A : vector<2048x8xf32>
    %add3A = arith.addf %max3A_33, %log1p3A : vector<2048x8xf32>
    %eq3A_36 = arith.constant 0 : i32
    %eq3A_37 = arith.cmpi eq, %arg0, %eq3A_36 : i32
    %jit3A_38 = arith.constant 6.10351563E-5 : f32
    %jit3A_39 = arith.constant 3.05175786E-6 : f32
    %select_n3A_40 = arith.select %eq3A_37, %jit3A_38, %jit3A_39 : f32
    %get3A_41 = arith.constant 0 : index
    %get3A_42 = arith.constant 0 : index
    %get3A_43 = vector.load %arg2[%get3A_41, %get3A_42] : memref<1x1xf32, #tpu.memory_space<vmem>>, vector<1x1xf32>
    %reduce_sum3A = vector.shape_cast %add3A : vector<2048x8xf32> to vector<1x2048x8xf32>
    %reduce_sum3A_44 = arith.constant dense<0.000000e+00> : vector<1xf32>
    %reduce_sum3A_45 = vector.multi_reduction <add>, %reduce_sum3A, %reduce_sum3A_44 [1, 2] : vector<1x2048x8xf32> to vector<1xf32>
    %reduce_sum3A_46 = vector.shape_cast %reduce_sum3A_45 : vector<1xf32> to vector<1x1x1xf32>
    %reduce_sum3A_47 = vector.extract %reduce_sum3A_46[0, 0, 0] : f32 from vector<1x1x1xf32>
    %mul3A = arith.mulf %reduce_sum3A_47, %select_n3A_40 : f32
    %broadcast_in_dim3A = vector.broadcast %mul3A : f32 to vector<1x1xf32>
    %add3A_48 = arith.addf %get3A_43, %broadcast_in_dim3A : vector<1x1xf32>
    %swap3A = arith.constant 0 : index
    %swap3A_49 = arith.constant 0 : index
    %swap3A_50 = vector.load %arg2[%swap3A, %swap3A_49] : memref<1x1xf32, #tpu.memory_space<vmem>>, vector<1x1xf32>
    tpu.vector_store %arg2[%swap3A, %swap3A_49], %add3A_48 {strides = array<i32>} : memref<1x1xf32, #tpu.memory_space<vmem>>, vector<1x1xf32>,
    return
  }
  func.func @transform_0(%arg0: i32) -> (i32, i32) {
    %c0_i32 = arith.constant 0 : i32
    %c0_i32_0 = arith.constant 0 : i32
    return %arg0, %c0_i32 : i32, i32
  }
  func.func @transform_1(%arg0: i32) -> (i32, i32) {
    %c0_i32 = arith.constant 0 : i32
    %c0_i32_0 = arith.constant 0 : i32
    %c0_i32_1 = arith.constant 0 : i32
    return %c0_i32, %c0_i32_0 : i32, i32
  }
}

</mosaic_0001>

<sc_bundles>
// kernel: kernel.4.cloned.1.call-start
scs
__scs_entry_jumppad:
0x0: {  	(pc) =	sbr.rel $0x88, $3  }
0x1: {  	(tag) =	ssettag $0x0;
	lr =	simm.s32 $0x1  }
0x2: {  	[smem:$0x3F9C] =	sst lr;
	_ =	strace $0xD0000000  }
0x3: {  	_ = 	snop  }
0x4: {  	_ = 	snop  }
0x5: {  	_ = 	snop  }
0x6: {  	_ = 	snop  }
0x7: {  	_ = 	snop  }
__scs_overlays_trampoline_lowered:
0x8: {  	[smem:$0x3FAB] =	sst s0  }
0x9: {  	[smem:$0x3FAC] =	sst s1  }
0xa: {  	[smem:$0x3FAD] =	sst s2  }
0xb: {  	[smem:$0x3FAE] =	sst s3  }
0xc: {  	[smem:$0x3FAF] =	sst s4  }
0xd: {  	[smem:$0x3FB0] =	sst s5  }
0xe: {  	[smem:$0x3FB1] =	sst s6  }
0xf: {  	[smem:$0x3FB2] =	sst s7  }
0x10: {  	[smem:$0x3FB3] =	sst s8  }
0x11: {  	[smem:$0x3FB4] =	sst s9;
	s0 =	simm.s32 @!p0 $0x0  }
0x12: {  	s1 =	sld [smem:$0x3F9A];
	s0 =	simm.s32 @p0 $0x1  }
0x13: {  	[smem:$0x3FB5] =	sst s0;
	s0 =	simm.s32 @!p1 $0x0  }
0x14: {  	s2 =	sld [smem:$0x3F99];
	s0 =	simm.s32 @p1 $0x1  }
0x15: {  	[smem:$0x3FB6] =	sst s0;
	s0 =	simm.s32 @!p2 $0x0  }
0x16: {  	s3 =	sld [smem:$0x3FDB];
	s0 =	simm.s32 @p2 $0x1  }
0x17: {  	s4 =	simm.s32 $0x1BF5;
	[smem:$0x3FB8] =	sst s0  }
0x18: {  	s0 =	sld [smem:$0x3F9B];
	_ =	swait.ge [sflag:s4], $0x0  }
0x19: {  	s7 =	sld [smem:$0x3F9C]  }
0x1a: {  	s8 =	sadd.s32 $0xFFFFE003, lr  }
0x1b: {  	s9 =	sadd.s32 $0xFFFFFEF7, lr;
	s5 =	simm.s32 $0xFFFFFFFF;
	p2 =	slt.u32 s8, $0xFFFFF086  }
0x1c: {  	p1 =	slt.u32 s9, $0xF7A;
	s5 =	simm.s32 @!p2 $0x0  }
0x1d: {  	s5 =	simm.s32 @p1 $0x1;
	p0 =	seq.s32 s7, s2  }
0x1e: {  	s7 =	smul.u32 @!p0 $0xF7A, s2;
	p2 =	seq.s32 @!p0 s5, $0x0  }
0x1f: {  	s9 =	smul.u32 $0xF7A, s1;
	s8 =	simm.s32 @!p0 $0x1BF5;
	p2 =	por !p2, p0  }
0x20: {  	[sflag:s8] =	ssyncset.s32 @!p0 $0xFFFFF086;
	s6 =	sadd.s32 @!p0 s3, s7;
	s7 =	simm.s32 @!p0 $0x108  }
0x21: {  	s3 =	sadd.s32 s3, s9;
	s6 =	sadd.s32 @!p0 $0x88, s6;
	s7 =	simm.s32 @p2 $0x1082  }
0x22: {  	[simem:s7], [sflag:s8] =	dma.local @!p0 [hbm:s6], $0xF7A  }
0x23: {  	s9 =	sor.u32 $0xD0000000, s2;
	s6 =	simm.s32 $0x108;
	_ =	swait.ge @!p0 [sflag:s8], $0x0  }
0x24: {  	s3 =	sadd.s32 $0x88, s3;
	s6 =	simm.s32 @!p1 $0x1082;
	[sflag:s4] =	ssyncset.s32 $0xFFFFF086  }
0x25: {  	[simem:s6], [sflag:s4] =	dma.local [hbm:s3], $0xF7A  }
0x26: {  	[smem:$0x3F9C] =	sst s1;
	(tag) =	ssettag s2;
	_ =	strace s9  }
0x27: {  	s1 =	sld [smem:$0x3FAC]  }
0x28: {  	s2 =	sld [smem:$0x3FAD]  }
0x29: {  	s4 =	sld [smem:$0x3FAF]  }
0x2a: {  	p0 =	seq.s32 s5, $0x0;
	s5 =	sld [smem:$0x3FB0]  }
0x2b: {  	s6 =	sld [smem:$0x3FB1]  }
0x2c: {  	s7 =	sld [smem:$0x3FB2]  }
0x2d: {  	s3 =	simm.s32 $0x108;
	s8 =	sld [smem:$0x3FB3]  }
0x2e: {  	s3 =	simm.s32 @!p0 $0x1082;
	s9 =	sld [smem:$0x3FB4]  }
0x2f: {  	lr =	sadd.s32 s0, s3;
	s0 =	sld [smem:$0x3FAB]  }
0x30: {  	s3 =	sld [smem:$0x3FAE]  }
0x31: {  	[smem:$0x3FB7] =	sst s10  }
0x32: {  	s10 =	sld [smem:$0x3FB5];
	_ =	sdelay $0x3  }
0x33: {  	p0 =	seq.s32 s10, $0x1;
	s10 =	sld [smem:$0x3FB7];
	_ =	sdelay $0x3  }
0x34: {  	[smem:$0x3FB7] =	sst s10  }
0x35: {  	s10 =	sld [smem:$0x3FB6];
	_ =	sdelay $0x3  }
0x36: {  	p1 =	seq.s32 s10, $0x1;
	s10 =	sld [smem:$0x3FB7];
	_ =	sdelay $0x3  }
0x37: {  	[smem:$0x3FB7] =	sst s10  }
0x38: {  	s10 =	sld [smem:$0x3FB8]  }
0x39: {  	_ = 	snop;
	(pc) =	sbr.ind lr, $3  }
0x3a: {  	_ = 	snop  }
0x3b: {  	_ = 	snop  }
0x3c: {  	p2 =	seq.s32 s10, $0x1;
	s10 =	sld [smem:$0x3FB7]  }
0x3d: {  	_ =	shalt  }
0x3e: {  	_ =	shalt  }
0x3f: {  	_ =	shalt  }
0x40: {  	_ =	shalt  }
0x41: {  	_ =	shalt  }
0x42: {  	_ =	shalt  }
0x43: {  	_ =	shalt  }
0x44: {  	_ =	shalt  }
0x45: {  	_ =	shalt  }
0x46: {  	_ =	shalt  }
0x47: {  	_ =	shalt  }
0x48: {  	_ =	shalt  }
0x49: {  	_ =	shalt  }
0x4a: {  	_ =	shalt  }
0x4b: {  	_ =	shalt  }
0x4c: {  	_ =	shalt  }
0x4d: {  	_ =	shalt  }
0x4e: {  	_ =	shalt  }
0x4f: {  	_ =	shalt  }
0x50: {  	_ =	shalt  }
0x51: {  	_ =	shalt  }
0x52: {  	_ =	shalt  }
0x53: {  	_ =	shalt  }
0x54: {  	_ =	shalt  }
0x55: {  	_ =	shalt  }
0x56: {  	_ =	shalt  }
0x57: {  	_ =	shalt  }
0x58: {  	_ =	shalt  }
0x59: {  	_ =	shalt  }
0x5a: {  	_ =	shalt  }
0x5b: {  	_ =	shalt  }
0x5c: {  	_ =	shalt  }
0x5d: {  	_ =	shalt  }
0x5e: {  	_ =	shalt  }
0x5f: {  	_ =	shalt  }
0x60: {  	_ =	shalt  }
0x61: {  	_ =	shalt  }
0x62: {  	_ =	shalt  }
0x63: {  	_ =	shalt  }
0x64: {  	_ =	shalt  }
0x65: {  	_ =	shalt  }
0x66: {  	_ =	shalt  }
0x67: {  	_ =	shalt  }
0x68: {  	_ =	shalt  }
0x69: {  	_ =	shalt  }
0x6a: {  	_ =	shalt  }
0x6b: {  	_ =	shalt  }
0x6c: {  	_ =	shalt  }
0x6d: {  	_ =	shalt  }
0x6e: {  	_ =	shalt  }
0x6f: {  	_ =	shalt  }
0x70: {  	_ =	shalt  }
0x71: {  	_ =	shalt  }
0x72: {  	_ =	shalt  }
0x73: {  	_ =	shalt  }
0x74: {  	_ =	shalt  }
0x75: {  	_ =	shalt  }
0x76: {  	_ =	shalt  }
0x77: {  	_ =	shalt  }
0x78: {  	_ =	shalt  }
0x79: {  	_ =	shalt  }
0x7a: {  	_ =	shalt  }
0x7b: {  	_ =	shalt  }
0x7c: {  	_ =	shalt  }
0x7d: {  	_ =	shalt  }
0x7e: {  	_ =	shalt  }
0x7f: {  	_ =	shalt  }
0x80: {  	_ =	shalt  }
0x81: {  	_ =	shalt  }
0x82: {  	_ =	shalt  }
0x83: {  	_ =	shalt  }
0x84: {  	_ =	shalt  }
0x85: {  	_ =	shalt  }
0x86: {  	_ =	shalt  }
0x87: {  	_ =	shalt  }
.Lfunc_end0:
.L_simem_size_0:
called_computation_lowered:
.L_overlay_start_0:
0x88: {  	s2 =	sld [smem:$0x3FD9]  }
0x89: {  	s3 =	sld [smem:$0x3FFE];
	_ =	sdelay $0x1  }
0x8a: {  	s1 =	srdreg.scid  }
0x8b: {  	s0 =	sand.u32 $0x1, s1  }
0x8c: {  	s17 =	sshll.u32 s0, $0xA;
	s2 =	sadd.s32 s3, s2  }
0x8d: {  	s2 =	sadd.s32 s2, s17  }
0x8e: {  	[smem:$0x3FC3] =	sst s2  }
0x8f: {  	_ = 	snop  }
0x90: {  	s2 =	sld [smem:$0x3FC9]  }
0x91: {  	s18 =	sld [smem:$0x3FC6]  }
0x92: {  	s4 =	sld [smem:$0x3FC5];
	(tm) =	ssettm $0x1  }
0x93: {  	s5 =	sld [smem:$0x3FFB];
	_ =	sdelay $0x3  }
0x94: {  	_ =	strace s5  }
0x95: {  	s5 =	sld [smem:$0x3FFC];
	_ =	sdelay $0x3  }
0x96: {  	_ =	strace s5  }
0x97: {  	s5 =	sld [smem:$0x3FFD];
	_ =	sdelay $0x3  }
0x98: {  	_ =	strace s5  }
0x99: {  	_ =	strace $0x8FFFFFFF  }
0x9a: {  	s19 =	sld [smem:$0x3FDB];
	_ =	sdelay $0x1  }
0x9b: {  	s6 =	simm.s32 $_scs_section_size  }
0x9c: {  	s7 =	simm.s32 $_size__tile_overlayer_lowered;
	s8 =	simm.s32 $_tile_overlayer_lowered  }
0x9d: {  	s22 =	simm.s32 $0x1BFF;
	s21 =	sshll.u32 s8, $0x1;
	s5 =	sadd.s32 s6, s19  }
0x9e: {  	s9 =	simm.s32 $0x0;
	s20 =	sshll.u32 s7, $0x1;
	s7 =	sadd.s32 s21, s5  }
0x9f: {  	[timem:s9], [sflag:s22] =	dma.local [hbm:s7], s20  }
0xa0: {  	_ =	swait.ge [sflag:s22], s20  }
0xa1: {  	s6 =	ssub.s32 $0x0, s20;
	[sflag:s22] =	ssyncset.done $0x0  }
0xa2: {  	[sflag:s22] =	ssyncadd.s32 s6;
	_ =	sdelay $0x1  }
0xa3: {  	s23 =	simm.s32 $0x1B8B  }
0xa4: {  	_ =	swait.ge [sflag:s23], $0x1  }
0xa5: {  	[sflag:s23] =	ssyncset.done $0x0  }
0xa6: {  	s25 =	simm.s32 $0x1B8E;
	s24 =	sld [smem:$0x3FFE];
	[sflag:s23] =	ssyncadd.s32 $0xFFFFFFFF  }
0xa7: {  	s26 =	simm.s32 $execute0_lowered;
	[smem:$0x3FD2] =	sst s25  }
0xa8: {  	s7 =	sshll.u32 s26, $0x1;
	_ =	strace $0x80000046;
	[dreg:$0x1] =	wrdreg $0xFFFFFFFF  }
0xa9: {  	s28 =	simm.s32 $_size_execute0_lowered;
	s5 =	sadd.s32 s5, s7;
	[dreg:$0x0] =	wrdreg $0x0  }
0xaa: {  	s7 =	sshll.u32 s28, $0x1;
	[dreg:$0x2] =	wrdreg s5  }
0xab: {  	[dreg:$0x3] =	wrdreg s7  }
0xac: {  	[dreg:$0x4] =	wrdreg $0xC0  }
0xad: {  	_ =	task [dreg:s9], $0x5FFFF  }
0xae: {  	[dreg:$0x1] =	wrdreg $0xFFFFFFFF  }
0xaf: {  	[dreg:$0x0] =	wrdreg $0x60  }
0xb0: {  	[dreg:$0x2] =	wrdreg s2  }
0xb1: {  	[dreg:$0x3] =	wrdreg s24  }
0xb2: {  	[dreg:$0x4] =	wrdreg s18  }
0xb3: {  	[dreg:$0x5] =	wrdreg s4  }
0xb4: {  	[dreg:$0x6] =	wrdreg $0x9  }
0xb5: {  	_ =	task.clear_ibuf [dreg:s9], $0x7FFFF;
	_ =	strace $0x90000046  }
0xb6: {  	s29 =	simm.s32 $0x9;
	_ =	strace $0x80000048  }
0xb7: {  	_ =	swait.ge [sflag:s29], $0x1  }
0xb8: {  	[sflag:s29] =	ssyncadd.s32 $0xFFFFFFFF  }
0xb9: {  	_ =	strace $0x90000048  }
0xba: {  	_ =	sfence  }
0xbb: {  	s30 =	sld [smem:$0x0];
	_ =	sdelay $0x2  }
0xbc: {  	s31 =	sshll.u32 s1, $0xD;
	s1 =	sshrl.u32 s1, $0x2  }
0xbd: {  	s3 =	sand.u32 $0x4000, s31;
	s1 =	sadd.s32 s1, s30  }
0xbe: {  	s0 =	sor.u32 s3, s0;
	s1 =	sshll.u32 s1, $0x11  }
0xbf: {  	s0 =	sor.u32 s1, s0  }
0xc0: {  	s0 =	sadd.s32 $0x8F2B, s0  }
0xc1: {  	[sflag:s0] =	ssyncadd.remote.s32 $0x1  }
0xc2: {  	_ =	sfence.sel $0xFFFF  }
0xc3: {  	[dreg:$0x0] =	wrdreg $0xFFFFFFFF;
	(pc) =	sbr.abs _section_cstart, $3  }
0xc4: {  	[dreg:$0x1] =	wrdreg $0xFFFFFFFF  }
0xc5: {  	_ =	task.clear_ibuf [dreg:s9], $0x2FFFF;
	_ =	strace $0x9FFFFFFF  }
0xc6: {  	(tm) =	ssettm $0x7FFFFFFF  }
0xc7: {  	_ =	shalt  }
tec
execute0_lowered:
.L_overlay_start_1:
0x0: {  	(tag) =	ssettag $0x1  }
0x1: {  	s0 =	rddreg [dreg:$0x0]  }
0x2: {  	s1 =	rddreg [dreg:$0x1]  }
0x3: {  	s2 =	rddreg [dreg:$0x2];
	s4 =	srdreg.scid  }
0x4: {  	s6 =	stileid.u32;
	s3 =	rddreg [dreg:$0x3];
	s11 =	simm.s32 $0x1  }
0x5: {  	s12 =	simm.s32 $0x10;
	s14 =	simm.s32 $0x80;
	s18 =	simm.s32 $0x50  }
0x6: {  	s21 =	simm.s32 $0x2;
	s22 =	simm.s32 $0xDC00;
	s23 =	simm.s32 $0xE400  }
0x7: {  	s28 =	simm.s32 $0x18D00;
	s5 =	sand.u32 $0x1, s4;
	s6 =	sshll.u32 s6, $0x1  }
0x8: {  	s29 =	simm.s32 $0x3;
	s30 =	simm.s32 $0x1A100;
	s7 =	sor.u32 s5, s6  }
0x9: {  	s31 =	simm.s32 $0x1A200;
	s4 =	simm.s32 $0x0;
	s6 =	smul.u32 $0x540, s7  }
0xa: {  	[smem:$0x7FF] =	sst s4;
	s8 =	ssub.s32 $0x2, s5;
	s5 =	sadd.s32 $0xAE00, s1  }
0xb: {  	s9 =	sadd.s32 s6, s1;
	s6 =	sshll.u32 s7, $0x9;
	s7 =	sshll.u32 s7, $0x6  }
0xc: {  	_ =	strace $0x80000047;
	s24 =	sshrl.u32 s8, $0x1;
	s0 =	sadd.s32 s0, s7  }
0xd: {  	s1 =	ssub.s32 s8, s24;
	s25 =	sadd.s32 $0x600, s9;
	[dreg:$0x5] =	wrdreg s0  }
0xe: {  	s13 =	simm.s32 $0x0;
	s26 =	smax.u32 s1, $0x1;
	[dreg:$0x6] =	wrdreg s25  }
0xf: {  	s24 =	simm.s32 $0x12400;
	s1 =	simm.s32 $0x4;
	[dreg:$0x7] =	wrdreg s26  }
0x10: {  	s25 =	simm.s32 $0x16400;
	s26 =	simm.s32 $0x18C00;
	s0 =	simm.s32 $0x5  }
.LBB2_1:
0x11: {  	s7 =	rddreg [dreg:$0x5]  }
0x12: {  	[tilespmem:s4], [sflag:$0x1] =	stream.linear.gather [hbm4b:s7+s4], $0x200, $0x38;
	[tilespmem:$0x1B600] =	vst v63  }
0x13: {  	s9 =	rddreg [dreg:$0x6];
	s8 =	simm.s32 $0x200  }
0x14: {  	[tilespmem:s8], [sflag:$0x1] =	stream.linear.gather [hbm4b:s9+s4], $0x2A00, $0x38;
	[tilespmem:$0x1B600] =	vst v63  }
0x15: {  	_ =	swait.ge [sflag:s11], $0x200  }
0x16: {  	[sflag:s11] =	ssyncset.done $0x0  }
0x17: {  	[sflag:s11] =	ssyncadd.s32 $0xFFFFFE00  }
0x18: {  	_ =	swait.ge [sflag:s11], $0x2A00  }
0x19: {  	[sflag:s11] =	ssyncset.done $0x0  }
0x1a: {  	s10 =	simm.s32 $0x2C00;
	[sflag:s11] =	ssyncadd.s32 $0xFFFFD600  }
0x1b: {  	[tilespmem:s10], [sflag:$0x2] =	stream.indirect.gather [hbm4b:s2+s12], $0x80, s4, s12, $0xb8;
	[tilespmem:$0x1B600] =	vst v63  }
0x1c: {  	s15 =	simm.s32 $0x3400  }
0x1d: {  	[tilespmem:s15], [sflag:$0x2] =	stream.indirect.gather [hbm4b:s3+s14], $0x80, s8, s14, $0xb8;
	[tilespmem:$0x1B600] =	vst v63  }
0x1e: {  	s16 =	simm.s32 $0x280;
	s17 =	simm.s32 $0x7400  }
0x1f: {  	[tilespmem:s17], [sflag:$0x2] =	stream.indirect.gather [hbm4b:s3+s14], $0x80, s16, s14, $0xb8;
	[tilespmem:$0x1B600] =	vst v63  }
0x20: {  	s19 =	simm.s32 $0x300;
	s20 =	simm.s32 $0xB400;
	s15 =	simm.s32 $0x0  }
0x21: {  	[tilespmem:s20], [sflag:$0x2] =	stream.indirect.gather [hbm4b:s3+s18], $0x80, s19, s18, $0xb8;
	[tilespmem:$0x1B600] =	vst v63  }
.LBB2_2:
0x22: {  	_ =	swait.ge [sflag:s21], $0xB000  }
0x23: {  	s7 =	sshllo.u32 s15, $0x1;
	[sflag:s21] =	ssyncset.done $0x0  }
0x24: {  	s16 =	sshll.u32 s7, $0x4;
	s7 =	smul.u32 $0x540, s7;
	[sflag:s21] =	ssyncadd.s32 $0xFFFF5000  }
0x25: {  	[tilespmem:s22], [sflag:$0x3] =	stream.indirect.gather [hbm4b:s2+s12], $0x80, s16, s12, $0xb8;
	[tilespmem:$0x1B600] =	vst v63  }
0x26: {  	s7 =	sshra.s32 s7, $0x2  }
0x27: {  	s8 =	sadd.s32 $0x200, s7  }
0x28: {  	[tilespmem:s23], [sflag:$0x3] =	stream.indirect.gather [hbm4b:s3+s14], $0x80, s8, s14, $0xb8;
	[tilespmem:$0x1B600] =	vst v63  }
0x29: {  	s20 =	sadd.s32 $0x280, s7  }
0x2a: {  	[tilespmem:s24], [sflag:$0x3] =	stream.indirect.gather [hbm4b:s3+s14], $0x80, s20, s14, $0xb8;
	[tilespmem:$0x1B600] =	vst v63  }
0x2b: {  	p0 =	seq.s32 s15, $0x0;
	s7 =	sadd.s32 $0x300, s7  }
0x2c: {  	[tilespmem:s25], [sflag:$0x3] =	stream.indirect.gather [hbm4b:s3+s18], $0x80, s7, s18, $0xb8;
	[tilespmem:$0x1B600] =	vst v63  }
0x2d: {  	s7 =	simm.s32 @!p0 $0x4  }
0x2e: {  	_ =	swait.ge @!p0 [sflag:s7], $0x100  }
0x2f: {  	[sflag:s7] =	ssyncset.done @!p0 $0x0  }
0x30: {  	[sflag:s7] =	ssyncadd.s32 @!p0 $0xFFFFFF00  }
0x31: {  	s17 =	sshll.u32 s15, $0x1;
	s19 =	simm.s32 $0x0;
	_ =	swait.ge @!p0 [sflag:s7], $0x1400  }
0x32: {  	s10 =	simm.s32 $0x3400;
	s8 =	simm.s32 $0x18DA0;
	[sflag:s7] =	ssyncset.done @!p0 $0x0  }
0x33: {  	s20 =	simm.s32 $0x45F0;
	[sflag:s7] =	ssyncadd.s32 @!p0 $0xFFFFEC00;
	s7 =	simm.s32 $0x18C00  }
.LBB2_3:
0x34: {  	v3 =	vld [tilespmem:s10+$0xFFFFF800]  }
0x35: {  	v4 =	vld [tilespmem:s10+$0xFFFFF810]  }
0x36: {  	v2 =	vld [tilespmem:s10+$0x0]  }
0x37: {  	v6 =	vld [tilespmem:s10+$0x10]  }
0x38: {  	v5 =	vld [tilespmem:s10+$0xFFFFF820]  }
0x39: {  	v7 =	vld [tilespmem:s10+$0x20]  }
0x3a: {  	v1 =	vld [tilespmem:s10+$0xFFFFF830]  }
0x3b: {  	v8 =	vld [tilespmem:s10+$0x30]  }
0x3c: {  	v0 =	vld [tilespmem:s10+$0xFFFFF840];
	v9 =	vmul.f32 v2, v3;
	v6 =	vmul.f32 v6, v4  }
0x3d: {  	v10 =	vld [tilespmem:s10+$0x40]  }
0x3e: {  	v11 =	vld [tilespmem:s10+$0x50];
	v7 =	vmul.f32 v7, v5;
	v9 =	vadd.f32 v6, v9  }
0x3f: {  	v2 =	vld [tilespmem:s10+$0xFFFFF850]  }
0x40: {  	v12 =	vld [tilespmem:s10+$0x60];
	v8 =	vmul.f32 v8, v1;
	v9 =	vadd.f32 v7, v9  }
0x41: {  	v6 =	vld [tilespmem:s10+$0xFFFFF860]  }
0x42: {  	v45 =	vld [tilespmem:s10+$0x70];
	v44 =	vmul.f32 v10, v0;
	v8 =	vadd.f32 v8, v9  }
0x43: {  	v7 =	vld [tilespmem:s10+$0xFFFFF870]  }
0x44: {  	v46 =	vmul.f32 v11, v2;
	v8 =	vadd.f32 v44, v8;
	_ =	sdelay $0x1  }
0x45: {  	v47 =	vmul.f32 v12, v6;
	v8 =	vadd.f32 v46, v8;
	_ =	sdelay $0x1  }
0x46: {  	v48 =	vmul.f32 v45, v7;
	v8 =	vadd.f32 v47, v8;
	_ =	sdelay $0x1  }
0x47: {  	v8 =	vadd.f32 v48, v8;
	_ =	sdelay $0x1  }
0x48: {  	v8 =	vsub.f32 $0.0e+00, v8;
	_ =	sdelay $0x1  }
0x49: {  	[tilespmem:s7+$0x0] =	vst v8  }
0x4a: {  	v8 =	vld [tilespmem:s20+$0xFFFFF610]  }
0x4b: {  	v49 =	vld [tilespmem:s20+$0xFFFFF620];
	_ =	sdelay $0x1  }
0x4c: {  	v50 =	vld [tilespmem:s20+$0xFFFFF630];
	_ =	sdelay $0x1  }
0x4d: {  	v51 =	vld [tilespmem:s20+$0xFFFFF640]  }
0x4e: {  	v8 =	vmul.f32 v8, v3;
	v9 =	vmul.f32 v49, v4  }
0x4f: {  	v52 =	vld [tilespmem:s20+$0xFFFFF650]  }
0x50: {  	v53 =	vmul.f32 v50, v5;
	v8 =	vadd.f32 v9, v8  }
0x51: {  	v54 =	vld [tilespmem:s20+$0xFFFFF660]  }
0x52: {  	v55 =	vmul.f32 v51, v1;
	v8 =	vadd.f32 v53, v8  }
0x53: {  	v56 =	vld [tilespmem:s20+$0xFFFFF670]  }
0x54: {  	v57 =	vmul.f32 v52, v0;
	v8 =	vadd.f32 v55, v8  }
0x55: {  	v58 =	vld [tilespmem:s20+$0xFFFFF680]  }
0x56: {  	v59 =	vmul.f32 v54, v2;
	v8 =	vadd.f32 v57, v8;
	_ =	sdelay $0x1  }
0x57: {  	v60 =	vmul.f32 v56, v6;
	v8 =	vadd.f32 v59, v8;
	_ =	sdelay $0x1  }
0x58: {  	v61 =	vmul.f32 v58, v7;
	v8 =	vadd.f32 v60, v8;
	_ =	sdelay $0x1  }
0x59: {  	v8 =	vadd.f32 v61, v8;
	_ =	sdelay $0x1  }
0x5a: {  	[tilespmem:s8+$0xFFFFFF60] =	vst v8  }
0x5b: {  	v8 =	vld [tilespmem:s20+$0xFFFFF690]  }
0x5c: {  	v62 =	vld [tilespmem:s20+$0xFFFFF6A0];
	_ =	sdelay $0x1  }
0x5d: {  	v63 =	vld [tilespmem:s20+$0xFFFFF6B0];
	_ =	sdelay $0x1  }
0x5e: {  	v16 =	vld [tilespmem:s20+$0xFFFFF6C0]  }
0x5f: {  	v8 =	vmul.f32 v8, v3;
	v9 =	vmul.f32 v62, v4  }
0x60: {  	v17 =	vld [tilespmem:s20+$0xFFFFF6D0]  }
0x61: {  	v18 =	vmul.f32 v63, v5;
	v8 =	vadd.f32 v9, v8  }
0x62: {  	v19 =	vld [tilespmem:s20+$0xFFFFF6E0]  }
0x63: {  	v20 =	vmul.f32 v16, v1;
	v8 =	vadd.f32 v18, v8  }
0x64: {  	v21 =	vld [tilespmem:s20+$0xFFFFF6F0]  }
0x65: {  	v22 =	vmul.f32 v17, v0;
	v8 =	vadd.f32 v20, v8  }
0x66: {  	v23 =	vld [tilespmem:s20+$0xFFFFF700]  }
0x67: {  	v24 =	vmul.f32 v19, v2;
	v8 =	vadd.f32 v22, v8;
	_ =	sdelay $0x1  }
0x68: {  	v25 =	vmul.f32 v21, v6;
	v8 =	vadd.f32 v24, v8;
	_ =	sdelay $0x1  }
0x69: {  	v26 =	vmul.f32 v23, v7;
	v8 =	vadd.f32 v25, v8;
	_ =	sdelay $0x1  }
0x6a: {  	v8 =	vadd.f32 v26, v8;
	_ =	sdelay $0x1  }
0x6b: {  	[tilespmem:s8+$0xFFFFFF70] =	vst v8  }
0x6c: {  	v8 =	vld [tilespmem:s20+$0xFFFFF710]  }
0x6d: {  	v27 =	vld [tilespmem:s20+$0xFFFFF720];
	_ =	sdelay $0x1  }
0x6e: {  	v28 =	vld [tilespmem:s20+$0xFFFFF730];
	_ =	sdelay $0x1  }
0x6f: {  	v29 =	vld [tilespmem:s20+$0xFFFFF740]  }
0x70: {  	v8 =	vmul.f32 v8, v3;
	v9 =	vmul.f32 v27, v4  }
0x71: {  	v30 =	vld [tilespmem:s20+$0xFFFFF750]  }
0x72: {  	v31 =	vmul.f32 v28, v5;
	v8 =	vadd.f32 v9, v8  }
0x73: {  	v32 =	vld [tilespmem:s20+$0xFFFFF760]  }
0x74: {  	v33 =	vmul.f32 v29, v1;
	v8 =	vadd.f32 v31, v8  }
0x75: {  	v34 =	vld [tilespmem:s20+$0xFFFFF770]  }
0x76: {  	v35 =	vmul.f32 v30, v0;
	v8 =	vadd.f32 v33, v8  }
0x77: {  	v36 =	vld [tilespmem:s20+$0xFFFFF780]  }
0x78: {  	v37 =	vmul.f32 v32, v2;
	v8 =	vadd.f32 v35, v8;
	_ =	sdelay $0x1  }
0x79: {  	v38 =	vmul.f32 v34, v6;
	v8 =	vadd.f32 v37, v8;
	_ =	sdelay $0x1  }
0x7a: {  	v39 =	vmul.f32 v36, v7;
	v8 =	vadd.f32 v38, v8;
	_ =	sdelay $0x1  }
0x7b: {  	v8 =	vadd.f32 v39, v8;
	_ =	sdelay $0x1  }
0x7c: {  	[tilespmem:s8+$0xFFFFFF80] =	vst v8  }
0x7d: {  	v8 =	vld [tilespmem:s20+$0xFFFFF790]  }
0x7e: {  	v40 =	vld [tilespmem:s20+$0xFFFFF7A0];
	_ =	sdelay $0x1  }
0x7f: {  	v41 =	vld [tilespmem:s20+$0xFFFFF7B0];
	_ =	sdelay $0x1  }
0x80: {  	v42 =	vld [tilespmem:s20+$0xFFFFF7C0]  }
0x81: {  	v8 =	vmul.f32 v8, v3;
	v9 =	vmul.f32 v40, v4  }
0x82: {  	v43 =	vld [tilespmem:s20+$0xFFFFF7D0]  }
0x83: {  	v44 =	vmul.f32 v41, v5;
	v8 =	vadd.f32 v9, v8  }
0x84: {  	v45 =	vld [tilespmem:s20+$0xFFFFF7E0]  }
0x85: {  	v46 =	vmul.f32 v42, v1;
	v8 =	vadd.f32 v44, v8  }
0x86: {  	v47 =	vld [tilespmem:s20+$0xFFFFF7F0]  }
0x87: {  	v48 =	vmul.f32 v43, v0;
	v8 =	vadd.f32 v46, v8  }
0x88: {  	v49 =	vld [tilespmem:s20+$0xFFFFF800]  }
0x89: {  	v50 =	vmul.f32 v45, v2;
	v8 =	vadd.f32 v48, v8;
	_ =	sdelay $0x1  }
0x8a: {  	v51 =	vmul.f32 v47, v6;
	v8 =	vadd.f32 v50, v8;
	_ =	sdelay $0x1  }
0x8b: {  	v52 =	vmul.f32 v49, v7;
	v8 =	vadd.f32 v51, v8;
	_ =	sdelay $0x1  }
0x8c: {  	v8 =	vadd.f32 v52, v8;
	_ =	sdelay $0x1  }
0x8d: {  	[tilespmem:s8+$0xFFFFFF90] =	vst v8  }
0x8e: {  	v8 =	vld [tilespmem:s20+$0xFFFFF810]  }
0x8f: {  	v53 =	vld [tilespmem:s20+$0xFFFFF820];
	_ =	sdelay $0x1  }
0x90: {  	v54 =	vld [tilespmem:s20+$0xFFFFF830];
	_ =	sdelay $0x1  }
0x91: {  	v55 =	vld [tilespmem:s20+$0xFFFFF840]  }
0x92: {  	v8 =	vmul.f32 v8, v3;
	v9 =	vmul.f32 v53, v4  }
0x93: {  	v56 =	vld [tilespmem:s20+$0xFFFFF850]  }
0x94: {  	v57 =	vmul.f32 v54, v5;
	v8 =	vadd.f32 v9, v8  }
0x95: {  	v58 =	vld [tilespmem:s20+$0xFFFFF860]  }
0x96: {  	v59 =	vmul.f32 v55, v1;
	v8 =	vadd.f32 v57, v8  }
0x97: {  	v60 =	vld [tilespmem:s20+$0xFFFFF870]  }
0x98: {  	v61 =	vmul.f32 v56, v0;
	v8 =	vadd.f32 v59, v8  }
0x99: {  	v62 =	vld [tilespmem:s20+$0xFFFFF880]  }
0x9a: {  	v63 =	vmul.f32 v58, v2;
	v8 =	vadd.f32 v61, v8;
	_ =	sdelay $0x1  }
0x9b: {  	v13 =	vmul.f32 v60, v6;
	v8 =	vadd.f32 v63, v8;
	_ =	sdelay $0x1  }
0x9c: {  	v14 =	vmul.f32 v62, v7;
	v8 =	vadd.f32 v13, v8;
	_ =	sdelay $0x1  }
0x9d: {  	v8 =	vadd.f32 v14, v8;
	_ =	sdelay $0x1  }
0x9e: {  	[tilespmem:s8+$0xFFFFFFA0] =	vst v8  }
0x9f: {  	v8 =	vld [tilespmem:s20+$0xFFFFF890]  }
0xa0: {  	v15 =	vld [tilespmem:s20+$0xFFFFF8A0];
	_ =	sdelay $0x1  }
0xa1: {  	v16 =	vld [tilespmem:s20+$0xFFFFF8B0];
	_ =	sdelay $0x1  }
0xa2: {  	v17 =	vld [tilespmem:s20+$0xFFFFF8C0]  }
0xa3: {  	v8 =	vmul.f32 v8, v3;
	v9 =	vmul.f32 v15, v4  }
0xa4: {  	v18 =	vld [tilespmem:s20+$0xFFFFF8D0]  }
0xa5: {  	v19 =	vmul.f32 v16, v5;
	v8 =	vadd.f32 v9, v8  }
0xa6: {  	v20 =	vld [tilespmem:s20+$0xFFFFF8E0]  }
0xa7: {  	v21 =	vmul.f32 v17, v1;
	v8 =	vadd.f32 v19, v8  }
0xa8: {  	v22 =	vld [tilespmem:s20+$0xFFFFF8F0]  }
0xa9: {  	v23 =	vmul.f32 v18, v0;
	v8 =	vadd.f32 v21, v8  }
0xaa: {  	v24 =	vld [tilespmem:s20+$0xFFFFF900]  }
0xab: {  	v25 =	vmul.f32 v20, v2;
	v8 =	vadd.f32 v23, v8;
	_ =	sdelay $0x1  }
0xac: {  	v26 =	vmul.f32 v22, v6;
	v8 =	vadd.f32 v25, v8;
	_ =	sdelay $0x1  }
0xad: {  	v27 =	vmul.f32 v24, v7;
	v8 =	vadd.f32 v26, v8;
	_ =	sdelay $0x1  }
0xae: {  	v8 =	vadd.f32 v27, v8;
	_ =	sdelay $0x1  }
0xaf: {  	[tilespmem:s8+$0xFFFFFFB0] =	vst v8  }
0xb0: {  	v8 =	vld [tilespmem:s20+$0xFFFFF910]  }
0xb1: {  	v28 =	vld [tilespmem:s20+$0xFFFFF920];
	_ =	sdelay $0x1  }
0xb2: {  	v29 =	vld [tilespmem:s20+$0xFFFFF930];
	_ =	sdelay $0x1  }
0xb3: {  	v30 =	vld [tilespmem:s20+$0xFFFFF940]  }
0xb4: {  	v8 =	vmul.f32 v8, v3;
	v9 =	vmul.f32 v28, v4  }
0xb5: {  	v31 =	vld [tilespmem:s20+$0xFFFFF950]  }
0xb6: {  	v32 =	vmul.f32 v29, v5;
	v8 =	vadd.f32 v9, v8  }
0xb7: {  	v33 =	vld [tilespmem:s20+$0xFFFFF960]  }
0xb8: {  	v34 =	vmul.f32 v30, v1;
	v8 =	vadd.f32 v32, v8  }
0xb9: {  	v35 =	vld [tilespmem:s20+$0xFFFFF970]  }
0xba: {  	v36 =	vmul.f32 v31, v0;
	v8 =	vadd.f32 v34, v8  }
0xbb: {  	v37 =	vld [tilespmem:s20+$0xFFFFF980]  }
0xbc: {  	v38 =	vmul.f32 v33, v2;
	v8 =	vadd.f32 v36, v8;
	_ =	sdelay $0x1  }
0xbd: {  	v39 =	vmul.f32 v35, v6;
	v8 =	vadd.f32 v38, v8;
	_ =	sdelay $0x1  }
0xbe: {  	v40 =	vmul.f32 v37, v7;
	v8 =	vadd.f32 v39, v8;
	_ =	sdelay $0x1  }
0xbf: {  	v8 =	vadd.f32 v40, v8;
	_ =	sdelay $0x1  }
0xc0: {  	[tilespmem:s8+$0xFFFFFFC0] =	vst v8  }
0xc1: {  	v8 =	vld [tilespmem:s20+$0xFFFFF990]  }
0xc2: {  	v41 =	vld [tilespmem:s20+$0xFFFFF9A0];
	_ =	sdelay $0x1  }
0xc3: {  	v42 =	vld [tilespmem:s20+$0xFFFFF9B0];
	_ =	sdelay $0x1  }
0xc4: {  	v43 =	vld [tilespmem:s20+$0xFFFFF9C0]  }
0xc5: {  	v8 =	vmul.f32 v8, v3;
	v9 =	vmul.f32 v41, v4  }
0xc6: {  	v44 =	vld [tilespmem:s20+$0xFFFFF9D0]  }
0xc7: {  	v45 =	vmul.f32 v42, v5;
	v8 =	vadd.f32 v9, v8  }
0xc8: {  	v46 =	vld [tilespmem:s20+$0xFFFFF9E0]  }
0xc9: {  	v47 =	vmul.f32 v43, v1;
	v8 =	vadd.f32 v45, v8  }
0xca: {  	v48 =	vld [tilespmem:s20+$0xFFFFF9F0]  }
0xcb: {  	v49 =	vmul.f32 v44, v0;
	v8 =	vadd.f32 v47, v8  }
0xcc: {  	v50 =	vld [tilespmem:s20+$0xFFFFFA00]  }
0xcd: {  	v51 =	vmul.f32 v46, v2;
	v8 =	vadd.f32 v49, v8;
	_ =	sdelay $0x1  }
0xce: {  	v52 =	vmul.f32 v48, v6;
	v8 =	vadd.f32 v51, v8;
	_ =	sdelay $0x1  }
0xcf: {  	v53 =	vmul.f32 v50, v7;
	v8 =	vadd.f32 v52, v8;
	_ =	sdelay $0x1  }
0xd0: {  	v8 =	vadd.f32 v53, v8;
	_ =	sdelay $0x1  }
0xd1: {  	[tilespmem:s8+$0xFFFFFFD0] =	vst v8  }
0xd2: {  	v8 =	vld [tilespmem:s20+$0xFFFFFA10]  }
0xd3: {  	v54 =	vld [tilespmem:s20+$0xFFFFFA20];
	_ =	sdelay $0x1  }
0xd4: {  	v55 =	vld [tilespmem:s20+$0xFFFFFA30];
	_ =	sdelay $0x1  }
0xd5: {  	v56 =	vld [tilespmem:s20+$0xFFFFFA40]  }
0xd6: {  	v8 =	vmul.f32 v8, v3;
	v9 =	vmul.f32 v54, v4  }
0xd7: {  	v57 =	vld [tilespmem:s20+$0xFFFFFA50]  }
0xd8: {  	v58 =	vmul.f32 v55, v5;
	v8 =	vadd.f32 v9, v8  }
0xd9: {  	v59 =	vld [tilespmem:s20+$0xFFFFFA60]  }
0xda: {  	v60 =	vmul.f32 v56, v1;
	v8 =	vadd.f32 v58, v8  }
0xdb: {  	v61 =	vld [tilespmem:s20+$0xFFFFFA70]  }
0xdc: {  	v62 =	vmul.f32 v57, v0;
	v8 =	vadd.f32 v60, v8  }
0xdd: {  	v63 =	vld [tilespmem:s20+$0xFFFFFA80]  }
0xde: {  	v16 =	vmul.f32 v59, v2;
	v8 =	vadd.f32 v62, v8;
	_ =	sdelay $0x1  }
0xdf: {  	v17 =	vmul.f32 v61, v6;
	v8 =	vadd.f32 v16, v8;
	_ =	sdelay $0x1  }
0xe0: {  	v18 =	vmul.f32 v63, v7;
	v8 =	vadd.f32 v17, v8;
	_ =	sdelay $0x1  }
0xe1: {  	v8 =	vadd.f32 v18, v8  }
0xe2: {  	s9 =	sand.u32 $0x1FC0, s19  }
0xe3: {  	[tilespmem:s9+$0x18D80] =	vst v8  }
0xe4: {  	v8 =	vld [tilespmem:s20+$0xFFFFFA90]  }
0xe5: {  	v19 =	vld [tilespmem:s20+$0xFFFFFAA0];
	_ =	sdelay $0x1  }
0xe6: {  	v20 =	vld [tilespmem:s20+$0xFFFFFAB0];
	_ =	sdelay $0x1  }
0xe7: {  	v21 =	vld [tilespmem:s20+$0xFFFFFAC0]  }
0xe8: {  	v8 =	vmul.f32 v8, v3;
	v9 =	vmul.f32 v19, v4  }
0xe9: {  	v22 =	vld [tilespmem:s20+$0xFFFFFAD0]  }
0xea: {  	v23 =	vmul.f32 v20, v5;
	v8 =	vadd.f32 v9, v8  }
0xeb: {  	v24 =	vld [tilespmem:s20+$0xFFFFFAE0]  }
0xec: {  	v25 =	vmul.f32 v21, v1;
	v8 =	vadd.f32 v23, v8  }
0xed: {  	v26 =	vld [tilespmem:s20+$0xFFFFFAF0]  }
0xee: {  	v27 =	vmul.f32 v22, v0;
	v8 =	vadd.f32 v25, v8  }
0xef: {  	v28 =	vld [tilespmem:s20+$0xFFFFFB00]  }
0xf0: {  	v29 =	vmul.f32 v24, v2;
	v8 =	vadd.f32 v27, v8;
	_ =	sdelay $0x1  }
0xf1: {  	v30 =	vmul.f32 v26, v6;
	v8 =	vadd.f32 v29, v8;
	_ =	sdelay $0x1  }
0xf2: {  	v31 =	vmul.f32 v28, v7;
	v8 =	vadd.f32 v30, v8;
	_ =	sdelay $0x1  }
0xf3: {  	v8 =	vadd.f32 v31, v8;
	_ =	sdelay $0x1  }
0xf4: {  	[tilespmem:s8+$0xFFFFFFF0] =	vst v8  }
0xf5: {  	v8 =	vld [tilespmem:s20+$0xFFFFFB10]  }
0xf6: {  	v32 =	vld [tilespmem:s20+$0xFFFFFB20];
	_ =	sdelay $0x1  }
0xf7: {  	v33 =	vld [tilespmem:s20+$0xFFFFFB30];
	_ =	sdelay $0x1  }
0xf8: {  	v34 =	vld [tilespmem:s20+$0xFFFFFB40]  }
0xf9: {  	v8 =	vmul.f32 v8, v3;
	v9 =	vmul.f32 v32, v4  }
0xfa: {  	v35 =	vld [tilespmem:s20+$0xFFFFFB50]  }
0xfb: {  	v36 =	vmul.f32 v33, v5;
	v8 =	vadd.f32 v9, v8  }
0xfc: {  	v37 =	vld [tilespmem:s20+$0xFFFFFB60]  }
0xfd: {  	v38 =	vmul.f32 v34, v1;
	v8 =	vadd.f32 v36, v8  }
0xfe: {  	v39 =	vld [tilespmem:s20+$0xFFFFFB70]  }
0xff: {  	v40 =	vmul.f32 v35, v0;
	v8 =	vadd.f32 v38, v8  }
0x100: {  	v41 =	vld [tilespmem:s20+$0xFFFFFB80]  }
0x101: {  	v42 =	vmul.f32 v37, v2;
	v8 =	vadd.f32 v40, v8;
	_ =	sdelay $0x1  }
0x102: {  	v43 =	vmul.f32 v39, v6;
	v8 =	vadd.f32 v42, v8;
	_ =	sdelay $0x1  }
0x103: {  	v44 =	vmul.f32 v41, v7;
	v8 =	vadd.f32 v43, v8;
	_ =	sdelay $0x1  }
0x104: {  	v8 =	vadd.f32 v44, v8;
	_ =	sdelay $0x1  }
0x105: {  	[tilespmem:s8+$0x0] =	vst v8  }
0x106: {  	v8 =	vld [tilespmem:s20+$0xFFFFFB90]  }
0x107: {  	v45 =	vld [tilespmem:s20+$0xFFFFFBA0];
	_ =	sdelay $0x1  }
0x108: {  	v46 =	vld [tilespmem:s20+$0xFFFFFBB0];
	_ =	sdelay $0x1  }
0x109: {  	v47 =	vld [tilespmem:s20+$0xFFFFFBC0]  }
0x10a: {  	v8 =	vmul.f32 v8, v3;
	v9 =	vmul.f32 v45, v4  }
0x10b: {  	v48 =	vld [tilespmem:s20+$0xFFFFFBD0]  }
0x10c: {  	v49 =	vmul.f32 v46, v5;
	v8 =	vadd.f32 v9, v8  }
0x10d: {  	v50 =	vld [tilespmem:s20+$0xFFFFFBE0]  }
0x10e: {  	v51 =	vmul.f32 v47, v1;
	v8 =	vadd.f32 v49, v8  }
0x10f: {  	v52 =	vld [tilespmem:s20+$0xFFFFFBF0]  }
0x110: {  	v53 =	vmul.f32 v48, v0;
	v8 =	vadd.f32 v51, v8  }
0x111: {  	v54 =	vld [tilespmem:s20+$0xFFFFFC00]  }
0x112: {  	v55 =	vmul.f32 v50, v2;
	v8 =	vadd.f32 v53, v8;
	_ =	sdelay $0x1  }
0x113: {  	v56 =	vmul.f32 v52, v6;
	v8 =	vadd.f32 v55, v8;
	_ =	sdelay $0x1  }
0x114: {  	v57 =	vmul.f32 v54, v7;
	v8 =	vadd.f32 v56, v8;
	_ =	sdelay $0x1  }
0x115: {  	v8 =	vadd.f32 v57, v8;
	_ =	sdelay $0x1  }
0x116: {  	[tilespmem:s8+$0x10] =	vst v8  }
0x117: {  	v8 =	vld [tilespmem:s20+$0xFFFFFC10]  }
0x118: {  	v58 =	vld [tilespmem:s20+$0xFFFFFC20];
	_ =	sdelay $0x1  }
0x119: {  	v59 =	vld [tilespmem:s20+$0xFFFFFC30];
	_ =	sdelay $0x1  }
0x11a: {  	v60 =	vld [tilespmem:s20+$0xFFFFFC40]  }
0x11b: {  	v8 =	vmul.f32 v8, v3;
	v9 =	vmul.f32 v58, v4  }
0x11c: {  	v61 =	vld [tilespmem:s20+$0xFFFFFC50]  }
0x11d: {  	v62 =	vmul.f32 v59, v5;
	v8 =	vadd.f32 v9, v8  }
0x11e: {  	v63 =	vld [tilespmem:s20+$0xFFFFFC60]  }
0x11f: {  	v16 =	vmul.f32 v60, v1;
	v8 =	vadd.f32 v62, v8  }
0x120: {  	v17 =	vld [tilespmem:s20+$0xFFFFFC70]  }
0x121: {  	v18 =	vmul.f32 v61, v0;
	v8 =	vadd.f32 v16, v8  }
0x122: {  	v19 =	vld [tilespmem:s20+$0xFFFFFC80]  }
0x123: {  	v20 =	vmul.f32 v63, v2;
	v8 =	vadd.f32 v18, v8;
	_ =	sdelay $0x1  }
0x124: {  	v21 =	vmul.f32 v17, v6;
	v8 =	vadd.f32 v20, v8;
	_ =	sdelay $0x1  }
0x125: {  	v22 =	vmul.f32 v19, v7;
	v8 =	vadd.f32 v21, v8;
	_ =	sdelay $0x1  }
0x126: {  	v8 =	vadd.f32 v22, v8;
	_ =	sdelay $0x1  }
0x127: {  	[tilespmem:s8+$0x20] =	vst v8  }
0x128: {  	v8 =	vld [tilespmem:s20+$0xFFFFFC90]  }
0x129: {  	v23 =	vld [tilespmem:s20+$0xFFFFFCA0];
	_ =	sdelay $0x1  }
0x12a: {  	v24 =	vld [tilespmem:s20+$0xFFFFFCB0];
	_ =	sdelay $0x1  }
0x12b: {  	v25 =	vld [tilespmem:s20+$0xFFFFFCC0]  }
0x12c: {  	v8 =	vmul.f32 v8, v3;
	v9 =	vmul.f32 v23, v4  }
0x12d: {  	v26 =	vld [tilespmem:s20+$0xFFFFFCD0]  }
0x12e: {  	v27 =	vmul.f32 v24, v5;
	v8 =	vadd.f32 v9, v8  }
0x12f: {  	v28 =	vld [tilespmem:s20+$0xFFFFFCE0]  }
0x130: {  	v29 =	vmul.f32 v25, v1;
	v8 =	vadd.f32 v27, v8  }
0x131: {  	v30 =	vld [tilespmem:s20+$0xFFFFFCF0]  }
0x132: {  	v31 =	vmul.f32 v26, v0;
	v8 =	vadd.f32 v29, v8  }
0x133: {  	v32 =	vld [tilespmem:s20+$0xFFFFFD00]  }
0x134: {  	v33 =	vmul.f32 v28, v2;
	v8 =	vadd.f32 v31, v8;
	_ =	sdelay $0x1  }
0x135: {  	v34 =	vmul.f32 v30, v6;
	v8 =	vadd.f32 v33, v8;
	_ =	sdelay $0x1  }
0x136: {  	v35 =	vmul.f32 v32, v7;
	v8 =	vadd.f32 v34, v8;
	_ =	sdelay $0x1  }
0x137: {  	v8 =	vadd.f32 v35, v8;
	_ =	sdelay $0x1  }
0x138: {  	[tilespmem:s8+$0x30] =	vst v8  }
0x139: {  	v8 =	vld [tilespmem:s20+$0xFFFFFD10]  }
0x13a: {  	v36 =	vld [tilespmem:s20+$0xFFFFFD20];
	_ =	sdelay $0x1  }
0x13b: {  	v37 =	vld [tilespmem:s20+$0xFFFFFD30];
	_ =	sdelay $0x1  }
0x13c: {  	v38 =	vld [tilespmem:s20+$0xFFFFFD40]  }
0x13d: {  	v8 =	vmul.f32 v8, v3;
	v9 =	vmul.f32 v36, v4  }
0x13e: {  	v39 =	vld [tilespmem:s20+$0xFFFFFD50]  }
0x13f: {  	v40 =	vmul.f32 v37, v5;
	v8 =	vadd.f32 v9, v8  }
0x140: {  	v41 =	vld [tilespmem:s20+$0xFFFFFD60]  }
0x141: {  	v42 =	vmul.f32 v38, v1;
	v8 =	vadd.f32 v40, v8  }
0x142: {  	v43 =	vld [tilespmem:s20+$0xFFFFFD70]  }
0x143: {  	v44 =	vmul.f32 v39, v0;
	v8 =	vadd.f32 v42, v8  }
0x144: {  	v45 =	vld [tilespmem:s20+$0xFFFFFD80]  }
0x145: {  	v46 =	vmul.f32 v41, v2;
	v8 =	vadd.f32 v44, v8;
	_ =	sdelay $0x1  }
0x146: {  	v47 =	vmul.f32 v43, v6;
	v8 =	vadd.f32 v46, v8;
	_ =	sdelay $0x1  }
0x147: {  	v48 =	vmul.f32 v45, v7;
	v8 =	vadd.f32 v47, v8;
	_ =	sdelay $0x1  }
0x148: {  	v8 =	vadd.f32 v48, v8;
	_ =	sdelay $0x1  }
0x149: {  	[tilespmem:s8+$0x40] =	vst v8  }
0x14a: {  	v8 =	vld [tilespmem:s20+$0xFFFFFD90]  }
0x14b: {  	v49 =	vld [tilespmem:s20+$0xFFFFFDA0];
	_ =	sdelay $0x1  }
0x14c: {  	v50 =	vld [tilespmem:s20+$0xFFFFFDB0];
	_ =	sdelay $0x1  }
0x14d: {  	v51 =	vld [tilespmem:s20+$0xFFFFFDC0]  }
0x14e: {  	v8 =	vmul.f32 v8, v3;
	v9 =	vmul.f32 v49, v4  }
0x14f: {  	v52 =	vld [tilespmem:s20+$0xFFFFFDD0]  }
0x150: {  	v53 =	vmul.f32 v50, v5;
	v8 =	vadd.f32 v9, v8  }
0x151: {  	v54 =	vld [tilespmem:s20+$0xFFFFFDE0]  }
0x152: {  	v55 =	vmul.f32 v51, v1;
	v8 =	vadd.f32 v53, v8  }
0x153: {  	v56 =	vld [tilespmem:s20+$0xFFFFFDF0]  }
0x154: {  	v57 =	vmul.f32 v52, v0;
	v8 =	vadd.f32 v55, v8  }
0x155: {  	v58 =	vld [tilespmem:s20+$0xFFFFFE00]  }
0x156: {  	v59 =	vmul.f32 v54, v2;
	v8 =	vadd.f32 v57, v8;
	_ =	sdelay $0x1  }
0x157: {  	v60 =	vmul.f32 v56, v6;
	v8 =	vadd.f32 v59, v8;
	_ =	sdelay $0x1  }
0x158: {  	v61 =	vmul.f32 v58, v7;
	v8 =	vadd.f32 v60, v8;
	_ =	sdelay $0x1  }
0x159: {  	v8 =	vadd.f32 v61, v8;
	_ =	sdelay $0x1  }
0x15a: {  	[tilespmem:s8+$0x50] =	vst v8  }
0x15b: {  	v8 =	vld [tilespmem:s20+$0xFFFFFE10]  }
0x15c: {  	v62 =	vld [tilespmem:s20+$0xFFFFFE20];
	_ =	sdelay $0x1  }
0x15d: {  	v63 =	vld [tilespmem:s20+$0xFFFFFE30];
	_ =	sdelay $0x1  }
0x15e: {  	v16 =	vld [tilespmem:s20+$0xFFFFFE40]  }
0x15f: {  	v8 =	vmul.f32 v8, v3;
	v9 =	vmul.f32 v62, v4  }
0x160: {  	v17 =	vld [tilespmem:s20+$0xFFFFFE50]  }
0x161: {  	v18 =	vmul.f32 v63, v5;
	v8 =	vadd.f32 v9, v8  }
0x162: {  	v19 =	vld [tilespmem:s20+$0xFFFFFE60]  }
0x163: {  	v20 =	vmul.f32 v16, v1;
	v8 =	vadd.f32 v18, v8  }
0x164: {  	v21 =	vld [tilespmem:s20+$0xFFFFFE70]  }
0x165: {  	v22 =	vmul.f32 v17, v0;
	v8 =	vadd.f32 v20, v8  }
0x166: {  	v23 =	vld [tilespmem:s20+$0xFFFFFE80]  }
0x167: {  	v24 =	vmul.f32 v19, v2;
	v8 =	vadd.f32 v22, v8;
	_ =	sdelay $0x1  }
0x168: {  	v25 =	vmul.f32 v21, v6;
	v8 =	vadd.f32 v24, v8;
	_ =	sdelay $0x1  }
0x169: {  	v26 =	vmul.f32 v23, v7;
	v8 =	vadd.f32 v25, v8;
	_ =	sdelay $0x1  }
0x16a: {  	v8 =	vadd.f32 v26, v8;
	_ =	sdelay $0x1  }
0x16b: {  	[tilespmem:s9+$0x18E00] =	vst v8  }
0x16c: {  	v8 =	vld [tilespmem:s20+$0xFFFFFE90]  }
0x16d: {  	v27 =	vld [tilespmem:s20+$0xFFFFFEA0];
	_ =	sdelay $0x1  }
0x16e: {  	v28 =	vld [tilespmem:s20+$0xFFFFFEB0];
	_ =	sdelay $0x1  }
0x16f: {  	v29 =	vld [tilespmem:s20+$0xFFFFFEC0]  }
0x170: {  	v8 =	vmul.f32 v8, v3;
	v9 =	vmul.f32 v27, v4  }
0x171: {  	v30 =	vld [tilespmem:s20+$0xFFFFFED0]  }
0x172: {  	v31 =	vmul.f32 v28, v5;
	v8 =	vadd.f32 v9, v8  }
0x173: {  	v32 =	vld [tilespmem:s20+$0xFFFFFEE0]  }
0x174: {  	v33 =	vmul.f32 v29, v1;
	v8 =	vadd.f32 v31, v8  }
0x175: {  	v34 =	vld [tilespmem:s20+$0xFFFFFEF0]  }
0x176: {  	v35 =	vmul.f32 v30, v0;
	v8 =	vadd.f32 v33, v8  }
0x177: {  	v36 =	vld [tilespmem:s20+$0xFFFFFF00]  }
0x178: {  	v37 =	vmul.f32 v32, v2;
	v8 =	vadd.f32 v35, v8;
	_ =	sdelay $0x1  }
0x179: {  	v38 =	vmul.f32 v34, v6;
	v8 =	vadd.f32 v37, v8;
	_ =	sdelay $0x1  }
0x17a: {  	v39 =	vmul.f32 v36, v7;
	v8 =	vadd.f32 v38, v8;
	_ =	sdelay $0x1  }
0x17b: {  	v8 =	vadd.f32 v39, v8;
	_ =	sdelay $0x1  }
0x17c: {  	[tilespmem:s8+$0x70] =	vst v8  }
0x17d: {  	v8 =	vld [tilespmem:s20+$0xFFFFFF10]  }
0x17e: {  	v40 =	vld [tilespmem:s20+$0xFFFFFF20];
	_ =	sdelay $0x1  }
0x17f: {  	v41 =	vld [tilespmem:s20+$0xFFFFFF30];
	_ =	sdelay $0x1  }
0x180: {  	v42 =	vld [tilespmem:s20+$0xFFFFFF40]  }
0x181: {  	v8 =	vmul.f32 v8, v3;
	v9 =	vmul.f32 v40, v4  }
0x182: {  	v43 =	vld [tilespmem:s20+$0xFFFFFF50]  }
0x183: {  	v44 =	vmul.f32 v41, v5;
	v8 =	vadd.f32 v9, v8  }
0x184: {  	v45 =	vld [tilespmem:s20+$0xFFFFFF60]  }
0x185: {  	v46 =	vmul.f32 v42, v1;
	v8 =	vadd.f32 v44, v8  }
0x186: {  	v47 =	vld [tilespmem:s20+$0xFFFFFF70]  }
0x187: {  	v48 =	vmul.f32 v43, v0;
	v8 =	vadd.f32 v46, v8  }
0x188: {  	v49 =	vld [tilespmem:s20+$0xFFFFFF80]  }
0x189: {  	v50 =	vmul.f32 v45, v2;
	v8 =	vadd.f32 v48, v8;
	_ =	sdelay $0x1  }
0x18a: {  	v51 =	vmul.f32 v47, v6;
	v8 =	vadd.f32 v50, v8;
	_ =	sdelay $0x1  }
0x18b: {  	v52 =	vmul.f32 v49, v7;
	v8 =	vadd.f32 v51, v8;
	_ =	sdelay $0x1  }
0x18c: {  	v8 =	vadd.f32 v52, v8;
	_ =	sdelay $0x1  }
0x18d: {  	[tilespmem:s8+$0x80] =	vst v8  }
0x18e: {  	v8 =	vld [tilespmem:s20+$0xFFFFFF90]  }
0x18f: {  	v53 =	vld [tilespmem:s20+$0xFFFFFFA0];
	_ =	sdelay $0x1  }
0x190: {  	v54 =	vld [tilespmem:s20+$0xFFFFFFB0];
	_ =	sdelay $0x1  }
0x191: {  	v55 =	vld [tilespmem:s20+$0xFFFFFFC0]  }
0x192: {  	v3 =	vmul.f32 v8, v3;
	v4 =	vmul.f32 v53, v4  }
0x193: {  	v56 =	vld [tilespmem:s20+$0xFFFFFFD0]  }
0x194: {  	v57 =	vmul.f32 v54, v5;
	v3 =	vadd.f32 v4, v3  }
0x195: {  	v58 =	vld [tilespmem:s20+$0xFFFFFFE0]  }
0x196: {  	v1 =	vmul.f32 v55, v1;
	v3 =	vadd.f32 v57, v3  }
0x197: {  	v59 =	vld [tilespmem:s20+$0xFFFFFFF0]  }
0x198: {  	v0 =	vmul.f32 v56, v0;
	v1 =	vadd.f32 v1, v3  }
0x199: {  	v60 =	vld [tilespmem:s20+$0x0]  }
0x19a: {  	v61 =	vmul.f32 v58, v2;
	v0 =	vadd.f32 v0, v1;
	_ =	sdelay $0x1  }
0x19b: {  	v62 =	vmul.f32 v59, v6;
	v0 =	vadd.f32 v61, v0  }
0x19c: {  	p0 =	sne.s32 s19, $0x12C0  }
.Ltmp0:
0x19d: {  	v63 =	vmul.f32 v60, v7;
	v0 =	vadd.f32 v62, v0;
	(pc) =	sbr.rel @p0 .LBB2_3-.Ltmp0, $4  }
0x19e: {  	_ = 	snop  }
0x19f: {  	v0 =	vadd.f32 v63, v0  }
0x1a0: {  	s19 =	sadd.s32 $0x140, s19;
	s10 =	sadd.s32 $0x80, s10  }
0x1a1: {  	s7 =	sadd.s32 $0x10, s7;
	s20 =	sadd.s32 $0xA00, s20;
	[tilespmem:s8+$0x90] =	vst v0;
	s8 =	sadd.s32 $0x140, s8  }
0x1a2: {  	s7 =	sshll.u32 s15, $0x5  }
0x1a3: {  	s7 =	sadd.s32 s6, s7  }
0x1a4: {  	s8 =	sshll.u32 s7, $0x1  }
0x1a5: {  	s7 =	smul.u32 $0x140, s7;
	s8 =	sadd.s32 s5, s8  }
0x1a6: {  	[hbm4b:s8+s4] =	stream.linear.scatter [tilespmem:s26], [sflag:$0x4], $0x100, $0x38;
	[tilespmem:$0x1B600] =	vst v63  }
0x1a7: {  	s7 =	sshrl.u32 s7, $0x3  }
0x1a8: {  	s7 =	sadd.s32 s5, s7  }
0x1a9: {  	p0 =	seq.s32 s15, $0xF;
	s7 =	sadd.s32 $0x8000, s7  }
0x1aa: {  	[hbm4b:s7+s4] =	stream.linear.scatter [tilespmem:s28], [sflag:$0x4], $0x1400, $0x38;
	[tilespmem:$0x1B600] =	vst v63  }
0x1ab: {  	s7 =	sadd.s32 @!p0 $0x2, s17  }
0x1ac: {  	_ =	swait.ge [sflag:s29], $0xB000;
	s8 =	sshll.u32 @!p0 s7, $0x4;
	s7 =	smul.u32 @!p0 $0x540, s7  }
0x1ad: {  	s9 =	simm.s32 @!p0 $0x10;
	s10 =	simm.s32 @!p0 $0x2C00;
	[sflag:s29] =	ssyncset.done $0x0  }
0x1ae: {  	s8 =	sand.u32 @!p0 $0x3FFFFFF0, s8;
	[sflag:s29] =	ssyncadd.s32 $0xFFFF5000;
	s7 =	sshra.s32 @!p0 s7, $0x2  }
0x1af: {  	[tilespmem:s10], [sflag:$0x2] =	stream.indirect.gather @!p0 [hbm4b:s2+s9], $0x80, s8, s9, $0xb8;
	[tilespmem:$0x1B600] =	vst v63  }
0x1b0: {  	s8 =	sadd.s32 @!p0 $0x200, s7;
	s9 =	simm.s32 @!p0 $0x80;
	s10 =	simm.s32 @!p0 $0x3400  }
0x1b1: {  	[tilespmem:s10], [sflag:$0x2] =	stream.indirect.gather @!p0 [hbm4b:s3+s9], $0x80, s8, s9, $0xb8;
	[tilespmem:$0x1B600] =	vst v63  }
0x1b2: {  	p1 =	seq.s32 @!p0 s15, $0x0;
	s8 =	sadd.s32 @!p0 $0x280, s7;
	s10 =	simm.s32 @!p0 $0x7400  }
0x1b3: {  	[tilespmem:s10], [sflag:$0x2] =	stream.indirect.gather @!p0 [hbm4b:s3+s9], $0x80, s8, s9, $0xb8;
	[tilespmem:$0x1B600] =	vst v63  }
0x1b4: {  	s7 =	sadd.s32 @!p0 $0x300, s7;
	s8 =	simm.s32 @!p0 $0x50;
	s9 =	simm.s32 @!p0 $0xB400  }
0x1b5: {  	[tilespmem:s9], [sflag:$0x2] =	stream.indirect.gather @!p0 [hbm4b:s3+s8], $0x80, s7, s8, $0xb8;
	[tilespmem:$0x1B600] =	vst v63  }
0x1b6: {  	p0 =	por p0, !p1  }
0x1b7: {  	_ =	swait.ge @p0 [sflag:s0], $0x100  }
0x1b8: {  	[sflag:s0] =	ssyncset.done @p0 $0x0  }
0x1b9: {  	[sflag:s0] =	ssyncadd.s32 @p0 $0xFFFFFF00  }
0x1ba: {  	s19 =	simm.s32 $0xF5F0;
	_ =	swait.ge @p0 [sflag:s0], $0x1400  }
0x1bb: {  	s17 =	simm.s32 $0x0;
	s10 =	simm.s32 $0xE400;
	[sflag:s0] =	ssyncset.done @p0 $0x0  }
0x1bc: {  	s7 =	simm.s32 $0x1A100;
	s8 =	simm.s32 $0x1A2A0;
	[sflag:s0] =	ssyncadd.s32 @p0 $0xFFFFEC00  }
.LBB2_5:
0x1bd: {  	v3 =	vld [tilespmem:s10+$0xFFFFF800]  }
0x1be: {  	v4 =	vld [tilespmem:s10+$0xFFFFF810]  }
0x1bf: {  	v2 =	vld [tilespmem:s10+$0x0]  }
0x1c0: {  	v6 =	vld [tilespmem:s10+$0x10]  }
0x1c1: {  	v5 =	vld [tilespmem:s10+$0xFFFFF820]  }
0x1c2: {  	v7 =	vld [tilespmem:s10+$0x20]  }
0x1c3: {  	v1 =	vld [tilespmem:s10+$0xFFFFF830]  }
0x1c4: {  	v8 =	vld [tilespmem:s10+$0x30]  }
0x1c5: {  	v0 =	vld [tilespmem:s10+$0xFFFFF840];
	v9 =	vmul.f32 v2, v3;
	v6 =	vmul.f32 v6, v4  }
0x1c6: {  	v10 =	vld [tilespmem:s10+$0x40]  }
0x1c7: {  	v11 =	vld [tilespmem:s10+$0x50];
	v7 =	vmul.f32 v7, v5;
	v9 =	vadd.f32 v6, v9  }
0x1c8: {  	v2 =	vld [tilespmem:s10+$0xFFFFF850]  }
0x1c9: {  	v12 =	vld [tilespmem:s10+$0x60];
	v8 =	vmul.f32 v8, v1;
	v9 =	vadd.f32 v7, v9  }
0x1ca: {  	v6 =	vld [tilespmem:s10+$0xFFFFF860]  }
0x1cb: {  	v45 =	vld [tilespmem:s10+$0x70];
	v44 =	vmul.f32 v10, v0;
	v8 =	vadd.f32 v8, v9  }
0x1cc: {  	v7 =	vld [tilespmem:s10+$0xFFFFF870]  }
0x1cd: {  	v46 =	vmul.f32 v11, v2;
	v8 =	vadd.f32 v44, v8;
	_ =	sdelay $0x1  }
0x1ce: {  	v47 =	vmul.f32 v12, v6;
	v8 =	vadd.f32 v46, v8;
	_ =	sdelay $0x1  }
0x1cf: {  	v48 =	vmul.f32 v45, v7;
	v8 =	vadd.f32 v47, v8;
	_ =	sdelay $0x1  }
0x1d0: {  	v8 =	vadd.f32 v48, v8;
	_ =	sdelay $0x1  }
0x1d1: {  	v8 =	vsub.f32 $0.0e+00, v8;
	_ =	sdelay $0x1  }
0x1d2: {  	[tilespmem:s7+$0x0] =	vst v8  }
0x1d3: {  	v8 =	vld [tilespmem:s19+$0xFFFFF610]  }
0x1d4: {  	v49 =	vld [tilespmem:s19+$0xFFFFF620];
	_ =	sdelay $0x1  }
0x1d5: {  	v50 =	vld [tilespmem:s19+$0xFFFFF630];
	_ =	sdelay $0x1  }
0x1d6: {  	v51 =	vld [tilespmem:s19+$0xFFFFF640]  }
0x1d7: {  	v8 =	vmul.f32 v8, v3;
	v9 =	vmul.f32 v49, v4  }
0x1d8: {  	v52 =	vld [tilespmem:s19+$0xFFFFF650]  }
0x1d9: {  	v53 =	vmul.f32 v50, v5;
	v8 =	vadd.f32 v9, v8  }
0x1da: {  	v54 =	vld [tilespmem:s19+$0xFFFFF660]  }
0x1db: {  	v55 =	vmul.f32 v51, v1;
	v8 =	vadd.f32 v53, v8  }
0x1dc: {  	v56 =	vld [tilespmem:s19+$0xFFFFF670]  }
0x1dd: {  	v57 =	vmul.f32 v52, v0;
	v8 =	vadd.f32 v55, v8  }
0x1de: {  	v58 =	vld [tilespmem:s19+$0xFFFFF680]  }
0x1df: {  	v59 =	vmul.f32 v54, v2;
	v8 =	vadd.f32 v57, v8;
	_ =	sdelay $0x1  }
0x1e0: {  	v60 =	vmul.f32 v56, v6;
	v8 =	vadd.f32 v59, v8;
	_ =	sdelay $0x1  }
0x1e1: {  	v61 =	vmul.f32 v58, v7;
	v8 =	vadd.f32 v60, v8;
	_ =	sdelay $0x1  }
0x1e2: {  	v8 =	vadd.f32 v61, v8;
	_ =	sdelay $0x1  }
0x1e3: {  	[tilespmem:s8+$0xFFFFFF60] =	vst v8  }
0x1e4: {  	v8 =	vld [tilespmem:s19+$0xFFFFF690]  }
0x1e5: {  	v62 =	vld [tilespmem:s19+$0xFFFFF6A0];
	_ =	sdelay $0x1  }
0x1e6: {  	v63 =	vld [tilespmem:s19+$0xFFFFF6B0];
	_ =	sdelay $0x1  }
0x1e7: {  	v16 =	vld [tilespmem:s19+$0xFFFFF6C0]  }
0x1e8: {  	v8 =	vmul.f32 v8, v3;
	v9 =	vmul.f32 v62, v4  }
0x1e9: {  	v17 =	vld [tilespmem:s19+$0xFFFFF6D0]  }
0x1ea: {  	v18 =	vmul.f32 v63, v5;
	v8 =	vadd.f32 v9, v8  }
0x1eb: {  	v19 =	vld [tilespmem:s19+$0xFFFFF6E0]  }
0x1ec: {  	v20 =	vmul.f32 v16, v1;
	v8 =	vadd.f32 v18, v8  }
0x1ed: {  	v21 =	vld [tilespmem:s19+$0xFFFFF6F0]  }
0x1ee: {  	v22 =	vmul.f32 v17, v0;
	v8 =	vadd.f32 v20, v8  }
0x1ef: {  	v23 =	vld [tilespmem:s19+$0xFFFFF700]  }
0x1f0: {  	v24 =	vmul.f32 v19, v2;
	v8 =	vadd.f32 v22, v8;
	_ =	sdelay $0x1  }
0x1f1: {  	v25 =	vmul.f32 v21, v6;
	v8 =	vadd.f32 v24, v8;
	_ =	sdelay $0x1  }
0x1f2: {  	v26 =	vmul.f32 v23, v7;
	v8 =	vadd.f32 v25, v8;
	_ =	sdelay $0x1  }
0x1f3: {  	v8 =	vadd.f32 v26, v8;
	_ =	sdelay $0x1  }
0x1f4: {  	[tilespmem:s8+$0xFFFFFF70] =	vst v8  }
0x1f5: {  	v8 =	vld [tilespmem:s19+$0xFFFFF710]  }
0x1f6: {  	v27 =	vld [tilespmem:s19+$0xFFFFF720];
	_ =	sdelay $0x1  }
0x1f7: {  	v28 =	vld [tilespmem:s19+$0xFFFFF730];
	_ =	sdelay $0x1  }
0x1f8: {  	v29 =	vld [tilespmem:s19+$0xFFFFF740]  }
0x1f9: {  	v8 =	vmul.f32 v8, v3;
	v9 =	vmul.f32 v27, v4  }
0x1fa: {  	v30 =	vld [tilespmem:s19+$0xFFFFF750]  }
0x1fb: {  	v31 =	vmul.f32 v28, v5;
	v8 =	vadd.f32 v9, v8  }
0x1fc: {  	v32 =	vld [tilespmem:s19+$0xFFFFF760]  }
0x1fd: {  	v33 =	vmul.f32 v29, v1;
	v8 =	vadd.f32 v31, v8  }
0x1fe: {  	v34 =	vld [tilespmem:s19+$0xFFFFF770]  }
0x1ff: {  	v35 =	vmul.f32 v30, v0;
	v8 =	vadd.f32 v33, v8  }
0x200: {  	v36 =	vld [tilespmem:s19+$0xFFFFF780]  }
0x201: {  	v37 =	vmul.f32 v32, v2;
	v8 =	vadd.f32 v35, v8;
	_ =	sdelay $0x1  }
0x202: {  	v38 =	vmul.f32 v34, v6;
	v8 =	vadd.f32 v37, v8;
	_ =	sdelay $0x1  }
0x203: {  	v39 =	vmul.f32 v36, v7;
	v8 =	vadd.f32 v38, v8;
	_ =	sdelay $0x1  }
0x204: {  	v8 =	vadd.f32 v39, v8;
	_ =	sdelay $0x1  }
0x205: {  	[tilespmem:s8+$0xFFFFFF80] =	vst v8  }
0x206: {  	v8 =	vld [tilespmem:s19+$0xFFFFF790]  }
0x207: {  	v40 =	vld [tilespmem:s19+$0xFFFFF7A0];
	_ =	sdelay $0x1  }
0x208: {  	v41 =	vld [tilespmem:s19+$0xFFFFF7B0];
	_ =	sdelay $0x1  }
0x209: {  	v42 =	vld [tilespmem:s19+$0xFFFFF7C0]  }
0x20a: {  	v8 =	vmul.f32 v8, v3;
	v9 =	vmul.f32 v40, v4  }
0x20b: {  	v43 =	vld [tilespmem:s19+$0xFFFFF7D0]  }
0x20c: {  	v44 =	vmul.f32 v41, v5;
	v8 =	vadd.f32 v9, v8  }
0x20d: {  	v45 =	vld [tilespmem:s19+$0xFFFFF7E0]  }
0x20e: {  	v46 =	vmul.f32 v42, v1;
	v8 =	vadd.f32 v44, v8  }
0x20f: {  	v47 =	vld [tilespmem:s19+$0xFFFFF7F0]  }
0x210: {  	v48 =	vmul.f32 v43, v0;
	v8 =	vadd.f32 v46, v8  }
0x211: {  	v49 =	vld [tilespmem:s19+$0xFFFFF800]  }
0x212: {  	v50 =	vmul.f32 v45, v2;
	v8 =	vadd.f32 v48, v8;
	_ =	sdelay $0x1  }
0x213: {  	v51 =	vmul.f32 v47, v6;
	v8 =	vadd.f32 v50, v8;
	_ =	sdelay $0x1  }
0x214: {  	v52 =	vmul.f32 v49, v7;
	v8 =	vadd.f32 v51, v8;
	_ =	sdelay $0x1  }
0x215: {  	v8 =	vadd.f32 v52, v8;
	_ =	sdelay $0x1  }
0x216: {  	[tilespmem:s8+$0xFFFFFF90] =	vst v8  }
0x217: {  	v8 =	vld [tilespmem:s19+$0xFFFFF810]  }
0x218: {  	v53 =	vld [tilespmem:s19+$0xFFFFF820];
	_ =	sdelay $0x1  }
0x219: {  	v54 =	vld [tilespmem:s19+$0xFFFFF830];
	_ =	sdelay $0x1  }
0x21a: {  	v55 =	vld [tilespmem:s19+$0xFFFFF840]  }
0x21b: {  	v8 =	vmul.f32 v8, v3;
	v9 =	vmul.f32 v53, v4  }
0x21c: {  	v56 =	vld [tilespmem:s19+$0xFFFFF850]  }
0x21d: {  	v57 =	vmul.f32 v54, v5;
	v8 =	vadd.f32 v9, v8  }
0x21e: {  	v58 =	vld [tilespmem:s19+$0xFFFFF860]  }
0x21f: {  	v59 =	vmul.f32 v55, v1;
	v8 =	vadd.f32 v57, v8  }
0x220: {  	v60 =	vld [tilespmem:s19+$0xFFFFF870]  }
0x221: {  	v61 =	vmul.f32 v56, v0;
	v8 =	vadd.f32 v59, v8  }
0x222: {  	v62 =	vld [tilespmem:s19+$0xFFFFF880]  }
0x223: {  	v63 =	vmul.f32 v58, v2;
	v8 =	vadd.f32 v61, v8;
	_ =	sdelay $0x1  }
0x224: {  	v13 =	vmul.f32 v60, v6;
	v8 =	vadd.f32 v63, v8;
	_ =	sdelay $0x1  }
0x225: {  	v14 =	vmul.f32 v62, v7;
	v8 =	vadd.f32 v13, v8;
	_ =	sdelay $0x1  }
0x226: {  	v8 =	vadd.f32 v14, v8;
	_ =	sdelay $0x1  }
0x227: {  	[tilespmem:s8+$0xFFFFFFA0] =	vst v8  }
0x228: {  	v8 =	vld [tilespmem:s19+$0xFFFFF890]  }
0x229: {  	v15 =	vld [tilespmem:s19+$0xFFFFF8A0];
	_ =	sdelay $0x1  }
0x22a: {  	v16 =	vld [tilespmem:s19+$0xFFFFF8B0];
	_ =	sdelay $0x1  }
0x22b: {  	v17 =	vld [tilespmem:s19+$0xFFFFF8C0]  }
0x22c: {  	v8 =	vmul.f32 v8, v3;
	v9 =	vmul.f32 v15, v4  }
0x22d: {  	v18 =	vld [tilespmem:s19+$0xFFFFF8D0]  }
0x22e: {  	v19 =	vmul.f32 v16, v5;
	v8 =	vadd.f32 v9, v8  }
0x22f: {  	v20 =	vld [tilespmem:s19+$0xFFFFF8E0]  }
0x230: {  	v21 =	vmul.f32 v17, v1;
	v8 =	vadd.f32 v19, v8  }
0x231: {  	v22 =	vld [tilespmem:s19+$0xFFFFF8F0]  }
0x232: {  	v23 =	vmul.f32 v18, v0;
	v8 =	vadd.f32 v21, v8  }
0x233: {  	v24 =	vld [tilespmem:s19+$0xFFFFF900]  }
0x234: {  	v25 =	vmul.f32 v20, v2;
	v8 =	vadd.f32 v23, v8;
	_ =	sdelay $0x1  }
0x235: {  	v26 =	vmul.f32 v22, v6;
	v8 =	vadd.f32 v25, v8;
	_ =	sdelay $0x1  }
0x236: {  	v27 =	vmul.f32 v24, v7;
	v8 =	vadd.f32 v26, v8;
	_ =	sdelay $0x1  }
0x237: {  	v8 =	vadd.f32 v27, v8;
	_ =	sdelay $0x1  }
0x238: {  	[tilespmem:s8+$0xFFFFFFB0] =	vst v8  }
0x239: {  	v8 =	vld [tilespmem:s19+$0xFFFFF910]  }
0x23a: {  	v28 =	vld [tilespmem:s19+$0xFFFFF920];
	_ =	sdelay $0x1  }
0x23b: {  	v29 =	vld [tilespmem:s19+$0xFFFFF930];
	_ =	sdelay $0x1  }
0x23c: {  	v30 =	vld [tilespmem:s19+$0xFFFFF940]  }
0x23d: {  	v8 =	vmul.f32 v8, v3;
	v9 =	vmul.f32 v28, v4  }
0x23e: {  	v31 =	vld [tilespmem:s19+$0xFFFFF950]  }
0x23f: {  	v32 =	vmul.f32 v29, v5;
	v8 =	vadd.f32 v9, v8  }
0x240: {  	v33 =	vld [tilespmem:s19+$0xFFFFF960]  }
0x241: {  	v34 =	vmul.f32 v30, v1;
	v8 =	vadd.f32 v32, v8  }
0x242: {  	v35 =	vld [tilespmem:s19+$0xFFFFF970]  }
0x243: {  	v36 =	vmul.f32 v31, v0;
	v8 =	vadd.f32 v34, v8  }
0x244: {  	v37 =	vld [tilespmem:s19+$0xFFFFF980]  }
0x245: {  	v38 =	vmul.f32 v33, v2;
	v8 =	vadd.f32 v36, v8;
	_ =	sdelay $0x1  }
0x246: {  	v39 =	vmul.f32 v35, v6;
	v8 =	vadd.f32 v38, v8;
	_ =	sdelay $0x1  }
0x247: {  	v40 =	vmul.f32 v37, v7;
	v8 =	vadd.f32 v39, v8;
	_ =	sdelay $0x1  }
0x248: {  	v8 =	vadd.f32 v40, v8;
	_ =	sdelay $0x1  }
0x249: {  	[tilespmem:s8+$0xFFFFFFC0] =	vst v8  }
0x24a: {  	v8 =	vld [tilespmem:s19+$0xFFFFF990]  }
0x24b: {  	v41 =	vld [tilespmem:s19+$0xFFFFF9A0];
	_ =	sdelay $0x1  }
0x24c: {  	v42 =	vld [tilespmem:s19+$0xFFFFF9B0];
	_ =	sdelay $0x1  }
0x24d: {  	v43 =	vld [tilespmem:s19+$0xFFFFF9C0]  }
0x24e: {  	v8 =	vmul.f32 v8, v3;
	v9 =	vmul.f32 v41, v4  }
0x24f: {  	v44 =	vld [tilespmem:s19+$0xFFFFF9D0]  }
0x250: {  	v45 =	vmul.f32 v42, v5;
	v8 =	vadd.f32 v9, v8  }
0x251: {  	v46 =	vld [tilespmem:s19+$0xFFFFF9E0]  }
0x252: {  	v47 =	vmul.f32 v43, v1;
	v8 =	vadd.f32 v45, v8  }
0x253: {  	v48 =	vld [tilespmem:s19+$0xFFFFF9F0]  }
0x254: {  	v49 =	vmul.f32 v44, v0;
	v8 =	vadd.f32 v47, v8  }
0x255: {  	v50 =	vld [tilespmem:s19+$0xFFFFFA00]  }
0x256: {  	v51 =	vmul.f32 v46, v2;
	v8 =	vadd.f32 v49, v8;
	_ =	sdelay $0x1  }
0x257: {  	v52 =	vmul.f32 v48, v6;
	v8 =	vadd.f32 v51, v8;
	_ =	sdelay $0x1  }
0x258: {  	v53 =	vmul.f32 v50, v7;
	v8 =	vadd.f32 v52, v8;
	_ =	sdelay $0x1  }
0x259: {  	v8 =	vadd.f32 v53, v8;
	_ =	sdelay $0x1  }
0x25a: {  	[tilespmem:s8+$0xFFFFFFD0] =	vst v8  }
0x25b: {  	v8 =	vld [tilespmem:s19+$0xFFFFFA10]  }
0x25c: {  	v54 =	vld [tilespmem:s19+$0xFFFFFA20];
	_ =	sdelay $0x1  }
0x25d: {  	v55 =	vld [tilespmem:s19+$0xFFFFFA30];
	_ =	sdelay $0x1  }
0x25e: {  	v56 =	vld [tilespmem:s19+$0xFFFFFA40]  }
0x25f: {  	v8 =	vmul.f32 v8, v3;
	v9 =	vmul.f32 v54, v4  }
0x260: {  	v57 =	vld [tilespmem:s19+$0xFFFFFA50]  }
0x261: {  	v58 =	vmul.f32 v55, v5;
	v8 =	vadd.f32 v9, v8  }
0x262: {  	v59 =	vld [tilespmem:s19+$0xFFFFFA60]  }
0x263: {  	v60 =	vmul.f32 v56, v1;
	v8 =	vadd.f32 v58, v8  }
0x264: {  	v61 =	vld [tilespmem:s19+$0xFFFFFA70]  }
0x265: {  	v62 =	vmul.f32 v57, v0;
	v8 =	vadd.f32 v60, v8  }
0x266: {  	v63 =	vld [tilespmem:s19+$0xFFFFFA80]  }
0x267: {  	v16 =	vmul.f32 v59, v2;
	v8 =	vadd.f32 v62, v8;
	_ =	sdelay $0x1  }
0x268: {  	v17 =	vmul.f32 v61, v6;
	v8 =	vadd.f32 v16, v8;
	_ =	sdelay $0x1  }
0x269: {  	v18 =	vmul.f32 v63, v7;
	v8 =	vadd.f32 v17, v8;
	_ =	sdelay $0x1  }
0x26a: {  	v8 =	vadd.f32 v18, v8  }
0x26b: {  	s9 =	sand.u32 $0x1FC0, s17  }
0x26c: {  	[tilespmem:s9+$0x1A280] =	vst v8  }
0x26d: {  	v8 =	vld [tilespmem:s19+$0xFFFFFA90]  }
0x26e: {  	v19 =	vld [tilespmem:s19+$0xFFFFFAA0];
	_ =	sdelay $0x1  }
0x26f: {  	v20 =	vld [tilespmem:s19+$0xFFFFFAB0];
	_ =	sdelay $0x1  }
0x270: {  	v21 =	vld [tilespmem:s19+$0xFFFFFAC0]  }
0x271: {  	v8 =	vmul.f32 v8, v3;
	v9 =	vmul.f32 v19, v4  }
0x272: {  	v22 =	vld [tilespmem:s19+$0xFFFFFAD0]  }
0x273: {  	v23 =	vmul.f32 v20, v5;
	v8 =	vadd.f32 v9, v8  }
0x274: {  	v24 =	vld [tilespmem:s19+$0xFFFFFAE0]  }
0x275: {  	v25 =	vmul.f32 v21, v1;
	v8 =	vadd.f32 v23, v8  }
0x276: {  	v26 =	vld [tilespmem:s19+$0xFFFFFAF0]  }
0x277: {  	v27 =	vmul.f32 v22, v0;
	v8 =	vadd.f32 v25, v8  }
0x278: {  	v28 =	vld [tilespmem:s19+$0xFFFFFB00]  }
0x279: {  	v29 =	vmul.f32 v24, v2;
	v8 =	vadd.f32 v27, v8;
	_ =	sdelay $0x1  }
0x27a: {  	v30 =	vmul.f32 v26, v6;
	v8 =	vadd.f32 v29, v8;
	_ =	sdelay $0x1  }
0x27b: {  	v31 =	vmul.f32 v28, v7;
	v8 =	vadd.f32 v30, v8;
	_ =	sdelay $0x1  }
0x27c: {  	v8 =	vadd.f32 v31, v8;
	_ =	sdelay $0x1  }
0x27d: {  	[tilespmem:s8+$0xFFFFFFF0] =	vst v8  }
0x27e: {  	v8 =	vld [tilespmem:s19+$0xFFFFFB10]  }
0x27f: {  	v32 =	vld [tilespmem:s19+$0xFFFFFB20];
	_ =	sdelay $0x1  }
0x280: {  	v33 =	vld [tilespmem:s19+$0xFFFFFB30];
	_ =	sdelay $0x1  }
0x281: {  	v34 =	vld [tilespmem:s19+$0xFFFFFB40]  }
0x282: {  	v8 =	vmul.f32 v8, v3;
	v9 =	vmul.f32 v32, v4  }
0x283: {  	v35 =	vld [tilespmem:s19+$0xFFFFFB50]  }
0x284: {  	v36 =	vmul.f32 v33, v5;
	v8 =	vadd.f32 v9, v8  }
0x285: {  	v37 =	vld [tilespmem:s19+$0xFFFFFB60]  }
0x286: {  	v38 =	vmul.f32 v34, v1;
	v8 =	vadd.f32 v36, v8  }
0x287: {  	v39 =	vld [tilespmem:s19+$0xFFFFFB70]  }
0x288: {  	v40 =	vmul.f32 v35, v0;
	v8 =	vadd.f32 v38, v8  }
0x289: {  	v41 =	vld [tilespmem:s19+$0xFFFFFB80]  }
0x28a: {  	v42 =	vmul.f32 v37, v2;
	v8 =	vadd.f32 v40, v8;
	_ =	sdelay $0x1  }
0x28b: {  	v43 =	vmul.f32 v39, v6;
	v8 =	vadd.f32 v42, v8;
	_ =	sdelay $0x1  }
0x28c: {  	v44 =	vmul.f32 v41, v7;
	v8 =	vadd.f32 v43, v8;
	_ =	sdelay $0x1  }
0x28d: {  	v8 =	vadd.f32 v44, v8;
	_ =	sdelay $0x1  }
0x28e: {  	[tilespmem:s8+$0x0] =	vst v8  }
0x28f: {  	v8 =	vld [tilespmem:s19+$0xFFFFFB90]  }
0x290: {  	v45 =	vld [tilespmem:s19+$0xFFFFFBA0];
	_ =	sdelay $0x1  }
0x291: {  	v46 =	vld [tilespmem:s19+$0xFFFFFBB0];
	_ =	sdelay $0x1  }
0x292: {  	v47 =	vld [tilespmem:s19+$0xFFFFFBC0]  }
0x293: {  	v8 =	vmul.f32 v8, v3;
	v9 =	vmul.f32 v45, v4  }
0x294: {  	v48 =	vld [tilespmem:s19+$0xFFFFFBD0]  }
0x295: {  	v49 =	vmul.f32 v46, v5;
	v8 =	vadd.f32 v9, v8  }
0x296: {  	v50 =	vld [tilespmem:s19+$0xFFFFFBE0]  }
0x297: {  	v51 =	vmul.f32 v47, v1;
	v8 =	vadd.f32 v49, v8  }
0x298: {  	v52 =	vld [tilespmem:s19+$0xFFFFFBF0]  }
0x299: {  	v53 =	vmul.f32 v48, v0;
	v8 =	vadd.f32 v51, v8  }
0x29a: {  	v54 =	vld [tilespmem:s19+$0xFFFFFC00]  }
0x29b: {  	v55 =	vmul.f32 v50, v2;
	v8 =	vadd.f32 v53, v8;
	_ =	sdelay $0x1  }
0x29c: {  	v56 =	vmul.f32 v52, v6;
	v8 =	vadd.f32 v55, v8;
	_ =	sdelay $0x1  }
0x29d: {  	v57 =	vmul.f32 v54, v7;
	v8 =	vadd.f32 v56, v8;
	_ =	sdelay $0x1  }
0x29e: {  	v8 =	vadd.f32 v57, v8;
	_ =	sdelay $0x1  }
0x29f: {  	[tilespmem:s8+$0x10] =	vst v8  }
0x2a0: {  	v8 =	vld [tilespmem:s19+$0xFFFFFC10]  }
0x2a1: {  	v58 =	vld [tilespmem:s19+$0xFFFFFC20];
	_ =	sdelay $0x1  }
0x2a2: {  	v59 =	vld [tilespmem:s19+$0xFFFFFC30];
	_ =	sdelay $0x1  }
0x2a3: {  	v60 =	vld [tilespmem:s19+$0xFFFFFC40]  }
0x2a4: {  	v8 =	vmul.f32 v8, v3;
	v9 =	vmul.f32 v58, v4  }
0x2a5: {  	v61 =	vld [tilespmem:s19+$0xFFFFFC50]  }
0x2a6: {  	v62 =	vmul.f32 v59, v5;
	v8 =	vadd.f32 v9, v8  }
0x2a7: {  	v63 =	vld [tilespmem:s19+$0xFFFFFC60]  }
0x2a8: {  	v16 =	vmul.f32 v60, v1;
	v8 =	vadd.f32 v62, v8  }
0x2a9: {  	v17 =	vld [tilespmem:s19+$0xFFFFFC70]  }
0x2aa: {  	v18 =	vmul.f32 v61, v0;
	v8 =	vadd.f32 v16, v8  }
0x2ab: {  	v19 =	vld [tilespmem:s19+$0xFFFFFC80]  }
0x2ac: {  	v20 =	vmul.f32 v63, v2;
	v8 =	vadd.f32 v18, v8;
	_ =	sdelay $0x1  }
0x2ad: {  	v21 =	vmul.f32 v17, v6;
	v8 =	vadd.f32 v20, v8;
	_ =	sdelay $0x1  }
0x2ae: {  	v22 =	vmul.f32 v19, v7;
	v8 =	vadd.f32 v21, v8;
	_ =	sdelay $0x1  }
0x2af: {  	v8 =	vadd.f32 v22, v8;
	_ =	sdelay $0x1  }
0x2b0: {  	[tilespmem:s8+$0x20] =	vst v8  }
0x2b1: {  	v8 =	vld [tilespmem:s19+$0xFFFFFC90]  }
0x2b2: {  	v23 =	vld [tilespmem:s19+$0xFFFFFCA0];
	_ =	sdelay $0x1  }
0x2b3: {  	v24 =	vld [tilespmem:s19+$0xFFFFFCB0];
	_ =	sdelay $0x1  }
0x2b4: {  	v25 =	vld [tilespmem:s19+$0xFFFFFCC0]  }
0x2b5: {  	v8 =	vmul.f32 v8, v3;
	v9 =	vmul.f32 v23, v4  }
0x2b6: {  	v26 =	vld [tilespmem:s19+$0xFFFFFCD0]  }
0x2b7: {  	v27 =	vmul.f32 v24, v5;
	v8 =	vadd.f32 v9, v8  }
0x2b8: {  	v28 =	vld [tilespmem:s19+$0xFFFFFCE0]  }
0x2b9: {  	v29 =	vmul.f32 v25, v1;
	v8 =	vadd.f32 v27, v8  }
0x2ba: {  	v30 =	vld [tilespmem:s19+$0xFFFFFCF0]  }
0x2bb: {  	v31 =	vmul.f32 v26, v0;
	v8 =	vadd.f32 v29, v8  }
0x2bc: {  	v32 =	vld [tilespmem:s19+$0xFFFFFD00]  }
0x2bd: {  	v33 =	vmul.f32 v28, v2;
	v8 =	vadd.f32 v31, v8;
	_ =	sdelay $0x1  }
0x2be: {  	v34 =	vmul.f32 v30, v6;
	v8 =	vadd.f32 v33, v8;
	_ =	sdelay $0x1  }
0x2bf: {  	v35 =	vmul.f32 v32, v7;
	v8 =	vadd.f32 v34, v8;
	_ =	sdelay $0x1  }
0x2c0: {  	v8 =	vadd.f32 v35, v8;
	_ =	sdelay $0x1  }
0x2c1: {  	[tilespmem:s8+$0x30] =	vst v8  }
0x2c2: {  	v8 =	vld [tilespmem:s19+$0xFFFFFD10]  }
0x2c3: {  	v36 =	vld [tilespmem:s19+$0xFFFFFD20];
	_ =	sdelay $0x1  }
0x2c4: {  	v37 =	vld [tilespmem:s19+$0xFFFFFD30];
	_ =	sdelay $0x1  }
0x2c5: {  	v38 =	vld [tilespmem:s19+$0xFFFFFD40]  }
0x2c6: {  	v8 =	vmul.f32 v8, v3;
	v9 =	vmul.f32 v36, v4  }
0x2c7: {  	v39 =	vld [tilespmem:s19+$0xFFFFFD50]  }
0x2c8: {  	v40 =	vmul.f32 v37, v5;
	v8 =	vadd.f32 v9, v8  }
0x2c9: {  	v41 =	vld [tilespmem:s19+$0xFFFFFD60]  }
0x2ca: {  	v42 =	vmul.f32 v38, v1;
	v8 =	vadd.f32 v40, v8  }
0x2cb: {  	v43 =	vld [tilespmem:s19+$0xFFFFFD70]  }
0x2cc: {  	v44 =	vmul.f32 v39, v0;
	v8 =	vadd.f32 v42, v8  }
0x2cd: {  	v45 =	vld [tilespmem:s19+$0xFFFFFD80]  }
0x2ce: {  	v46 =	vmul.f32 v41, v2;
	v8 =	vadd.f32 v44, v8;
	_ =	sdelay $0x1  }
0x2cf: {  	v47 =	vmul.f32 v43, v6;
	v8 =	vadd.f32 v46, v8;
	_ =	sdelay $0x1  }
0x2d0: {  	v48 =	vmul.f32 v45, v7;
	v8 =	vadd.f32 v47, v8;
	_ =	sdelay $0x1  }
0x2d1: {  	v8 =	vadd.f32 v48, v8;
	_ =	sdelay $0x1  }
0x2d2: {  	[tilespmem:s8+$0x40] =	vst v8  }
0x2d3: {  	v8 =	vld [tilespmem:s19+$0xFFFFFD90]  }
0x2d4: {  	v49 =	vld [tilespmem:s19+$0xFFFFFDA0];
	_ =	sdelay $0x1  }
0x2d5: {  	v50 =	vld [tilespmem:s19+$0xFFFFFDB0];
	_ =	sdelay $0x1  }
0x2d6: {  	v51 =	vld [tilespmem:s19+$0xFFFFFDC0]  }
0x2d7: {  	v8 =	vmul.f32 v8, v3;
	v9 =	vmul.f32 v49, v4  }
0x2d8: {  	v52 =	vld [tilespmem:s19+$0xFFFFFDD0]  }
0x2d9: {  	v53 =	vmul.f32 v50, v5;
	v8 =	vadd.f32 v9, v8  }
0x2da: {  	v54 =	vld [tilespmem:s19+$0xFFFFFDE0]  }
0x2db: {  	v55 =	vmul.f32 v51, v1;
	v8 =	vadd.f32 v53, v8  }
0x2dc: {  	v56 =	vld [tilespmem:s19+$0xFFFFFDF0]  }
0x2dd: {  	v57 =	vmul.f32 v52, v0;
	v8 =	vadd.f32 v55, v8  }
0x2de: {  	v58 =	vld [tilespmem:s19+$0xFFFFFE00]  }
0x2df: {  	v59 =	vmul.f32 v54, v2;
	v8 =	vadd.f32 v57, v8;
	_ =	sdelay $0x1  }
0x2e0: {  	v60 =	vmul.f32 v56, v6;
	v8 =	vadd.f32 v59, v8;
	_ =	sdelay $0x1  }
0x2e1: {  	v61 =	vmul.f32 v58, v7;
	v8 =	vadd.f32 v60, v8;
	_ =	sdelay $0x1  }
0x2e2: {  	v8 =	vadd.f32 v61, v8;
	_ =	sdelay $0x1  }
0x2e3: {  	[tilespmem:s8+$0x50] =	vst v8  }
0x2e4: {  	v8 =	vld [tilespmem:s19+$0xFFFFFE10]  }
0x2e5: {  	v62 =	vld [tilespmem:s19+$0xFFFFFE20];
	_ =	sdelay $0x1  }
0x2e6: {  	v63 =	vld [tilespmem:s19+$0xFFFFFE30];
	_ =	sdelay $0x1  }
0x2e7: {  	v16 =	vld [tilespmem:s19+$0xFFFFFE40]  }
0x2e8: {  	v8 =	vmul.f32 v8, v3;
	v9 =	vmul.f32 v62, v4  }
0x2e9: {  	v17 =	vld [tilespmem:s19+$0xFFFFFE50]  }
0x2ea: {  	v18 =	vmul.f32 v63, v5;
	v8 =	vadd.f32 v9, v8  }
0x2eb: {  	v19 =	vld [tilespmem:s19+$0xFFFFFE60]  }
0x2ec: {  	v20 =	vmul.f32 v16, v1;
	v8 =	vadd.f32 v18, v8  }
0x2ed: {  	v21 =	vld [tilespmem:s19+$0xFFFFFE70]  }
0x2ee: {  	v22 =	vmul.f32 v17, v0;
	v8 =	vadd.f32 v20, v8  }
0x2ef: {  	v23 =	vld [tilespmem:s19+$0xFFFFFE80]  }
0x2f0: {  	v24 =	vmul.f32 v19, v2;
	v8 =	vadd.f32 v22, v8;
	_ =	sdelay $0x1  }
0x2f1: {  	v25 =	vmul.f32 v21, v6;
	v8 =	vadd.f32 v24, v8;
	_ =	sdelay $0x1  }
0x2f2: {  	v26 =	vmul.f32 v23, v7;
	v8 =	vadd.f32 v25, v8;
	_ =	sdelay $0x1  }
0x2f3: {  	v8 =	vadd.f32 v26, v8;
	_ =	sdelay $0x1  }
0x2f4: {  	[tilespmem:s9+$0x1A300] =	vst v8  }
0x2f5: {  	v8 =	vld [tilespmem:s19+$0xFFFFFE90]  }
0x2f6: {  	v27 =	vld [tilespmem:s19+$0xFFFFFEA0];
	_ =	sdelay $0x1  }
0x2f7: {  	v28 =	vld [tilespmem:s19+$0xFFFFFEB0];
	_ =	sdelay $0x1  }
0x2f8: {  	v29 =	vld [tilespmem:s19+$0xFFFFFEC0]  }
0x2f9: {  	v8 =	vmul.f32 v8, v3;
	v9 =	vmul.f32 v27, v4  }
0x2fa: {  	v30 =	vld [tilespmem:s19+$0xFFFFFED0]  }
0x2fb: {  	v31 =	vmul.f32 v28, v5;
	v8 =	vadd.f32 v9, v8  }
0x2fc: {  	v32 =	vld [tilespmem:s19+$0xFFFFFEE0]  }
0x2fd: {  	v33 =	vmul.f32 v29, v1;
	v8 =	vadd.f32 v31, v8  }
0x2fe: {  	v34 =	vld [tilespmem:s19+$0xFFFFFEF0]  }
0x2ff: {  	v35 =	vmul.f32 v30, v0;
	v8 =	vadd.f32 v33, v8  }
0x300: {  	v36 =	vld [tilespmem:s19+$0xFFFFFF00]  }
0x301: {  	v37 =	vmul.f32 v32, v2;
	v8 =	vadd.f32 v35, v8;
	_ =	sdelay $0x1  }
0x302: {  	v38 =	vmul.f32 v34, v6;
	v8 =	vadd.f32 v37, v8;
	_ =	sdelay $0x1  }
0x303: {  	v39 =	vmul.f32 v36, v7;
	v8 =	vadd.f32 v38, v8;
	_ =	sdelay $0x1  }
0x304: {  	v8 =	vadd.f32 v39, v8;
	_ =	sdelay $0x1  }
0x305: {  	[tilespmem:s8+$0x70] =	vst v8  }
0x306: {  	v8 =	vld [tilespmem:s19+$0xFFFFFF10]  }
0x307: {  	v40 =	vld [tilespmem:s19+$0xFFFFFF20];
	_ =	sdelay $0x1  }
0x308: {  	v41 =	vld [tilespmem:s19+$0xFFFFFF30];
	_ =	sdelay $0x1  }
0x309: {  	v42 =	vld [tilespmem:s19+$0xFFFFFF40]  }
0x30a: {  	v8 =	vmul.f32 v8, v3;
	v9 =	vmul.f32 v40, v4  }
0x30b: {  	v43 =	vld [tilespmem:s19+$0xFFFFFF50]  }
0x30c: {  	v44 =	vmul.f32 v41, v5;
	v8 =	vadd.f32 v9, v8  }
0x30d: {  	v45 =	vld [tilespmem:s19+$0xFFFFFF60]  }
0x30e: {  	v46 =	vmul.f32 v42, v1;
	v8 =	vadd.f32 v44, v8  }
0x30f: {  	v47 =	vld [tilespmem:s19+$0xFFFFFF70]  }
0x310: {  	v48 =	vmul.f32 v43, v0;
	v8 =	vadd.f32 v46, v8  }
0x311: {  	v49 =	vld [tilespmem:s19+$0xFFFFFF80]  }
0x312: {  	v50 =	vmul.f32 v45, v2;
	v8 =	vadd.f32 v48, v8;
	_ =	sdelay $0x1  }
0x313: {  	v51 =	vmul.f32 v47, v6;
	v8 =	vadd.f32 v50, v8;
	_ =	sdelay $0x1  }
0x314: {  	v52 =	vmul.f32 v49, v7;
	v8 =	vadd.f32 v51, v8;
	_ =	sdelay $0x1  }
0x315: {  	v8 =	vadd.f32 v52, v8;
	_ =	sdelay $0x1  }
0x316: {  	[tilespmem:s8+$0x80] =	vst v8  }
0x317: {  	v8 =	vld [tilespmem:s19+$0xFFFFFF90]  }
0x318: {  	v53 =	vld [tilespmem:s19+$0xFFFFFFA0];
	_ =	sdelay $0x1  }
0x319: {  	v54 =	vld [tilespmem:s19+$0xFFFFFFB0];
	_ =	sdelay $0x1  }
0x31a: {  	v55 =	vld [tilespmem:s19+$0xFFFFFFC0]  }
0x31b: {  	v3 =	vmul.f32 v8, v3;
	v4 =	vmul.f32 v53, v4  }
0x31c: {  	v56 =	vld [tilespmem:s19+$0xFFFFFFD0]  }
0x31d: {  	v57 =	vmul.f32 v54, v5;
	v3 =	vadd.f32 v4, v3  }
0x31e: {  	v58 =	vld [tilespmem:s19+$0xFFFFFFE0]  }
0x31f: {  	v1 =	vmul.f32 v55, v1;
	v3 =	vadd.f32 v57, v3  }
0x320: {  	v59 =	vld [tilespmem:s19+$0xFFFFFFF0]  }
0x321: {  	v0 =	vmul.f32 v56, v0;
	v1 =	vadd.f32 v1, v3  }
0x322: {  	v60 =	vld [tilespmem:s19+$0x0]  }
0x323: {  	v61 =	vmul.f32 v58, v2;
	v0 =	vadd.f32 v0, v1;
	_ =	sdelay $0x1  }
0x324: {  	v62 =	vmul.f32 v59, v6;
	v0 =	vadd.f32 v61, v0  }
0x325: {  	p0 =	sne.s32 s17, $0x12C0  }
.Ltmp1:
0x326: {  	v63 =	vmul.f32 v60, v7;
	v0 =	vadd.f32 v62, v0;
	(pc) =	sbr.rel @p0 .LBB2_5-.Ltmp1, $4  }
0x327: {  	_ = 	snop  }
0x328: {  	v0 =	vadd.f32 v63, v0  }
0x329: {  	s17 =	sadd.s32 $0x140, s17;
	s10 =	sadd.s32 $0x80, s10  }
0x32a: {  	s7 =	sadd.s32 $0x10, s7;
	s19 =	sadd.s32 $0xA00, s19;
	[tilespmem:s8+$0x90] =	vst v0;
	s8 =	sadd.s32 $0x140, s8  }
0x32b: {  	s7 =	sor.u32 s6, s16  }
0x32c: {  	s15 =	sadd.s32 $0x1, s15;
	s8 =	sshll.u32 s7, $0x1;
	s7 =	smul.u32 $0x140, s7  }
0x32d: {  	p0 =	sne.s32 s15, $0x10;
	s8 =	sand.u32 $0x1FFFFFE0, s8  }
.Ltmp2:
0x32e: {  	s8 =	sadd.s32 s5, s8;
	s7 =	sshrl.u32 s7, $0x3;
	(pc) =	sbr.rel @p0 .LBB2_2-.Ltmp2, $4  }
0x32f: {  	[hbm4b:s8+s4] =	stream.linear.scatter [tilespmem:s30], [sflag:$0x5], $0x100, $0x38;
	[tilespmem:$0x1B600] =	vst v63  }
0x330: {  	s7 =	sadd.s32 s5, s7  }
0x331: {  	s7 =	sadd.s32 $0x8000, s7  }
0x332: {  	[hbm4b:s7+s4] =	stream.linear.scatter [tilespmem:s31], [sflag:$0x5], $0x1400, $0x38;
	[tilespmem:$0x1B600] =	vst v63  }
0x333: {  	_ =	swait.ge [sflag:s1], $0x100  }
0x334: {  	[sflag:s1] =	ssyncset.done $0x0  }
0x335: {  	[sflag:s1] =	ssyncadd.s32 $0xFFFFFF00  }
0x336: {  	_ =	swait.ge [sflag:s1], $0x1400  }
0x337: {  	[sflag:s1] =	ssyncset.done $0x0  }
0x338: {  	[sflag:s1] =	ssyncadd.s32 $0xFFFFEC00  }
0x339: {  	_ =	swait.ge [sflag:s0], $0x100  }
0x33a: {  	[sflag:s0] =	ssyncset.done $0x0  }
0x33b: {  	[sflag:s0] =	ssyncadd.s32 $0xFFFFFF00  }
0x33c: {  	_ =	swait.ge [sflag:s0], $0x1400  }
0x33d: {  	s13 =	sadd.s32 $0x1, s13;
	s7 =	rddreg [dreg:$0x7]  }
0x33e: {  	p0 =	sne.s32 s13, s7  }
.Ltmp3:
0x33f: {  	_ = 	snop;
	(pc) =	sbr.rel @p0 .LBB2_1-.Ltmp3, $3  }
0x340: {  	_ =	sdelay $0x1  }
0x341: {  	[sflag:s0] =	ssyncset.done $0x0  }
0x342: {  	[sflag:s0] =	ssyncadd.s32 $0xFFFFEC00  }
0x343: {  	_ =	sfence.sel $0x180000  }
0x344: {  	[bflag:$0x0] =	sbarrier.arrive $0xFFFF  }
0x345: {  	_ =	strace $0x90000047  }
0x346: {  	s0 =	stileid.u32;
	[bflag:$0x2] =	sbarrier.arrive $0xFFFF  }
0x347: {  	p0 =	sne.s32 s0, $0x0;
	s0 =	rddreg [dreg:$0x4]  }
0x348: {  	s0 =	sadd.s32 @!p0 $0x100000, s0  }
0x349: {  	[sflag:s0] =	ssyncadd.tile.s32 @!p0 $0x1;
	_ =	shalt  }
.Lfunc_end2:
_tile_overlayer_lowered:
.L_overlay_start_2:
0x34a: {  	(tag) =	ssettag $0x2  }
0x34b: {  	s0 =	rddreg [dreg:$0x0];
	s2 =	stileid.u32  }
0x34c: {  	s1 =	rddreg [dreg:$0x1];
	p0 =	sne.s32 s2, $0x0  }
0x34d: {  	s3 =	rddreg [dreg:$0x2];
	[bflag:$0x3] =	sbarrier.arrive $0xFFFF;
	s2 =	simm.s32 @!p0 $0x1C06  }
0x34e: {  	[timem:s3], [sflag:s2] =	dma.local @!p0 [hbm:s0], s1  }
0x34f: {  	s0 =	simm.s32 @!p0 $0x6  }
0x350: {  	_ =	swait.ge @!p0 [sflag:s0], s1  }
0x351: {  	s1 =	ssub.s32 @!p0 $0x0, s1;
	[sflag:s0] =	ssyncset.done @!p0 $0x0  }
0x352: {  	[sflag:s0] =	ssyncadd.s32 @!p0 s1  }
0x353: {  	[bflag:$0x3] =	sbarrier.arrive $0xFFFF  }
0x354: {  	_ =	shalt  }

</sc_bundles>
